<compile_context>
chip_gen: v7x
topology: tpu7x:2x2x1
jax: 0.10.2.dev20260603
libtpu: 0.0.44.dev20260713+nightly
codegen_flags: <defaults>
</compile_context>

<pallas_src>
import jax
import jax.numpy as jnp
import numpy as np
from jax import lax
from jax.experimental import pallas as pl
from jax.experimental.pallas import tpu as pltpu
from jax.experimental.pallas import tpu_sc as plsc

NC = 2
NS = 16
NW = NC * NS
LANE = 16
CHUNK = 128
TCH = 64
DEGW = 8
NB = 4
KD = 8


def _mesh():
    return plsc.VectorSubcoreMesh(
        core_axis_name="c", subcore_axis_name="s", num_cores=NC, num_subcores=NS
    )


def _deg_body(dst3, out, idx_v, ones_v, zrow_v, acc, dsem):
    c = lax.axis_index("c")
    s = lax.axis_index("s")
    w = c * NS + s
    chw = idx_v.shape[0]
    rpt = zrow_v.shape[0]

    pltpu.sync_copy(dst3.at[w], idx_v)

    @pl.loop(0, CHUNK)
    def _(r):
        ones_v[r, :] = jnp.ones((DEGW,), jnp.float32)

    @pl.loop(0, rpt)
    def _(r):
        zrow_v[r, :] = jnp.zeros((DEGW,), jnp.float32)

    pltpu.sync_copy(zrow_v, acc.at[pl.ds(s * rpt, rpt)])
    plsc.subcore_barrier()

    for j in range(KD):
        pltpu.async_copy(ones_v, acc.at[idx_v.at[j]], dsem, add=True)

    @pl.loop(0, chw - KD)
    def _(j):
        pltpu.async_copy(ones_v, acc.at[idx_v.at[j + KD]], dsem, add=True)
        pltpu.make_async_copy(ones_v, acc.at[idx_v.at[0]], dsem).wait()

    for _j in range(KD):
        pltpu.make_async_copy(ones_v, acc.at[idx_v.at[0]], dsem).wait()

    plsc.subcore_barrier()
    pltpu.sync_copy(acc.at[pl.ds(s * rpt, rpt)], out.at[c, pl.ds(s * rpt, rpt)])


def _agg_body(y, src3, dst3, out, idxs_v, idxd_v, rows_v, zbuf_v, acc,
              g0, g1, g2, g3, s0, s1, s2, s3):
    gsems = (g0, g1, g2, g3)
    ssems = (s0, s1, s2, s3)
    c = lax.axis_index("c")
    s = lax.axis_index("s")
    w = c * NS + s
    chw = idxs_v.shape[0]
    n_acc, d = acc.shape
    rpt = n_acc // NS
    zr = zbuf_v.shape[0]

    pltpu.sync_copy(src3.at[w], idxs_v)
    pltpu.sync_copy(dst3.at[w], idxd_v)

    @pl.loop(0, zr)
    def _(r):
        for q in range(d // LANE):
            zbuf_v[r, pl.ds(q * LANE, LANE)] = jnp.zeros((LANE,), jnp.float32)

    for k in range(rpt // zr):
        pltpu.async_copy(zbuf_v, acc.at[pl.ds(s * rpt + k * zr, zr)], g0)
    for k in range(rpt // zr):
        pltpu.make_async_copy(zbuf_v, acc.at[pl.ds(s * rpt, zr)], g0).wait()
    plsc.subcore_barrier()

    ng = idxs_v.shape[0] // 2

    def sidx(idx, u, q):
        return idx.at[2 * u + q // 2, pl.ds(TCH * (q % 2), TCH)]

    def start_gather(u, q):
        pltpu.async_copy(y.at[sidx(idxs_v, u, q)], rows_v.at[q], gsems[q])

    def wait_gather(q):
        pltpu.make_async_copy(
            y.at[sidx(idxs_v, 0, 0)], rows_v.at[q], gsems[q]).wait()

    def start_scatter(u, q):
        pltpu.async_copy(
            rows_v.at[q], acc.at[sidx(idxd_v, u, q)], ssems[q], add=True)

    def wait_scatter(q):
        pltpu.make_async_copy(
            rows_v.at[q], acc.at[sidx(idxd_v, 0, 0)], ssems[q]).wait()

    for p in range(2):
        pltpu.sync_copy(src3.at[2 * w + p], idxs_v)
        pltpu.sync_copy(dst3.at[2 * w + p], idxd_v)

        for q in range(NB):
            start_gather(0, q)

        @pl.loop(0, ng - 1)
        def _(u):
            for q in range(NB):
                wait_gather(q)
                start_scatter(u, q)
            for q in range(NB):
                wait_scatter(q)
                start_gather(u + 1, q)

        for q in range(NB):
            wait_gather(q)
            start_scatter(ng - 1, q)
        for q in range(NB):
            wait_scatter(q)

    plsc.subcore_barrier()
    for k in range(rpt // CHUNK):
        off = s * rpt + k * CHUNK
        pltpu.async_copy(acc.at[pl.ds(off, CHUNK)], out.at[c, pl.ds(off, CHUNK)], g0)
    for k in range(rpt // CHUNK):
        pltpu.make_async_copy(
            acc.at[pl.ds(s * rpt, CHUNK)], out.at[c, pl.ds(s * rpt, CHUNK)], g0).wait()


_SC_LINEAR = pltpu.CompilerParams(use_tc_tiling_on_sc=False)


def _count_degrees(dst3, n_acc):
    chw = dst3.shape[1]
    rpt = n_acc // NS
    return pl.kernel(
        _deg_body,
        out_type=jax.ShapeDtypeStruct((NC, n_acc, DEGW), jnp.float32),
        mesh=_mesh(),
        compiler_params=_SC_LINEAR,
        scratch_types=[
            pltpu.VMEM((chw, CHUNK), jnp.int32),
            pltpu.VMEM((CHUNK, DEGW), jnp.float32),
            pltpu.VMEM((rpt, DEGW), jnp.float32),
            pltpu.VMEM_SHARED((n_acc, DEGW), jnp.float32),
            pltpu.SemaphoreType.DMA,
        ],
    )(dst3)


def _aggregate(y, src3, dst3, n_acc):
    chw = src3.shape[1]
    d = y.shape[1]
    src3 = src3.reshape(2 * NW, chw // 2, CHUNK)
    dst3 = dst3.reshape(2 * NW, chw // 2, CHUNK)
    return pl.kernel(
        _agg_body,
        out_type=jax.ShapeDtypeStruct((NC, n_acc, d), jnp.float32),
        mesh=_mesh(),
        scratch_types=[
            pltpu.VMEM((chw // 2, CHUNK), jnp.int32),
            pltpu.VMEM((chw // 2, CHUNK), jnp.int32),
            pltpu.VMEM((NB, TCH, d), jnp.float32),
            pltpu.VMEM((32, d), jnp.float32),
            pltpu.VMEM_SHARED((n_acc, d), jnp.float32),
        ] + [pltpu.SemaphoreType.DMA] * (2 * NB),
    )(y, src3, dst3)


def _row_block(n):
    for bm in (2000, 1024, 1000, 800, 640, 512, 400, 256, 200, 128, 80, 40, 8):
        if n % bm == 0:
            return bm
    return n


def _dinv(deg_ref, bm):
    deg = deg_ref[0, :, 0:1] + deg_ref[1, :, 0:1] + 1.0
    return lax.rsqrt(deg)


def _matmul(x, w1):
    n, d_in = x.shape
    d_h = w1.shape[1]
    bm = _row_block(n)

    def body(x_ref, w_ref, y_ref):
        y_ref[...] = jnp.dot(
            x_ref[...], w_ref[...],
            preferred_element_type=jnp.float32,
            precision=lax.Precision.HIGHEST,
        )

    return pl.pallas_call(
        body,
        grid=(n // bm,),
        in_specs=[
            pl.BlockSpec((bm, d_in), lambda i: (i, 0)),
            pl.BlockSpec((d_in, d_h), lambda i: (0, 0)),
        ],
        out_specs=pl.BlockSpec((bm, d_h), lambda i: (i, 0)),
        out_shape=jax.ShapeDtypeStruct((n, d_h), jnp.float32),
    )(x, w1)


def _scale(xw, degp):
    n, d_h = xw.shape
    bm = _row_block(n)

    def body(deg_ref, xw_ref, y_ref):
        y_ref[...] = xw_ref[...] * _dinv(deg_ref, bm)

    return pl.pallas_call(
        body,
        grid=(n // bm,),
        in_specs=[
            pl.BlockSpec((NC, bm, DEGW), lambda i: (0, i, 0)),
            pl.BlockSpec((bm, d_h), lambda i: (i, 0)),
        ],
        out_specs=pl.BlockSpec((bm, d_h), lambda i: (i, 0)),
        out_shape=jax.ShapeDtypeStruct((n, d_h), jnp.float32),
    )(degp, xw)


def _mid_layer(aggp, y1, degp, b1, w2):
    n, d = y1.shape
    bm = _row_block(n)

    def body(agg_ref, y_ref, deg_ref, b_ref, w_ref, y2_ref):
        dinv = _dinv(deg_ref, bm)
        h = dinv * (agg_ref[0] + agg_ref[1] + y_ref[...]) + b_ref[...]
        h = jnp.maximum(h, 0.0)
        y2_ref[...] = jnp.dot(
            h, w_ref[...],
            preferred_element_type=jnp.float32,
            precision=lax.Precision.HIGHEST,
        ) * dinv

    return pl.pallas_call(
        body,
        grid=(n // bm,),
        in_specs=[
            pl.BlockSpec((NC, bm, d), lambda i: (0, i, 0)),
            pl.BlockSpec((bm, d), lambda i: (i, 0)),
            pl.BlockSpec((NC, bm, DEGW), lambda i: (0, i, 0)),
            pl.BlockSpec((1, d), lambda i: (0, 0)),
            pl.BlockSpec((d, d), lambda i: (0, 0)),
        ],
        out_specs=pl.BlockSpec((bm, d), lambda i: (i, 0)),
        out_shape=jax.ShapeDtypeStruct((n, d), jnp.float32),
    )(aggp, y1, degp, b1, w2)


def _final_layer(aggp, y2, degp, b2):
    n, d = y2.shape
    bm = _row_block(n)

    def body(agg_ref, y_ref, deg_ref, b_ref, h_ref):
        h = _dinv(deg_ref, bm) * (agg_ref[0] + agg_ref[1] + y_ref[...]) \
            + b_ref[...]
        h_ref[...] = jnp.maximum(h, 0.0)

    return pl.pallas_call(
        body,
        grid=(n // bm,),
        in_specs=[
            pl.BlockSpec((NC, bm, d), lambda i: (0, i, 0)),
            pl.BlockSpec((bm, d), lambda i: (i, 0)),
            pl.BlockSpec((NC, bm, DEGW), lambda i: (0, i, 0)),
            pl.BlockSpec((1, d), lambda i: (0, 0)),
        ],
        out_specs=pl.BlockSpec((bm, d), lambda i: (i, 0)),
        out_shape=jax.ShapeDtypeStruct((n, d), jnp.float32),
    )(aggp, y2, degp, b2)


def kernel(x, edge_index, W1, b1, W2, b2):
    n = x.shape[0]
    e = edge_index.shape[1]

    grp = NW * CHUNK * 4
    e_pad = ((e + grp - 1) // grp) * grp
    chw = e_pad // (NW * CHUNK)
    n_acc = ((n + 1 + NS * CHUNK - 1) // (NS * CHUNK)) * (NS * CHUNK)

    pad_i = np.arange(e_pad - e, dtype=np.int32)
    src3 = jnp.concatenate(
        [edge_index[0], jnp.asarray(pad_i % n)]).reshape(NW, chw, CHUNK)
    dst3 = jnp.concatenate(
        [edge_index[1], jnp.asarray(n + pad_i % (n_acc - n))]).reshape(NW, chw, CHUNK)

    degp = _count_degrees(dst3, n_acc)
    y1 = _scale(_matmul(x, W1), degp)
    a1 = _aggregate(y1, src3, dst3, n_acc)
    y2 = _mid_layer(a1, y1, degp, b1.reshape(1, -1), W2)
    a2 = _aggregate(y2, src3, dst3, n_acc)
    return _final_layer(a2, y2, degp, b2.reshape(1, -1))

# --- scband reference (transcript-rebuilt; emitter-appended) ---
"""Pipeline reference for scband-gcnbackbone-45853070852694 (READ-ONLY COPY).

The authoritative reference and input builder live on the scoring server;
editing this copy changes nothing except your own understanding.
"""

import jax, jax.numpy as jnp
import numpy as np

N = 10000
E = 320000
D_IN = 128
D_H = 128


def setup_inputs(seed: int = 0) -> dict:
    key = jax.random.key(seed)
    k1, k2, k3, k4, k5, k6 = jax.random.split(key, 6)
    x = jax.random.normal(k1, (N, D_IN), dtype=jnp.float32)
    edge_index = jax.random.randint(k2, (2, E), 0, N, dtype=jnp.int32)
    # glorot-style init for GCNConv linear weights, zeros for bias (PyG default)
    s1 = float(np.sqrt(6.0 / (D_IN + D_H)))
    s2 = float(np.sqrt(6.0 / (D_H + D_H)))
    W1 = jax.random.uniform(k3, (D_IN, D_H), dtype=jnp.float32, minval=-s1, maxval=s1)
    b1 = jnp.zeros((D_H,), dtype=jnp.float32)
    W2 = jax.random.uniform(k4, (D_H, D_H), dtype=jnp.float32, minval=-s2, maxval=s2)
    b2 = jnp.zeros((D_H,), dtype=jnp.float32)
    return {"x": x, "edge_index": edge_index, "W1": W1, "b1": b1, "W2": W2, "b2": b2}


def _gcn_layer(x, edge_index, W, b):
    # Faithful PyG GCNConv: linear -> add self-loops -> sym-normalized scatter-add -> bias
    n = x.shape[0]
    x = x @ W
    loops = jnp.arange(n, dtype=edge_index.dtype)
    src = jnp.concatenate([edge_index[0], loops])
    dst = jnp.concatenate([edge_index[1], loops])
    ones = jnp.ones(src.shape[0], dtype=x.dtype)
    deg = jax.ops.segment_sum(ones, dst, num_segments=n)
    dinv = jnp.where(deg > 0, jax.lax.rsqrt(jnp.maximum(deg, 1e-12)), 0.0)
    norm = dinv[src] * dinv[dst]
    msg = x[src] * norm[:, None]
    out = jax.ops.segment_sum(msg, dst, num_segments=n)
    return out + b


def reference(x, edge_index, W1, b1, W2, b2):
    h = jax.nn.relu(_gcn_layer(x, edge_index, W1, b1))
    h = jax.nn.relu(_gcn_layer(h, edge_index, W2, b2))
    return h

if __name__ == "__main__":
    import jax
    _d = setup_inputs()
    print(jax.jit(kernel)(*tuple(_d.values())))

</pallas_src>

<mosaic_0001>
#map = affine_map<(d0, d1) -> (0, 0, 0)>
module attributes {stable_mosaic.version = 14 : i64} {
  func.func @_deg_body(%arg0: i32, %arg1: i32, %arg2: memref<32x80x128xi32, #tpu.memory_space<hbm>>, %arg3: memref<2x10240x8xf32, #tpu.memory_space<hbm>>, %arg4: memref<80x128xi32, #tpu.memory_space<vmem>>, %arg5: memref<128x8xf32, #tpu.memory_space<vmem>>, %arg6: memref<640x8xf32, #tpu.memory_space<vmem>>, %arg7: memref<10240x8xf32, #tpu.memory_space<vmem_shared>>, %arg8: memref<!tpu.dma_semaphore, #tpu.memory_space<semaphore_mem>>) attributes {dimension_semantics = [#tpu.dimension_semantics<core_parallel>, #tpu.dimension_semantics<subcore_parallel>], iteration_bounds = array<i64: 2, 16>, scalar_prefetch = 0 : i64, scratch_operands = 5 : i64, tpu.core_type = #tpu.core_type<sc_vector_subcore>, window_params = [{transform_indices = #map}, {transform_indices = #map}]} {
    %mul3A = arith.constant 16 : i32
    %mul3A_0 = arith.muli %arg0, %mul3A : i32
    %add3A = arith.addi %mul3A_0, %arg1 : i32
    "tpu.region"() ({
      %run_scoped3A = tpu.sem_alloc : memref<!tpu.dma_semaphore, #tpu.memory_space<semaphore_mem>>
      %dma_start3A_132 = arith.constant 0 : i32
      %dma_start3A_133 = arith.constant 0 : i32
      %dma_start3A_134 = tpu.memref_slice %arg2[%add3A, %dma_start3A_132, %dma_start3A_133] : memref<32x80x128xi32, #tpu.memory_space<hbm>> -> memref<1x80x128xi32, #tpu.memory_space<hbm>>
      %dma_start3A_135 = tpu.memref_squeeze %dma_start3A_134 : memref<1x80x128xi32, #tpu.memory_space<hbm>> -> memref<80x128xi32, #tpu.memory_space<hbm>>
      %dma_start3A_136 = arith.constant 0 : i32
      %dma_start3A_137 = arith.constant 0 : i32
      %dma_start3A_138 = tpu.memref_slice %arg2[%add3A, %dma_start3A_136, %dma_start3A_137] : memref<32x80x128xi32, #tpu.memory_space<hbm>> -> memref<1x80x128xi32, #tpu.memory_space<hbm>>
      %dma_start3A_139 = tpu.memref_squeeze %dma_start3A_138 : memref<1x80x128xi32, #tpu.memory_space<hbm>> -> memref<80x128xi32, #tpu.memory_space<hbm>>
      tpu.enqueue_dma source(%dma_start3A_139 : memref<80x128xi32, #tpu.memory_space<hbm>>) target(%arg4 : memref<80x128xi32, #tpu.memory_space<vmem>>) target_semaphore(%run_scoped3A : memref<!tpu.dma_semaphore, #tpu.memory_space<semaphore_mem>>)
      %dma_wait3A_140 = arith.constant 0 : i32
      %dma_wait3A_141 = arith.constant 0 : i32
      %dma_wait3A_142 = tpu.memref_slice %arg2[%add3A, %dma_wait3A_140, %dma_wait3A_141] : memref<32x80x128xi32, #tpu.memory_space<hbm>> -> memref<1x80x128xi32, #tpu.memory_space<hbm>>
      %dma_wait3A_143 = tpu.memref_squeeze %dma_wait3A_142 : memref<1x80x128xi32, #tpu.memory_space<hbm>> -> memref<80x128xi32, #tpu.memory_space<hbm>>
      %dma_wait3A_144 = arith.constant 0 : i32
      %dma_wait3A_145 = arith.constant 0 : i32
      %dma_wait3A_146 = tpu.memref_slice %arg2[%add3A, %dma_wait3A_144, %dma_wait3A_145] : memref<32x80x128xi32, #tpu.memory_space<hbm>> -> memref<1x80x128xi32, #tpu.memory_space<hbm>>
      %dma_wait3A_147 = tpu.memref_squeeze %dma_wait3A_146 : memref<1x80x128xi32, #tpu.memory_space<hbm>> -> memref<80x128xi32, #tpu.memory_space<hbm>>
      tpu.wait_dma2 semaphore(%run_scoped3A : memref<!tpu.dma_semaphore, #tpu.memory_space<semaphore_mem>>) src(%dma_wait3A_147 : memref<80x128xi32, #tpu.memory_space<hbm>>) dst(%arg4 : memref<80x128xi32, #tpu.memory_space<vmem>>)
      tpu.yield
    }) : () -> ()
    %scan3A = arith.constant 0 : i32
    %scan3A_1 = arith.constant 128 : i32
    %scan3A_2 = arith.addi %scan3A, %scan3A_1 : i32
    %scan3A_3 = arith.constant 1 : i32
    scf.for %scan3A_132 = %scan3A to %scan3A_2 step %scan3A_3  : i32 {
      %mul3A_133 = arith.constant 1 : i32
      %mul3A_134 = arith.muli %scan3A_132, %mul3A_133 : i32
      %add3A_135 = arith.constant 0 : i32
      %add3A_136 = arith.addi %add3A_135, %mul3A_134 : i32
      %broadcast_in_dim3A = arith.constant 1.000000e+00 : f32
      %broadcast_in_dim3A_137 = vector.broadcast %broadcast_in_dim3A : f32 to vector<8xf32>
      %swap3A = arith.index_cast %add3A_136 : i32 to index
      %swap3A_138 = arith.constant 0 : index
      %swap3A_139 = tpu.vector_load %arg5[%swap3A, %swap3A_138] {strides = array<i32>} : memref<128x8xf32, #tpu.memory_space<vmem>>, vector<1x8xf32>,
      %swap3A_140 = vector.shape_cast %swap3A_139 : vector<1x8xf32> to vector<8xf32>
      %swap3A_141 = vector.shape_cast %broadcast_in_dim3A_137 : vector<8xf32> to vector<1x8xf32>
      tpu.vector_store %arg5[%swap3A, %swap3A_138], %swap3A_141 {strides = array<i32>} : memref<128x8xf32, #tpu.memory_space<vmem>>, vector<1x8xf32>,
    }
    %scan3A_4 = arith.constant 128 : i32
    %scan3A_5 = arith.constant 0 : i32
    %scan3A_6 = arith.constant 640 : i32
    %scan3A_7 = arith.addi %scan3A_5, %scan3A_6 : i32
    %scan3A_8 = arith.constant 1 : i32
    scf.for %scan3A_132 = %scan3A_5 to %scan3A_7 step %scan3A_8  : i32 {
      %mul3A_133 = arith.constant 1 : i32
      %mul3A_134 = arith.muli %scan3A_132, %mul3A_133 : i32
      %add3A_135 = arith.constant 0 : i32
      %add3A_136 = arith.addi %add3A_135, %mul3A_134 : i32
      %broadcast_in_dim3A = arith.constant 0.000000e+00 : f32
      %broadcast_in_dim3A_137 = vector.broadcast %broadcast_in_dim3A : f32 to vector<8xf32>
      %swap3A = arith.index_cast %add3A_136 : i32 to index
      %swap3A_138 = arith.constant 0 : index
      %swap3A_139 = tpu.vector_load %arg6[%swap3A, %swap3A_138] {strides = array<i32>} : memref<640x8xf32, #tpu.memory_space<vmem>>, vector<1x8xf32>,
      %swap3A_140 = vector.shape_cast %swap3A_139 : vector<1x8xf32> to vector<8xf32>
      %swap3A_141 = vector.shape_cast %broadcast_in_dim3A_137 : vector<8xf32> to vector<1x8xf32>
      tpu.vector_store %arg6[%swap3A, %swap3A_138], %swap3A_141 {strides = array<i32>} : memref<640x8xf32, #tpu.memory_space<vmem>>, vector<1x8xf32>,
    }
    %scan3A_9 = arith.constant 640 : i32
    %mul3A_10 = arith.constant 640 : i32
    %mul3A_11 = arith.muli %arg1, %mul3A_10 : i32
    "tpu.region"() ({
      %run_scoped3A = tpu.sem_alloc : memref<!tpu.dma_semaphore, #tpu.memory_space<semaphore_mem>>
      %dma_start3A_132 = arith.constant 0 : i32
      %dma_start3A_133 = tpu.memref_slice %arg7[%mul3A_11, %dma_start3A_132] : memref<10240x8xf32, #tpu.memory_space<vmem_shared>> -> memref<640x8xf32, #tpu.memory_space<vmem_shared>>
      %dma_start3A_134 = arith.constant 0 : i32
      %dma_start3A_135 = tpu.memref_slice %arg7[%mul3A_11, %dma_start3A_134] : memref<10240x8xf32, #tpu.memory_space<vmem_shared>> -> memref<640x8xf32, #tpu.memory_space<vmem_shared>>
      tpu.enqueue_dma source(%arg6 : memref<640x8xf32, #tpu.memory_space<vmem>>) target(%dma_start3A_135 : memref<640x8xf32, #tpu.memory_space<vmem_shared>>) target_semaphore(%run_scoped3A : memref<!tpu.dma_semaphore, #tpu.memory_space<semaphore_mem>>)
      %dma_wait3A_136 = arith.constant 0 : i32
      %dma_wait3A_137 = tpu.memref_slice %arg7[%mul3A_11, %dma_wait3A_136] : memref<10240x8xf32, #tpu.memory_space<vmem_shared>> -> memref<640x8xf32, #tpu.memory_space<vmem_shared>>
      %dma_wait3A_138 = arith.constant 0 : i32
      %dma_wait3A_139 = tpu.memref_slice %arg7[%mul3A_11, %dma_wait3A_138] : memref<10240x8xf32, #tpu.memory_space<vmem_shared>> -> memref<640x8xf32, #tpu.memory_space<vmem_shared>>
      tpu.wait_dma2 semaphore(%run_scoped3A : memref<!tpu.dma_semaphore, #tpu.memory_space<semaphore_mem>>) src(%arg6 : memref<640x8xf32, #tpu.memory_space<vmem>>) dst(%dma_wait3A_139 : memref<640x8xf32, #tpu.memory_space<vmem_shared>>)
      tpu.yield
    }) : () -> ()
    %barrier3A = arith.constant 0 : index
    tpu.barrier barrier_id(%barrier3A)
    %dma_start3A = arith.constant 0 : i32
    %dma_start3A_12 = arith.constant 0 : i32
    %dma_start3A_13 = tpu.memref_slice %arg4[%dma_start3A, %dma_start3A_12] : memref<80x128xi32, #tpu.memory_space<vmem>> -> memref<1x128xi32, #tpu.memory_space<vmem>>
    %dma_start3A_14 = tpu.memref_squeeze %dma_start3A_13 : memref<1x128xi32, #tpu.memory_space<vmem>> -> memref<128xi32, #tpu.memory_space<vmem>>
    %dma_start3A_15 = arith.constant 0 : i32
    %dma_start3A_16 = arith.constant 0 : i32
    %dma_start3A_17 = tpu.memref_slice %arg7[%dma_start3A_15, %dma_start3A_16] : memref<10240x8xf32, #tpu.memory_space<vmem_shared>> -> memref<10240x8xf32, #tpu.memory_space<vmem_shared>>
    tpu.enqueue_indirect_dma source(%arg5 : memref<128x8xf32, #tpu.memory_space<vmem>>) target(%dma_start3A_17 : memref<10240x8xf32, #tpu.memory_space<vmem_shared>>) offsets(%dma_start3A_14 : memref<128xi32, #tpu.memory_space<vmem>>) semaphore(%arg8 : memref<!tpu.dma_semaphore, #tpu.memory_space<semaphore_mem>>) {add = true}
    %dma_start3A_18 = arith.constant 1 : i32
    %dma_start3A_19 = arith.constant 0 : i32
    %dma_start3A_20 = tpu.memref_slice %arg4[%dma_start3A_18, %dma_start3A_19] : memref<80x128xi32, #tpu.memory_space<vmem>> -> memref<1x128xi32, #tpu.memory_space<vmem>>
    %dma_start3A_21 = tpu.memref_squeeze %dma_start3A_20 : memref<1x128xi32, #tpu.memory_space<vmem>> -> memref<128xi32, #tpu.memory_space<vmem>>
    %dma_start3A_22 = arith.constant 0 : i32
    %dma_start3A_23 = arith.constant 0 : i32
    %dma_start3A_24 = tpu.memref_slice %arg7[%dma_start3A_22, %dma_start3A_23] : memref<10240x8xf32, #tpu.memory_space<vmem_shared>> -> memref<10240x8xf32, #tpu.memory_space<vmem_shared>>
    tpu.enqueue_indirect_dma source(%arg5 : memref<128x8xf32, #tpu.memory_space<vmem>>) target(%dma_start3A_24 : memref<10240x8xf32, #tpu.memory_space<vmem_shared>>) offsets(%dma_start3A_21 : memref<128xi32, #tpu.memory_space<vmem>>) semaphore(%arg8 : memref<!tpu.dma_semaphore, #tpu.memory_space<semaphore_mem>>) {add = true}
    %dma_start3A_25 = arith.constant 2 : i32
    %dma_start3A_26 = arith.constant 0 : i32
    %dma_start3A_27 = tpu.memref_slice %arg4[%dma_start3A_25, %dma_start3A_26] : memref<80x128xi32, #tpu.memory_space<vmem>> -> memref<1x128xi32, #tpu.memory_space<vmem>>
    %dma_start3A_28 = tpu.memref_squeeze %dma_start3A_27 : memref<1x128xi32, #tpu.memory_space<vmem>> -> memref<128xi32, #tpu.memory_space<vmem>>
    %dma_start3A_29 = arith.constant 0 : i32
    %dma_start3A_30 = arith.constant 0 : i32
    %dma_start3A_31 = tpu.memref_slice %arg7[%dma_start3A_29, %dma_start3A_30] : memref<10240x8xf32, #tpu.memory_space<vmem_shared>> -> memref<10240x8xf32, #tpu.memory_space<vmem_shared>>
    tpu.enqueue_indirect_dma source(%arg5 : memref<128x8xf32, #tpu.memory_space<vmem>>) target(%dma_start3A_31 : memref<10240x8xf32, #tpu.memory_space<vmem_shared>>) offsets(%dma_start3A_28 : memref<128xi32, #tpu.memory_space<vmem>>) semaphore(%arg8 : memref<!tpu.dma_semaphore, #tpu.memory_space<semaphore_mem>>) {add = true}
    %dma_start3A_32 = arith.constant 3 : i32
    %dma_start3A_33 = arith.constant 0 : i32
    %dma_start3A_34 = tpu.memref_slice %arg4[%dma_start3A_32, %dma_start3A_33] : memref<80x128xi32, #tpu.memory_space<vmem>> -> memref<1x128xi32, #tpu.memory_space<vmem>>
    %dma_start3A_35 = tpu.memref_squeeze %dma_start3A_34 : memref<1x128xi32, #tpu.memory_space<vmem>> -> memref<128xi32, #tpu.memory_space<vmem>>
    %dma_start3A_36 = arith.constant 0 : i32
    %dma_start3A_37 = arith.constant 0 : i32
    %dma_start3A_38 = tpu.memref_slice %arg7[%dma_start3A_36, %dma_start3A_37] : memref<10240x8xf32, #tpu.memory_space<vmem_shared>> -> memref<10240x8xf32, #tpu.memory_space<vmem_shared>>
    tpu.enqueue_indirect_dma source(%arg5 : memref<128x8xf32, #tpu.memory_space<vmem>>) target(%dma_start3A_38 : memref<10240x8xf32, #tpu.memory_space<vmem_shared>>) offsets(%dma_start3A_35 : memref<128xi32, #tpu.memory_space<vmem>>) semaphore(%arg8 : memref<!tpu.dma_semaphore, #tpu.memory_space<semaphore_mem>>) {add = true}
    %dma_start3A_39 = arith.constant 4 : i32
    %dma_start3A_40 = arith.constant 0 : i32
    %dma_start3A_41 = tpu.memref_slice %arg4[%dma_start3A_39, %dma_start3A_40] : memref<80x128xi32, #tpu.memory_space<vmem>> -> memref<1x128xi32, #tpu.memory_space<vmem>>
    %dma_start3A_42 = tpu.memref_squeeze %dma_start3A_41 : memref<1x128xi32, #tpu.memory_space<vmem>> -> memref<128xi32, #tpu.memory_space<vmem>>
    %dma_start3A_43 = arith.constant 0 : i32
    %dma_start3A_44 = arith.constant 0 : i32
    %dma_start3A_45 = tpu.memref_slice %arg7[%dma_start3A_43, %dma_start3A_44] : memref<10240x8xf32, #tpu.memory_space<vmem_shared>> -> memref<10240x8xf32, #tpu.memory_space<vmem_shared>>
    tpu.enqueue_indirect_dma source(%arg5 : memref<128x8xf32, #tpu.memory_space<vmem>>) target(%dma_start3A_45 : memref<10240x8xf32, #tpu.memory_space<vmem_shared>>) offsets(%dma_start3A_42 : memref<128xi32, #tpu.memory_space<vmem>>) semaphore(%arg8 : memref<!tpu.dma_semaphore, #tpu.memory_space<semaphore_mem>>) {add = true}
    %dma_start3A_46 = arith.constant 5 : i32
    %dma_start3A_47 = arith.constant 0 : i32
    %dma_start3A_48 = tpu.memref_slice %arg4[%dma_start3A_46, %dma_start3A_47] : memref<80x128xi32, #tpu.memory_space<vmem>> -> memref<1x128xi32, #tpu.memory_space<vmem>>
    %dma_start3A_49 = tpu.memref_squeeze %dma_start3A_48 : memref<1x128xi32, #tpu.memory_space<vmem>> -> memref<128xi32, #tpu.memory_space<vmem>>
    %dma_start3A_50 = arith.constant 0 : i32
    %dma_start3A_51 = arith.constant 0 : i32
    %dma_start3A_52 = tpu.memref_slice %arg7[%dma_start3A_50, %dma_start3A_51] : memref<10240x8xf32, #tpu.memory_space<vmem_shared>> -> memref<10240x8xf32, #tpu.memory_space<vmem_shared>>
    tpu.enqueue_indirect_dma source(%arg5 : memref<128x8xf32, #tpu.memory_space<vmem>>) target(%dma_start3A_52 : memref<10240x8xf32, #tpu.memory_space<vmem_shared>>) offsets(%dma_start3A_49 : memref<128xi32, #tpu.memory_space<vmem>>) semaphore(%arg8 : memref<!tpu.dma_semaphore, #tpu.memory_space<semaphore_mem>>) {add = true}
    %dma_start3A_53 = arith.constant 6 : i32
    %dma_start3A_54 = arith.constant 0 : i32
    %dma_start3A_55 = tpu.memref_slice %arg4[%dma_start3A_53, %dma_start3A_54] : memref<80x128xi32, #tpu.memory_space<vmem>> -> memref<1x128xi32, #tpu.memory_space<vmem>>
    %dma_start3A_56 = tpu.memref_squeeze %dma_start3A_55 : memref<1x128xi32, #tpu.memory_space<vmem>> -> memref<128xi32, #tpu.memory_space<vmem>>
    %dma_start3A_57 = arith.constant 0 : i32
    %dma_start3A_58 = arith.constant 0 : i32
    %dma_start3A_59 = tpu.memref_slice %arg7[%dma_start3A_57, %dma_start3A_58] : memref<10240x8xf32, #tpu.memory_space<vmem_shared>> -> memref<10240x8xf32, #tpu.memory_space<vmem_shared>>
    tpu.enqueue_indirect_dma source(%arg5 : memref<128x8xf32, #tpu.memory_space<vmem>>) target(%dma_start3A_59 : memref<10240x8xf32, #tpu.memory_space<vmem_shared>>) offsets(%dma_start3A_56 : memref<128xi32, #tpu.memory_space<vmem>>) semaphore(%arg8 : memref<!tpu.dma_semaphore, #tpu.memory_space<semaphore_mem>>) {add = true}
    %dma_start3A_60 = arith.constant 7 : i32
    %dma_start3A_61 = arith.constant 0 : i32
    %dma_start3A_62 = tpu.memref_slice %arg4[%dma_start3A_60, %dma_start3A_61] : memref<80x128xi32, #tpu.memory_space<vmem>> -> memref<1x128xi32, #tpu.memory_space<vmem>>
    %dma_start3A_63 = tpu.memref_squeeze %dma_start3A_62 : memref<1x128xi32, #tpu.memory_space<vmem>> -> memref<128xi32, #tpu.memory_space<vmem>>
    %dma_start3A_64 = arith.constant 0 : i32
    %dma_start3A_65 = arith.constant 0 : i32
    %dma_start3A_66 = tpu.memref_slice %arg7[%dma_start3A_64, %dma_start3A_65] : memref<10240x8xf32, #tpu.memory_space<vmem_shared>> -> memref<10240x8xf32, #tpu.memory_space<vmem_shared>>
    tpu.enqueue_indirect_dma source(%arg5 : memref<128x8xf32, #tpu.memory_space<vmem>>) target(%dma_start3A_66 : memref<10240x8xf32, #tpu.memory_space<vmem_shared>>) offsets(%dma_start3A_63 : memref<128xi32, #tpu.memory_space<vmem>>) semaphore(%arg8 : memref<!tpu.dma_semaphore, #tpu.memory_space<semaphore_mem>>) {add = true}
    %scan3A_67 = arith.constant 0 : i32
    %scan3A_68 = arith.constant 72 : i32
    %scan3A_69 = arith.addi %scan3A_67, %scan3A_68 : i32
    %scan3A_70 = arith.constant 1 : i32
    scf.for %scan3A_132 = %scan3A_67 to %scan3A_69 step %scan3A_70  : i32 {
      %mul3A_133 = arith.constant 1 : i32
      %mul3A_134 = arith.muli %scan3A_132, %mul3A_133 : i32
      %add3A_135 = arith.constant 0 : i32
      %add3A_136 = arith.addi %add3A_135, %mul3A_134 : i32
      %add3A_137 = arith.constant 8 : i32
      %add3A_138 = arith.addi %add3A_136, %add3A_137 : i32
      %dma_start3A_139 = arith.constant 0 : i32
      %dma_start3A_140 = tpu.memref_slice %arg4[%add3A_138, %dma_start3A_139] : memref<80x128xi32, #tpu.memory_space<vmem>> -> memref<1x128xi32, #tpu.memory_space<vmem>>
      %dma_start3A_141 = tpu.memref_squeeze %dma_start3A_140 : memref<1x128xi32, #tpu.memory_space<vmem>> -> memref<128xi32, #tpu.memory_space<vmem>>
      %dma_start3A_142 = arith.constant 0 : i32
      %dma_start3A_143 = arith.constant 0 : i32
      %dma_start3A_144 = tpu.memref_slice %arg7[%dma_start3A_142, %dma_start3A_143] : memref<10240x8xf32, #tpu.memory_space<vmem_shared>> -> memref<10240x8xf32, #tpu.memory_space<vmem_shared>>
      tpu.enqueue_indirect_dma source(%arg5 : memref<128x8xf32, #tpu.memory_space<vmem>>) target(%dma_start3A_144 : memref<10240x8xf32, #tpu.memory_space<vmem_shared>>) offsets(%dma_start3A_141 : memref<128xi32, #tpu.memory_space<vmem>>) semaphore(%arg8 : memref<!tpu.dma_semaphore, #tpu.memory_space<semaphore_mem>>) {add = true}
      %dma_wait3A_145 = arith.constant 0 : i32
      %dma_wait3A_146 = arith.constant 0 : i32
      %dma_wait3A_147 = tpu.memref_slice %arg4[%dma_wait3A_145, %dma_wait3A_146] : memref<80x128xi32, #tpu.memory_space<vmem>> -> memref<1x128xi32, #tpu.memory_space<vmem>>
      %dma_wait3A_148 = tpu.memref_squeeze %dma_wait3A_147 : memref<1x128xi32, #tpu.memory_space<vmem>> -> memref<128xi32, #tpu.memory_space<vmem>>
      %dma_wait3A_149 = arith.constant 0 : i32
      %dma_wait3A_150 = arith.constant 0 : i32
      %dma_wait3A_151 = tpu.memref_slice %arg7[%dma_wait3A_149, %dma_wait3A_150] : memref<10240x8xf32, #tpu.memory_space<vmem_shared>> -> memref<10240x8xf32, #tpu.memory_space<vmem_shared>>
      tpu.wait_indirect_dma semaphore(%arg8 : memref<!tpu.dma_semaphore, #tpu.memory_space<semaphore_mem>>) src(%arg5 : memref<128x8xf32, #tpu.memory_space<vmem>>) dst(%dma_wait3A_151 : memref<10240x8xf32, #tpu.memory_space<vmem_shared>>)
    }
    %scan3A_71 = arith.constant 72 : i32
    %dma_wait3A = arith.constant 0 : i32
    %dma_wait3A_72 = arith.constant 0 : i32
    %dma_wait3A_73 = tpu.memref_slice %arg4[%dma_wait3A, %dma_wait3A_72] : memref<80x128xi32, #tpu.memory_space<vmem>> -> memref<1x128xi32, #tpu.memory_space<vmem>>
    %dma_wait3A_74 = tpu.memref_squeeze %dma_wait3A_73 : memref<1x128xi32, #tpu.memory_space<vmem>> -> memref<128xi32, #tpu.memory_space<vmem>>
    %dma_wait3A_75 = arith.constant 0 : i32
    %dma_wait3A_76 = arith.constant 0 : i32
    %dma_wait3A_77 = tpu.memref_slice %arg7[%dma_wait3A_75, %dma_wait3A_76] : memref<10240x8xf32, #tpu.memory_space<vmem_shared>> -> memref<10240x8xf32, #tpu.memory_space<vmem_shared>>
    tpu.wait_indirect_dma semaphore(%arg8 : memref<!tpu.dma_semaphore, #tpu.memory_space<semaphore_mem>>) src(%arg5 : memref<128x8xf32, #tpu.memory_space<vmem>>) dst(%dma_wait3A_77 : memref<10240x8xf32, #tpu.memory_space<vmem_shared>>)
    %dma_wait3A_78 = arith.constant 0 : i32
    %dma_wait3A_79 = arith.constant 0 : i32
    %dma_wait3A_80 = tpu.memref_slice %arg4[%dma_wait3A_78, %dma_wait3A_79] : memref<80x128xi32, #tpu.memory_space<vmem>> -> memref<1x128xi32, #tpu.memory_space<vmem>>
    %dma_wait3A_81 = tpu.memref_squeeze %dma_wait3A_80 : memref<1x128xi32, #tpu.memory_space<vmem>> -> memref<128xi32, #tpu.memory_space<vmem>>
    %dma_wait3A_82 = arith.constant 0 : i32
    %dma_wait3A_83 = arith.constant 0 : i32
    %dma_wait3A_84 = tpu.memref_slice %arg7[%dma_wait3A_82, %dma_wait3A_83] : memref<10240x8xf32, #tpu.memory_space<vmem_shared>> -> memref<10240x8xf32, #tpu.memory_space<vmem_shared>>
    tpu.wait_indirect_dma semaphore(%arg8 : memref<!tpu.dma_semaphore, #tpu.memory_space<semaphore_mem>>) src(%arg5 : memref<128x8xf32, #tpu.memory_space<vmem>>) dst(%dma_wait3A_84 : memref<10240x8xf32, #tpu.memory_space<vmem_shared>>)
    %dma_wait3A_85 = arith.constant 0 : i32
    %dma_wait3A_86 = arith.constant 0 : i32
    %dma_wait3A_87 = tpu.memref_slice %arg4[%dma_wait3A_85, %dma_wait3A_86] : memref<80x128xi32, #tpu.memory_space<vmem>> -> memref<1x128xi32, #tpu.memory_space<vmem>>
    %dma_wait3A_88 = tpu.memref_squeeze %dma_wait3A_87 : memref<1x128xi32, #tpu.memory_space<vmem>> -> memref<128xi32, #tpu.memory_space<vmem>>
    %dma_wait3A_89 = arith.constant 0 : i32
    %dma_wait3A_90 = arith.constant 0 : i32
    %dma_wait3A_91 = tpu.memref_slice %arg7[%dma_wait3A_89, %dma_wait3A_90] : memref<10240x8xf32, #tpu.memory_space<vmem_shared>> -> memref<10240x8xf32, #tpu.memory_space<vmem_shared>>
    tpu.wait_indirect_dma semaphore(%arg8 : memref<!tpu.dma_semaphore, #tpu.memory_space<semaphore_mem>>) src(%arg5 : memref<128x8xf32, #tpu.memory_space<vmem>>) dst(%dma_wait3A_91 : memref<10240x8xf32, #tpu.memory_space<vmem_shared>>)
    %dma_wait3A_92 = arith.constant 0 : i32
    %dma_wait3A_93 = arith.constant 0 : i32
    %dma_wait3A_94 = tpu.memref_slice %arg4[%dma_wait3A_92, %dma_wait3A_93] : memref<80x128xi32, #tpu.memory_space<vmem>> -> memref<1x128xi32, #tpu.memory_space<vmem>>
    %dma_wait3A_95 = tpu.memref_squeeze %dma_wait3A_94 : memref<1x128xi32, #tpu.memory_space<vmem>> -> memref<128xi32, #tpu.memory_space<vmem>>
    %dma_wait3A_96 = arith.constant 0 : i32
    %dma_wait3A_97 = arith.constant 0 : i32
    %dma_wait3A_98 = tpu.memref_slice %arg7[%dma_wait3A_96, %dma_wait3A_97] : memref<10240x8xf32, #tpu.memory_space<vmem_shared>> -> memref<10240x8xf32, #tpu.memory_space<vmem_shared>>
    tpu.wait_indirect_dma semaphore(%arg8 : memref<!tpu.dma_semaphore, #tpu.memory_space<semaphore_mem>>) src(%arg5 : memref<128x8xf32, #tpu.memory_space<vmem>>) dst(%dma_wait3A_98 : memref<10240x8xf32, #tpu.memory_space<vmem_shared>>)
    %dma_wait3A_99 = arith.constant 0 : i32
    %dma_wait3A_100 = arith.constant 0 : i32
    %dma_wait3A_101 = tpu.memref_slice %arg4[%dma_wait3A_99, %dma_wait3A_100] : memref<80x128xi32, #tpu.memory_space<vmem>> -> memref<1x128xi32, #tpu.memory_space<vmem>>
    %dma_wait3A_102 = tpu.memref_squeeze %dma_wait3A_101 : memref<1x128xi32, #tpu.memory_space<vmem>> -> memref<128xi32, #tpu.memory_space<vmem>>
    %dma_wait3A_103 = arith.constant 0 : i32
    %dma_wait3A_104 = arith.constant 0 : i32
    %dma_wait3A_105 = tpu.memref_slice %arg7[%dma_wait3A_103, %dma_wait3A_104] : memref<10240x8xf32, #tpu.memory_space<vmem_shared>> -> memref<10240x8xf32, #tpu.memory_space<vmem_shared>>
    tpu.wait_indirect_dma semaphore(%arg8 : memref<!tpu.dma_semaphore, #tpu.memory_space<semaphore_mem>>) src(%arg5 : memref<128x8xf32, #tpu.memory_space<vmem>>) dst(%dma_wait3A_105 : memref<10240x8xf32, #tpu.memory_space<vmem_shared>>)
    %dma_wait3A_106 = arith.constant 0 : i32
    %dma_wait3A_107 = arith.constant 0 : i32
    %dma_wait3A_108 = tpu.memref_slice %arg4[%dma_wait3A_106, %dma_wait3A_107] : memref<80x128xi32, #tpu.memory_space<vmem>> -> memref<1x128xi32, #tpu.memory_space<vmem>>
    %dma_wait3A_109 = tpu.memref_squeeze %dma_wait3A_108 : memref<1x128xi32, #tpu.memory_space<vmem>> -> memref<128xi32, #tpu.memory_space<vmem>>
    %dma_wait3A_110 = arith.constant 0 : i32
    %dma_wait3A_111 = arith.constant 0 : i32
    %dma_wait3A_112 = tpu.memref_slice %arg7[%dma_wait3A_110, %dma_wait3A_111] : memref<10240x8xf32, #tpu.memory_space<vmem_shared>> -> memref<10240x8xf32, #tpu.memory_space<vmem_shared>>
    tpu.wait_indirect_dma semaphore(%arg8 : memref<!tpu.dma_semaphore, #tpu.memory_space<semaphore_mem>>) src(%arg5 : memref<128x8xf32, #tpu.memory_space<vmem>>) dst(%dma_wait3A_112 : memref<10240x8xf32, #tpu.memory_space<vmem_shared>>)
    %dma_wait3A_113 = arith.constant 0 : i32
    %dma_wait3A_114 = arith.constant 0 : i32
    %dma_wait3A_115 = tpu.memref_slice %arg4[%dma_wait3A_113, %dma_wait3A_114] : memref<80x128xi32, #tpu.memory_space<vmem>> -> memref<1x128xi32, #tpu.memory_space<vmem>>
    %dma_wait3A_116 = tpu.memref_squeeze %dma_wait3A_115 : memref<1x128xi32, #tpu.memory_space<vmem>> -> memref<128xi32, #tpu.memory_space<vmem>>
    %dma_wait3A_117 = arith.constant 0 : i32
    %dma_wait3A_118 = arith.constant 0 : i32
    %dma_wait3A_119 = tpu.memref_slice %arg7[%dma_wait3A_117, %dma_wait3A_118] : memref<10240x8xf32, #tpu.memory_space<vmem_shared>> -> memref<10240x8xf32, #tpu.memory_space<vmem_shared>>
    tpu.wait_indirect_dma semaphore(%arg8 : memref<!tpu.dma_semaphore, #tpu.memory_space<semaphore_mem>>) src(%arg5 : memref<128x8xf32, #tpu.memory_space<vmem>>) dst(%dma_wait3A_119 : memref<10240x8xf32, #tpu.memory_space<vmem_shared>>)
    %dma_wait3A_120 = arith.constant 0 : i32
    %dma_wait3A_121 = arith.constant 0 : i32
    %dma_wait3A_122 = tpu.memref_slice %arg4[%dma_wait3A_120, %dma_wait3A_121] : memref<80x128xi32, #tpu.memory_space<vmem>> -> memref<1x128xi32, #tpu.memory_space<vmem>>
    %dma_wait3A_123 = tpu.memref_squeeze %dma_wait3A_122 : memref<1x128xi32, #tpu.memory_space<vmem>> -> memref<128xi32, #tpu.memory_space<vmem>>
    %dma_wait3A_124 = arith.constant 0 : i32
    %dma_wait3A_125 = arith.constant 0 : i32
    %dma_wait3A_126 = tpu.memref_slice %arg7[%dma_wait3A_124, %dma_wait3A_125] : memref<10240x8xf32, #tpu.memory_space<vmem_shared>> -> memref<10240x8xf32, #tpu.memory_space<vmem_shared>>
    tpu.wait_indirect_dma semaphore(%arg8 : memref<!tpu.dma_semaphore, #tpu.memory_space<semaphore_mem>>) src(%arg5 : memref<128x8xf32, #tpu.memory_space<vmem>>) dst(%dma_wait3A_126 : memref<10240x8xf32, #tpu.memory_space<vmem_shared>>)
    %barrier3A_127 = arith.constant 0 : index
    tpu.barrier barrier_id(%barrier3A_127)
    %mul3A_128 = arith.constant 640 : i32
    %mul3A_129 = arith.muli %arg1, %mul3A_128 : i32
    %mul3A_130 = arith.constant 640 : i32
    %mul3A_131 = arith.muli %arg1, %mul3A_130 : i32
    "tpu.region"() ({
      %run_scoped3A = tpu.sem_alloc : memref<!tpu.dma_semaphore, #tpu.memory_space<semaphore_mem>>
      %dma_start3A_132 = arith.constant 0 : i32
      %dma_start3A_133 = tpu.memref_slice %arg3[%arg0, %mul3A_131, %dma_start3A_132] : memref<2x10240x8xf32, #tpu.memory_space<hbm>> -> memref<1x640x8xf32, #tpu.memory_space<hbm>>
      %dma_start3A_134 = tpu.memref_squeeze %dma_start3A_133 : memref<1x640x8xf32, #tpu.memory_space<hbm>> -> memref<640x8xf32, #tpu.memory_space<hbm>>
      %dma_start3A_135 = arith.constant 0 : i32
      %dma_start3A_136 = tpu.memref_slice %arg7[%mul3A_129, %dma_start3A_135] : memref<10240x8xf32, #tpu.memory_space<vmem_shared>> -> memref<640x8xf32, #tpu.memory_space<vmem_shared>>
      tpu.enqueue_dma source(%dma_start3A_136 : memref<640x8xf32, #tpu.memory_space<vmem_shared>>) target(%dma_start3A_134 : memref<640x8xf32, #tpu.memory_space<hbm>>) target_semaphore(%run_scoped3A : memref<!tpu.dma_semaphore, #tpu.memory_space<semaphore_mem>>)
      %dma_wait3A_137 = arith.constant 0 : i32
      %dma_wait3A_138 = tpu.memref_slice %arg3[%arg0, %mul3A_131, %dma_wait3A_137] : memref<2x10240x8xf32, #tpu.memory_space<hbm>> -> memref<1x640x8xf32, #tpu.memory_space<hbm>>
      %dma_wait3A_139 = tpu.memref_squeeze %dma_wait3A_138 : memref<1x640x8xf32, #tpu.memory_space<hbm>> -> memref<640x8xf32, #tpu.memory_space<hbm>>
      %dma_wait3A_140 = arith.constant 0 : i32
      %dma_wait3A_141 = tpu.memref_slice %arg7[%mul3A_129, %dma_wait3A_140] : memref<10240x8xf32, #tpu.memory_space<vmem_shared>> -> memref<640x8xf32, #tpu.memory_space<vmem_shared>>
      tpu.wait_dma2 semaphore(%run_scoped3A : memref<!tpu.dma_semaphore, #tpu.memory_space<semaphore_mem>>) src(%dma_wait3A_141 : memref<640x8xf32, #tpu.memory_space<vmem_shared>>) dst(%dma_wait3A_139 : memref<640x8xf32, #tpu.memory_space<hbm>>)
      tpu.yield
    }) : () -> ()
    return
  }
}

#map = affine_map<(d0, d1) -> (0, 0)>
#map1 = affine_map<(d0, d1) -> (0, 0, 0)>
module attributes {stable_mosaic.version = 14 : i64} {
  func.func @_agg_body(%arg0: i32, %arg1: i32, %arg2: memref<10000x128xf32, #tpu.memory_space<hbm>>, %arg3: memref<64x40x128xi32, #tpu.memory_space<hbm>>, %arg4: memref<64x40x128xi32, #tpu.memory_space<hbm>>, %arg5: memref<2x10240x128xf32, #tpu.memory_space<hbm>>, %arg6: memref<40x128xi32, #tpu.memory_space<vmem>>, %arg7: memref<40x128xi32, #tpu.memory_space<vmem>>, %arg8: memref<4x64x128xf32, #tpu.memory_space<vmem>>, %arg9: memref<32x128xf32, #tpu.memory_space<vmem>>, %arg10: memref<10240x128xf32, #tpu.memory_space<vmem_shared>>, %arg11: memref<!tpu.dma_semaphore, #tpu.memory_space<semaphore_mem>>, %arg12: memref<!tpu.dma_semaphore, #tpu.memory_space<semaphore_mem>>, %arg13: memref<!tpu.dma_semaphore, #tpu.memory_space<semaphore_mem>>, %arg14: memref<!tpu.dma_semaphore, #tpu.memory_space<semaphore_mem>>, %arg15: memref<!tpu.dma_semaphore, #tpu.memory_space<semaphore_mem>>, %arg16: memref<!tpu.dma_semaphore, #tpu.memory_space<semaphore_mem>>, %arg17: memref<!tpu.dma_semaphore, #tpu.memory_space<semaphore_mem>>, %arg18: memref<!tpu.dma_semaphore, #tpu.memory_space<semaphore_mem>>) attributes {dimension_semantics = [#tpu.dimension_semantics<core_parallel>, #tpu.dimension_semantics<subcore_parallel>], iteration_bounds = array<i64: 2, 16>, scalar_prefetch = 0 : i64, scratch_operands = 13 : i64, tpu.core_type = #tpu.core_type<sc_vector_subcore>, window_params = [{transform_indices = #map}, {transform_indices = #map1}, {transform_indices = #map1}, {transform_indices = #map1}]} {
    %mul3A = arith.constant 16 : i32
    %mul3A_0 = arith.muli %arg0, %mul3A : i32
    %add3A = arith.addi %mul3A_0, %arg1 : i32
    "tpu.region"() ({
      %run_scoped3A = tpu.sem_alloc : memref<!tpu.dma_semaphore, #tpu.memory_space<semaphore_mem>>
      %dma_start3A_784 = arith.constant 0 : i32
      %dma_start3A_785 = arith.constant 0 : i32
      %dma_start3A_786 = tpu.memref_slice %arg3[%add3A, %dma_start3A_784, %dma_start3A_785] : memref<64x40x128xi32, #tpu.memory_space<hbm>> -> memref<1x40x128xi32, #tpu.memory_space<hbm>>
      %dma_start3A_787 = tpu.memref_squeeze %dma_start3A_786 : memref<1x40x128xi32, #tpu.memory_space<hbm>> -> memref<40x128xi32, #tpu.memory_space<hbm>>
      %dma_start3A_788 = arith.constant 0 : i32
      %dma_start3A_789 = arith.constant 0 : i32
      %dma_start3A_790 = tpu.memref_slice %arg3[%add3A, %dma_start3A_788, %dma_start3A_789] : memref<64x40x128xi32, #tpu.memory_space<hbm>> -> memref<1x40x128xi32, #tpu.memory_space<hbm>>
      %dma_start3A_791 = tpu.memref_squeeze %dma_start3A_790 : memref<1x40x128xi32, #tpu.memory_space<hbm>> -> memref<40x128xi32, #tpu.memory_space<hbm>>
      tpu.enqueue_dma source(%dma_start3A_791 : memref<40x128xi32, #tpu.memory_space<hbm>>) target(%arg6 : memref<40x128xi32, #tpu.memory_space<vmem>>) target_semaphore(%run_scoped3A : memref<!tpu.dma_semaphore, #tpu.memory_space<semaphore_mem>>)
      %dma_wait3A_792 = arith.constant 0 : i32
      %dma_wait3A_793 = arith.constant 0 : i32
      %dma_wait3A_794 = tpu.memref_slice %arg3[%add3A, %dma_wait3A_792, %dma_wait3A_793] : memref<64x40x128xi32, #tpu.memory_space<hbm>> -> memref<1x40x128xi32, #tpu.memory_space<hbm>>
      %dma_wait3A_795 = tpu.memref_squeeze %dma_wait3A_794 : memref<1x40x128xi32, #tpu.memory_space<hbm>> -> memref<40x128xi32, #tpu.memory_space<hbm>>
      %dma_wait3A_796 = arith.constant 0 : i32
      %dma_wait3A_797 = arith.constant 0 : i32
      %dma_wait3A_798 = tpu.memref_slice %arg3[%add3A, %dma_wait3A_796, %dma_wait3A_797] : memref<64x40x128xi32, #tpu.memory_space<hbm>> -> memref<1x40x128xi32, #tpu.memory_space<hbm>>
      %dma_wait3A_799 = tpu.memref_squeeze %dma_wait3A_798 : memref<1x40x128xi32, #tpu.memory_space<hbm>> -> memref<40x128xi32, #tpu.memory_space<hbm>>
      tpu.wait_dma2 semaphore(%run_scoped3A : memref<!tpu.dma_semaphore, #tpu.memory_space<semaphore_mem>>) src(%dma_wait3A_799 : memref<40x128xi32, #tpu.memory_space<hbm>>) dst(%arg6 : memref<40x128xi32, #tpu.memory_space<vmem>>)
      tpu.yield
    }) : () -> ()
    "tpu.region"() ({
      %run_scoped3A = tpu.sem_alloc : memref<!tpu.dma_semaphore, #tpu.memory_space<semaphore_mem>>
      %dma_start3A_784 = arith.constant 0 : i32
      %dma_start3A_785 = arith.constant 0 : i32
      %dma_start3A_786 = tpu.memref_slice %arg4[%add3A, %dma_start3A_784, %dma_start3A_785] : memref<64x40x128xi32, #tpu.memory_space<hbm>> -> memref<1x40x128xi32, #tpu.memory_space<hbm>>
      %dma_start3A_787 = tpu.memref_squeeze %dma_start3A_786 : memref<1x40x128xi32, #tpu.memory_space<hbm>> -> memref<40x128xi32, #tpu.memory_space<hbm>>
      %dma_start3A_788 = arith.constant 0 : i32
      %dma_start3A_789 = arith.constant 0 : i32
      %dma_start3A_790 = tpu.memref_slice %arg4[%add3A, %dma_start3A_788, %dma_start3A_789] : memref<64x40x128xi32, #tpu.memory_space<hbm>> -> memref<1x40x128xi32, #tpu.memory_space<hbm>>
      %dma_start3A_791 = tpu.memref_squeeze %dma_start3A_790 : memref<1x40x128xi32, #tpu.memory_space<hbm>> -> memref<40x128xi32, #tpu.memory_space<hbm>>
      tpu.enqueue_dma source(%dma_start3A_791 : memref<40x128xi32, #tpu.memory_space<hbm>>) target(%arg7 : memref<40x128xi32, #tpu.memory_space<vmem>>) target_semaphore(%run_scoped3A : memref<!tpu.dma_semaphore, #tpu.memory_space<semaphore_mem>>)
      %dma_wait3A_792 = arith.constant 0 : i32
      %dma_wait3A_793 = arith.constant 0 : i32
      %dma_wait3A_794 = tpu.memref_slice %arg4[%add3A, %dma_wait3A_792, %dma_wait3A_793] : memref<64x40x128xi32, #tpu.memory_space<hbm>> -> memref<1x40x128xi32, #tpu.memory_space<hbm>>
      %dma_wait3A_795 = tpu.memref_squeeze %dma_wait3A_794 : memref<1x40x128xi32, #tpu.memory_space<hbm>> -> memref<40x128xi32, #tpu.memory_space<hbm>>
      %dma_wait3A_796 = arith.constant 0 : i32
      %dma_wait3A_797 = arith.constant 0 : i32
      %dma_wait3A_798 = tpu.memref_slice %arg4[%add3A, %dma_wait3A_796, %dma_wait3A_797] : memref<64x40x128xi32, #tpu.memory_space<hbm>> -> memref<1x40x128xi32, #tpu.memory_space<hbm>>
      %dma_wait3A_799 = tpu.memref_squeeze %dma_wait3A_798 : memref<1x40x128xi32, #tpu.memory_space<hbm>> -> memref<40x128xi32, #tpu.memory_space<hbm>>
      tpu.wait_dma2 semaphore(%run_scoped3A : memref<!tpu.dma_semaphore, #tpu.memory_space<semaphore_mem>>) src(%dma_wait3A_799 : memref<40x128xi32, #tpu.memory_space<hbm>>) dst(%arg7 : memref<40x128xi32, #tpu.memory_space<vmem>>)
      tpu.yield
    }) : () -> ()
    %scan3A = arith.constant 0 : i32
    %scan3A_1 = arith.constant 32 : i32
    %scan3A_2 = arith.addi %scan3A, %scan3A_1 : i32
    %scan3A_3 = arith.constant 1 : i32
    scf.for %scan3A_784 = %scan3A to %scan3A_2 step %scan3A_3  : i32 {
      %mul3A_785 = arith.constant 1 : i32
      %mul3A_786 = arith.muli %scan3A_784, %mul3A_785 : i32
      %add3A_787 = arith.constant 0 : i32
      %add3A_788 = arith.addi %add3A_787, %mul3A_786 : i32
      %broadcast_in_dim3A = arith.constant 0.000000e+00 : f32
      %broadcast_in_dim3A_789 = vector.broadcast %broadcast_in_dim3A : f32 to vector<16xf32>
      %swap3A = arith.index_cast %add3A_788 : i32 to index
      %swap3A_790 = arith.constant 0 : index
      %swap3A_791 = tpu.vector_load %arg9[%swap3A, %swap3A_790] {strides = array<i32>} : memref<32x128xf32, #tpu.memory_space<vmem>>, vector<1x16xf32>,
      %swap3A_792 = vector.shape_cast %swap3A_791 : vector<1x16xf32> to vector<16xf32>
      %swap3A_793 = vector.shape_cast %broadcast_in_dim3A_789 : vector<16xf32> to vector<1x16xf32>
      tpu.vector_store %arg9[%swap3A, %swap3A_790], %swap3A_793 {strides = array<i32>} : memref<32x128xf32, #tpu.memory_space<vmem>>, vector<1x16xf32>,
      %broadcast_in_dim3A_794 = arith.constant 0.000000e+00 : f32
      %broadcast_in_dim3A_795 = vector.broadcast %broadcast_in_dim3A_794 : f32 to vector<16xf32>
      %swap3A_796 = arith.index_cast %add3A_788 : i32 to index
      %swap3A_797 = arith.constant 16 : index
      %swap3A_798 = tpu.vector_load %arg9[%swap3A_796, %swap3A_797] {strides = array<i32>} : memref<32x128xf32, #tpu.memory_space<vmem>>, vector<1x16xf32>,
      %swap3A_799 = vector.shape_cast %swap3A_798 : vector<1x16xf32> to vector<16xf32>
      %swap3A_800 = vector.shape_cast %broadcast_in_dim3A_795 : vector<16xf32> to vector<1x16xf32>
      tpu.vector_store %arg9[%swap3A_796, %swap3A_797], %swap3A_800 {strides = array<i32>} : memref<32x128xf32, #tpu.memory_space<vmem>>, vector<1x16xf32>,
      %broadcast_in_dim3A_801 = arith.constant 0.000000e+00 : f32
      %broadcast_in_dim3A_802 = vector.broadcast %broadcast_in_dim3A_801 : f32 to vector<16xf32>
      %swap3A_803 = arith.index_cast %add3A_788 : i32 to index
      %swap3A_804 = arith.constant 32 : index
      %swap3A_805 = tpu.vector_load %arg9[%swap3A_803, %swap3A_804] {strides = array<i32>} : memref<32x128xf32, #tpu.memory_space<vmem>>, vector<1x16xf32>,
      %swap3A_806 = vector.shape_cast %swap3A_805 : vector<1x16xf32> to vector<16xf32>
      %swap3A_807 = vector.shape_cast %broadcast_in_dim3A_802 : vector<16xf32> to vector<1x16xf32>
      tpu.vector_store %arg9[%swap3A_803, %swap3A_804], %swap3A_807 {strides = array<i32>} : memref<32x128xf32, #tpu.memory_space<vmem>>, vector<1x16xf32>,
      %broadcast_in_dim3A_808 = arith.constant 0.000000e+00 : f32
      %broadcast_in_dim3A_809 = vector.broadcast %broadcast_in_dim3A_808 : f32 to vector<16xf32>
      %swap3A_810 = arith.index_cast %add3A_788 : i32 to index
      %swap3A_811 = arith.constant 48 : index
      %swap3A_812 = tpu.vector_load %arg9[%swap3A_810, %swap3A_811] {strides = array<i32>} : memref<32x128xf32, #tpu.memory_space<vmem>>, vector<1x16xf32>,
      %swap3A_813 = vector.shape_cast %swap3A_812 : vector<1x16xf32> to vector<16xf32>
      %swap3A_814 = vector.shape_cast %broadcast_in_dim3A_809 : vector<16xf32> to vector<1x16xf32>
      tpu.vector_store %arg9[%swap3A_810, %swap3A_811], %swap3A_814 {strides = array<i32>} : memref<32x128xf32, #tpu.memory_space<vmem>>, vector<1x16xf32>,
      %broadcast_in_dim3A_815 = arith.constant 0.000000e+00 : f32
      %broadcast_in_dim3A_816 = vector.broadcast %broadcast_in_dim3A_815 : f32 to vector<16xf32>
      %swap3A_817 = arith.index_cast %add3A_788 : i32 to index
      %swap3A_818 = arith.constant 64 : index
      %swap3A_819 = tpu.vector_load %arg9[%swap3A_817, %swap3A_818] {strides = array<i32>} : memref<32x128xf32, #tpu.memory_space<vmem>>, vector<1x16xf32>,
      %swap3A_820 = vector.shape_cast %swap3A_819 : vector<1x16xf32> to vector<16xf32>
      %swap3A_821 = vector.shape_cast %broadcast_in_dim3A_816 : vector<16xf32> to vector<1x16xf32>
      tpu.vector_store %arg9[%swap3A_817, %swap3A_818], %swap3A_821 {strides = array<i32>} : memref<32x128xf32, #tpu.memory_space<vmem>>, vector<1x16xf32>,
      %broadcast_in_dim3A_822 = arith.constant 0.000000e+00 : f32
      %broadcast_in_dim3A_823 = vector.broadcast %broadcast_in_dim3A_822 : f32 to vector<16xf32>
      %swap3A_824 = arith.index_cast %add3A_788 : i32 to index
      %swap3A_825 = arith.constant 80 : index
      %swap3A_826 = tpu.vector_load %arg9[%swap3A_824, %swap3A_825] {strides = array<i32>} : memref<32x128xf32, #tpu.memory_space<vmem>>, vector<1x16xf32>,
      %swap3A_827 = vector.shape_cast %swap3A_826 : vector<1x16xf32> to vector<16xf32>
      %swap3A_828 = vector.shape_cast %broadcast_in_dim3A_823 : vector<16xf32> to vector<1x16xf32>
      tpu.vector_store %arg9[%swap3A_824, %swap3A_825], %swap3A_828 {strides = array<i32>} : memref<32x128xf32, #tpu.memory_space<vmem>>, vector<1x16xf32>,
      %broadcast_in_dim3A_829 = arith.constant 0.000000e+00 : f32
      %broadcast_in_dim3A_830 = vector.broadcast %broadcast_in_dim3A_829 : f32 to vector<16xf32>
      %swap3A_831 = arith.index_cast %add3A_788 : i32 to index
      %swap3A_832 = arith.constant 96 : index
      %swap3A_833 = tpu.vector_load %arg9[%swap3A_831, %swap3A_832] {strides = array<i32>} : memref<32x128xf32, #tpu.memory_space<vmem>>, vector<1x16xf32>,
      %swap3A_834 = vector.shape_cast %swap3A_833 : vector<1x16xf32> to vector<16xf32>
      %swap3A_835 = vector.shape_cast %broadcast_in_dim3A_830 : vector<16xf32> to vector<1x16xf32>
      tpu.vector_store %arg9[%swap3A_831, %swap3A_832], %swap3A_835 {strides = array<i32>} : memref<32x128xf32, #tpu.memory_space<vmem>>, vector<1x16xf32>,
      %broadcast_in_dim3A_836 = arith.constant 0.000000e+00 : f32
      %broadcast_in_dim3A_837 = vector.broadcast %broadcast_in_dim3A_836 : f32 to vector<16xf32>
      %swap3A_838 = arith.index_cast %add3A_788 : i32 to index
      %swap3A_839 = arith.constant 112 : index
      %swap3A_840 = tpu.vector_load %arg9[%swap3A_838, %swap3A_839] {strides = array<i32>} : memref<32x128xf32, #tpu.memory_space<vmem>>, vector<1x16xf32>,
      %swap3A_841 = vector.shape_cast %swap3A_840 : vector<1x16xf32> to vector<16xf32>
      %swap3A_842 = vector.shape_cast %broadcast_in_dim3A_837 : vector<16xf32> to vector<1x16xf32>
      tpu.vector_store %arg9[%swap3A_838, %swap3A_839], %swap3A_842 {strides = array<i32>} : memref<32x128xf32, #tpu.memory_space<vmem>>, vector<1x16xf32>,
    }
    %scan3A_4 = arith.constant 32 : i32
    %mul3A_5 = arith.constant 640 : i32
    %mul3A_6 = arith.muli %arg1, %mul3A_5 : i32
    %add3A_7 = arith.constant 0 : i32
    %add3A_8 = arith.addi %mul3A_6, %add3A_7 : i32
    %dma_start3A = arith.constant 0 : i32
    %dma_start3A_9 = tpu.memref_slice %arg10[%add3A_8, %dma_start3A] : memref<10240x128xf32, #tpu.memory_space<vmem_shared>> -> memref<32x128xf32, #tpu.memory_space<vmem_shared>>
    %dma_start3A_10 = arith.constant 0 : i32
    %dma_start3A_11 = tpu.memref_slice %arg10[%add3A_8, %dma_start3A_10] : memref<10240x128xf32, #tpu.memory_space<vmem_shared>> -> memref<32x128xf32, #tpu.memory_space<vmem_shared>>
    tpu.enqueue_dma source(%arg9 : memref<32x128xf32, #tpu.memory_space<vmem>>) target(%dma_start3A_11 : memref<32x128xf32, #tpu.memory_space<vmem_shared>>) target_semaphore(%arg11 : memref<!tpu.dma_semaphore, #tpu.memory_space<semaphore_mem>>)
    %mul3A_12 = arith.constant 640 : i32
    %mul3A_13 = arith.muli %arg1, %mul3A_12 : i32
    %add3A_14 = arith.constant 32 : i32
    %add3A_15 = arith.addi %mul3A_13, %add3A_14 : i32
    %dma_start3A_16 = arith.constant 0 : i32
    %dma_start3A_17 = tpu.memref_slice %arg10[%add3A_15, %dma_start3A_16] : memref<10240x128xf32, #tpu.memory_space<vmem_shared>> -> memref<32x128xf32, #tpu.memory_space<vmem_shared>>
    %dma_start3A_18 = arith.constant 0 : i32
    %dma_start3A_19 = tpu.memref_slice %arg10[%add3A_15, %dma_start3A_18] : memref<10240x128xf32, #tpu.memory_space<vmem_shared>> -> memref<32x128xf32, #tpu.memory_space<vmem_shared>>
    tpu.enqueue_dma source(%arg9 : memref<32x128xf32, #tpu.memory_space<vmem>>) target(%dma_start3A_19 : memref<32x128xf32, #tpu.memory_space<vmem_shared>>) target_semaphore(%arg11 : memref<!tpu.dma_semaphore, #tpu.memory_space<semaphore_mem>>)
    %mul3A_20 = arith.constant 640 : i32
    %mul3A_21 = arith.muli %arg1, %mul3A_20 : i32
    %add3A_22 = arith.constant 64 : i32
    %add3A_23 = arith.addi %mul3A_21, %add3A_22 : i32
    %dma_start3A_24 = arith.constant 0 : i32
    %dma_start3A_25 = tpu.memref_slice %arg10[%add3A_23, %dma_start3A_24] : memref<10240x128xf32, #tpu.memory_space<vmem_shared>> -> memref<32x128xf32, #tpu.memory_space<vmem_shared>>
    %dma_start3A_26 = arith.constant 0 : i32
    %dma_start3A_27 = tpu.memref_slice %arg10[%add3A_23, %dma_start3A_26] : memref<10240x128xf32, #tpu.memory_space<vmem_shared>> -> memref<32x128xf32, #tpu.memory_space<vmem_shared>>
    tpu.enqueue_dma source(%arg9 : memref<32x128xf32, #tpu.memory_space<vmem>>) target(%dma_start3A_27 : memref<32x128xf32, #tpu.memory_space<vmem_shared>>) target_semaphore(%arg11 : memref<!tpu.dma_semaphore, #tpu.memory_space<semaphore_mem>>)
    %mul3A_28 = arith.constant 640 : i32
    %mul3A_29 = arith.muli %arg1, %mul3A_28 : i32
    %add3A_30 = arith.constant 96 : i32
    %add3A_31 = arith.addi %mul3A_29, %add3A_30 : i32
    %dma_start3A_32 = arith.constant 0 : i32
    %dma_start3A_33 = tpu.memref_slice %arg10[%add3A_31, %dma_start3A_32] : memref<10240x128xf32, #tpu.memory_space<vmem_shared>> -> memref<32x128xf32, #tpu.memory_space<vmem_shared>>
    %dma_start3A_34 = arith.constant 0 : i32
    %dma_start3A_35 = tpu.memref_slice %arg10[%add3A_31, %dma_start3A_34] : memref<10240x128xf32, #tpu.memory_space<vmem_shared>> -> memref<32x128xf32, #tpu.memory_space<vmem_shared>>
    tpu.enqueue_dma source(%arg9 : memref<32x128xf32, #tpu.memory_space<vmem>>) target(%dma_start3A_35 : memref<32x128xf32, #tpu.memory_space<vmem_shared>>) target_semaphore(%arg11 : memref<!tpu.dma_semaphore, #tpu.memory_space<semaphore_mem>>)
    %mul3A_36 = arith.constant 640 : i32
    %mul3A_37 = arith.muli %arg1, %mul3A_36 : i32
    %add3A_38 = arith.constant 128 : i32
    %add3A_39 = arith.addi %mul3A_37, %add3A_38 : i32
    %dma_start3A_40 = arith.constant 0 : i32
    %dma_start3A_41 = tpu.memref_slice %arg10[%add3A_39, %dma_start3A_40] : memref<10240x128xf32, #tpu.memory_space<vmem_shared>> -> memref<32x128xf32, #tpu.memory_space<vmem_shared>>
    %dma_start3A_42 = arith.constant 0 : i32
    %dma_start3A_43 = tpu.memref_slice %arg10[%add3A_39, %dma_start3A_42] : memref<10240x128xf32, #tpu.memory_space<vmem_shared>> -> memref<32x128xf32, #tpu.memory_space<vmem_shared>>
    tpu.enqueue_dma source(%arg9 : memref<32x128xf32, #tpu.memory_space<vmem>>) target(%dma_start3A_43 : memref<32x128xf32, #tpu.memory_space<vmem_shared>>) target_semaphore(%arg11 : memref<!tpu.dma_semaphore, #tpu.memory_space<semaphore_mem>>)
    %mul3A_44 = arith.constant 640 : i32
    %mul3A_45 = arith.muli %arg1, %mul3A_44 : i32
    %add3A_46 = arith.constant 160 : i32
    %add3A_47 = arith.addi %mul3A_45, %add3A_46 : i32
    %dma_start3A_48 = arith.constant 0 : i32
    %dma_start3A_49 = tpu.memref_slice %arg10[%add3A_47, %dma_start3A_48] : memref<10240x128xf32, #tpu.memory_space<vmem_shared>> -> memref<32x128xf32, #tpu.memory_space<vmem_shared>>
    %dma_start3A_50 = arith.constant 0 : i32
    %dma_start3A_51 = tpu.memref_slice %arg10[%add3A_47, %dma_start3A_50] : memref<10240x128xf32, #tpu.memory_space<vmem_shared>> -> memref<32x128xf32, #tpu.memory_space<vmem_shared>>
    tpu.enqueue_dma source(%arg9 : memref<32x128xf32, #tpu.memory_space<vmem>>) target(%dma_start3A_51 : memref<32x128xf32, #tpu.memory_space<vmem_shared>>) target_semaphore(%arg11 : memref<!tpu.dma_semaphore, #tpu.memory_space<semaphore_mem>>)
    %mul3A_52 = arith.constant 640 : i32
    %mul3A_53 = arith.muli %arg1, %mul3A_52 : i32
    %add3A_54 = arith.constant 192 : i32
    %add3A_55 = arith.addi %mul3A_53, %add3A_54 : i32
    %dma_start3A_56 = arith.constant 0 : i32
    %dma_start3A_57 = tpu.memref_slice %arg10[%add3A_55, %dma_start3A_56] : memref<10240x128xf32, #tpu.memory_space<vmem_shared>> -> memref<32x128xf32, #tpu.memory_space<vmem_shared>>
    %dma_start3A_58 = arith.constant 0 : i32
    %dma_start3A_59 = tpu.memref_slice %arg10[%add3A_55, %dma_start3A_58] : memref<10240x128xf32, #tpu.memory_space<vmem_shared>> -> memref<32x128xf32, #tpu.memory_space<vmem_shared>>
    tpu.enqueue_dma source(%arg9 : memref<32x128xf32, #tpu.memory_space<vmem>>) target(%dma_start3A_59 : memref<32x128xf32, #tpu.memory_space<vmem_shared>>) target_semaphore(%arg11 : memref<!tpu.dma_semaphore, #tpu.memory_space<semaphore_mem>>)
    %mul3A_60 = arith.constant 640 : i32
    %mul3A_61 = arith.muli %arg1, %mul3A_60 : i32
    %add3A_62 = arith.constant 224 : i32
    %add3A_63 = arith.addi %mul3A_61, %add3A_62 : i32
    %dma_start3A_64 = arith.constant 0 : i32
    %dma_start3A_65 = tpu.memref_slice %arg10[%add3A_63, %dma_start3A_64] : memref<10240x128xf32, #tpu.memory_space<vmem_shared>> -> memref<32x128xf32, #tpu.memory_space<vmem_shared>>
    %dma_start3A_66 = arith.constant 0 : i32
    %dma_start3A_67 = tpu.memref_slice %arg10[%add3A_63, %dma_start3A_66] : memref<10240x128xf32, #tpu.memory_space<vmem_shared>> -> memref<32x128xf32, #tpu.memory_space<vmem_shared>>
    tpu.enqueue_dma source(%arg9 : memref<32x128xf32, #tpu.memory_space<vmem>>) target(%dma_start3A_67 : memref<32x128xf32, #tpu.memory_space<vmem_shared>>) target_semaphore(%arg11 : memref<!tpu.dma_semaphore, #tpu.memory_space<semaphore_mem>>)
    %mul3A_68 = arith.constant 640 : i32
    %mul3A_69 = arith.muli %arg1, %mul3A_68 : i32
    %add3A_70 = arith.constant 256 : i32
    %add3A_71 = arith.addi %mul3A_69, %add3A_70 : i32
    %dma_start3A_72 = arith.constant 0 : i32
    %dma_start3A_73 = tpu.memref_slice %arg10[%add3A_71, %dma_start3A_72] : memref<10240x128xf32, #tpu.memory_space<vmem_shared>> -> memref<32x128xf32, #tpu.memory_space<vmem_shared>>
    %dma_start3A_74 = arith.constant 0 : i32
    %dma_start3A_75 = tpu.memref_slice %arg10[%add3A_71, %dma_start3A_74] : memref<10240x128xf32, #tpu.memory_space<vmem_shared>> -> memref<32x128xf32, #tpu.memory_space<vmem_shared>>
    tpu.enqueue_dma source(%arg9 : memref<32x128xf32, #tpu.memory_space<vmem>>) target(%dma_start3A_75 : memref<32x128xf32, #tpu.memory_space<vmem_shared>>) target_semaphore(%arg11 : memref<!tpu.dma_semaphore, #tpu.memory_space<semaphore_mem>>)
    %mul3A_76 = arith.constant 640 : i32
    %mul3A_77 = arith.muli %arg1, %mul3A_76 : i32
    %add3A_78 = arith.constant 288 : i32
    %add3A_79 = arith.addi %mul3A_77, %add3A_78 : i32
    %dma_start3A_80 = arith.constant 0 : i32
    %dma_start3A_81 = tpu.memref_slice %arg10[%add3A_79, %dma_start3A_80] : memref<10240x128xf32, #tpu.memory_space<vmem_shared>> -> memref<32x128xf32, #tpu.memory_space<vmem_shared>>
    %dma_start3A_82 = arith.constant 0 : i32
    %dma_start3A_83 = tpu.memref_slice %arg10[%add3A_79, %dma_start3A_82] : memref<10240x128xf32, #tpu.memory_space<vmem_shared>> -> memref<32x128xf32, #tpu.memory_space<vmem_shared>>
    tpu.enqueue_dma source(%arg9 : memref<32x128xf32, #tpu.memory_space<vmem>>) target(%dma_start3A_83 : memref<32x128xf32, #tpu.memory_space<vmem_shared>>) target_semaphore(%arg11 : memref<!tpu.dma_semaphore, #tpu.memory_space<semaphore_mem>>)
    %mul3A_84 = arith.constant 640 : i32
    %mul3A_85 = arith.muli %arg1, %mul3A_84 : i32
    %add3A_86 = arith.constant 320 : i32
    %add3A_87 = arith.addi %mul3A_85, %add3A_86 : i32
    %dma_start3A_88 = arith.constant 0 : i32
    %dma_start3A_89 = tpu.memref_slice %arg10[%add3A_87, %dma_start3A_88] : memref<10240x128xf32, #tpu.memory_space<vmem_shared>> -> memref<32x128xf32, #tpu.memory_space<vmem_shared>>
    %dma_start3A_90 = arith.constant 0 : i32
    %dma_start3A_91 = tpu.memref_slice %arg10[%add3A_87, %dma_start3A_90] : memref<10240x128xf32, #tpu.memory_space<vmem_shared>> -> memref<32x128xf32, #tpu.memory_space<vmem_shared>>
    tpu.enqueue_dma source(%arg9 : memref<32x128xf32, #tpu.memory_space<vmem>>) target(%dma_start3A_91 : memref<32x128xf32, #tpu.memory_space<vmem_shared>>) target_semaphore(%arg11 : memref<!tpu.dma_semaphore, #tpu.memory_space<semaphore_mem>>)
    %mul3A_92 = arith.constant 640 : i32
    %mul3A_93 = arith.muli %arg1, %mul3A_92 : i32
    %add3A_94 = arith.constant 352 : i32
    %add3A_95 = arith.addi %mul3A_93, %add3A_94 : i32
    %dma_start3A_96 = arith.constant 0 : i32
    %dma_start3A_97 = tpu.memref_slice %arg10[%add3A_95, %dma_start3A_96] : memref<10240x128xf32, #tpu.memory_space<vmem_shared>> -> memref<32x128xf32, #tpu.memory_space<vmem_shared>>
    %dma_start3A_98 = arith.constant 0 : i32
    %dma_start3A_99 = tpu.memref_slice %arg10[%add3A_95, %dma_start3A_98] : memref<10240x128xf32, #tpu.memory_space<vmem_shared>> -> memref<32x128xf32, #tpu.memory_space<vmem_shared>>
    tpu.enqueue_dma source(%arg9 : memref<32x128xf32, #tpu.memory_space<vmem>>) target(%dma_start3A_99 : memref<32x128xf32, #tpu.memory_space<vmem_shared>>) target_semaphore(%arg11 : memref<!tpu.dma_semaphore, #tpu.memory_space<semaphore_mem>>)
    %mul3A_100 = arith.constant 640 : i32
    %mul3A_101 = arith.muli %arg1, %mul3A_100 : i32
    %add3A_102 = arith.constant 384 : i32
    %add3A_103 = arith.addi %mul3A_101, %add3A_102 : i32
    %dma_start3A_104 = arith.constant 0 : i32
    %dma_start3A_105 = tpu.memref_slice %arg10[%add3A_103, %dma_start3A_104] : memref<10240x128xf32, #tpu.memory_space<vmem_shared>> -> memref<32x128xf32, #tpu.memory_space<vmem_shared>>
    %dma_start3A_106 = arith.constant 0 : i32
    %dma_start3A_107 = tpu.memref_slice %arg10[%add3A_103, %dma_start3A_106] : memref<10240x128xf32, #tpu.memory_space<vmem_shared>> -> memref<32x128xf32, #tpu.memory_space<vmem_shared>>
    tpu.enqueue_dma source(%arg9 : memref<32x128xf32, #tpu.memory_space<vmem>>) target(%dma_start3A_107 : memref<32x128xf32, #tpu.memory_space<vmem_shared>>) target_semaphore(%arg11 : memref<!tpu.dma_semaphore, #tpu.memory_space<semaphore_mem>>)
    %mul3A_108 = arith.constant 640 : i32
    %mul3A_109 = arith.muli %arg1, %mul3A_108 : i32
    %add3A_110 = arith.constant 416 : i32
    %add3A_111 = arith.addi %mul3A_109, %add3A_110 : i32
    %dma_start3A_112 = arith.constant 0 : i32
    %dma_start3A_113 = tpu.memref_slice %arg10[%add3A_111, %dma_start3A_112] : memref<10240x128xf32, #tpu.memory_space<vmem_shared>> -> memref<32x128xf32, #tpu.memory_space<vmem_shared>>
    %dma_start3A_114 = arith.constant 0 : i32
    %dma_start3A_115 = tpu.memref_slice %arg10[%add3A_111, %dma_start3A_114] : memref<10240x128xf32, #tpu.memory_space<vmem_shared>> -> memref<32x128xf32, #tpu.memory_space<vmem_shared>>
    tpu.enqueue_dma source(%arg9 : memref<32x128xf32, #tpu.memory_space<vmem>>) target(%dma_start3A_115 : memref<32x128xf32, #tpu.memory_space<vmem_shared>>) target_semaphore(%arg11 : memref<!tpu.dma_semaphore, #tpu.memory_space<semaphore_mem>>)
    %mul3A_116 = arith.constant 640 : i32
    %mul3A_117 = arith.muli %arg1, %mul3A_116 : i32
    %add3A_118 = arith.constant 448 : i32
    %add3A_119 = arith.addi %mul3A_117, %add3A_118 : i32
    %dma_start3A_120 = arith.constant 0 : i32
    %dma_start3A_121 = tpu.memref_slice %arg10[%add3A_119, %dma_start3A_120] : memref<10240x128xf32, #tpu.memory_space<vmem_shared>> -> memref<32x128xf32, #tpu.memory_space<vmem_shared>>
    %dma_start3A_122 = arith.constant 0 : i32
    %dma_start3A_123 = tpu.memref_slice %arg10[%add3A_119, %dma_start3A_122] : memref<10240x128xf32, #tpu.memory_space<vmem_shared>> -> memref<32x128xf32, #tpu.memory_space<vmem_shared>>
    tpu.enqueue_dma source(%arg9 : memref<32x128xf32, #tpu.memory_space<vmem>>) target(%dma_start3A_123 : memref<32x128xf32, #tpu.memory_space<vmem_shared>>) target_semaphore(%arg11 : memref<!tpu.dma_semaphore, #tpu.memory_space<semaphore_mem>>)
    %mul3A_124 = arith.constant 640 : i32
    %mul3A_125 = arith.muli %arg1, %mul3A_124 : i32
    %add3A_126 = arith.constant 480 : i32
    %add3A_127 = arith.addi %mul3A_125, %add3A_126 : i32
    %dma_start3A_128 = arith.constant 0 : i32
    %dma_start3A_129 = tpu.memref_slice %arg10[%add3A_127, %dma_start3A_128] : memref<10240x128xf32, #tpu.memory_space<vmem_shared>> -> memref<32x128xf32, #tpu.memory_space<vmem_shared>>
    %dma_start3A_130 = arith.constant 0 : i32
    %dma_start3A_131 = tpu.memref_slice %arg10[%add3A_127, %dma_start3A_130] : memref<10240x128xf32, #tpu.memory_space<vmem_shared>> -> memref<32x128xf32, #tpu.memory_space<vmem_shared>>
    tpu.enqueue_dma source(%arg9 : memref<32x128xf32, #tpu.memory_space<vmem>>) target(%dma_start3A_131 : memref<32x128xf32, #tpu.memory_space<vmem_shared>>) target_semaphore(%arg11 : memref<!tpu.dma_semaphore, #tpu.memory_space<semaphore_mem>>)
    %mul3A_132 = arith.constant 640 : i32
    %mul3A_133 = arith.muli %arg1, %mul3A_132 : i32
    %add3A_134 = arith.constant 512 : i32
    %add3A_135 = arith.addi %mul3A_133, %add3A_134 : i32
    %dma_start3A_136 = arith.constant 0 : i32
    %dma_start3A_137 = tpu.memref_slice %arg10[%add3A_135, %dma_start3A_136] : memref<10240x128xf32, #tpu.memory_space<vmem_shared>> -> memref<32x128xf32, #tpu.memory_space<vmem_shared>>
    %dma_start3A_138 = arith.constant 0 : i32
    %dma_start3A_139 = tpu.memref_slice %arg10[%add3A_135, %dma_start3A_138] : memref<10240x128xf32, #tpu.memory_space<vmem_shared>> -> memref<32x128xf32, #tpu.memory_space<vmem_shared>>
    tpu.enqueue_dma source(%arg9 : memref<32x128xf32, #tpu.memory_space<vmem>>) target(%dma_start3A_139 : memref<32x128xf32, #tpu.memory_space<vmem_shared>>) target_semaphore(%arg11 : memref<!tpu.dma_semaphore, #tpu.memory_space<semaphore_mem>>)
    %mul3A_140 = arith.constant 640 : i32
    %mul3A_141 = arith.muli %arg1, %mul3A_140 : i32
    %add3A_142 = arith.constant 544 : i32
    %add3A_143 = arith.addi %mul3A_141, %add3A_142 : i32
    %dma_start3A_144 = arith.constant 0 : i32
    %dma_start3A_145 = tpu.memref_slice %arg10[%add3A_143, %dma_start3A_144] : memref<10240x128xf32, #tpu.memory_space<vmem_shared>> -> memref<32x128xf32, #tpu.memory_space<vmem_shared>>
    %dma_start3A_146 = arith.constant 0 : i32
    %dma_start3A_147 = tpu.memref_slice %arg10[%add3A_143, %dma_start3A_146] : memref<10240x128xf32, #tpu.memory_space<vmem_shared>> -> memref<32x128xf32, #tpu.memory_space<vmem_shared>>
    tpu.enqueue_dma source(%arg9 : memref<32x128xf32, #tpu.memory_space<vmem>>) target(%dma_start3A_147 : memref<32x128xf32, #tpu.memory_space<vmem_shared>>) target_semaphore(%arg11 : memref<!tpu.dma_semaphore, #tpu.memory_space<semaphore_mem>>)
    %mul3A_148 = arith.constant 640 : i32
    %mul3A_149 = arith.muli %arg1, %mul3A_148 : i32
    %add3A_150 = arith.constant 576 : i32
    %add3A_151 = arith.addi %mul3A_149, %add3A_150 : i32
    %dma_start3A_152 = arith.constant 0 : i32
    %dma_start3A_153 = tpu.memref_slice %arg10[%add3A_151, %dma_start3A_152] : memref<10240x128xf32, #tpu.memory_space<vmem_shared>> -> memref<32x128xf32, #tpu.memory_space<vmem_shared>>
    %dma_start3A_154 = arith.constant 0 : i32
    %dma_start3A_155 = tpu.memref_slice %arg10[%add3A_151, %dma_start3A_154] : memref<10240x128xf32, #tpu.memory_space<vmem_shared>> -> memref<32x128xf32, #tpu.memory_space<vmem_shared>>
    tpu.enqueue_dma source(%arg9 : memref<32x128xf32, #tpu.memory_space<vmem>>) target(%dma_start3A_155 : memref<32x128xf32, #tpu.memory_space<vmem_shared>>) target_semaphore(%arg11 : memref<!tpu.dma_semaphore, #tpu.memory_space<semaphore_mem>>)
    %mul3A_156 = arith.constant 640 : i32
    %mul3A_157 = arith.muli %arg1, %mul3A_156 : i32
    %add3A_158 = arith.constant 608 : i32
    %add3A_159 = arith.addi %mul3A_157, %add3A_158 : i32
    %dma_start3A_160 = arith.constant 0 : i32
    %dma_start3A_161 = tpu.memref_slice %arg10[%add3A_159, %dma_start3A_160] : memref<10240x128xf32, #tpu.memory_space<vmem_shared>> -> memref<32x128xf32, #tpu.memory_space<vmem_shared>>
    %dma_start3A_162 = arith.constant 0 : i32
    %dma_start3A_163 = tpu.memref_slice %arg10[%add3A_159, %dma_start3A_162] : memref<10240x128xf32, #tpu.memory_space<vmem_shared>> -> memref<32x128xf32, #tpu.memory_space<vmem_shared>>
    tpu.enqueue_dma source(%arg9 : memref<32x128xf32, #tpu.memory_space<vmem>>) target(%dma_start3A_163 : memref<32x128xf32, #tpu.memory_space<vmem_shared>>) target_semaphore(%arg11 : memref<!tpu.dma_semaphore, #tpu.memory_space<semaphore_mem>>)
    %mul3A_164 = arith.constant 640 : i32
    %mul3A_165 = arith.muli %arg1, %mul3A_164 : i32
    %dma_wait3A = arith.constant 0 : i32
    %dma_wait3A_166 = tpu.memref_slice %arg10[%mul3A_165, %dma_wait3A] : memref<10240x128xf32, #tpu.memory_space<vmem_shared>> -> memref<32x128xf32, #tpu.memory_space<vmem_shared>>
    %dma_wait3A_167 = arith.constant 0 : i32
    %dma_wait3A_168 = tpu.memref_slice %arg10[%mul3A_165, %dma_wait3A_167] : memref<10240x128xf32, #tpu.memory_space<vmem_shared>> -> memref<32x128xf32, #tpu.memory_space<vmem_shared>>
    tpu.wait_dma2 semaphore(%arg11 : memref<!tpu.dma_semaphore, #tpu.memory_space<semaphore_mem>>) src(%arg9 : memref<32x128xf32, #tpu.memory_space<vmem>>) dst(%dma_wait3A_168 : memref<32x128xf32, #tpu.memory_space<vmem_shared>>)
    %mul3A_169 = arith.constant 640 : i32
    %mul3A_170 = arith.muli %arg1, %mul3A_169 : i32
    %dma_wait3A_171 = arith.constant 0 : i32
    %dma_wait3A_172 = tpu.memref_slice %arg10[%mul3A_170, %dma_wait3A_171] : memref<10240x128xf32, #tpu.memory_space<vmem_shared>> -> memref<32x128xf32, #tpu.memory_space<vmem_shared>>
    %dma_wait3A_173 = arith.constant 0 : i32
    %dma_wait3A_174 = tpu.memref_slice %arg10[%mul3A_170, %dma_wait3A_173] : memref<10240x128xf32, #tpu.memory_space<vmem_shared>> -> memref<32x128xf32, #tpu.memory_space<vmem_shared>>
    tpu.wait_dma2 semaphore(%arg11 : memref<!tpu.dma_semaphore, #tpu.memory_space<semaphore_mem>>) src(%arg9 : memref<32x128xf32, #tpu.memory_space<vmem>>) dst(%dma_wait3A_174 : memref<32x128xf32, #tpu.memory_space<vmem_shared>>)
    %mul3A_175 = arith.constant 640 : i32
    %mul3A_176 = arith.muli %arg1, %mul3A_175 : i32
    %dma_wait3A_177 = arith.constant 0 : i32
    %dma_wait3A_178 = tpu.memref_slice %arg10[%mul3A_176, %dma_wait3A_177] : memref<10240x128xf32, #tpu.memory_space<vmem_shared>> -> memref<32x128xf32, #tpu.memory_space<vmem_shared>>
    %dma_wait3A_179 = arith.constant 0 : i32
    %dma_wait3A_180 = tpu.memref_slice %arg10[%mul3A_176, %dma_wait3A_179] : memref<10240x128xf32, #tpu.memory_space<vmem_shared>> -> memref<32x128xf32, #tpu.memory_space<vmem_shared>>
    tpu.wait_dma2 semaphore(%arg11 : memref<!tpu.dma_semaphore, #tpu.memory_space<semaphore_mem>>) src(%arg9 : memref<32x128xf32, #tpu.memory_space<vmem>>) dst(%dma_wait3A_180 : memref<32x128xf32, #tpu.memory_space<vmem_shared>>)
    %mul3A_181 = arith.constant 640 : i32
    %mul3A_182 = arith.muli %arg1, %mul3A_181 : i32
    %dma_wait3A_183 = arith.constant 0 : i32
    %dma_wait3A_184 = tpu.memref_slice %arg10[%mul3A_182, %dma_wait3A_183] : memref<10240x128xf32, #tpu.memory_space<vmem_shared>> -> memref<32x128xf32, #tpu.memory_space<vmem_shared>>
    %dma_wait3A_185 = arith.constant 0 : i32
    %dma_wait3A_186 = tpu.memref_slice %arg10[%mul3A_182, %dma_wait3A_185] : memref<10240x128xf32, #tpu.memory_space<vmem_shared>> -> memref<32x128xf32, #tpu.memory_space<vmem_shared>>
    tpu.wait_dma2 semaphore(%arg11 : memref<!tpu.dma_semaphore, #tpu.memory_space<semaphore_mem>>) src(%arg9 : memref<32x128xf32, #tpu.memory_space<vmem>>) dst(%dma_wait3A_186 : memref<32x128xf32, #tpu.memory_space<vmem_shared>>)
    %mul3A_187 = arith.constant 640 : i32
    %mul3A_188 = arith.muli %arg1, %mul3A_187 : i32
    %dma_wait3A_189 = arith.constant 0 : i32
    %dma_wait3A_190 = tpu.memref_slice %arg10[%mul3A_188, %dma_wait3A_189] : memref<10240x128xf32, #tpu.memory_space<vmem_shared>> -> memref<32x128xf32, #tpu.memory_space<vmem_shared>>
    %dma_wait3A_191 = arith.constant 0 : i32
    %dma_wait3A_192 = tpu.memref_slice %arg10[%mul3A_188, %dma_wait3A_191] : memref<10240x128xf32, #tpu.memory_space<vmem_shared>> -> memref<32x128xf32, #tpu.memory_space<vmem_shared>>
    tpu.wait_dma2 semaphore(%arg11 : memref<!tpu.dma_semaphore, #tpu.memory_space<semaphore_mem>>) src(%arg9 : memref<32x128xf32, #tpu.memory_space<vmem>>) dst(%dma_wait3A_192 : memref<32x128xf32, #tpu.memory_space<vmem_shared>>)
    %mul3A_193 = arith.constant 640 : i32
    %mul3A_194 = arith.muli %arg1, %mul3A_193 : i32
    %dma_wait3A_195 = arith.constant 0 : i32
    %dma_wait3A_196 = tpu.memref_slice %arg10[%mul3A_194, %dma_wait3A_195] : memref<10240x128xf32, #tpu.memory_space<vmem_shared>> -> memref<32x128xf32, #tpu.memory_space<vmem_shared>>
    %dma_wait3A_197 = arith.constant 0 : i32
    %dma_wait3A_198 = tpu.memref_slice %arg10[%mul3A_194, %dma_wait3A_197] : memref<10240x128xf32, #tpu.memory_space<vmem_shared>> -> memref<32x128xf32, #tpu.memory_space<vmem_shared>>
    tpu.wait_dma2 semaphore(%arg11 : memref<!tpu.dma_semaphore, #tpu.memory_space<semaphore_mem>>) src(%arg9 : memref<32x128xf32, #tpu.memory_space<vmem>>) dst(%dma_wait3A_198 : memref<32x128xf32, #tpu.memory_space<vmem_shared>>)
    %mul3A_199 = arith.constant 640 : i32
    %mul3A_200 = arith.muli %arg1, %mul3A_199 : i32
    %dma_wait3A_201 = arith.constant 0 : i32
    %dma_wait3A_202 = tpu.memref_slice %arg10[%mul3A_200, %dma_wait3A_201] : memref<10240x128xf32, #tpu.memory_space<vmem_shared>> -> memref<32x128xf32, #tpu.memory_space<vmem_shared>>
    %dma_wait3A_203 = arith.constant 0 : i32
    %dma_wait3A_204 = tpu.memref_slice %arg10[%mul3A_200, %dma_wait3A_203] : memref<10240x128xf32, #tpu.memory_space<vmem_shared>> -> memref<32x128xf32, #tpu.memory_space<vmem_shared>>
    tpu.wait_dma2 semaphore(%arg11 : memref<!tpu.dma_semaphore, #tpu.memory_space<semaphore_mem>>) src(%arg9 : memref<32x128xf32, #tpu.memory_space<vmem>>) dst(%dma_wait3A_204 : memref<32x128xf32, #tpu.memory_space<vmem_shared>>)
    %mul3A_205 = arith.constant 640 : i32
    %mul3A_206 = arith.muli %arg1, %mul3A_205 : i32
    %dma_wait3A_207 = arith.constant 0 : i32
    %dma_wait3A_208 = tpu.memref_slice %arg10[%mul3A_206, %dma_wait3A_207] : memref<10240x128xf32, #tpu.memory_space<vmem_shared>> -> memref<32x128xf32, #tpu.memory_space<vmem_shared>>
    %dma_wait3A_209 = arith.constant 0 : i32
    %dma_wait3A_210 = tpu.memref_slice %arg10[%mul3A_206, %dma_wait3A_209] : memref<10240x128xf32, #tpu.memory_space<vmem_shared>> -> memref<32x128xf32, #tpu.memory_space<vmem_shared>>
    tpu.wait_dma2 semaphore(%arg11 : memref<!tpu.dma_semaphore, #tpu.memory_space<semaphore_mem>>) src(%arg9 : memref<32x128xf32, #tpu.memory_space<vmem>>) dst(%dma_wait3A_210 : memref<32x128xf32, #tpu.memory_space<vmem_shared>>)
    %mul3A_211 = arith.constant 640 : i32
    %mul3A_212 = arith.muli %arg1, %mul3A_211 : i32
    %dma_wait3A_213 = arith.constant 0 : i32
    %dma_wait3A_214 = tpu.memref_slice %arg10[%mul3A_212, %dma_wait3A_213] : memref<10240x128xf32, #tpu.memory_space<vmem_shared>> -> memref<32x128xf32, #tpu.memory_space<vmem_shared>>
    %dma_wait3A_215 = arith.constant 0 : i32
    %dma_wait3A_216 = tpu.memref_slice %arg10[%mul3A_212, %dma_wait3A_215] : memref<10240x128xf32, #tpu.memory_space<vmem_shared>> -> memref<32x128xf32, #tpu.memory_space<vmem_shared>>
    tpu.wait_dma2 semaphore(%arg11 : memref<!tpu.dma_semaphore, #tpu.memory_space<semaphore_mem>>) src(%arg9 : memref<32x128xf32, #tpu.memory_space<vmem>>) dst(%dma_wait3A_216 : memref<32x128xf32, #tpu.memory_space<vmem_shared>>)
    %mul3A_217 = arith.constant 640 : i32
    %mul3A_218 = arith.muli %arg1, %mul3A_217 : i32
    %dma_wait3A_219 = arith.constant 0 : i32
    %dma_wait3A_220 = tpu.memref_slice %arg10[%mul3A_218, %dma_wait3A_219] : memref<10240x128xf32, #tpu.memory_space<vmem_shared>> -> memref<32x128xf32, #tpu.memory_space<vmem_shared>>
    %dma_wait3A_221 = arith.constant 0 : i32
    %dma_wait3A_222 = tpu.memref_slice %arg10[%mul3A_218, %dma_wait3A_221] : memref<10240x128xf32, #tpu.memory_space<vmem_shared>> -> memref<32x128xf32, #tpu.memory_space<vmem_shared>>
    tpu.wait_dma2 semaphore(%arg11 : memref<!tpu.dma_semaphore, #tpu.memory_space<semaphore_mem>>) src(%arg9 : memref<32x128xf32, #tpu.memory_space<vmem>>) dst(%dma_wait3A_222 : memref<32x128xf32, #tpu.memory_space<vmem_shared>>)
    %mul3A_223 = arith.constant 640 : i32
    %mul3A_224 = arith.muli %arg1, %mul3A_223 : i32
    %dma_wait3A_225 = arith.constant 0 : i32
    %dma_wait3A_226 = tpu.memref_slice %arg10[%mul3A_224, %dma_wait3A_225] : memref<10240x128xf32, #tpu.memory_space<vmem_shared>> -> memref<32x128xf32, #tpu.memory_space<vmem_shared>>
    %dma_wait3A_227 = arith.constant 0 : i32
    %dma_wait3A_228 = tpu.memref_slice %arg10[%mul3A_224, %dma_wait3A_227] : memref<10240x128xf32, #tpu.memory_space<vmem_shared>> -> memref<32x128xf32, #tpu.memory_space<vmem_shared>>
    tpu.wait_dma2 semaphore(%arg11 : memref<!tpu.dma_semaphore, #tpu.memory_space<semaphore_mem>>) src(%arg9 : memref<32x128xf32, #tpu.memory_space<vmem>>) dst(%dma_wait3A_228 : memref<32x128xf32, #tpu.memory_space<vmem_shared>>)
    %mul3A_229 = arith.constant 640 : i32
    %mul3A_230 = arith.muli %arg1, %mul3A_229 : i32
    %dma_wait3A_231 = arith.constant 0 : i32
    %dma_wait3A_232 = tpu.memref_slice %arg10[%mul3A_230, %dma_wait3A_231] : memref<10240x128xf32, #tpu.memory_space<vmem_shared>> -> memref<32x128xf32, #tpu.memory_space<vmem_shared>>
    %dma_wait3A_233 = arith.constant 0 : i32
    %dma_wait3A_234 = tpu.memref_slice %arg10[%mul3A_230, %dma_wait3A_233] : memref<10240x128xf32, #tpu.memory_space<vmem_shared>> -> memref<32x128xf32, #tpu.memory_space<vmem_shared>>
    tpu.wait_dma2 semaphore(%arg11 : memref<!tpu.dma_semaphore, #tpu.memory_space<semaphore_mem>>) src(%arg9 : memref<32x128xf32, #tpu.memory_space<vmem>>) dst(%dma_wait3A_234 : memref<32x128xf32, #tpu.memory_space<vmem_shared>>)
    %mul3A_235 = arith.constant 640 : i32
    %mul3A_236 = arith.muli %arg1, %mul3A_235 : i32
    %dma_wait3A_237 = arith.constant 0 : i32
    %dma_wait3A_238 = tpu.memref_slice %arg10[%mul3A_236, %dma_wait3A_237] : memref<10240x128xf32, #tpu.memory_space<vmem_shared>> -> memref<32x128xf32, #tpu.memory_space<vmem_shared>>
    %dma_wait3A_239 = arith.constant 0 : i32
    %dma_wait3A_240 = tpu.memref_slice %arg10[%mul3A_236, %dma_wait3A_239] : memref<10240x128xf32, #tpu.memory_space<vmem_shared>> -> memref<32x128xf32, #tpu.memory_space<vmem_shared>>
    tpu.wait_dma2 semaphore(%arg11 : memref<!tpu.dma_semaphore, #tpu.memory_space<semaphore_mem>>) src(%arg9 : memref<32x128xf32, #tpu.memory_space<vmem>>) dst(%dma_wait3A_240 : memref<32x128xf32, #tpu.memory_space<vmem_shared>>)
    %mul3A_241 = arith.constant 640 : i32
    %mul3A_242 = arith.muli %arg1, %mul3A_241 : i32
    %dma_wait3A_243 = arith.constant 0 : i32
    %dma_wait3A_244 = tpu.memref_slice %arg10[%mul3A_242, %dma_wait3A_243] : memref<10240x128xf32, #tpu.memory_space<vmem_shared>> -> memref<32x128xf32, #tpu.memory_space<vmem_shared>>
    %dma_wait3A_245 = arith.constant 0 : i32
    %dma_wait3A_246 = tpu.memref_slice %arg10[%mul3A_242, %dma_wait3A_245] : memref<10240x128xf32, #tpu.memory_space<vmem_shared>> -> memref<32x128xf32, #tpu.memory_space<vmem_shared>>
    tpu.wait_dma2 semaphore(%arg11 : memref<!tpu.dma_semaphore, #tpu.memory_space<semaphore_mem>>) src(%arg9 : memref<32x128xf32, #tpu.memory_space<vmem>>) dst(%dma_wait3A_246 : memref<32x128xf32, #tpu.memory_space<vmem_shared>>)
    %mul3A_247 = arith.constant 640 : i32
    %mul3A_248 = arith.muli %arg1, %mul3A_247 : i32
    %dma_wait3A_249 = arith.constant 0 : i32
    %dma_wait3A_250 = tpu.memref_slice %arg10[%mul3A_248, %dma_wait3A_249] : memref<10240x128xf32, #tpu.memory_space<vmem_shared>> -> memref<32x128xf32, #tpu.memory_space<vmem_shared>>
    %dma_wait3A_251 = arith.constant 0 : i32
    %dma_wait3A_252 = tpu.memref_slice %arg10[%mul3A_248, %dma_wait3A_251] : memref<10240x128xf32, #tpu.memory_space<vmem_shared>> -> memref<32x128xf32, #tpu.memory_space<vmem_shared>>
    tpu.wait_dma2 semaphore(%arg11 : memref<!tpu.dma_semaphore, #tpu.memory_space<semaphore_mem>>) src(%arg9 : memref<32x128xf32, #tpu.memory_space<vmem>>) dst(%dma_wait3A_252 : memref<32x128xf32, #tpu.memory_space<vmem_shared>>)
    %mul3A_253 = arith.constant 640 : i32
    %mul3A_254 = arith.muli %arg1, %mul3A_253 : i32
    %dma_wait3A_255 = arith.constant 0 : i32
    %dma_wait3A_256 = tpu.memref_slice %arg10[%mul3A_254, %dma_wait3A_255] : memref<10240x128xf32, #tpu.memory_space<vmem_shared>> -> memref<32x128xf32, #tpu.memory_space<vmem_shared>>
    %dma_wait3A_257 = arith.constant 0 : i32
    %dma_wait3A_258 = tpu.memref_slice %arg10[%mul3A_254, %dma_wait3A_257] : memref<10240x128xf32, #tpu.memory_space<vmem_shared>> -> memref<32x128xf32, #tpu.memory_space<vmem_shared>>
    tpu.wait_dma2 semaphore(%arg11 : memref<!tpu.dma_semaphore, #tpu.memory_space<semaphore_mem>>) src(%arg9 : memref<32x128xf32, #tpu.memory_space<vmem>>) dst(%dma_wait3A_258 : memref<32x128xf32, #tpu.memory_space<vmem_shared>>)
    %mul3A_259 = arith.constant 640 : i32
    %mul3A_260 = arith.muli %arg1, %mul3A_259 : i32
    %dma_wait3A_261 = arith.constant 0 : i32
    %dma_wait3A_262 = tpu.memref_slice %arg10[%mul3A_260, %dma_wait3A_261] : memref<10240x128xf32, #tpu.memory_space<vmem_shared>> -> memref<32x128xf32, #tpu.memory_space<vmem_shared>>
    %dma_wait3A_263 = arith.constant 0 : i32
    %dma_wait3A_264 = tpu.memref_slice %arg10[%mul3A_260, %dma_wait3A_263] : memref<10240x128xf32, #tpu.memory_space<vmem_shared>> -> memref<32x128xf32, #tpu.memory_space<vmem_shared>>
    tpu.wait_dma2 semaphore(%arg11 : memref<!tpu.dma_semaphore, #tpu.memory_space<semaphore_mem>>) src(%arg9 : memref<32x128xf32, #tpu.memory_space<vmem>>) dst(%dma_wait3A_264 : memref<32x128xf32, #tpu.memory_space<vmem_shared>>)
    %mul3A_265 = arith.constant 640 : i32
    %mul3A_266 = arith.muli %arg1, %mul3A_265 : i32
    %dma_wait3A_267 = arith.constant 0 : i32
    %dma_wait3A_268 = tpu.memref_slice %arg10[%mul3A_266, %dma_wait3A_267] : memref<10240x128xf32, #tpu.memory_space<vmem_shared>> -> memref<32x128xf32, #tpu.memory_space<vmem_shared>>
    %dma_wait3A_269 = arith.constant 0 : i32
    %dma_wait3A_270 = tpu.memref_slice %arg10[%mul3A_266, %dma_wait3A_269] : memref<10240x128xf32, #tpu.memory_space<vmem_shared>> -> memref<32x128xf32, #tpu.memory_space<vmem_shared>>
    tpu.wait_dma2 semaphore(%arg11 : memref<!tpu.dma_semaphore, #tpu.memory_space<semaphore_mem>>) src(%arg9 : memref<32x128xf32, #tpu.memory_space<vmem>>) dst(%dma_wait3A_270 : memref<32x128xf32, #tpu.memory_space<vmem_shared>>)
    %mul3A_271 = arith.constant 640 : i32
    %mul3A_272 = arith.muli %arg1, %mul3A_271 : i32
    %dma_wait3A_273 = arith.constant 0 : i32
    %dma_wait3A_274 = tpu.memref_slice %arg10[%mul3A_272, %dma_wait3A_273] : memref<10240x128xf32, #tpu.memory_space<vmem_shared>> -> memref<32x128xf32, #tpu.memory_space<vmem_shared>>
    %dma_wait3A_275 = arith.constant 0 : i32
    %dma_wait3A_276 = tpu.memref_slice %arg10[%mul3A_272, %dma_wait3A_275] : memref<10240x128xf32, #tpu.memory_space<vmem_shared>> -> memref<32x128xf32, #tpu.memory_space<vmem_shared>>
    tpu.wait_dma2 semaphore(%arg11 : memref<!tpu.dma_semaphore, #tpu.memory_space<semaphore_mem>>) src(%arg9 : memref<32x128xf32, #tpu.memory_space<vmem>>) dst(%dma_wait3A_276 : memref<32x128xf32, #tpu.memory_space<vmem_shared>>)
    %mul3A_277 = arith.constant 640 : i32
    %mul3A_278 = arith.muli %arg1, %mul3A_277 : i32
    %dma_wait3A_279 = arith.constant 0 : i32
    %dma_wait3A_280 = tpu.memref_slice %arg10[%mul3A_278, %dma_wait3A_279] : memref<10240x128xf32, #tpu.memory_space<vmem_shared>> -> memref<32x128xf32, #tpu.memory_space<vmem_shared>>
    %dma_wait3A_281 = arith.constant 0 : i32
    %dma_wait3A_282 = tpu.memref_slice %arg10[%mul3A_278, %dma_wait3A_281] : memref<10240x128xf32, #tpu.memory_space<vmem_shared>> -> memref<32x128xf32, #tpu.memory_space<vmem_shared>>
    tpu.wait_dma2 semaphore(%arg11 : memref<!tpu.dma_semaphore, #tpu.memory_space<semaphore_mem>>) src(%arg9 : memref<32x128xf32, #tpu.memory_space<vmem>>) dst(%dma_wait3A_282 : memref<32x128xf32, #tpu.memory_space<vmem_shared>>)
    %barrier3A = arith.constant 0 : index
    tpu.barrier barrier_id(%barrier3A)
    %mul3A_283 = arith.constant 2 : i32
    %mul3A_284 = arith.muli %mul3A_283, %add3A : i32
    %add3A_285 = arith.constant 0 : i32
    %add3A_286 = arith.addi %mul3A_284, %add3A_285 : i32
    "tpu.region"() ({
      %run_scoped3A = tpu.sem_alloc : memref<!tpu.dma_semaphore, #tpu.memory_space<semaphore_mem>>
      %dma_start3A_784 = arith.constant 0 : i32
      %dma_start3A_785 = arith.constant 0 : i32
      %dma_start3A_786 = tpu.memref_slice %arg3[%add3A_286, %dma_start3A_784, %dma_start3A_785] : memref<64x40x128xi32, #tpu.memory_space<hbm>> -> memref<1x40x128xi32, #tpu.memory_space<hbm>>
      %dma_start3A_787 = tpu.memref_squeeze %dma_start3A_786 : memref<1x40x128xi32, #tpu.memory_space<hbm>> -> memref<40x128xi32, #tpu.memory_space<hbm>>
      %dma_start3A_788 = arith.constant 0 : i32
      %dma_start3A_789 = arith.constant 0 : i32
      %dma_start3A_790 = tpu.memref_slice %arg3[%add3A_286, %dma_start3A_788, %dma_start3A_789] : memref<64x40x128xi32, #tpu.memory_space<hbm>> -> memref<1x40x128xi32, #tpu.memory_space<hbm>>
      %dma_start3A_791 = tpu.memref_squeeze %dma_start3A_790 : memref<1x40x128xi32, #tpu.memory_space<hbm>> -> memref<40x128xi32, #tpu.memory_space<hbm>>
      tpu.enqueue_dma source(%dma_start3A_791 : memref<40x128xi32, #tpu.memory_space<hbm>>) target(%arg6 : memref<40x128xi32, #tpu.memory_space<vmem>>) target_semaphore(%run_scoped3A : memref<!tpu.dma_semaphore, #tpu.memory_space<semaphore_mem>>)
      %dma_wait3A_792 = arith.constant 0 : i32
      %dma_wait3A_793 = arith.constant 0 : i32
      %dma_wait3A_794 = tpu.memref_slice %arg3[%add3A_286, %dma_wait3A_792, %dma_wait3A_793] : memref<64x40x128xi32, #tpu.memory_space<hbm>> -> memref<1x40x128xi32, #tpu.memory_space<hbm>>
      %dma_wait3A_795 = tpu.memref_squeeze %dma_wait3A_794 : memref<1x40x128xi32, #tpu.memory_space<hbm>> -> memref<40x128xi32, #tpu.memory_space<hbm>>
      %dma_wait3A_796 = arith.constant 0 : i32
      %dma_wait3A_797 = arith.constant 0 : i32
      %dma_wait3A_798 = tpu.memref_slice %arg3[%add3A_286, %dma_wait3A_796, %dma_wait3A_797] : memref<64x40x128xi32, #tpu.memory_space<hbm>> -> memref<1x40x128xi32, #tpu.memory_space<hbm>>
      %dma_wait3A_799 = tpu.memref_squeeze %dma_wait3A_798 : memref<1x40x128xi32, #tpu.memory_space<hbm>> -> memref<40x128xi32, #tpu.memory_space<hbm>>
      tpu.wait_dma2 semaphore(%run_scoped3A : memref<!tpu.dma_semaphore, #tpu.memory_space<semaphore_mem>>) src(%dma_wait3A_799 : memref<40x128xi32, #tpu.memory_space<hbm>>) dst(%arg6 : memref<40x128xi32, #tpu.memory_space<vmem>>)
      tpu.yield
    }) : () -> ()
    %mul3A_287 = arith.constant 2 : i32
    %mul3A_288 = arith.muli %mul3A_287, %add3A : i32
    %add3A_289 = arith.constant 0 : i32
    %add3A_290 = arith.addi %mul3A_288, %add3A_289 : i32
    "tpu.region"() ({
      %run_scoped3A = tpu.sem_alloc : memref<!tpu.dma_semaphore, #tpu.memory_space<semaphore_mem>>
      %dma_start3A_784 = arith.constant 0 : i32
      %dma_start3A_785 = arith.constant 0 : i32
      %dma_start3A_786 = tpu.memref_slice %arg4[%add3A_290, %dma_start3A_784, %dma_start3A_785] : memref<64x40x128xi32, #tpu.memory_space<hbm>> -> memref<1x40x128xi32, #tpu.memory_space<hbm>>
      %dma_start3A_787 = tpu.memref_squeeze %dma_start3A_786 : memref<1x40x128xi32, #tpu.memory_space<hbm>> -> memref<40x128xi32, #tpu.memory_space<hbm>>
      %dma_start3A_788 = arith.constant 0 : i32
      %dma_start3A_789 = arith.constant 0 : i32
      %dma_start3A_790 = tpu.memref_slice %arg4[%add3A_290, %dma_start3A_788, %dma_start3A_789] : memref<64x40x128xi32, #tpu.memory_space<hbm>> -> memref<1x40x128xi32, #tpu.memory_space<hbm>>
      %dma_start3A_791 = tpu.memref_squeeze %dma_start3A_790 : memref<1x40x128xi32, #tpu.memory_space<hbm>> -> memref<40x128xi32, #tpu.memory_space<hbm>>
      tpu.enqueue_dma source(%dma_start3A_791 : memref<40x128xi32, #tpu.memory_space<hbm>>) target(%arg7 : memref<40x128xi32, #tpu.memory_space<vmem>>) target_semaphore(%run_scoped3A : memref<!tpu.dma_semaphore, #tpu.memory_space<semaphore_mem>>)
      %dma_wait3A_792 = arith.constant 0 : i32
      %dma_wait3A_793 = arith.constant 0 : i32
      %dma_wait3A_794 = tpu.memref_slice %arg4[%add3A_290, %dma_wait3A_792, %dma_wait3A_793] : memref<64x40x128xi32, #tpu.memory_space<hbm>> -> memref<1x40x128xi32, #tpu.memory_space<hbm>>
      %dma_wait3A_795 = tpu.memref_squeeze %dma_wait3A_794 : memref<1x40x128xi32, #tpu.memory_space<hbm>> -> memref<40x128xi32, #tpu.memory_space<hbm>>
      %dma_wait3A_796 = arith.constant 0 : i32
      %dma_wait3A_797 = arith.constant 0 : i32
      %dma_wait3A_798 = tpu.memref_slice %arg4[%add3A_290, %dma_wait3A_796, %dma_wait3A_797] : memref<64x40x128xi32, #tpu.memory_space<hbm>> -> memref<1x40x128xi32, #tpu.memory_space<hbm>>
      %dma_wait3A_799 = tpu.memref_squeeze %dma_wait3A_798 : memref<1x40x128xi32, #tpu.memory_space<hbm>> -> memref<40x128xi32, #tpu.memory_space<hbm>>
      tpu.wait_dma2 semaphore(%run_scoped3A : memref<!tpu.dma_semaphore, #tpu.memory_space<semaphore_mem>>) src(%dma_wait3A_799 : memref<40x128xi32, #tpu.memory_space<hbm>>) dst(%arg7 : memref<40x128xi32, #tpu.memory_space<vmem>>)
      tpu.yield
    }) : () -> ()
    %dma_start3A_291 = arith.constant 0 : i32
    %dma_start3A_292 = arith.constant 0 : i32
    %dma_start3A_293 = arith.constant 0 : i32
    %dma_start3A_294 = arith.constant 0 : i32
    %dma_start3A_295 = tpu.memref_slice %arg8[%dma_start3A_292, %dma_start3A_293, %dma_start3A_294] : memref<4x64x128xf32, #tpu.memory_space<vmem>> -> memref<1x64x128xf32, #tpu.memory_space<vmem>>
    %dma_start3A_296 = tpu.memref_squeeze %dma_start3A_295 : memref<1x64x128xf32, #tpu.memory_space<vmem>> -> memref<64x128xf32, #tpu.memory_space<vmem>>
    %dma_start3A_297 = arith.constant 0 : i32
    %dma_start3A_298 = tpu.memref_slice %arg6[%dma_start3A_291, %dma_start3A_297] : memref<40x128xi32, #tpu.memory_space<vmem>> -> memref<1x64xi32, #tpu.memory_space<vmem>>
    %dma_start3A_299 = tpu.memref_squeeze %dma_start3A_298 : memref<1x64xi32, #tpu.memory_space<vmem>> -> memref<64xi32, #tpu.memory_space<vmem>>
    %dma_start3A_300 = arith.constant 0 : i32
    %dma_start3A_301 = arith.constant 0 : i32
    %dma_start3A_302 = tpu.memref_slice %arg2[%dma_start3A_300, %dma_start3A_301] : memref<10000x128xf32, #tpu.memory_space<hbm>> -> memref<10000x128xf32, #tpu.memory_space<hbm>>
    tpu.enqueue_indirect_dma source(%dma_start3A_302 : memref<10000x128xf32, #tpu.memory_space<hbm>>) target(%dma_start3A_296 : memref<64x128xf32, #tpu.memory_space<vmem>>) offsets(%dma_start3A_299 : memref<64xi32, #tpu.memory_space<vmem>>) semaphore(%arg11 : memref<!tpu.dma_semaphore, #tpu.memory_space<semaphore_mem>>)
    %dma_start3A_303 = arith.constant 0 : i32
    %dma_start3A_304 = arith.constant 1 : i32
    %dma_start3A_305 = arith.constant 0 : i32
    %dma_start3A_306 = arith.constant 0 : i32
    %dma_start3A_307 = tpu.memref_slice %arg8[%dma_start3A_304, %dma_start3A_305, %dma_start3A_306] : memref<4x64x128xf32, #tpu.memory_space<vmem>> -> memref<1x64x128xf32, #tpu.memory_space<vmem>>
    %dma_start3A_308 = tpu.memref_squeeze %dma_start3A_307 : memref<1x64x128xf32, #tpu.memory_space<vmem>> -> memref<64x128xf32, #tpu.memory_space<vmem>>
    %dma_start3A_309 = arith.constant 64 : i32
    %dma_start3A_310 = tpu.memref_slice %arg6[%dma_start3A_303, %dma_start3A_309] : memref<40x128xi32, #tpu.memory_space<vmem>> -> memref<1x64xi32, #tpu.memory_space<vmem>>
    %dma_start3A_311 = tpu.memref_squeeze %dma_start3A_310 : memref<1x64xi32, #tpu.memory_space<vmem>> -> memref<64xi32, #tpu.memory_space<vmem>>
    %dma_start3A_312 = arith.constant 0 : i32
    %dma_start3A_313 = arith.constant 0 : i32
    %dma_start3A_314 = tpu.memref_slice %arg2[%dma_start3A_312, %dma_start3A_313] : memref<10000x128xf32, #tpu.memory_space<hbm>> -> memref<10000x128xf32, #tpu.memory_space<hbm>>
    tpu.enqueue_indirect_dma source(%dma_start3A_314 : memref<10000x128xf32, #tpu.memory_space<hbm>>) target(%dma_start3A_308 : memref<64x128xf32, #tpu.memory_space<vmem>>) offsets(%dma_start3A_311 : memref<64xi32, #tpu.memory_space<vmem>>) semaphore(%arg12 : memref<!tpu.dma_semaphore, #tpu.memory_space<semaphore_mem>>)
    %dma_start3A_315 = arith.constant 1 : i32
    %dma_start3A_316 = arith.constant 2 : i32
    %dma_start3A_317 = arith.constant 0 : i32
    %dma_start3A_318 = arith.constant 0 : i32
    %dma_start3A_319 = tpu.memref_slice %arg8[%dma_start3A_316, %dma_start3A_317, %dma_start3A_318] : memref<4x64x128xf32, #tpu.memory_space<vmem>> -> memref<1x64x128xf32, #tpu.memory_space<vmem>>
    %dma_start3A_320 = tpu.memref_squeeze %dma_start3A_319 : memref<1x64x128xf32, #tpu.memory_space<vmem>> -> memref<64x128xf32, #tpu.memory_space<vmem>>
    %dma_start3A_321 = arith.constant 0 : i32
    %dma_start3A_322 = tpu.memref_slice %arg6[%dma_start3A_315, %dma_start3A_321] : memref<40x128xi32, #tpu.memory_space<vmem>> -> memref<1x64xi32, #tpu.memory_space<vmem>>
    %dma_start3A_323 = tpu.memref_squeeze %dma_start3A_322 : memref<1x64xi32, #tpu.memory_space<vmem>> -> memref<64xi32, #tpu.memory_space<vmem>>
    %dma_start3A_324 = arith.constant 0 : i32
    %dma_start3A_325 = arith.constant 0 : i32
    %dma_start3A_326 = tpu.memref_slice %arg2[%dma_start3A_324, %dma_start3A_325] : memref<10000x128xf32, #tpu.memory_space<hbm>> -> memref<10000x128xf32, #tpu.memory_space<hbm>>
    tpu.enqueue_indirect_dma source(%dma_start3A_326 : memref<10000x128xf32, #tpu.memory_space<hbm>>) target(%dma_start3A_320 : memref<64x128xf32, #tpu.memory_space<vmem>>) offsets(%dma_start3A_323 : memref<64xi32, #tpu.memory_space<vmem>>) semaphore(%arg13 : memref<!tpu.dma_semaphore, #tpu.memory_space<semaphore_mem>>)
    %dma_start3A_327 = arith.constant 1 : i32
    %dma_start3A_328 = arith.constant 3 : i32
    %dma_start3A_329 = arith.constant 0 : i32
    %dma_start3A_330 = arith.constant 0 : i32
    %dma_start3A_331 = tpu.memref_slice %arg8[%dma_start3A_328, %dma_start3A_329, %dma_start3A_330] : memref<4x64x128xf32, #tpu.memory_space<vmem>> -> memref<1x64x128xf32, #tpu.memory_space<vmem>>
    %dma_start3A_332 = tpu.memref_squeeze %dma_start3A_331 : memref<1x64x128xf32, #tpu.memory_space<vmem>> -> memref<64x128xf32, #tpu.memory_space<vmem>>
    %dma_start3A_333 = arith.constant 64 : i32
    %dma_start3A_334 = tpu.memref_slice %arg6[%dma_start3A_327, %dma_start3A_333] : memref<40x128xi32, #tpu.memory_space<vmem>> -> memref<1x64xi32, #tpu.memory_space<vmem>>
    %dma_start3A_335 = tpu.memref_squeeze %dma_start3A_334 : memref<1x64xi32, #tpu.memory_space<vmem>> -> memref<64xi32, #tpu.memory_space<vmem>>
    %dma_start3A_336 = arith.constant 0 : i32
    %dma_start3A_337 = arith.constant 0 : i32
    %dma_start3A_338 = tpu.memref_slice %arg2[%dma_start3A_336, %dma_start3A_337] : memref<10000x128xf32, #tpu.memory_space<hbm>> -> memref<10000x128xf32, #tpu.memory_space<hbm>>
    tpu.enqueue_indirect_dma source(%dma_start3A_338 : memref<10000x128xf32, #tpu.memory_space<hbm>>) target(%dma_start3A_332 : memref<64x128xf32, #tpu.memory_space<vmem>>) offsets(%dma_start3A_335 : memref<64xi32, #tpu.memory_space<vmem>>) semaphore(%arg14 : memref<!tpu.dma_semaphore, #tpu.memory_space<semaphore_mem>>)
    %scan3A_339 = arith.constant 0 : i32
    %scan3A_340 = arith.constant 19 : i32
    %scan3A_341 = arith.addi %scan3A_339, %scan3A_340 : i32
    %scan3A_342 = arith.constant 1 : i32
    scf.for %scan3A_784 = %scan3A_339 to %scan3A_341 step %scan3A_342  : i32 {
      %mul3A_785 = arith.constant 1 : i32
      %mul3A_786 = arith.muli %scan3A_784, %mul3A_785 : i32
      %add3A_787 = arith.constant 0 : i32
      %add3A_788 = arith.addi %add3A_787, %mul3A_786 : i32
      %dma_wait3A_789 = arith.constant 0 : i32
      %dma_wait3A_790 = arith.constant 0 : i32
      %dma_wait3A_791 = arith.constant 0 : i32
      %dma_wait3A_792 = arith.constant 0 : i32
      %dma_wait3A_793 = tpu.memref_slice %arg8[%dma_wait3A_790, %dma_wait3A_791, %dma_wait3A_792] : memref<4x64x128xf32, #tpu.memory_space<vmem>> -> memref<1x64x128xf32, #tpu.memory_space<vmem>>
      %dma_wait3A_794 = tpu.memref_squeeze %dma_wait3A_793 : memref<1x64x128xf32, #tpu.memory_space<vmem>> -> memref<64x128xf32, #tpu.memory_space<vmem>>
      %dma_wait3A_795 = arith.constant 0 : i32
      %dma_wait3A_796 = tpu.memref_slice %arg6[%dma_wait3A_789, %dma_wait3A_795] : memref<40x128xi32, #tpu.memory_space<vmem>> -> memref<1x64xi32, #tpu.memory_space<vmem>>
      %dma_wait3A_797 = tpu.memref_squeeze %dma_wait3A_796 : memref<1x64xi32, #tpu.memory_space<vmem>> -> memref<64xi32, #tpu.memory_space<vmem>>
      %dma_wait3A_798 = arith.constant 0 : i32
      %dma_wait3A_799 = arith.constant 0 : i32
      %dma_wait3A_800 = tpu.memref_slice %arg2[%dma_wait3A_798, %dma_wait3A_799] : memref<10000x128xf32, #tpu.memory_space<hbm>> -> memref<10000x128xf32, #tpu.memory_space<hbm>>
      tpu.wait_indirect_dma semaphore(%arg11 : memref<!tpu.dma_semaphore, #tpu.memory_space<semaphore_mem>>) src(%dma_wait3A_800 : memref<10000x128xf32, #tpu.memory_space<hbm>>) dst(%dma_wait3A_794 : memref<64x128xf32, #tpu.memory_space<vmem>>)
      %mul3A_801 = arith.constant 2 : i32
      %mul3A_802 = arith.muli %mul3A_801, %add3A_788 : i32
      %add3A_803 = arith.constant 0 : i32
      %add3A_804 = arith.addi %mul3A_802, %add3A_803 : i32
      %dma_start3A_805 = arith.constant 0 : i32
      %dma_start3A_806 = arith.constant 0 : i32
      %dma_start3A_807 = arith.constant 0 : i32
      %dma_start3A_808 = tpu.memref_slice %arg8[%dma_start3A_805, %dma_start3A_806, %dma_start3A_807] : memref<4x64x128xf32, #tpu.memory_space<vmem>> -> memref<1x64x128xf32, #tpu.memory_space<vmem>>
      %dma_start3A_809 = tpu.memref_squeeze %dma_start3A_808 : memref<1x64x128xf32, #tpu.memory_space<vmem>> -> memref<64x128xf32, #tpu.memory_space<vmem>>
      %dma_start3A_810 = arith.constant 0 : i32
      %dma_start3A_811 = tpu.memref_slice %arg7[%add3A_804, %dma_start3A_810] : memref<40x128xi32, #tpu.memory_space<vmem>> -> memref<1x64xi32, #tpu.memory_space<vmem>>
      %dma_start3A_812 = tpu.memref_squeeze %dma_start3A_811 : memref<1x64xi32, #tpu.memory_space<vmem>> -> memref<64xi32, #tpu.memory_space<vmem>>
      %dma_start3A_813 = arith.constant 0 : i32
      %dma_start3A_814 = arith.constant 0 : i32
      %dma_start3A_815 = tpu.memref_slice %arg10[%dma_start3A_813, %dma_start3A_814] : memref<10240x128xf32, #tpu.memory_space<vmem_shared>> -> memref<10240x128xf32, #tpu.memory_space<vmem_shared>>
      tpu.enqueue_indirect_dma source(%dma_start3A_809 : memref<64x128xf32, #tpu.memory_space<vmem>>) target(%dma_start3A_815 : memref<10240x128xf32, #tpu.memory_space<vmem_shared>>) offsets(%dma_start3A_812 : memref<64xi32, #tpu.memory_space<vmem>>) semaphore(%arg15 : memref<!tpu.dma_semaphore, #tpu.memory_space<semaphore_mem>>) {add = true}
      %dma_wait3A_816 = arith.constant 0 : i32
      %dma_wait3A_817 = arith.constant 1 : i32
      %dma_wait3A_818 = arith.constant 0 : i32
      %dma_wait3A_819 = arith.constant 0 : i32
      %dma_wait3A_820 = tpu.memref_slice %arg8[%dma_wait3A_817, %dma_wait3A_818, %dma_wait3A_819] : memref<4x64x128xf32, #tpu.memory_space<vmem>> -> memref<1x64x128xf32, #tpu.memory_space<vmem>>
      %dma_wait3A_821 = tpu.memref_squeeze %dma_wait3A_820 : memref<1x64x128xf32, #tpu.memory_space<vmem>> -> memref<64x128xf32, #tpu.memory_space<vmem>>
      %dma_wait3A_822 = arith.constant 0 : i32
      %dma_wait3A_823 = tpu.memref_slice %arg6[%dma_wait3A_816, %dma_wait3A_822] : memref<40x128xi32, #tpu.memory_space<vmem>> -> memref<1x64xi32, #tpu.memory_space<vmem>>
      %dma_wait3A_824 = tpu.memref_squeeze %dma_wait3A_823 : memref<1x64xi32, #tpu.memory_space<vmem>> -> memref<64xi32, #tpu.memory_space<vmem>>
      %dma_wait3A_825 = arith.constant 0 : i32
      %dma_wait3A_826 = arith.constant 0 : i32
      %dma_wait3A_827 = tpu.memref_slice %arg2[%dma_wait3A_825, %dma_wait3A_826] : memref<10000x128xf32, #tpu.memory_space<hbm>> -> memref<10000x128xf32, #tpu.memory_space<hbm>>
      tpu.wait_indirect_dma semaphore(%arg12 : memref<!tpu.dma_semaphore, #tpu.memory_space<semaphore_mem>>) src(%dma_wait3A_827 : memref<10000x128xf32, #tpu.memory_space<hbm>>) dst(%dma_wait3A_821 : memref<64x128xf32, #tpu.memory_space<vmem>>)
      %mul3A_828 = arith.constant 2 : i32
      %mul3A_829 = arith.muli %mul3A_828, %add3A_788 : i32
      %add3A_830 = arith.constant 0 : i32
      %add3A_831 = arith.addi %mul3A_829, %add3A_830 : i32
      %dma_start3A_832 = arith.constant 1 : i32
      %dma_start3A_833 = arith.constant 0 : i32
      %dma_start3A_834 = arith.constant 0 : i32
      %dma_start3A_835 = tpu.memref_slice %arg8[%dma_start3A_832, %dma_start3A_833, %dma_start3A_834] : memref<4x64x128xf32, #tpu.memory_space<vmem>> -> memref<1x64x128xf32, #tpu.memory_space<vmem>>
      %dma_start3A_836 = tpu.memref_squeeze %dma_start3A_835 : memref<1x64x128xf32, #tpu.memory_space<vmem>> -> memref<64x128xf32, #tpu.memory_space<vmem>>
      %dma_start3A_837 = arith.constant 64 : i32
      %dma_start3A_838 = tpu.memref_slice %arg7[%add3A_831, %dma_start3A_837] : memref<40x128xi32, #tpu.memory_space<vmem>> -> memref<1x64xi32, #tpu.memory_space<vmem>>
      %dma_start3A_839 = tpu.memref_squeeze %dma_start3A_838 : memref<1x64xi32, #tpu.memory_space<vmem>> -> memref<64xi32, #tpu.memory_space<vmem>>
      %dma_start3A_840 = arith.constant 0 : i32
      %dma_start3A_841 = arith.constant 0 : i32
      %dma_start3A_842 = tpu.memref_slice %arg10[%dma_start3A_840, %dma_start3A_841] : memref<10240x128xf32, #tpu.memory_space<vmem_shared>> -> memref<10240x128xf32, #tpu.memory_space<vmem_shared>>
      tpu.enqueue_indirect_dma source(%dma_start3A_836 : memref<64x128xf32, #tpu.memory_space<vmem>>) target(%dma_start3A_842 : memref<10240x128xf32, #tpu.memory_space<vmem_shared>>) offsets(%dma_start3A_839 : memref<64xi32, #tpu.memory_space<vmem>>) semaphore(%arg16 : memref<!tpu.dma_semaphore, #tpu.memory_space<semaphore_mem>>) {add = true}
      %dma_wait3A_843 = arith.constant 0 : i32
      %dma_wait3A_844 = arith.constant 2 : i32
      %dma_wait3A_845 = arith.constant 0 : i32
      %dma_wait3A_846 = arith.constant 0 : i32
      %dma_wait3A_847 = tpu.memref_slice %arg8[%dma_wait3A_844, %dma_wait3A_845, %dma_wait3A_846] : memref<4x64x128xf32, #tpu.memory_space<vmem>> -> memref<1x64x128xf32, #tpu.memory_space<vmem>>
      %dma_wait3A_848 = tpu.memref_squeeze %dma_wait3A_847 : memref<1x64x128xf32, #tpu.memory_space<vmem>> -> memref<64x128xf32, #tpu.memory_space<vmem>>
      %dma_wait3A_849 = arith.constant 0 : i32
      %dma_wait3A_850 = tpu.memref_slice %arg6[%dma_wait3A_843, %dma_wait3A_849] : memref<40x128xi32, #tpu.memory_space<vmem>> -> memref<1x64xi32, #tpu.memory_space<vmem>>
      %dma_wait3A_851 = tpu.memref_squeeze %dma_wait3A_850 : memref<1x64xi32, #tpu.memory_space<vmem>> -> memref<64xi32, #tpu.memory_space<vmem>>
      %dma_wait3A_852 = arith.constant 0 : i32
      %dma_wait3A_853 = arith.constant 0 : i32
      %dma_wait3A_854 = tpu.memref_slice %arg2[%dma_wait3A_852, %dma_wait3A_853] : memref<10000x128xf32, #tpu.memory_space<hbm>> -> memref<10000x128xf32, #tpu.memory_space<hbm>>
      tpu.wait_indirect_dma semaphore(%arg13 : memref<!tpu.dma_semaphore, #tpu.memory_space<semaphore_mem>>) src(%dma_wait3A_854 : memref<10000x128xf32, #tpu.memory_space<hbm>>) dst(%dma_wait3A_848 : memref<64x128xf32, #tpu.memory_space<vmem>>)
      %mul3A_855 = arith.constant 2 : i32
      %mul3A_856 = arith.muli %mul3A_855, %add3A_788 : i32
      %add3A_857 = arith.constant 1 : i32
      %add3A_858 = arith.addi %mul3A_856, %add3A_857 : i32
      %dma_start3A_859 = arith.constant 2 : i32
      %dma_start3A_860 = arith.constant 0 : i32
      %dma_start3A_861 = arith.constant 0 : i32
      %dma_start3A_862 = tpu.memref_slice %arg8[%dma_start3A_859, %dma_start3A_860, %dma_start3A_861] : memref<4x64x128xf32, #tpu.memory_space<vmem>> -> memref<1x64x128xf32, #tpu.memory_space<vmem>>
      %dma_start3A_863 = tpu.memref_squeeze %dma_start3A_862 : memref<1x64x128xf32, #tpu.memory_space<vmem>> -> memref<64x128xf32, #tpu.memory_space<vmem>>
      %dma_start3A_864 = arith.constant 0 : i32
      %dma_start3A_865 = tpu.memref_slice %arg7[%add3A_858, %dma_start3A_864] : memref<40x128xi32, #tpu.memory_space<vmem>> -> memref<1x64xi32, #tpu.memory_space<vmem>>
      %dma_start3A_866 = tpu.memref_squeeze %dma_start3A_865 : memref<1x64xi32, #tpu.memory_space<vmem>> -> memref<64xi32, #tpu.memory_space<vmem>>
      %dma_start3A_867 = arith.constant 0 : i32
      %dma_start3A_868 = arith.constant 0 : i32
      %dma_start3A_869 = tpu.memref_slice %arg10[%dma_start3A_867, %dma_start3A_868] : memref<10240x128xf32, #tpu.memory_space<vmem_shared>> -> memref<10240x128xf32, #tpu.memory_space<vmem_shared>>
      tpu.enqueue_indirect_dma source(%dma_start3A_863 : memref<64x128xf32, #tpu.memory_space<vmem>>) target(%dma_start3A_869 : memref<10240x128xf32, #tpu.memory_space<vmem_shared>>) offsets(%dma_start3A_866 : memref<64xi32, #tpu.memory_space<vmem>>) semaphore(%arg17 : memref<!tpu.dma_semaphore, #tpu.memory_space<semaphore_mem>>) {add = true}
      %dma_wait3A_870 = arith.constant 0 : i32
      %dma_wait3A_871 = arith.constant 3 : i32
      %dma_wait3A_872 = arith.constant 0 : i32
      %dma_wait3A_873 = arith.constant 0 : i32
      %dma_wait3A_874 = tpu.memref_slice %arg8[%dma_wait3A_871, %dma_wait3A_872, %dma_wait3A_873] : memref<4x64x128xf32, #tpu.memory_space<vmem>> -> memref<1x64x128xf32, #tpu.memory_space<vmem>>
      %dma_wait3A_875 = tpu.memref_squeeze %dma_wait3A_874 : memref<1x64x128xf32, #tpu.memory_space<vmem>> -> memref<64x128xf32, #tpu.memory_space<vmem>>
      %dma_wait3A_876 = arith.constant 0 : i32
      %dma_wait3A_877 = tpu.memref_slice %arg6[%dma_wait3A_870, %dma_wait3A_876] : memref<40x128xi32, #tpu.memory_space<vmem>> -> memref<1x64xi32, #tpu.memory_space<vmem>>
      %dma_wait3A_878 = tpu.memref_squeeze %dma_wait3A_877 : memref<1x64xi32, #tpu.memory_space<vmem>> -> memref<64xi32, #tpu.memory_space<vmem>>
      %dma_wait3A_879 = arith.constant 0 : i32
      %dma_wait3A_880 = arith.constant 0 : i32
      %dma_wait3A_881 = tpu.memref_slice %arg2[%dma_wait3A_879, %dma_wait3A_880] : memref<10000x128xf32, #tpu.memory_space<hbm>> -> memref<10000x128xf32, #tpu.memory_space<hbm>>
      tpu.wait_indirect_dma semaphore(%arg14 : memref<!tpu.dma_semaphore, #tpu.memory_space<semaphore_mem>>) src(%dma_wait3A_881 : memref<10000x128xf32, #tpu.memory_space<hbm>>) dst(%dma_wait3A_875 : memref<64x128xf32, #tpu.memory_space<vmem>>)
      %mul3A_882 = arith.constant 2 : i32
      %mul3A_883 = arith.muli %mul3A_882, %add3A_788 : i32
      %add3A_884 = arith.constant 1 : i32
      %add3A_885 = arith.addi %mul3A_883, %add3A_884 : i32
      %dma_start3A_886 = arith.constant 3 : i32
      %dma_start3A_887 = arith.constant 0 : i32
      %dma_start3A_888 = arith.constant 0 : i32
      %dma_start3A_889 = tpu.memref_slice %arg8[%dma_start3A_886, %dma_start3A_887, %dma_start3A_888] : memref<4x64x128xf32, #tpu.memory_space<vmem>> -> memref<1x64x128xf32, #tpu.memory_space<vmem>>
      %dma_start3A_890 = tpu.memref_squeeze %dma_start3A_889 : memref<1x64x128xf32, #tpu.memory_space<vmem>> -> memref<64x128xf32, #tpu.memory_space<vmem>>
      %dma_start3A_891 = arith.constant 64 : i32
      %dma_start3A_892 = tpu.memref_slice %arg7[%add3A_885, %dma_start3A_891] : memref<40x128xi32, #tpu.memory_space<vmem>> -> memref<1x64xi32, #tpu.memory_space<vmem>>
      %dma_start3A_893 = tpu.memref_squeeze %dma_start3A_892 : memref<1x64xi32, #tpu.memory_space<vmem>> -> memref<64xi32, #tpu.memory_space<vmem>>
      %dma_start3A_894 = arith.constant 0 : i32
      %dma_start3A_895 = arith.constant 0 : i32
      %dma_start3A_896 = tpu.memref_slice %arg10[%dma_start3A_894, %dma_start3A_895] : memref<10240x128xf32, #tpu.memory_space<vmem_shared>> -> memref<10240x128xf32, #tpu.memory_space<vmem_shared>>
      tpu.enqueue_indirect_dma source(%dma_start3A_890 : memref<64x128xf32, #tpu.memory_space<vmem>>) target(%dma_start3A_896 : memref<10240x128xf32, #tpu.memory_space<vmem_shared>>) offsets(%dma_start3A_893 : memref<64xi32, #tpu.memory_space<vmem>>) semaphore(%arg18 : memref<!tpu.dma_semaphore, #tpu.memory_space<semaphore_mem>>) {add = true}
      %dma_wait3A_897 = arith.constant 0 : i32
      %dma_wait3A_898 = arith.constant 0 : i32
      %dma_wait3A_899 = arith.constant 0 : i32
      %dma_wait3A_900 = arith.constant 0 : i32
      %dma_wait3A_901 = tpu.memref_slice %arg8[%dma_wait3A_897, %dma_wait3A_899, %dma_wait3A_900] : memref<4x64x128xf32, #tpu.memory_space<vmem>> -> memref<1x64x128xf32, #tpu.memory_space<vmem>>
      %dma_wait3A_902 = tpu.memref_squeeze %dma_wait3A_901 : memref<1x64x128xf32, #tpu.memory_space<vmem>> -> memref<64x128xf32, #tpu.memory_space<vmem>>
      %dma_wait3A_903 = arith.constant 0 : i32
      %dma_wait3A_904 = tpu.memref_slice %arg7[%dma_wait3A_898, %dma_wait3A_903] : memref<40x128xi32, #tpu.memory_space<vmem>> -> memref<1x64xi32, #tpu.memory_space<vmem>>
      %dma_wait3A_905 = tpu.memref_squeeze %dma_wait3A_904 : memref<1x64xi32, #tpu.memory_space<vmem>> -> memref<64xi32, #tpu.memory_space<vmem>>
      %dma_wait3A_906 = arith.constant 0 : i32
      %dma_wait3A_907 = arith.constant 0 : i32
      %dma_wait3A_908 = tpu.memref_slice %arg10[%dma_wait3A_906, %dma_wait3A_907] : memref<10240x128xf32, #tpu.memory_space<vmem_shared>> -> memref<10240x128xf32, #tpu.memory_space<vmem_shared>>
      tpu.wait_indirect_dma semaphore(%arg15 : memref<!tpu.dma_semaphore, #tpu.memory_space<semaphore_mem>>) src(%dma_wait3A_902 : memref<64x128xf32, #tpu.memory_space<vmem>>) dst(%dma_wait3A_908 : memref<10240x128xf32, #tpu.memory_space<vmem_shared>>)
      %add3A_909 = arith.constant 1 : i32
      %add3A_910 = arith.addi %add3A_788, %add3A_909 : i32
      %mul3A_911 = arith.constant 2 : i32
      %mul3A_912 = arith.muli %mul3A_911, %add3A_910 : i32
      %add3A_913 = arith.constant 0 : i32
      %add3A_914 = arith.addi %mul3A_912, %add3A_913 : i32
      %dma_start3A_915 = arith.constant 0 : i32
      %dma_start3A_916 = arith.constant 0 : i32
      %dma_start3A_917 = arith.constant 0 : i32
      %dma_start3A_918 = tpu.memref_slice %arg8[%dma_start3A_915, %dma_start3A_916, %dma_start3A_917] : memref<4x64x128xf32, #tpu.memory_space<vmem>> -> memref<1x64x128xf32, #tpu.memory_space<vmem>>
      %dma_start3A_919 = tpu.memref_squeeze %dma_start3A_918 : memref<1x64x128xf32, #tpu.memory_space<vmem>> -> memref<64x128xf32, #tpu.memory_space<vmem>>
      %dma_start3A_920 = arith.constant 0 : i32
      %dma_start3A_921 = tpu.memref_slice %arg6[%add3A_914, %dma_start3A_920] : memref<40x128xi32, #tpu.memory_space<vmem>> -> memref<1x64xi32, #tpu.memory_space<vmem>>
      %dma_start3A_922 = tpu.memref_squeeze %dma_start3A_921 : memref<1x64xi32, #tpu.memory_space<vmem>> -> memref<64xi32, #tpu.memory_space<vmem>>
      %dma_start3A_923 = arith.constant 0 : i32
      %dma_start3A_924 = arith.constant 0 : i32
      %dma_start3A_925 = tpu.memref_slice %arg2[%dma_start3A_923, %dma_start3A_924] : memref<10000x128xf32, #tpu.memory_space<hbm>> -> memref<10000x128xf32, #tpu.memory_space<hbm>>
      tpu.enqueue_indirect_dma source(%dma_start3A_925 : memref<10000x128xf32, #tpu.memory_space<hbm>>) target(%dma_start3A_919 : memref<64x128xf32, #tpu.memory_space<vmem>>) offsets(%dma_start3A_922 : memref<64xi32, #tpu.memory_space<vmem>>) semaphore(%arg11 : memref<!tpu.dma_semaphore, #tpu.memory_space<semaphore_mem>>)
      %dma_wait3A_926 = arith.constant 1 : i32
      %dma_wait3A_927 = arith.constant 0 : i32
      %dma_wait3A_928 = arith.constant 0 : i32
      %dma_wait3A_929 = arith.constant 0 : i32
      %dma_wait3A_930 = tpu.memref_slice %arg8[%dma_wait3A_926, %dma_wait3A_928, %dma_wait3A_929] : memref<4x64x128xf32, #tpu.memory_space<vmem>> -> memref<1x64x128xf32, #tpu.memory_space<vmem>>
      %dma_wait3A_931 = tpu.memref_squeeze %dma_wait3A_930 : memref<1x64x128xf32, #tpu.memory_space<vmem>> -> memref<64x128xf32, #tpu.memory_space<vmem>>
      %dma_wait3A_932 = arith.constant 0 : i32
      %dma_wait3A_933 = tpu.memref_slice %arg7[%dma_wait3A_927, %dma_wait3A_932] : memref<40x128xi32, #tpu.memory_space<vmem>> -> memref<1x64xi32, #tpu.memory_space<vmem>>
      %dma_wait3A_934 = tpu.memref_squeeze %dma_wait3A_933 : memref<1x64xi32, #tpu.memory_space<vmem>> -> memref<64xi32, #tpu.memory_space<vmem>>
      %dma_wait3A_935 = arith.constant 0 : i32
      %dma_wait3A_936 = arith.constant 0 : i32
      %dma_wait3A_937 = tpu.memref_slice %arg10[%dma_wait3A_935, %dma_wait3A_936] : memref<10240x128xf32, #tpu.memory_space<vmem_shared>> -> memref<10240x128xf32, #tpu.memory_space<vmem_shared>>
      tpu.wait_indirect_dma semaphore(%arg16 : memref<!tpu.dma_semaphore, #tpu.memory_space<semaphore_mem>>) src(%dma_wait3A_931 : memref<64x128xf32, #tpu.memory_space<vmem>>) dst(%dma_wait3A_937 : memref<10240x128xf32, #tpu.memory_space<vmem_shared>>)
      %add3A_938 = arith.constant 1 : i32
      %add3A_939 = arith.addi %add3A_788, %add3A_938 : i32
      %mul3A_940 = arith.constant 2 : i32
      %mul3A_941 = arith.muli %mul3A_940, %add3A_939 : i32
      %add3A_942 = arith.constant 0 : i32
      %add3A_943 = arith.addi %mul3A_941, %add3A_942 : i32
      %dma_start3A_944 = arith.constant 1 : i32
      %dma_start3A_945 = arith.constant 0 : i32
      %dma_start3A_946 = arith.constant 0 : i32
      %dma_start3A_947 = tpu.memref_slice %arg8[%dma_start3A_944, %dma_start3A_945, %dma_start3A_946] : memref<4x64x128xf32, #tpu.memory_space<vmem>> -> memref<1x64x128xf32, #tpu.memory_space<vmem>>
      %dma_start3A_948 = tpu.memref_squeeze %dma_start3A_947 : memref<1x64x128xf32, #tpu.memory_space<vmem>> -> memref<64x128xf32, #tpu.memory_space<vmem>>
      %dma_start3A_949 = arith.constant 64 : i32
      %dma_start3A_950 = tpu.memref_slice %arg6[%add3A_943, %dma_start3A_949] : memref<40x128xi32, #tpu.memory_space<vmem>> -> memref<1x64xi32, #tpu.memory_space<vmem>>
      %dma_start3A_951 = tpu.memref_squeeze %dma_start3A_950 : memref<1x64xi32, #tpu.memory_space<vmem>> -> memref<64xi32, #tpu.memory_space<vmem>>
      %dma_start3A_952 = arith.constant 0 : i32
      %dma_start3A_953 = arith.constant 0 : i32
      %dma_start3A_954 = tpu.memref_slice %arg2[%dma_start3A_952, %dma_start3A_953] : memref<10000x128xf32, #tpu.memory_space<hbm>> -> memref<10000x128xf32, #tpu.memory_space<hbm>>
      tpu.enqueue_indirect_dma source(%dma_start3A_954 : memref<10000x128xf32, #tpu.memory_space<hbm>>) target(%dma_start3A_948 : memref<64x128xf32, #tpu.memory_space<vmem>>) offsets(%dma_start3A_951 : memref<64xi32, #tpu.memory_space<vmem>>) semaphore(%arg12 : memref<!tpu.dma_semaphore, #tpu.memory_space<semaphore_mem>>)
      %dma_wait3A_955 = arith.constant 2 : i32
      %dma_wait3A_956 = arith.constant 0 : i32
      %dma_wait3A_957 = arith.constant 0 : i32
      %dma_wait3A_958 = arith.constant 0 : i32
      %dma_wait3A_959 = tpu.memref_slice %arg8[%dma_wait3A_955, %dma_wait3A_957, %dma_wait3A_958] : memref<4x64x128xf32, #tpu.memory_space<vmem>> -> memref<1x64x128xf32, #tpu.memory_space<vmem>>
      %dma_wait3A_960 = tpu.memref_squeeze %dma_wait3A_959 : memref<1x64x128xf32, #tpu.memory_space<vmem>> -> memref<64x128xf32, #tpu.memory_space<vmem>>
      %dma_wait3A_961 = arith.constant 0 : i32
      %dma_wait3A_962 = tpu.memref_slice %arg7[%dma_wait3A_956, %dma_wait3A_961] : memref<40x128xi32, #tpu.memory_space<vmem>> -> memref<1x64xi32, #tpu.memory_space<vmem>>
      %dma_wait3A_963 = tpu.memref_squeeze %dma_wait3A_962 : memref<1x64xi32, #tpu.memory_space<vmem>> -> memref<64xi32, #tpu.memory_space<vmem>>
      %dma_wait3A_964 = arith.constant 0 : i32
      %dma_wait3A_965 = arith.constant 0 : i32
      %dma_wait3A_966 = tpu.memref_slice %arg10[%dma_wait3A_964, %dma_wait3A_965] : memref<10240x128xf32, #tpu.memory_space<vmem_shared>> -> memref<10240x128xf32, #tpu.memory_space<vmem_shared>>
      tpu.wait_indirect_dma semaphore(%arg17 : memref<!tpu.dma_semaphore, #tpu.memory_space<semaphore_mem>>) src(%dma_wait3A_960 : memref<64x128xf32, #tpu.memory_space<vmem>>) dst(%dma_wait3A_966 : memref<10240x128xf32, #tpu.memory_space<vmem_shared>>)
      %add3A_967 = arith.constant 1 : i32
      %add3A_968 = arith.addi %add3A_788, %add3A_967 : i32
      %mul3A_969 = arith.constant 2 : i32
      %mul3A_970 = arith.muli %mul3A_969, %add3A_968 : i32
      %add3A_971 = arith.constant 1 : i32
      %add3A_972 = arith.addi %mul3A_970, %add3A_971 : i32
      %dma_start3A_973 = arith.constant 2 : i32
      %dma_start3A_974 = arith.constant 0 : i32
      %dma_start3A_975 = arith.constant 0 : i32
      %dma_start3A_976 = tpu.memref_slice %arg8[%dma_start3A_973, %dma_start3A_974, %dma_start3A_975] : memref<4x64x128xf32, #tpu.memory_space<vmem>> -> memref<1x64x128xf32, #tpu.memory_space<vmem>>
      %dma_start3A_977 = tpu.memref_squeeze %dma_start3A_976 : memref<1x64x128xf32, #tpu.memory_space<vmem>> -> memref<64x128xf32, #tpu.memory_space<vmem>>
      %dma_start3A_978 = arith.constant 0 : i32
      %dma_start3A_979 = tpu.memref_slice %arg6[%add3A_972, %dma_start3A_978] : memref<40x128xi32, #tpu.memory_space<vmem>> -> memref<1x64xi32, #tpu.memory_space<vmem>>
      %dma_start3A_980 = tpu.memref_squeeze %dma_start3A_979 : memref<1x64xi32, #tpu.memory_space<vmem>> -> memref<64xi32, #tpu.memory_space<vmem>>
      %dma_start3A_981 = arith.constant 0 : i32
      %dma_start3A_982 = arith.constant 0 : i32
      %dma_start3A_983 = tpu.memref_slice %arg2[%dma_start3A_981, %dma_start3A_982] : memref<10000x128xf32, #tpu.memory_space<hbm>> -> memref<10000x128xf32, #tpu.memory_space<hbm>>
      tpu.enqueue_indirect_dma source(%dma_start3A_983 : memref<10000x128xf32, #tpu.memory_space<hbm>>) target(%dma_start3A_977 : memref<64x128xf32, #tpu.memory_space<vmem>>) offsets(%dma_start3A_980 : memref<64xi32, #tpu.memory_space<vmem>>) semaphore(%arg13 : memref<!tpu.dma_semaphore, #tpu.memory_space<semaphore_mem>>)
      %dma_wait3A_984 = arith.constant 3 : i32
      %dma_wait3A_985 = arith.constant 0 : i32
      %dma_wait3A_986 = arith.constant 0 : i32
      %dma_wait3A_987 = arith.constant 0 : i32
      %dma_wait3A_988 = tpu.memref_slice %arg8[%dma_wait3A_984, %dma_wait3A_986, %dma_wait3A_987] : memref<4x64x128xf32, #tpu.memory_space<vmem>> -> memref<1x64x128xf32, #tpu.memory_space<vmem>>
      %dma_wait3A_989 = tpu.memref_squeeze %dma_wait3A_988 : memref<1x64x128xf32, #tpu.memory_space<vmem>> -> memref<64x128xf32, #tpu.memory_space<vmem>>
      %dma_wait3A_990 = arith.constant 0 : i32
      %dma_wait3A_991 = tpu.memref_slice %arg7[%dma_wait3A_985, %dma_wait3A_990] : memref<40x128xi32, #tpu.memory_space<vmem>> -> memref<1x64xi32, #tpu.memory_space<vmem>>
      %dma_wait3A_992 = tpu.memref_squeeze %dma_wait3A_991 : memref<1x64xi32, #tpu.memory_space<vmem>> -> memref<64xi32, #tpu.memory_space<vmem>>
      %dma_wait3A_993 = arith.constant 0 : i32
      %dma_wait3A_994 = arith.constant 0 : i32
      %dma_wait3A_995 = tpu.memref_slice %arg10[%dma_wait3A_993, %dma_wait3A_994] : memref<10240x128xf32, #tpu.memory_space<vmem_shared>> -> memref<10240x128xf32, #tpu.memory_space<vmem_shared>>
      tpu.wait_indirect_dma semaphore(%arg18 : memref<!tpu.dma_semaphore, #tpu.memory_space<semaphore_mem>>) src(%dma_wait3A_989 : memref<64x128xf32, #tpu.memory_space<vmem>>) dst(%dma_wait3A_995 : memref<10240x128xf32, #tpu.memory_space<vmem_shared>>)
      %add3A_996 = arith.constant 1 : i32
      %add3A_997 = arith.addi %add3A_788, %add3A_996 : i32
      %mul3A_998 = arith.constant 2 : i32
      %mul3A_999 = arith.muli %mul3A_998, %add3A_997 : i32
      %add3A_1000 = arith.constant 1 : i32
      %add3A_1001 = arith.addi %mul3A_999, %add3A_1000 : i32
      %dma_start3A_1002 = arith.constant 3 : i32
      %dma_start3A_1003 = arith.constant 0 : i32
      %dma_start3A_1004 = arith.constant 0 : i32
      %dma_start3A_1005 = tpu.memref_slice %arg8[%dma_start3A_1002, %dma_start3A_1003, %dma_start3A_1004] : memref<4x64x128xf32, #tpu.memory_space<vmem>> -> memref<1x64x128xf32, #tpu.memory_space<vmem>>
      %dma_start3A_1006 = tpu.memref_squeeze %dma_start3A_1005 : memref<1x64x128xf32, #tpu.memory_space<vmem>> -> memref<64x128xf32, #tpu.memory_space<vmem>>
      %dma_start3A_1007 = arith.constant 64 : i32
      %dma_start3A_1008 = tpu.memref_slice %arg6[%add3A_1001, %dma_start3A_1007] : memref<40x128xi32, #tpu.memory_space<vmem>> -> memref<1x64xi32, #tpu.memory_space<vmem>>
      %dma_start3A_1009 = tpu.memref_squeeze %dma_start3A_1008 : memref<1x64xi32, #tpu.memory_space<vmem>> -> memref<64xi32, #tpu.memory_space<vmem>>
      %dma_start3A_1010 = arith.constant 0 : i32
      %dma_start3A_1011 = arith.constant 0 : i32
      %dma_start3A_1012 = tpu.memref_slice %arg2[%dma_start3A_1010, %dma_start3A_1011] : memref<10000x128xf32, #tpu.memory_space<hbm>> -> memref<10000x128xf32, #tpu.memory_space<hbm>>
      tpu.enqueue_indirect_dma source(%dma_start3A_1012 : memref<10000x128xf32, #tpu.memory_space<hbm>>) target(%dma_start3A_1006 : memref<64x128xf32, #tpu.memory_space<vmem>>) offsets(%dma_start3A_1009 : memref<64xi32, #tpu.memory_space<vmem>>) semaphore(%arg14 : memref<!tpu.dma_semaphore, #tpu.memory_space<semaphore_mem>>)
    }
    %scan3A_343 = arith.constant 19 : i32
    %dma_wait3A_344 = arith.constant 0 : i32
    %dma_wait3A_345 = arith.constant 0 : i32
    %dma_wait3A_346 = arith.constant 0 : i32
    %dma_wait3A_347 = arith.constant 0 : i32
    %dma_wait3A_348 = tpu.memref_slice %arg8[%dma_wait3A_345, %dma_wait3A_346, %dma_wait3A_347] : memref<4x64x128xf32, #tpu.memory_space<vmem>> -> memref<1x64x128xf32, #tpu.memory_space<vmem>>
    %dma_wait3A_349 = tpu.memref_squeeze %dma_wait3A_348 : memref<1x64x128xf32, #tpu.memory_space<vmem>> -> memref<64x128xf32, #tpu.memory_space<vmem>>
    %dma_wait3A_350 = arith.constant 0 : i32
    %dma_wait3A_351 = tpu.memref_slice %arg6[%dma_wait3A_344, %dma_wait3A_350] : memref<40x128xi32, #tpu.memory_space<vmem>> -> memref<1x64xi32, #tpu.memory_space<vmem>>
    %dma_wait3A_352 = tpu.memref_squeeze %dma_wait3A_351 : memref<1x64xi32, #tpu.memory_space<vmem>> -> memref<64xi32, #tpu.memory_space<vmem>>
    %dma_wait3A_353 = arith.constant 0 : i32
    %dma_wait3A_354 = arith.constant 0 : i32
    %dma_wait3A_355 = tpu.memref_slice %arg2[%dma_wait3A_353, %dma_wait3A_354] : memref<10000x128xf32, #tpu.memory_space<hbm>> -> memref<10000x128xf32, #tpu.memory_space<hbm>>
    tpu.wait_indirect_dma semaphore(%arg11 : memref<!tpu.dma_semaphore, #tpu.memory_space<semaphore_mem>>) src(%dma_wait3A_355 : memref<10000x128xf32, #tpu.memory_space<hbm>>) dst(%dma_wait3A_349 : memref<64x128xf32, #tpu.memory_space<vmem>>)
    %dma_start3A_356 = arith.constant 0 : i32
    %dma_start3A_357 = arith.constant 38 : i32
    %dma_start3A_358 = arith.constant 0 : i32
    %dma_start3A_359 = arith.constant 0 : i32
    %dma_start3A_360 = tpu.memref_slice %arg8[%dma_start3A_356, %dma_start3A_358, %dma_start3A_359] : memref<4x64x128xf32, #tpu.memory_space<vmem>> -> memref<1x64x128xf32, #tpu.memory_space<vmem>>
    %dma_start3A_361 = tpu.memref_squeeze %dma_start3A_360 : memref<1x64x128xf32, #tpu.memory_space<vmem>> -> memref<64x128xf32, #tpu.memory_space<vmem>>
    %dma_start3A_362 = arith.constant 0 : i32
    %dma_start3A_363 = tpu.memref_slice %arg7[%dma_start3A_357, %dma_start3A_362] : memref<40x128xi32, #tpu.memory_space<vmem>> -> memref<1x64xi32, #tpu.memory_space<vmem>>
    %dma_start3A_364 = tpu.memref_squeeze %dma_start3A_363 : memref<1x64xi32, #tpu.memory_space<vmem>> -> memref<64xi32, #tpu.memory_space<vmem>>
    %dma_start3A_365 = arith.constant 0 : i32
    %dma_start3A_366 = arith.constant 0 : i32
    %dma_start3A_367 = tpu.memref_slice %arg10[%dma_start3A_365, %dma_start3A_366] : memref<10240x128xf32, #tpu.memory_space<vmem_shared>> -> memref<10240x128xf32, #tpu.memory_space<vmem_shared>>
    tpu.enqueue_indirect_dma source(%dma_start3A_361 : memref<64x128xf32, #tpu.memory_space<vmem>>) target(%dma_start3A_367 : memref<10240x128xf32, #tpu.memory_space<vmem_shared>>) offsets(%dma_start3A_364 : memref<64xi32, #tpu.memory_space<vmem>>) semaphore(%arg15 : memref<!tpu.dma_semaphore, #tpu.memory_space<semaphore_mem>>) {add = true}
    %dma_wait3A_368 = arith.constant 0 : i32
    %dma_wait3A_369 = arith.constant 1 : i32
    %dma_wait3A_370 = arith.constant 0 : i32
    %dma_wait3A_371 = arith.constant 0 : i32
    %dma_wait3A_372 = tpu.memref_slice %arg8[%dma_wait3A_369, %dma_wait3A_370, %dma_wait3A_371] : memref<4x64x128xf32, #tpu.memory_space<vmem>> -> memref<1x64x128xf32, #tpu.memory_space<vmem>>
    %dma_wait3A_373 = tpu.memref_squeeze %dma_wait3A_372 : memref<1x64x128xf32, #tpu.memory_space<vmem>> -> memref<64x128xf32, #tpu.memory_space<vmem>>
    %dma_wait3A_374 = arith.constant 0 : i32
    %dma_wait3A_375 = tpu.memref_slice %arg6[%dma_wait3A_368, %dma_wait3A_374] : memref<40x128xi32, #tpu.memory_space<vmem>> -> memref<1x64xi32, #tpu.memory_space<vmem>>
    %dma_wait3A_376 = tpu.memref_squeeze %dma_wait3A_375 : memref<1x64xi32, #tpu.memory_space<vmem>> -> memref<64xi32, #tpu.memory_space<vmem>>
    %dma_wait3A_377 = arith.constant 0 : i32
    %dma_wait3A_378 = arith.constant 0 : i32
    %dma_wait3A_379 = tpu.memref_slice %arg2[%dma_wait3A_377, %dma_wait3A_378] : memref<10000x128xf32, #tpu.memory_space<hbm>> -> memref<10000x128xf32, #tpu.memory_space<hbm>>
    tpu.wait_indirect_dma semaphore(%arg12 : memref<!tpu.dma_semaphore, #tpu.memory_space<semaphore_mem>>) src(%dma_wait3A_379 : memref<10000x128xf32, #tpu.memory_space<hbm>>) dst(%dma_wait3A_373 : memref<64x128xf32, #tpu.memory_space<vmem>>)
    %dma_start3A_380 = arith.constant 1 : i32
    %dma_start3A_381 = arith.constant 38 : i32
    %dma_start3A_382 = arith.constant 0 : i32
    %dma_start3A_383 = arith.constant 0 : i32
    %dma_start3A_384 = tpu.memref_slice %arg8[%dma_start3A_380, %dma_start3A_382, %dma_start3A_383] : memref<4x64x128xf32, #tpu.memory_space<vmem>> -> memref<1x64x128xf32, #tpu.memory_space<vmem>>
    %dma_start3A_385 = tpu.memref_squeeze %dma_start3A_384 : memref<1x64x128xf32, #tpu.memory_space<vmem>> -> memref<64x128xf32, #tpu.memory_space<vmem>>
    %dma_start3A_386 = arith.constant 64 : i32
    %dma_start3A_387 = tpu.memref_slice %arg7[%dma_start3A_381, %dma_start3A_386] : memref<40x128xi32, #tpu.memory_space<vmem>> -> memref<1x64xi32, #tpu.memory_space<vmem>>
    %dma_start3A_388 = tpu.memref_squeeze %dma_start3A_387 : memref<1x64xi32, #tpu.memory_space<vmem>> -> memref<64xi32, #tpu.memory_space<vmem>>
    %dma_start3A_389 = arith.constant 0 : i32
    %dma_start3A_390 = arith.constant 0 : i32
    %dma_start3A_391 = tpu.memref_slice %arg10[%dma_start3A_389, %dma_start3A_390] : memref<10240x128xf32, #tpu.memory_space<vmem_shared>> -> memref<10240x128xf32, #tpu.memory_space<vmem_shared>>
    tpu.enqueue_indirect_dma source(%dma_start3A_385 : memref<64x128xf32, #tpu.memory_space<vmem>>) target(%dma_start3A_391 : memref<10240x128xf32, #tpu.memory_space<vmem_shared>>) offsets(%dma_start3A_388 : memref<64xi32, #tpu.memory_space<vmem>>) semaphore(%arg16 : memref<!tpu.dma_semaphore, #tpu.memory_space<semaphore_mem>>) {add = true}
    %dma_wait3A_392 = arith.constant 0 : i32
    %dma_wait3A_393 = arith.constant 2 : i32
    %dma_wait3A_394 = arith.constant 0 : i32
    %dma_wait3A_395 = arith.constant 0 : i32
    %dma_wait3A_396 = tpu.memref_slice %arg8[%dma_wait3A_393, %dma_wait3A_394, %dma_wait3A_395] : memref<4x64x128xf32, #tpu.memory_space<vmem>> -> memref<1x64x128xf32, #tpu.memory_space<vmem>>
    %dma_wait3A_397 = tpu.memref_squeeze %dma_wait3A_396 : memref<1x64x128xf32, #tpu.memory_space<vmem>> -> memref<64x128xf32, #tpu.memory_space<vmem>>
    %dma_wait3A_398 = arith.constant 0 : i32
    %dma_wait3A_399 = tpu.memref_slice %arg6[%dma_wait3A_392, %dma_wait3A_398] : memref<40x128xi32, #tpu.memory_space<vmem>> -> memref<1x64xi32, #tpu.memory_space<vmem>>
    %dma_wait3A_400 = tpu.memref_squeeze %dma_wait3A_399 : memref<1x64xi32, #tpu.memory_space<vmem>> -> memref<64xi32, #tpu.memory_space<vmem>>
    %dma_wait3A_401 = arith.constant 0 : i32
    %dma_wait3A_402 = arith.constant 0 : i32
    %dma_wait3A_403 = tpu.memref_slice %arg2[%dma_wait3A_401, %dma_wait3A_402] : memref<10000x128xf32, #tpu.memory_space<hbm>> -> memref<10000x128xf32, #tpu.memory_space<hbm>>
    tpu.wait_indirect_dma semaphore(%arg13 : memref<!tpu.dma_semaphore, #tpu.memory_space<semaphore_mem>>) src(%dma_wait3A_403 : memref<10000x128xf32, #tpu.memory_space<hbm>>) dst(%dma_wait3A_397 : memref<64x128xf32, #tpu.memory_space<vmem>>)
    %dma_start3A_404 = arith.constant 2 : i32
    %dma_start3A_405 = arith.constant 39 : i32
    %dma_start3A_406 = arith.constant 0 : i32
    %dma_start3A_407 = arith.constant 0 : i32
    %dma_start3A_408 = tpu.memref_slice %arg8[%dma_start3A_404, %dma_start3A_406, %dma_start3A_407] : memref<4x64x128xf32, #tpu.memory_space<vmem>> -> memref<1x64x128xf32, #tpu.memory_space<vmem>>
    %dma_start3A_409 = tpu.memref_squeeze %dma_start3A_408 : memref<1x64x128xf32, #tpu.memory_space<vmem>> -> memref<64x128xf32, #tpu.memory_space<vmem>>
    %dma_start3A_410 = arith.constant 0 : i32
    %dma_start3A_411 = tpu.memref_slice %arg7[%dma_start3A_405, %dma_start3A_410] : memref<40x128xi32, #tpu.memory_space<vmem>> -> memref<1x64xi32, #tpu.memory_space<vmem>>
    %dma_start3A_412 = tpu.memref_squeeze %dma_start3A_411 : memref<1x64xi32, #tpu.memory_space<vmem>> -> memref<64xi32, #tpu.memory_space<vmem>>
    %dma_start3A_413 = arith.constant 0 : i32
    %dma_start3A_414 = arith.constant 0 : i32
    %dma_start3A_415 = tpu.memref_slice %arg10[%dma_start3A_413, %dma_start3A_414] : memref<10240x128xf32, #tpu.memory_space<vmem_shared>> -> memref<10240x128xf32, #tpu.memory_space<vmem_shared>>
    tpu.enqueue_indirect_dma source(%dma_start3A_409 : memref<64x128xf32, #tpu.memory_space<vmem>>) target(%dma_start3A_415 : memref<10240x128xf32, #tpu.memory_space<vmem_shared>>) offsets(%dma_start3A_412 : memref<64xi32, #tpu.memory_space<vmem>>) semaphore(%arg17 : memref<!tpu.dma_semaphore, #tpu.memory_space<semaphore_mem>>) {add = true}
    %dma_wait3A_416 = arith.constant 0 : i32
    %dma_wait3A_417 = arith.constant 3 : i32
    %dma_wait3A_418 = arith.constant 0 : i32
    %dma_wait3A_419 = arith.constant 0 : i32
    %dma_wait3A_420 = tpu.memref_slice %arg8[%dma_wait3A_417, %dma_wait3A_418, %dma_wait3A_419] : memref<4x64x128xf32, #tpu.memory_space<vmem>> -> memref<1x64x128xf32, #tpu.memory_space<vmem>>
    %dma_wait3A_421 = tpu.memref_squeeze %dma_wait3A_420 : memref<1x64x128xf32, #tpu.memory_space<vmem>> -> memref<64x128xf32, #tpu.memory_space<vmem>>
    %dma_wait3A_422 = arith.constant 0 : i32
    %dma_wait3A_423 = tpu.memref_slice %arg6[%dma_wait3A_416, %dma_wait3A_422] : memref<40x128xi32, #tpu.memory_space<vmem>> -> memref<1x64xi32, #tpu.memory_space<vmem>>
    %dma_wait3A_424 = tpu.memref_squeeze %dma_wait3A_423 : memref<1x64xi32, #tpu.memory_space<vmem>> -> memref<64xi32, #tpu.memory_space<vmem>>
    %dma_wait3A_425 = arith.constant 0 : i32
    %dma_wait3A_426 = arith.constant 0 : i32
    %dma_wait3A_427 = tpu.memref_slice %arg2[%dma_wait3A_425, %dma_wait3A_426] : memref<10000x128xf32, #tpu.memory_space<hbm>> -> memref<10000x128xf32, #tpu.memory_space<hbm>>
    tpu.wait_indirect_dma semaphore(%arg14 : memref<!tpu.dma_semaphore, #tpu.memory_space<semaphore_mem>>) src(%dma_wait3A_427 : memref<10000x128xf32, #tpu.memory_space<hbm>>) dst(%dma_wait3A_421 : memref<64x128xf32, #tpu.memory_space<vmem>>)
    %dma_start3A_428 = arith.constant 3 : i32
    %dma_start3A_429 = arith.constant 39 : i32
    %dma_start3A_430 = arith.constant 0 : i32
    %dma_start3A_431 = arith.constant 0 : i32
    %dma_start3A_432 = tpu.memref_slice %arg8[%dma_start3A_428, %dma_start3A_430, %dma_start3A_431] : memref<4x64x128xf32, #tpu.memory_space<vmem>> -> memref<1x64x128xf32, #tpu.memory_space<vmem>>
    %dma_start3A_433 = tpu.memref_squeeze %dma_start3A_432 : memref<1x64x128xf32, #tpu.memory_space<vmem>> -> memref<64x128xf32, #tpu.memory_space<vmem>>
    %dma_start3A_434 = arith.constant 64 : i32
    %dma_start3A_435 = tpu.memref_slice %arg7[%dma_start3A_429, %dma_start3A_434] : memref<40x128xi32, #tpu.memory_space<vmem>> -> memref<1x64xi32, #tpu.memory_space<vmem>>
    %dma_start3A_436 = tpu.memref_squeeze %dma_start3A_435 : memref<1x64xi32, #tpu.memory_space<vmem>> -> memref<64xi32, #tpu.memory_space<vmem>>
    %dma_start3A_437 = arith.constant 0 : i32
    %dma_start3A_438 = arith.constant 0 : i32
    %dma_start3A_439 = tpu.memref_slice %arg10[%dma_start3A_437, %dma_start3A_438] : memref<10240x128xf32, #tpu.memory_space<vmem_shared>> -> memref<10240x128xf32, #tpu.memory_space<vmem_shared>>
    tpu.enqueue_indirect_dma source(%dma_start3A_433 : memref<64x128xf32, #tpu.memory_space<vmem>>) target(%dma_start3A_439 : memref<10240x128xf32, #tpu.memory_space<vmem_shared>>) offsets(%dma_start3A_436 : memref<64xi32, #tpu.memory_space<vmem>>) semaphore(%arg18 : memref<!tpu.dma_semaphore, #tpu.memory_space<semaphore_mem>>) {add = true}
    %dma_wait3A_440 = arith.constant 0 : i32
    %dma_wait3A_441 = arith.constant 0 : i32
    %dma_wait3A_442 = arith.constant 0 : i32
    %dma_wait3A_443 = arith.constant 0 : i32
    %dma_wait3A_444 = tpu.memref_slice %arg8[%dma_wait3A_440, %dma_wait3A_442, %dma_wait3A_443] : memref<4x64x128xf32, #tpu.memory_space<vmem>> -> memref<1x64x128xf32, #tpu.memory_space<vmem>>
    %dma_wait3A_445 = tpu.memref_squeeze %dma_wait3A_444 : memref<1x64x128xf32, #tpu.memory_space<vmem>> -> memref<64x128xf32, #tpu.memory_space<vmem>>
    %dma_wait3A_446 = arith.constant 0 : i32
    %dma_wait3A_447 = tpu.memref_slice %arg7[%dma_wait3A_441, %dma_wait3A_446] : memref<40x128xi32, #tpu.memory_space<vmem>> -> memref<1x64xi32, #tpu.memory_space<vmem>>
    %dma_wait3A_448 = tpu.memref_squeeze %dma_wait3A_447 : memref<1x64xi32, #tpu.memory_space<vmem>> -> memref<64xi32, #tpu.memory_space<vmem>>
    %dma_wait3A_449 = arith.constant 0 : i32
    %dma_wait3A_450 = arith.constant 0 : i32
    %dma_wait3A_451 = tpu.memref_slice %arg10[%dma_wait3A_449, %dma_wait3A_450] : memref<10240x128xf32, #tpu.memory_space<vmem_shared>> -> memref<10240x128xf32, #tpu.memory_space<vmem_shared>>
    tpu.wait_indirect_dma semaphore(%arg15 : memref<!tpu.dma_semaphore, #tpu.memory_space<semaphore_mem>>) src(%dma_wait3A_445 : memref<64x128xf32, #tpu.memory_space<vmem>>) dst(%dma_wait3A_451 : memref<10240x128xf32, #tpu.memory_space<vmem_shared>>)
    %dma_wait3A_452 = arith.constant 1 : i32
    %dma_wait3A_453 = arith.constant 0 : i32
    %dma_wait3A_454 = arith.constant 0 : i32
    %dma_wait3A_455 = arith.constant 0 : i32
    %dma_wait3A_456 = tpu.memref_slice %arg8[%dma_wait3A_452, %dma_wait3A_454, %dma_wait3A_455] : memref<4x64x128xf32, #tpu.memory_space<vmem>> -> memref<1x64x128xf32, #tpu.memory_space<vmem>>
    %dma_wait3A_457 = tpu.memref_squeeze %dma_wait3A_456 : memref<1x64x128xf32, #tpu.memory_space<vmem>> -> memref<64x128xf32, #tpu.memory_space<vmem>>
    %dma_wait3A_458 = arith.constant 0 : i32
    %dma_wait3A_459 = tpu.memref_slice %arg7[%dma_wait3A_453, %dma_wait3A_458] : memref<40x128xi32, #tpu.memory_space<vmem>> -> memref<1x64xi32, #tpu.memory_space<vmem>>
    %dma_wait3A_460 = tpu.memref_squeeze %dma_wait3A_459 : memref<1x64xi32, #tpu.memory_space<vmem>> -> memref<64xi32, #tpu.memory_space<vmem>>
    %dma_wait3A_461 = arith.constant 0 : i32
    %dma_wait3A_462 = arith.constant 0 : i32
    %dma_wait3A_463 = tpu.memref_slice %arg10[%dma_wait3A_461, %dma_wait3A_462] : memref<10240x128xf32, #tpu.memory_space<vmem_shared>> -> memref<10240x128xf32, #tpu.memory_space<vmem_shared>>
    tpu.wait_indirect_dma semaphore(%arg16 : memref<!tpu.dma_semaphore, #tpu.memory_space<semaphore_mem>>) src(%dma_wait3A_457 : memref<64x128xf32, #tpu.memory_space<vmem>>) dst(%dma_wait3A_463 : memref<10240x128xf32, #tpu.memory_space<vmem_shared>>)
    %dma_wait3A_464 = arith.constant 2 : i32
    %dma_wait3A_465 = arith.constant 0 : i32
    %dma_wait3A_466 = arith.constant 0 : i32
    %dma_wait3A_467 = arith.constant 0 : i32
    %dma_wait3A_468 = tpu.memref_slice %arg8[%dma_wait3A_464, %dma_wait3A_466, %dma_wait3A_467] : memref<4x64x128xf32, #tpu.memory_space<vmem>> -> memref<1x64x128xf32, #tpu.memory_space<vmem>>
    %dma_wait3A_469 = tpu.memref_squeeze %dma_wait3A_468 : memref<1x64x128xf32, #tpu.memory_space<vmem>> -> memref<64x128xf32, #tpu.memory_space<vmem>>
    %dma_wait3A_470 = arith.constant 0 : i32
    %dma_wait3A_471 = tpu.memref_slice %arg7[%dma_wait3A_465, %dma_wait3A_470] : memref<40x128xi32, #tpu.memory_space<vmem>> -> memref<1x64xi32, #tpu.memory_space<vmem>>
    %dma_wait3A_472 = tpu.memref_squeeze %dma_wait3A_471 : memref<1x64xi32, #tpu.memory_space<vmem>> -> memref<64xi32, #tpu.memory_space<vmem>>
    %dma_wait3A_473 = arith.constant 0 : i32
    %dma_wait3A_474 = arith.constant 0 : i32
    %dma_wait3A_475 = tpu.memref_slice %arg10[%dma_wait3A_473, %dma_wait3A_474] : memref<10240x128xf32, #tpu.memory_space<vmem_shared>> -> memref<10240x128xf32, #tpu.memory_space<vmem_shared>>
    tpu.wait_indirect_dma semaphore(%arg17 : memref<!tpu.dma_semaphore, #tpu.memory_space<semaphore_mem>>) src(%dma_wait3A_469 : memref<64x128xf32, #tpu.memory_space<vmem>>) dst(%dma_wait3A_475 : memref<10240x128xf32, #tpu.memory_space<vmem_shared>>)
    %dma_wait3A_476 = arith.constant 3 : i32
    %dma_wait3A_477 = arith.constant 0 : i32
    %dma_wait3A_478 = arith.constant 0 : i32
    %dma_wait3A_479 = arith.constant 0 : i32
    %dma_wait3A_480 = tpu.memref_slice %arg8[%dma_wait3A_476, %dma_wait3A_478, %dma_wait3A_479] : memref<4x64x128xf32, #tpu.memory_space<vmem>> -> memref<1x64x128xf32, #tpu.memory_space<vmem>>
    %dma_wait3A_481 = tpu.memref_squeeze %dma_wait3A_480 : memref<1x64x128xf32, #tpu.memory_space<vmem>> -> memref<64x128xf32, #tpu.memory_space<vmem>>
    %dma_wait3A_482 = arith.constant 0 : i32
    %dma_wait3A_483 = tpu.memref_slice %arg7[%dma_wait3A_477, %dma_wait3A_482] : memref<40x128xi32, #tpu.memory_space<vmem>> -> memref<1x64xi32, #tpu.memory_space<vmem>>
    %dma_wait3A_484 = tpu.memref_squeeze %dma_wait3A_483 : memref<1x64xi32, #tpu.memory_space<vmem>> -> memref<64xi32, #tpu.memory_space<vmem>>
    %dma_wait3A_485 = arith.constant 0 : i32
    %dma_wait3A_486 = arith.constant 0 : i32
    %dma_wait3A_487 = tpu.memref_slice %arg10[%dma_wait3A_485, %dma_wait3A_486] : memref<10240x128xf32, #tpu.memory_space<vmem_shared>> -> memref<10240x128xf32, #tpu.memory_space<vmem_shared>>
    tpu.wait_indirect_dma semaphore(%arg18 : memref<!tpu.dma_semaphore, #tpu.memory_space<semaphore_mem>>) src(%dma_wait3A_481 : memref<64x128xf32, #tpu.memory_space<vmem>>) dst(%dma_wait3A_487 : memref<10240x128xf32, #tpu.memory_space<vmem_shared>>)
    %mul3A_488 = arith.constant 2 : i32
    %mul3A_489 = arith.muli %mul3A_488, %add3A : i32
    %add3A_490 = arith.constant 1 : i32
    %add3A_491 = arith.addi %mul3A_489, %add3A_490 : i32
    "tpu.region"() ({
      %run_scoped3A = tpu.sem_alloc : memref<!tpu.dma_semaphore, #tpu.memory_space<semaphore_mem>>
      %dma_start3A_784 = arith.constant 0 : i32
      %dma_start3A_785 = arith.constant 0 : i32
      %dma_start3A_786 = tpu.memref_slice %arg3[%add3A_491, %dma_start3A_784, %dma_start3A_785] : memref<64x40x128xi32, #tpu.memory_space<hbm>> -> memref<1x40x128xi32, #tpu.memory_space<hbm>>
      %dma_start3A_787 = tpu.memref_squeeze %dma_start3A_786 : memref<1x40x128xi32, #tpu.memory_space<hbm>> -> memref<40x128xi32, #tpu.memory_space<hbm>>
      %dma_start3A_788 = arith.constant 0 : i32
      %dma_start3A_789 = arith.constant 0 : i32
      %dma_start3A_790 = tpu.memref_slice %arg3[%add3A_491, %dma_start3A_788, %dma_start3A_789] : memref<64x40x128xi32, #tpu.memory_space<hbm>> -> memref<1x40x128xi32, #tpu.memory_space<hbm>>
      %dma_start3A_791 = tpu.memref_squeeze %dma_start3A_790 : memref<1x40x128xi32, #tpu.memory_space<hbm>> -> memref<40x128xi32, #tpu.memory_space<hbm>>
      tpu.enqueue_dma source(%dma_start3A_791 : memref<40x128xi32, #tpu.memory_space<hbm>>) target(%arg6 : memref<40x128xi32, #tpu.memory_space<vmem>>) target_semaphore(%run_scoped3A : memref<!tpu.dma_semaphore, #tpu.memory_space<semaphore_mem>>)
      %dma_wait3A_792 = arith.constant 0 : i32
      %dma_wait3A_793 = arith.constant 0 : i32
      %dma_wait3A_794 = tpu.memref_slice %arg3[%add3A_491, %dma_wait3A_792, %dma_wait3A_793] : memref<64x40x128xi32, #tpu.memory_space<hbm>> -> memref<1x40x128xi32, #tpu.memory_space<hbm>>
      %dma_wait3A_795 = tpu.memref_squeeze %dma_wait3A_794 : memref<1x40x128xi32, #tpu.memory_space<hbm>> -> memref<40x128xi32, #tpu.memory_space<hbm>>
      %dma_wait3A_796 = arith.constant 0 : i32
      %dma_wait3A_797 = arith.constant 0 : i32
      %dma_wait3A_798 = tpu.memref_slice %arg3[%add3A_491, %dma_wait3A_796, %dma_wait3A_797] : memref<64x40x128xi32, #tpu.memory_space<hbm>> -> memref<1x40x128xi32, #tpu.memory_space<hbm>>
      %dma_wait3A_799 = tpu.memref_squeeze %dma_wait3A_798 : memref<1x40x128xi32, #tpu.memory_space<hbm>> -> memref<40x128xi32, #tpu.memory_space<hbm>>
      tpu.wait_dma2 semaphore(%run_scoped3A : memref<!tpu.dma_semaphore, #tpu.memory_space<semaphore_mem>>) src(%dma_wait3A_799 : memref<40x128xi32, #tpu.memory_space<hbm>>) dst(%arg6 : memref<40x128xi32, #tpu.memory_space<vmem>>)
      tpu.yield
    }) : () -> ()
    %mul3A_492 = arith.constant 2 : i32
    %mul3A_493 = arith.muli %mul3A_492, %add3A : i32
    %add3A_494 = arith.constant 1 : i32
    %add3A_495 = arith.addi %mul3A_493, %add3A_494 : i32
    "tpu.region"() ({
      %run_scoped3A = tpu.sem_alloc : memref<!tpu.dma_semaphore, #tpu.memory_space<semaphore_mem>>
      %dma_start3A_784 = arith.constant 0 : i32
      %dma_start3A_785 = arith.constant 0 : i32
      %dma_start3A_786 = tpu.memref_slice %arg4[%add3A_495, %dma_start3A_784, %dma_start3A_785] : memref<64x40x128xi32, #tpu.memory_space<hbm>> -> memref<1x40x128xi32, #tpu.memory_space<hbm>>
      %dma_start3A_787 = tpu.memref_squeeze %dma_start3A_786 : memref<1x40x128xi32, #tpu.memory_space<hbm>> -> memref<40x128xi32, #tpu.memory_space<hbm>>
      %dma_start3A_788 = arith.constant 0 : i32
      %dma_start3A_789 = arith.constant 0 : i32
      %dma_start3A_790 = tpu.memref_slice %arg4[%add3A_495, %dma_start3A_788, %dma_start3A_789] : memref<64x40x128xi32, #tpu.memory_space<hbm>> -> memref<1x40x128xi32, #tpu.memory_space<hbm>>
      %dma_start3A_791 = tpu.memref_squeeze %dma_start3A_790 : memref<1x40x128xi32, #tpu.memory_space<hbm>> -> memref<40x128xi32, #tpu.memory_space<hbm>>
      tpu.enqueue_dma source(%dma_start3A_791 : memref<40x128xi32, #tpu.memory_space<hbm>>) target(%arg7 : memref<40x128xi32, #tpu.memory_space<vmem>>) target_semaphore(%run_scoped3A : memref<!tpu.dma_semaphore, #tpu.memory_space<semaphore_mem>>)
      %dma_wait3A_792 = arith.constant 0 : i32
      %dma_wait3A_793 = arith.constant 0 : i32
      %dma_wait3A_794 = tpu.memref_slice %arg4[%add3A_495, %dma_wait3A_792, %dma_wait3A_793] : memref<64x40x128xi32, #tpu.memory_space<hbm>> -> memref<1x40x128xi32, #tpu.memory_space<hbm>>
      %dma_wait3A_795 = tpu.memref_squeeze %dma_wait3A_794 : memref<1x40x128xi32, #tpu.memory_space<hbm>> -> memref<40x128xi32, #tpu.memory_space<hbm>>
      %dma_wait3A_796 = arith.constant 0 : i32
      %dma_wait3A_797 = arith.constant 0 : i32
      %dma_wait3A_798 = tpu.memref_slice %arg4[%add3A_495, %dma_wait3A_796, %dma_wait3A_797] : memref<64x40x128xi32, #tpu.memory_space<hbm>> -> memref<1x40x128xi32, #tpu.memory_space<hbm>>
      %dma_wait3A_799 = tpu.memref_squeeze %dma_wait3A_798 : memref<1x40x128xi32, #tpu.memory_space<hbm>> -> memref<40x128xi32, #tpu.memory_space<hbm>>
      tpu.wait_dma2 semaphore(%run_scoped3A : memref<!tpu.dma_semaphore, #tpu.memory_space<semaphore_mem>>) src(%dma_wait3A_799 : memref<40x128xi32, #tpu.memory_space<hbm>>) dst(%arg7 : memref<40x128xi32, #tpu.memory_space<vmem>>)
      tpu.yield
    }) : () -> ()
    %dma_start3A_496 = arith.constant 0 : i32
    %dma_start3A_497 = arith.constant 0 : i32
    %dma_start3A_498 = arith.constant 0 : i32
    %dma_start3A_499 = arith.constant 0 : i32
    %dma_start3A_500 = tpu.memref_slice %arg8[%dma_start3A_497, %dma_start3A_498, %dma_start3A_499] : memref<4x64x128xf32, #tpu.memory_space<vmem>> -> memref<1x64x128xf32, #tpu.memory_space<vmem>>
    %dma_start3A_501 = tpu.memref_squeeze %dma_start3A_500 : memref<1x64x128xf32, #tpu.memory_space<vmem>> -> memref<64x128xf32, #tpu.memory_space<vmem>>
    %dma_start3A_502 = arith.constant 0 : i32
    %dma_start3A_503 = tpu.memref_slice %arg6[%dma_start3A_496, %dma_start3A_502] : memref<40x128xi32, #tpu.memory_space<vmem>> -> memref<1x64xi32, #tpu.memory_space<vmem>>
    %dma_start3A_504 = tpu.memref_squeeze %dma_start3A_503 : memref<1x64xi32, #tpu.memory_space<vmem>> -> memref<64xi32, #tpu.memory_space<vmem>>
    %dma_start3A_505 = arith.constant 0 : i32
    %dma_start3A_506 = arith.constant 0 : i32
    %dma_start3A_507 = tpu.memref_slice %arg2[%dma_start3A_505, %dma_start3A_506] : memref<10000x128xf32, #tpu.memory_space<hbm>> -> memref<10000x128xf32, #tpu.memory_space<hbm>>
    tpu.enqueue_indirect_dma source(%dma_start3A_507 : memref<10000x128xf32, #tpu.memory_space<hbm>>) target(%dma_start3A_501 : memref<64x128xf32, #tpu.memory_space<vmem>>) offsets(%dma_start3A_504 : memref<64xi32, #tpu.memory_space<vmem>>) semaphore(%arg11 : memref<!tpu.dma_semaphore, #tpu.memory_space<semaphore_mem>>)
    %dma_start3A_508 = arith.constant 0 : i32
    %dma_start3A_509 = arith.constant 1 : i32
    %dma_start3A_510 = arith.constant 0 : i32
    %dma_start3A_511 = arith.constant 0 : i32
    %dma_start3A_512 = tpu.memref_slice %arg8[%dma_start3A_509, %dma_start3A_510, %dma_start3A_511] : memref<4x64x128xf32, #tpu.memory_space<vmem>> -> memref<1x64x128xf32, #tpu.memory_space<vmem>>
    %dma_start3A_513 = tpu.memref_squeeze %dma_start3A_512 : memref<1x64x128xf32, #tpu.memory_space<vmem>> -> memref<64x128xf32, #tpu.memory_space<vmem>>
    %dma_start3A_514 = arith.constant 64 : i32
    %dma_start3A_515 = tpu.memref_slice %arg6[%dma_start3A_508, %dma_start3A_514] : memref<40x128xi32, #tpu.memory_space<vmem>> -> memref<1x64xi32, #tpu.memory_space<vmem>>
    %dma_start3A_516 = tpu.memref_squeeze %dma_start3A_515 : memref<1x64xi32, #tpu.memory_space<vmem>> -> memref<64xi32, #tpu.memory_space<vmem>>
    %dma_start3A_517 = arith.constant 0 : i32
    %dma_start3A_518 = arith.constant 0 : i32
    %dma_start3A_519 = tpu.memref_slice %arg2[%dma_start3A_517, %dma_start3A_518] : memref<10000x128xf32, #tpu.memory_space<hbm>> -> memref<10000x128xf32, #tpu.memory_space<hbm>>
    tpu.enqueue_indirect_dma source(%dma_start3A_519 : memref<10000x128xf32, #tpu.memory_space<hbm>>) target(%dma_start3A_513 : memref<64x128xf32, #tpu.memory_space<vmem>>) offsets(%dma_start3A_516 : memref<64xi32, #tpu.memory_space<vmem>>) semaphore(%arg12 : memref<!tpu.dma_semaphore, #tpu.memory_space<semaphore_mem>>)
    %dma_start3A_520 = arith.constant 1 : i32
    %dma_start3A_521 = arith.constant 2 : i32
    %dma_start3A_522 = arith.constant 0 : i32
    %dma_start3A_523 = arith.constant 0 : i32
    %dma_start3A_524 = tpu.memref_slice %arg8[%dma_start3A_521, %dma_start3A_522, %dma_start3A_523] : memref<4x64x128xf32, #tpu.memory_space<vmem>> -> memref<1x64x128xf32, #tpu.memory_space<vmem>>
    %dma_start3A_525 = tpu.memref_squeeze %dma_start3A_524 : memref<1x64x128xf32, #tpu.memory_space<vmem>> -> memref<64x128xf32, #tpu.memory_space<vmem>>
    %dma_start3A_526 = arith.constant 0 : i32
    %dma_start3A_527 = tpu.memref_slice %arg6[%dma_start3A_520, %dma_start3A_526] : memref<40x128xi32, #tpu.memory_space<vmem>> -> memref<1x64xi32, #tpu.memory_space<vmem>>
    %dma_start3A_528 = tpu.memref_squeeze %dma_start3A_527 : memref<1x64xi32, #tpu.memory_space<vmem>> -> memref<64xi32, #tpu.memory_space<vmem>>
    %dma_start3A_529 = arith.constant 0 : i32
    %dma_start3A_530 = arith.constant 0 : i32
    %dma_start3A_531 = tpu.memref_slice %arg2[%dma_start3A_529, %dma_start3A_530] : memref<10000x128xf32, #tpu.memory_space<hbm>> -> memref<10000x128xf32, #tpu.memory_space<hbm>>
    tpu.enqueue_indirect_dma source(%dma_start3A_531 : memref<10000x128xf32, #tpu.memory_space<hbm>>) target(%dma_start3A_525 : memref<64x128xf32, #tpu.memory_space<vmem>>) offsets(%dma_start3A_528 : memref<64xi32, #tpu.memory_space<vmem>>) semaphore(%arg13 : memref<!tpu.dma_semaphore, #tpu.memory_space<semaphore_mem>>)
    %dma_start3A_532 = arith.constant 1 : i32
    %dma_start3A_533 = arith.constant 3 : i32
    %dma_start3A_534 = arith.constant 0 : i32
    %dma_start3A_535 = arith.constant 0 : i32
    %dma_start3A_536 = tpu.memref_slice %arg8[%dma_start3A_533, %dma_start3A_534, %dma_start3A_535] : memref<4x64x128xf32, #tpu.memory_space<vmem>> -> memref<1x64x128xf32, #tpu.memory_space<vmem>>
    %dma_start3A_537 = tpu.memref_squeeze %dma_start3A_536 : memref<1x64x128xf32, #tpu.memory_space<vmem>> -> memref<64x128xf32, #tpu.memory_space<vmem>>
    %dma_start3A_538 = arith.constant 64 : i32
    %dma_start3A_539 = tpu.memref_slice %arg6[%dma_start3A_532, %dma_start3A_538] : memref<40x128xi32, #tpu.memory_space<vmem>> -> memref<1x64xi32, #tpu.memory_space<vmem>>
    %dma_start3A_540 = tpu.memref_squeeze %dma_start3A_539 : memref<1x64xi32, #tpu.memory_space<vmem>> -> memref<64xi32, #tpu.memory_space<vmem>>
    %dma_start3A_541 = arith.constant 0 : i32
    %dma_start3A_542 = arith.constant 0 : i32
    %dma_start3A_543 = tpu.memref_slice %arg2[%dma_start3A_541, %dma_start3A_542] : memref<10000x128xf32, #tpu.memory_space<hbm>> -> memref<10000x128xf32, #tpu.memory_space<hbm>>
    tpu.enqueue_indirect_dma source(%dma_start3A_543 : memref<10000x128xf32, #tpu.memory_space<hbm>>) target(%dma_start3A_537 : memref<64x128xf32, #tpu.memory_space<vmem>>) offsets(%dma_start3A_540 : memref<64xi32, #tpu.memory_space<vmem>>) semaphore(%arg14 : memref<!tpu.dma_semaphore, #tpu.memory_space<semaphore_mem>>)
    %scan3A_544 = arith.constant 0 : i32
    %scan3A_545 = arith.constant 19 : i32
    %scan3A_546 = arith.addi %scan3A_544, %scan3A_545 : i32
    %scan3A_547 = arith.constant 1 : i32
    scf.for %scan3A_784 = %scan3A_544 to %scan3A_546 step %scan3A_547  : i32 {
      %mul3A_785 = arith.constant 1 : i32
      %mul3A_786 = arith.muli %scan3A_784, %mul3A_785 : i32
      %add3A_787 = arith.constant 0 : i32
      %add3A_788 = arith.addi %add3A_787, %mul3A_786 : i32
      %dma_wait3A_789 = arith.constant 0 : i32
      %dma_wait3A_790 = arith.constant 0 : i32
      %dma_wait3A_791 = arith.constant 0 : i32
      %dma_wait3A_792 = arith.constant 0 : i32
      %dma_wait3A_793 = tpu.memref_slice %arg8[%dma_wait3A_790, %dma_wait3A_791, %dma_wait3A_792] : memref<4x64x128xf32, #tpu.memory_space<vmem>> -> memref<1x64x128xf32, #tpu.memory_space<vmem>>
      %dma_wait3A_794 = tpu.memref_squeeze %dma_wait3A_793 : memref<1x64x128xf32, #tpu.memory_space<vmem>> -> memref<64x128xf32, #tpu.memory_space<vmem>>
      %dma_wait3A_795 = arith.constant 0 : i32
      %dma_wait3A_796 = tpu.memref_slice %arg6[%dma_wait3A_789, %dma_wait3A_795] : memref<40x128xi32, #tpu.memory_space<vmem>> -> memref<1x64xi32, #tpu.memory_space<vmem>>
      %dma_wait3A_797 = tpu.memref_squeeze %dma_wait3A_796 : memref<1x64xi32, #tpu.memory_space<vmem>> -> memref<64xi32, #tpu.memory_space<vmem>>
      %dma_wait3A_798 = arith.constant 0 : i32
      %dma_wait3A_799 = arith.constant 0 : i32
      %dma_wait3A_800 = tpu.memref_slice %arg2[%dma_wait3A_798, %dma_wait3A_799] : memref<10000x128xf32, #tpu.memory_space<hbm>> -> memref<10000x128xf32, #tpu.memory_space<hbm>>
      tpu.wait_indirect_dma semaphore(%arg11 : memref<!tpu.dma_semaphore, #tpu.memory_space<semaphore_mem>>) src(%dma_wait3A_800 : memref<10000x128xf32, #tpu.memory_space<hbm>>) dst(%dma_wait3A_794 : memref<64x128xf32, #tpu.memory_space<vmem>>)
      %mul3A_801 = arith.constant 2 : i32
      %mul3A_802 = arith.muli %mul3A_801, %add3A_788 : i32
      %add3A_803 = arith.constant 0 : i32
      %add3A_804 = arith.addi %mul3A_802, %add3A_803 : i32
      %dma_start3A_805 = arith.constant 0 : i32
      %dma_start3A_806 = arith.constant 0 : i32
      %dma_start3A_807 = arith.constant 0 : i32
      %dma_start3A_808 = tpu.memref_slice %arg8[%dma_start3A_805, %dma_start3A_806, %dma_start3A_807] : memref<4x64x128xf32, #tpu.memory_space<vmem>> -> memref<1x64x128xf32, #tpu.memory_space<vmem>>
      %dma_start3A_809 = tpu.memref_squeeze %dma_start3A_808 : memref<1x64x128xf32, #tpu.memory_space<vmem>> -> memref<64x128xf32, #tpu.memory_space<vmem>>
      %dma_start3A_810 = arith.constant 0 : i32
      %dma_start3A_811 = tpu.memref_slice %arg7[%add3A_804, %dma_start3A_810] : memref<40x128xi32, #tpu.memory_space<vmem>> -> memref<1x64xi32, #tpu.memory_space<vmem>>
      %dma_start3A_812 = tpu.memref_squeeze %dma_start3A_811 : memref<1x64xi32, #tpu.memory_space<vmem>> -> memref<64xi32, #tpu.memory_space<vmem>>
      %dma_start3A_813 = arith.constant 0 : i32
      %dma_start3A_814 = arith.constant 0 : i32
      %dma_start3A_815 = tpu.memref_slice %arg10[%dma_start3A_813, %dma_start3A_814] : memref<10240x128xf32, #tpu.memory_space<vmem_shared>> -> memref<10240x128xf32, #tpu.memory_space<vmem_shared>>
      tpu.enqueue_indirect_dma source(%dma_start3A_809 : memref<64x128xf32, #tpu.memory_space<vmem>>) target(%dma_start3A_815 : memref<10240x128xf32, #tpu.memory_space<vmem_shared>>) offsets(%dma_start3A_812 : memref<64xi32, #tpu.memory_space<vmem>>) semaphore(%arg15 : memref<!tpu.dma_semaphore, #tpu.memory_space<semaphore_mem>>) {add = true}
      %dma_wait3A_816 = arith.constant 0 : i32
      %dma_wait3A_817 = arith.constant 1 : i32
      %dma_wait3A_818 = arith.constant 0 : i32
      %dma_wait3A_819 = arith.constant 0 : i32
      %dma_wait3A_820 = tpu.memref_slice %arg8[%dma_wait3A_817, %dma_wait3A_818, %dma_wait3A_819] : memref<4x64x128xf32, #tpu.memory_space<vmem>> -> memref<1x64x128xf32, #tpu.memory_space<vmem>>
      %dma_wait3A_821 = tpu.memref_squeeze %dma_wait3A_820 : memref<1x64x128xf32, #tpu.memory_space<vmem>> -> memref<64x128xf32, #tpu.memory_space<vmem>>
      %dma_wait3A_822 = arith.constant 0 : i32
      %dma_wait3A_823 = tpu.memref_slice %arg6[%dma_wait3A_816, %dma_wait3A_822] : memref<40x128xi32, #tpu.memory_space<vmem>> -> memref<1x64xi32, #tpu.memory_space<vmem>>
      %dma_wait3A_824 = tpu.memref_squeeze %dma_wait3A_823 : memref<1x64xi32, #tpu.memory_space<vmem>> -> memref<64xi32, #tpu.memory_space<vmem>>
      %dma_wait3A_825 = arith.constant 0 : i32
      %dma_wait3A_826 = arith.constant 0 : i32
      %dma_wait3A_827 = tpu.memref_slice %arg2[%dma_wait3A_825, %dma_wait3A_826] : memref<10000x128xf32, #tpu.memory_space<hbm>> -> memref<10000x128xf32, #tpu.memory_space<hbm>>
      tpu.wait_indirect_dma semaphore(%arg12 : memref<!tpu.dma_semaphore, #tpu.memory_space<semaphore_mem>>) src(%dma_wait3A_827 : memref<10000x128xf32, #tpu.memory_space<hbm>>) dst(%dma_wait3A_821 : memref<64x128xf32, #tpu.memory_space<vmem>>)
      %mul3A_828 = arith.constant 2 : i32
      %mul3A_829 = arith.muli %mul3A_828, %add3A_788 : i32
      %add3A_830 = arith.constant 0 : i32
      %add3A_831 = arith.addi %mul3A_829, %add3A_830 : i32
      %dma_start3A_832 = arith.constant 1 : i32
      %dma_start3A_833 = arith.constant 0 : i32
      %dma_start3A_834 = arith.constant 0 : i32
      %dma_start3A_835 = tpu.memref_slice %arg8[%dma_start3A_832, %dma_start3A_833, %dma_start3A_834] : memref<4x64x128xf32, #tpu.memory_space<vmem>> -> memref<1x64x128xf32, #tpu.memory_space<vmem>>
      %dma_start3A_836 = tpu.memref_squeeze %dma_start3A_835 : memref<1x64x128xf32, #tpu.memory_space<vmem>> -> memref<64x128xf32, #tpu.memory_space<vmem>>
      %dma_start3A_837 = arith.constant 64 : i32
      %dma_start3A_838 = tpu.memref_slice %arg7[%add3A_831, %dma_start3A_837] : memref<40x128xi32, #tpu.memory_space<vmem>> -> memref<1x64xi32, #tpu.memory_space<vmem>>
      %dma_start3A_839 = tpu.memref_squeeze %dma_start3A_838 : memref<1x64xi32, #tpu.memory_space<vmem>> -> memref<64xi32, #tpu.memory_space<vmem>>
      %dma_start3A_840 = arith.constant 0 : i32
      %dma_start3A_841 = arith.constant 0 : i32
      %dma_start3A_842 = tpu.memref_slice %arg10[%dma_start3A_840, %dma_start3A_841] : memref<10240x128xf32, #tpu.memory_space<vmem_shared>> -> memref<10240x128xf32, #tpu.memory_space<vmem_shared>>
      tpu.enqueue_indirect_dma source(%dma_start3A_836 : memref<64x128xf32, #tpu.memory_space<vmem>>) target(%dma_start3A_842 : memref<10240x128xf32, #tpu.memory_space<vmem_shared>>) offsets(%dma_start3A_839 : memref<64xi32, #tpu.memory_space<vmem>>) semaphore(%arg16 : memref<!tpu.dma_semaphore, #tpu.memory_space<semaphore_mem>>) {add = true}
      %dma_wait3A_843 = arith.constant 0 : i32
      %dma_wait3A_844 = arith.constant 2 : i32
      %dma_wait3A_845 = arith.constant 0 : i32
      %dma_wait3A_846 = arith.constant 0 : i32
      %dma_wait3A_847 = tpu.memref_slice %arg8[%dma_wait3A_844, %dma_wait3A_845, %dma_wait3A_846] : memref<4x64x128xf32, #tpu.memory_space<vmem>> -> memref<1x64x128xf32, #tpu.memory_space<vmem>>
      %dma_wait3A_848 = tpu.memref_squeeze %dma_wait3A_847 : memref<1x64x128xf32, #tpu.memory_space<vmem>> -> memref<64x128xf32, #tpu.memory_space<vmem>>
      %dma_wait3A_849 = arith.constant 0 : i32
      %dma_wait3A_850 = tpu.memref_slice %arg6[%dma_wait3A_843, %dma_wait3A_849] : memref<40x128xi32, #tpu.memory_space<vmem>> -> memref<1x64xi32, #tpu.memory_space<vmem>>
      %dma_wait3A_851 = tpu.memref_squeeze %dma_wait3A_850 : memref<1x64xi32, #tpu.memory_space<vmem>> -> memref<64xi32, #tpu.memory_space<vmem>>
      %dma_wait3A_852 = arith.constant 0 : i32
      %dma_wait3A_853 = arith.constant 0 : i32
      %dma_wait3A_854 = tpu.memref_slice %arg2[%dma_wait3A_852, %dma_wait3A_853] : memref<10000x128xf32, #tpu.memory_space<hbm>> -> memref<10000x128xf32, #tpu.memory_space<hbm>>
      tpu.wait_indirect_dma semaphore(%arg13 : memref<!tpu.dma_semaphore, #tpu.memory_space<semaphore_mem>>) src(%dma_wait3A_854 : memref<10000x128xf32, #tpu.memory_space<hbm>>) dst(%dma_wait3A_848 : memref<64x128xf32, #tpu.memory_space<vmem>>)
      %mul3A_855 = arith.constant 2 : i32
      %mul3A_856 = arith.muli %mul3A_855, %add3A_788 : i32
      %add3A_857 = arith.constant 1 : i32
      %add3A_858 = arith.addi %mul3A_856, %add3A_857 : i32
      %dma_start3A_859 = arith.constant 2 : i32
      %dma_start3A_860 = arith.constant 0 : i32
      %dma_start3A_861 = arith.constant 0 : i32
      %dma_start3A_862 = tpu.memref_slice %arg8[%dma_start3A_859, %dma_start3A_860, %dma_start3A_861] : memref<4x64x128xf32, #tpu.memory_space<vmem>> -> memref<1x64x128xf32, #tpu.memory_space<vmem>>
      %dma_start3A_863 = tpu.memref_squeeze %dma_start3A_862 : memref<1x64x128xf32, #tpu.memory_space<vmem>> -> memref<64x128xf32, #tpu.memory_space<vmem>>
      %dma_start3A_864 = arith.constant 0 : i32
      %dma_start3A_865 = tpu.memref_slice %arg7[%add3A_858, %dma_start3A_864] : memref<40x128xi32, #tpu.memory_space<vmem>> -> memref<1x64xi32, #tpu.memory_space<vmem>>
      %dma_start3A_866 = tpu.memref_squeeze %dma_start3A_865 : memref<1x64xi32, #tpu.memory_space<vmem>> -> memref<64xi32, #tpu.memory_space<vmem>>
      %dma_start3A_867 = arith.constant 0 : i32
      %dma_start3A_868 = arith.constant 0 : i32
      %dma_start3A_869 = tpu.memref_slice %arg10[%dma_start3A_867, %dma_start3A_868] : memref<10240x128xf32, #tpu.memory_space<vmem_shared>> -> memref<10240x128xf32, #tpu.memory_space<vmem_shared>>
      tpu.enqueue_indirect_dma source(%dma_start3A_863 : memref<64x128xf32, #tpu.memory_space<vmem>>) target(%dma_start3A_869 : memref<10240x128xf32, #tpu.memory_space<vmem_shared>>) offsets(%dma_start3A_866 : memref<64xi32, #tpu.memory_space<vmem>>) semaphore(%arg17 : memref<!tpu.dma_semaphore, #tpu.memory_space<semaphore_mem>>) {add = true}
      %dma_wait3A_870 = arith.constant 0 : i32
      %dma_wait3A_871 = arith.constant 3 : i32
      %dma_wait3A_872 = arith.constant 0 : i32
      %dma_wait3A_873 = arith.constant 0 : i32
      %dma_wait3A_874 = tpu.memref_slice %arg8[%dma_wait3A_871, %dma_wait3A_872, %dma_wait3A_873] : memref<4x64x128xf32, #tpu.memory_space<vmem>> -> memref<1x64x128xf32, #tpu.memory_space<vmem>>
      %dma_wait3A_875 = tpu.memref_squeeze %dma_wait3A_874 : memref<1x64x128xf32, #tpu.memory_space<vmem>> -> memref<64x128xf32, #tpu.memory_space<vmem>>
      %dma_wait3A_876 = arith.constant 0 : i32
      %dma_wait3A_877 = tpu.memref_slice %arg6[%dma_wait3A_870, %dma_wait3A_876] : memref<40x128xi32, #tpu.memory_space<vmem>> -> memref<1x64xi32, #tpu.memory_space<vmem>>
      %dma_wait3A_878 = tpu.memref_squeeze %dma_wait3A_877 : memref<1x64xi32, #tpu.memory_space<vmem>> -> memref<64xi32, #tpu.memory_space<vmem>>
      %dma_wait3A_879 = arith.constant 0 : i32
      %dma_wait3A_880 = arith.constant 0 : i32
      %dma_wait3A_881 = tpu.memref_slice %arg2[%dma_wait3A_879, %dma_wait3A_880] : memref<10000x128xf32, #tpu.memory_space<hbm>> -> memref<10000x128xf32, #tpu.memory_space<hbm>>
      tpu.wait_indirect_dma semaphore(%arg14 : memref<!tpu.dma_semaphore, #tpu.memory_space<semaphore_mem>>) src(%dma_wait3A_881 : memref<10000x128xf32, #tpu.memory_space<hbm>>) dst(%dma_wait3A_875 : memref<64x128xf32, #tpu.memory_space<vmem>>)
      %mul3A_882 = arith.constant 2 : i32
      %mul3A_883 = arith.muli %mul3A_882, %add3A_788 : i32
      %add3A_884 = arith.constant 1 : i32
      %add3A_885 = arith.addi %mul3A_883, %add3A_884 : i32
      %dma_start3A_886 = arith.constant 3 : i32
      %dma_start3A_887 = arith.constant 0 : i32
      %dma_start3A_888 = arith.constant 0 : i32
      %dma_start3A_889 = tpu.memref_slice %arg8[%dma_start3A_886, %dma_start3A_887, %dma_start3A_888] : memref<4x64x128xf32, #tpu.memory_space<vmem>> -> memref<1x64x128xf32, #tpu.memory_space<vmem>>
      %dma_start3A_890 = tpu.memref_squeeze %dma_start3A_889 : memref<1x64x128xf32, #tpu.memory_space<vmem>> -> memref<64x128xf32, #tpu.memory_space<vmem>>
      %dma_start3A_891 = arith.constant 64 : i32
      %dma_start3A_892 = tpu.memref_slice %arg7[%add3A_885, %dma_start3A_891] : memref<40x128xi32, #tpu.memory_space<vmem>> -> memref<1x64xi32, #tpu.memory_space<vmem>>
      %dma_start3A_893 = tpu.memref_squeeze %dma_start3A_892 : memref<1x64xi32, #tpu.memory_space<vmem>> -> memref<64xi32, #tpu.memory_space<vmem>>
      %dma_start3A_894 = arith.constant 0 : i32
      %dma_start3A_895 = arith.constant 0 : i32
      %dma_start3A_896 = tpu.memref_slice %arg10[%dma_start3A_894, %dma_start3A_895] : memref<10240x128xf32, #tpu.memory_space<vmem_shared>> -> memref<10240x128xf32, #tpu.memory_space<vmem_shared>>
      tpu.enqueue_indirect_dma source(%dma_start3A_890 : memref<64x128xf32, #tpu.memory_space<vmem>>) target(%dma_start3A_896 : memref<10240x128xf32, #tpu.memory_space<vmem_shared>>) offsets(%dma_start3A_893 : memref<64xi32, #tpu.memory_space<vmem>>) semaphore(%arg18 : memref<!tpu.dma_semaphore, #tpu.memory_space<semaphore_mem>>) {add = true}
      %dma_wait3A_897 = arith.constant 0 : i32
      %dma_wait3A_898 = arith.constant 0 : i32
      %dma_wait3A_899 = arith.constant 0 : i32
      %dma_wait3A_900 = arith.constant 0 : i32
      %dma_wait3A_901 = tpu.memref_slice %arg8[%dma_wait3A_897, %dma_wait3A_899, %dma_wait3A_900] : memref<4x64x128xf32, #tpu.memory_space<vmem>> -> memref<1x64x128xf32, #tpu.memory_space<vmem>>
      %dma_wait3A_902 = tpu.memref_squeeze %dma_wait3A_901 : memref<1x64x128xf32, #tpu.memory_space<vmem>> -> memref<64x128xf32, #tpu.memory_space<vmem>>
      %dma_wait3A_903 = arith.constant 0 : i32
      %dma_wait3A_904 = tpu.memref_slice %arg7[%dma_wait3A_898, %dma_wait3A_903] : memref<40x128xi32, #tpu.memory_space<vmem>> -> memref<1x64xi32, #tpu.memory_space<vmem>>
      %dma_wait3A_905 = tpu.memref_squeeze %dma_wait3A_904 : memref<1x64xi32, #tpu.memory_space<vmem>> -> memref<64xi32, #tpu.memory_space<vmem>>
      %dma_wait3A_906 = arith.constant 0 : i32
      %dma_wait3A_907 = arith.constant 0 : i32
      %dma_wait3A_908 = tpu.memref_slice %arg10[%dma_wait3A_906, %dma_wait3A_907] : memref<10240x128xf32, #tpu.memory_space<vmem_shared>> -> memref<10240x128xf32, #tpu.memory_space<vmem_shared>>
      tpu.wait_indirect_dma semaphore(%arg15 : memref<!tpu.dma_semaphore, #tpu.memory_space<semaphore_mem>>) src(%dma_wait3A_902 : memref<64x128xf32, #tpu.memory_space<vmem>>) dst(%dma_wait3A_908 : memref<10240x128xf32, #tpu.memory_space<vmem_shared>>)
      %add3A_909 = arith.constant 1 : i32
      %add3A_910 = arith.addi %add3A_788, %add3A_909 : i32
      %mul3A_911 = arith.constant 2 : i32
      %mul3A_912 = arith.muli %mul3A_911, %add3A_910 : i32
      %add3A_913 = arith.constant 0 : i32
      %add3A_914 = arith.addi %mul3A_912, %add3A_913 : i32
      %dma_start3A_915 = arith.constant 0 : i32
      %dma_start3A_916 = arith.constant 0 : i32
      %dma_start3A_917 = arith.constant 0 : i32
      %dma_start3A_918 = tpu.memref_slice %arg8[%dma_start3A_915, %dma_start3A_916, %dma_start3A_917] : memref<4x64x128xf32, #tpu.memory_space<vmem>> -> memref<1x64x128xf32, #tpu.memory_space<vmem>>
      %dma_start3A_919 = tpu.memref_squeeze %dma_start3A_918 : memref<1x64x128xf32, #tpu.memory_space<vmem>> -> memref<64x128xf32, #tpu.memory_space<vmem>>
      %dma_start3A_920 = arith.constant 0 : i32
      %dma_start3A_921 = tpu.memref_slice %arg6[%add3A_914, %dma_start3A_920] : memref<40x128xi32, #tpu.memory_space<vmem>> -> memref<1x64xi32, #tpu.memory_space<vmem>>
      %dma_start3A_922 = tpu.memref_squeeze %dma_start3A_921 : memref<1x64xi32, #tpu.memory_space<vmem>> -> memref<64xi32, #tpu.memory_space<vmem>>
      %dma_start3A_923 = arith.constant 0 : i32
      %dma_start3A_924 = arith.constant 0 : i32
      %dma_start3A_925 = tpu.memref_slice %arg2[%dma_start3A_923, %dma_start3A_924] : memref<10000x128xf32, #tpu.memory_space<hbm>> -> memref<10000x128xf32, #tpu.memory_space<hbm>>
      tpu.enqueue_indirect_dma source(%dma_start3A_925 : memref<10000x128xf32, #tpu.memory_space<hbm>>) target(%dma_start3A_919 : memref<64x128xf32, #tpu.memory_space<vmem>>) offsets(%dma_start3A_922 : memref<64xi32, #tpu.memory_space<vmem>>) semaphore(%arg11 : memref<!tpu.dma_semaphore, #tpu.memory_space<semaphore_mem>>)
      %dma_wait3A_926 = arith.constant 1 : i32
      %dma_wait3A_927 = arith.constant 0 : i32
      %dma_wait3A_928 = arith.constant 0 : i32
      %dma_wait3A_929 = arith.constant 0 : i32
      %dma_wait3A_930 = tpu.memref_slice %arg8[%dma_wait3A_926, %dma_wait3A_928, %dma_wait3A_929] : memref<4x64x128xf32, #tpu.memory_space<vmem>> -> memref<1x64x128xf32, #tpu.memory_space<vmem>>
      %dma_wait3A_931 = tpu.memref_squeeze %dma_wait3A_930 : memref<1x64x128xf32, #tpu.memory_space<vmem>> -> memref<64x128xf32, #tpu.memory_space<vmem>>
      %dma_wait3A_932 = arith.constant 0 : i32
      %dma_wait3A_933 = tpu.memref_slice %arg7[%dma_wait3A_927, %dma_wait3A_932] : memref<40x128xi32, #tpu.memory_space<vmem>> -> memref<1x64xi32, #tpu.memory_space<vmem>>
      %dma_wait3A_934 = tpu.memref_squeeze %dma_wait3A_933 : memref<1x64xi32, #tpu.memory_space<vmem>> -> memref<64xi32, #tpu.memory_space<vmem>>
      %dma_wait3A_935 = arith.constant 0 : i32
      %dma_wait3A_936 = arith.constant 0 : i32
      %dma_wait3A_937 = tpu.memref_slice %arg10[%dma_wait3A_935, %dma_wait3A_936] : memref<10240x128xf32, #tpu.memory_space<vmem_shared>> -> memref<10240x128xf32, #tpu.memory_space<vmem_shared>>
      tpu.wait_indirect_dma semaphore(%arg16 : memref<!tpu.dma_semaphore, #tpu.memory_space<semaphore_mem>>) src(%dma_wait3A_931 : memref<64x128xf32, #tpu.memory_space<vmem>>) dst(%dma_wait3A_937 : memref<10240x128xf32, #tpu.memory_space<vmem_shared>>)
      %add3A_938 = arith.constant 1 : i32
      %add3A_939 = arith.addi %add3A_788, %add3A_938 : i32
      %mul3A_940 = arith.constant 2 : i32
      %mul3A_941 = arith.muli %mul3A_940, %add3A_939 : i32
      %add3A_942 = arith.constant 0 : i32
      %add3A_943 = arith.addi %mul3A_941, %add3A_942 : i32
      %dma_start3A_944 = arith.constant 1 : i32
      %dma_start3A_945 = arith.constant 0 : i32
      %dma_start3A_946 = arith.constant 0 : i32
      %dma_start3A_947 = tpu.memref_slice %arg8[%dma_start3A_944, %dma_start3A_945, %dma_start3A_946] : memref<4x64x128xf32, #tpu.memory_space<vmem>> -> memref<1x64x128xf32, #tpu.memory_space<vmem>>
      %dma_start3A_948 = tpu.memref_squeeze %dma_start3A_947 : memref<1x64x128xf32, #tpu.memory_space<vmem>> -> memref<64x128xf32, #tpu.memory_space<vmem>>
      %dma_start3A_949 = arith.constant 64 : i32
      %dma_start3A_950 = tpu.memref_slice %arg6[%add3A_943, %dma_start3A_949] : memref<40x128xi32, #tpu.memory_space<vmem>> -> memref<1x64xi32, #tpu.memory_space<vmem>>
      %dma_start3A_951 = tpu.memref_squeeze %dma_start3A_950 : memref<1x64xi32, #tpu.memory_space<vmem>> -> memref<64xi32, #tpu.memory_space<vmem>>
      %dma_start3A_952 = arith.constant 0 : i32
      %dma_start3A_953 = arith.constant 0 : i32
      %dma_start3A_954 = tpu.memref_slice %arg2[%dma_start3A_952, %dma_start3A_953] : memref<10000x128xf32, #tpu.memory_space<hbm>> -> memref<10000x128xf32, #tpu.memory_space<hbm>>
      tpu.enqueue_indirect_dma source(%dma_start3A_954 : memref<10000x128xf32, #tpu.memory_space<hbm>>) target(%dma_start3A_948 : memref<64x128xf32, #tpu.memory_space<vmem>>) offsets(%dma_start3A_951 : memref<64xi32, #tpu.memory_space<vmem>>) semaphore(%arg12 : memref<!tpu.dma_semaphore, #tpu.memory_space<semaphore_mem>>)
      %dma_wait3A_955 = arith.constant 2 : i32
      %dma_wait3A_956 = arith.constant 0 : i32
      %dma_wait3A_957 = arith.constant 0 : i32
      %dma_wait3A_958 = arith.constant 0 : i32
      %dma_wait3A_959 = tpu.memref_slice %arg8[%dma_wait3A_955, %dma_wait3A_957, %dma_wait3A_958] : memref<4x64x128xf32, #tpu.memory_space<vmem>> -> memref<1x64x128xf32, #tpu.memory_space<vmem>>
      %dma_wait3A_960 = tpu.memref_squeeze %dma_wait3A_959 : memref<1x64x128xf32, #tpu.memory_space<vmem>> -> memref<64x128xf32, #tpu.memory_space<vmem>>
      %dma_wait3A_961 = arith.constant 0 : i32
      %dma_wait3A_962 = tpu.memref_slice %arg7[%dma_wait3A_956, %dma_wait3A_961] : memref<40x128xi32, #tpu.memory_space<vmem>> -> memref<1x64xi32, #tpu.memory_space<vmem>>
      %dma_wait3A_963 = tpu.memref_squeeze %dma_wait3A_962 : memref<1x64xi32, #tpu.memory_space<vmem>> -> memref<64xi32, #tpu.memory_space<vmem>>
      %dma_wait3A_964 = arith.constant 0 : i32
      %dma_wait3A_965 = arith.constant 0 : i32
      %dma_wait3A_966 = tpu.memref_slice %arg10[%dma_wait3A_964, %dma_wait3A_965] : memref<10240x128xf32, #tpu.memory_space<vmem_shared>> -> memref<10240x128xf32, #tpu.memory_space<vmem_shared>>
      tpu.wait_indirect_dma semaphore(%arg17 : memref<!tpu.dma_semaphore, #tpu.memory_space<semaphore_mem>>) src(%dma_wait3A_960 : memref<64x128xf32, #tpu.memory_space<vmem>>) dst(%dma_wait3A_966 : memref<10240x128xf32, #tpu.memory_space<vmem_shared>>)
      %add3A_967 = arith.constant 1 : i32
      %add3A_968 = arith.addi %add3A_788, %add3A_967 : i32
      %mul3A_969 = arith.constant 2 : i32
      %mul3A_970 = arith.muli %mul3A_969, %add3A_968 : i32
      %add3A_971 = arith.constant 1 : i32
      %add3A_972 = arith.addi %mul3A_970, %add3A_971 : i32
      %dma_start3A_973 = arith.constant 2 : i32
      %dma_start3A_974 = arith.constant 0 : i32
      %dma_start3A_975 = arith.constant 0 : i32
      %dma_start3A_976 = tpu.memref_slice %arg8[%dma_start3A_973, %dma_start3A_974, %dma_start3A_975] : memref<4x64x128xf32, #tpu.memory_space<vmem>> -> memref<1x64x128xf32, #tpu.memory_space<vmem>>
      %dma_start3A_977 = tpu.memref_squeeze %dma_start3A_976 : memref<1x64x128xf32, #tpu.memory_space<vmem>> -> memref<64x128xf32, #tpu.memory_space<vmem>>
      %dma_start3A_978 = arith.constant 0 : i32
      %dma_start3A_979 = tpu.memref_slice %arg6[%add3A_972, %dma_start3A_978] : memref<40x128xi32, #tpu.memory_space<vmem>> -> memref<1x64xi32, #tpu.memory_space<vmem>>
      %dma_start3A_980 = tpu.memref_squeeze %dma_start3A_979 : memref<1x64xi32, #tpu.memory_space<vmem>> -> memref<64xi32, #tpu.memory_space<vmem>>
      %dma_start3A_981 = arith.constant 0 : i32
      %dma_start3A_982 = arith.constant 0 : i32
      %dma_start3A_983 = tpu.memref_slice %arg2[%dma_start3A_981, %dma_start3A_982] : memref<10000x128xf32, #tpu.memory_space<hbm>> -> memref<10000x128xf32, #tpu.memory_space<hbm>>
      tpu.enqueue_indirect_dma source(%dma_start3A_983 : memref<10000x128xf32, #tpu.memory_space<hbm>>) target(%dma_start3A_977 : memref<64x128xf32, #tpu.memory_space<vmem>>) offsets(%dma_start3A_980 : memref<64xi32, #tpu.memory_space<vmem>>) semaphore(%arg13 : memref<!tpu.dma_semaphore, #tpu.memory_space<semaphore_mem>>)
      %dma_wait3A_984 = arith.constant 3 : i32
      %dma_wait3A_985 = arith.constant 0 : i32
      %dma_wait3A_986 = arith.constant 0 : i32
      %dma_wait3A_987 = arith.constant 0 : i32
      %dma_wait3A_988 = tpu.memref_slice %arg8[%dma_wait3A_984, %dma_wait3A_986, %dma_wait3A_987] : memref<4x64x128xf32, #tpu.memory_space<vmem>> -> memref<1x64x128xf32, #tpu.memory_space<vmem>>
      %dma_wait3A_989 = tpu.memref_squeeze %dma_wait3A_988 : memref<1x64x128xf32, #tpu.memory_space<vmem>> -> memref<64x128xf32, #tpu.memory_space<vmem>>
      %dma_wait3A_990 = arith.constant 0 : i32
      %dma_wait3A_991 = tpu.memref_slice %arg7[%dma_wait3A_985, %dma_wait3A_990] : memref<40x128xi32, #tpu.memory_space<vmem>> -> memref<1x64xi32, #tpu.memory_space<vmem>>
      %dma_wait3A_992 = tpu.memref_squeeze %dma_wait3A_991 : memref<1x64xi32, #tpu.memory_space<vmem>> -> memref<64xi32, #tpu.memory_space<vmem>>
      %dma_wait3A_993 = arith.constant 0 : i32
      %dma_wait3A_994 = arith.constant 0 : i32
      %dma_wait3A_995 = tpu.memref_slice %arg10[%dma_wait3A_993, %dma_wait3A_994] : memref<10240x128xf32, #tpu.memory_space<vmem_shared>> -> memref<10240x128xf32, #tpu.memory_space<vmem_shared>>
      tpu.wait_indirect_dma semaphore(%arg18 : memref<!tpu.dma_semaphore, #tpu.memory_space<semaphore_mem>>) src(%dma_wait3A_989 : memref<64x128xf32, #tpu.memory_space<vmem>>) dst(%dma_wait3A_995 : memref<10240x128xf32, #tpu.memory_space<vmem_shared>>)
      %add3A_996 = arith.constant 1 : i32
      %add3A_997 = arith.addi %add3A_788, %add3A_996 : i32
      %mul3A_998 = arith.constant 2 : i32
      %mul3A_999 = arith.muli %mul3A_998, %add3A_997 : i32
      %add3A_1000 = arith.constant 1 : i32
      %add3A_1001 = arith.addi %mul3A_999, %add3A_1000 : i32
      %dma_start3A_1002 = arith.constant 3 : i32
      %dma_start3A_1003 = arith.constant 0 : i32
      %dma_start3A_1004 = arith.constant 0 : i32
      %dma_start3A_1005 = tpu.memref_slice %arg8[%dma_start3A_1002, %dma_start3A_1003, %dma_start3A_1004] : memref<4x64x128xf32, #tpu.memory_space<vmem>> -> memref<1x64x128xf32, #tpu.memory_space<vmem>>
      %dma_start3A_1006 = tpu.memref_squeeze %dma_start3A_1005 : memref<1x64x128xf32, #tpu.memory_space<vmem>> -> memref<64x128xf32, #tpu.memory_space<vmem>>
      %dma_start3A_1007 = arith.constant 64 : i32
      %dma_start3A_1008 = tpu.memref_slice %arg6[%add3A_1001, %dma_start3A_1007] : memref<40x128xi32, #tpu.memory_space<vmem>> -> memref<1x64xi32, #tpu.memory_space<vmem>>
      %dma_start3A_1009 = tpu.memref_squeeze %dma_start3A_1008 : memref<1x64xi32, #tpu.memory_space<vmem>> -> memref<64xi32, #tpu.memory_space<vmem>>
      %dma_start3A_1010 = arith.constant 0 : i32
      %dma_start3A_1011 = arith.constant 0 : i32
      %dma_start3A_1012 = tpu.memref_slice %arg2[%dma_start3A_1010, %dma_start3A_1011] : memref<10000x128xf32, #tpu.memory_space<hbm>> -> memref<10000x128xf32, #tpu.memory_space<hbm>>
      tpu.enqueue_indirect_dma source(%dma_start3A_1012 : memref<10000x128xf32, #tpu.memory_space<hbm>>) target(%dma_start3A_1006 : memref<64x128xf32, #tpu.memory_space<vmem>>) offsets(%dma_start3A_1009 : memref<64xi32, #tpu.memory_space<vmem>>) semaphore(%arg14 : memref<!tpu.dma_semaphore, #tpu.memory_space<semaphore_mem>>)
    }
    %scan3A_548 = arith.constant 19 : i32
    %dma_wait3A_549 = arith.constant 0 : i32
    %dma_wait3A_550 = arith.constant 0 : i32
    %dma_wait3A_551 = arith.constant 0 : i32
    %dma_wait3A_552 = arith.constant 0 : i32
    %dma_wait3A_553 = tpu.memref_slice %arg8[%dma_wait3A_550, %dma_wait3A_551, %dma_wait3A_552] : memref<4x64x128xf32, #tpu.memory_space<vmem>> -> memref<1x64x128xf32, #tpu.memory_space<vmem>>
    %dma_wait3A_554 = tpu.memref_squeeze %dma_wait3A_553 : memref<1x64x128xf32, #tpu.memory_space<vmem>> -> memref<64x128xf32, #tpu.memory_space<vmem>>
    %dma_wait3A_555 = arith.constant 0 : i32
    %dma_wait3A_556 = tpu.memref_slice %arg6[%dma_wait3A_549, %dma_wait3A_555] : memref<40x128xi32, #tpu.memory_space<vmem>> -> memref<1x64xi32, #tpu.memory_space<vmem>>
    %dma_wait3A_557 = tpu.memref_squeeze %dma_wait3A_556 : memref<1x64xi32, #tpu.memory_space<vmem>> -> memref<64xi32, #tpu.memory_space<vmem>>
    %dma_wait3A_558 = arith.constant 0 : i32
    %dma_wait3A_559 = arith.constant 0 : i32
    %dma_wait3A_560 = tpu.memref_slice %arg2[%dma_wait3A_558, %dma_wait3A_559] : memref<10000x128xf32, #tpu.memory_space<hbm>> -> memref<10000x128xf32, #tpu.memory_space<hbm>>
    tpu.wait_indirect_dma semaphore(%arg11 : memref<!tpu.dma_semaphore, #tpu.memory_space<semaphore_mem>>) src(%dma_wait3A_560 : memref<10000x128xf32, #tpu.memory_space<hbm>>) dst(%dma_wait3A_554 : memref<64x128xf32, #tpu.memory_space<vmem>>)
    %dma_start3A_561 = arith.constant 0 : i32
    %dma_start3A_562 = arith.constant 38 : i32
    %dma_start3A_563 = arith.constant 0 : i32
    %dma_start3A_564 = arith.constant 0 : i32
    %dma_start3A_565 = tpu.memref_slice %arg8[%dma_start3A_561, %dma_start3A_563, %dma_start3A_564] : memref<4x64x128xf32, #tpu.memory_space<vmem>> -> memref<1x64x128xf32, #tpu.memory_space<vmem>>
    %dma_start3A_566 = tpu.memref_squeeze %dma_start3A_565 : memref<1x64x128xf32, #tpu.memory_space<vmem>> -> memref<64x128xf32, #tpu.memory_space<vmem>>
    %dma_start3A_567 = arith.constant 0 : i32
    %dma_start3A_568 = tpu.memref_slice %arg7[%dma_start3A_562, %dma_start3A_567] : memref<40x128xi32, #tpu.memory_space<vmem>> -> memref<1x64xi32, #tpu.memory_space<vmem>>
    %dma_start3A_569 = tpu.memref_squeeze %dma_start3A_568 : memref<1x64xi32, #tpu.memory_space<vmem>> -> memref<64xi32, #tpu.memory_space<vmem>>
    %dma_start3A_570 = arith.constant 0 : i32
    %dma_start3A_571 = arith.constant 0 : i32
    %dma_start3A_572 = tpu.memref_slice %arg10[%dma_start3A_570, %dma_start3A_571] : memref<10240x128xf32, #tpu.memory_space<vmem_shared>> -> memref<10240x128xf32, #tpu.memory_space<vmem_shared>>
    tpu.enqueue_indirect_dma source(%dma_start3A_566 : memref<64x128xf32, #tpu.memory_space<vmem>>) target(%dma_start3A_572 : memref<10240x128xf32, #tpu.memory_space<vmem_shared>>) offsets(%dma_start3A_569 : memref<64xi32, #tpu.memory_space<vmem>>) semaphore(%arg15 : memref<!tpu.dma_semaphore, #tpu.memory_space<semaphore_mem>>) {add = true}
    %dma_wait3A_573 = arith.constant 0 : i32
    %dma_wait3A_574 = arith.constant 1 : i32
    %dma_wait3A_575 = arith.constant 0 : i32
    %dma_wait3A_576 = arith.constant 0 : i32
    %dma_wait3A_577 = tpu.memref_slice %arg8[%dma_wait3A_574, %dma_wait3A_575, %dma_wait3A_576] : memref<4x64x128xf32, #tpu.memory_space<vmem>> -> memref<1x64x128xf32, #tpu.memory_space<vmem>>
    %dma_wait3A_578 = tpu.memref_squeeze %dma_wait3A_577 : memref<1x64x128xf32, #tpu.memory_space<vmem>> -> memref<64x128xf32, #tpu.memory_space<vmem>>
    %dma_wait3A_579 = arith.constant 0 : i32
    %dma_wait3A_580 = tpu.memref_slice %arg6[%dma_wait3A_573, %dma_wait3A_579] : memref<40x128xi32, #tpu.memory_space<vmem>> -> memref<1x64xi32, #tpu.memory_space<vmem>>
    %dma_wait3A_581 = tpu.memref_squeeze %dma_wait3A_580 : memref<1x64xi32, #tpu.memory_space<vmem>> -> memref<64xi32, #tpu.memory_space<vmem>>
    %dma_wait3A_582 = arith.constant 0 : i32
    %dma_wait3A_583 = arith.constant 0 : i32
    %dma_wait3A_584 = tpu.memref_slice %arg2[%dma_wait3A_582, %dma_wait3A_583] : memref<10000x128xf32, #tpu.memory_space<hbm>> -> memref<10000x128xf32, #tpu.memory_space<hbm>>
    tpu.wait_indirect_dma semaphore(%arg12 : memref<!tpu.dma_semaphore, #tpu.memory_space<semaphore_mem>>) src(%dma_wait3A_584 : memref<10000x128xf32, #tpu.memory_space<hbm>>) dst(%dma_wait3A_578 : memref<64x128xf32, #tpu.memory_space<vmem>>)
    %dma_start3A_585 = arith.constant 1 : i32
    %dma_start3A_586 = arith.constant 38 : i32
    %dma_start3A_587 = arith.constant 0 : i32
    %dma_start3A_588 = arith.constant 0 : i32
    %dma_start3A_589 = tpu.memref_slice %arg8[%dma_start3A_585, %dma_start3A_587, %dma_start3A_588] : memref<4x64x128xf32, #tpu.memory_space<vmem>> -> memref<1x64x128xf32, #tpu.memory_space<vmem>>
    %dma_start3A_590 = tpu.memref_squeeze %dma_start3A_589 : memref<1x64x128xf32, #tpu.memory_space<vmem>> -> memref<64x128xf32, #tpu.memory_space<vmem>>
    %dma_start3A_591 = arith.constant 64 : i32
    %dma_start3A_592 = tpu.memref_slice %arg7[%dma_start3A_586, %dma_start3A_591] : memref<40x128xi32, #tpu.memory_space<vmem>> -> memref<1x64xi32, #tpu.memory_space<vmem>>
    %dma_start3A_593 = tpu.memref_squeeze %dma_start3A_592 : memref<1x64xi32, #tpu.memory_space<vmem>> -> memref<64xi32, #tpu.memory_space<vmem>>
    %dma_start3A_594 = arith.constant 0 : i32
    %dma_start3A_595 = arith.constant 0 : i32
    %dma_start3A_596 = tpu.memref_slice %arg10[%dma_start3A_594, %dma_start3A_595] : memref<10240x128xf32, #tpu.memory_space<vmem_shared>> -> memref<10240x128xf32, #tpu.memory_space<vmem_shared>>
    tpu.enqueue_indirect_dma source(%dma_start3A_590 : memref<64x128xf32, #tpu.memory_space<vmem>>) target(%dma_start3A_596 : memref<10240x128xf32, #tpu.memory_space<vmem_shared>>) offsets(%dma_start3A_593 : memref<64xi32, #tpu.memory_space<vmem>>) semaphore(%arg16 : memref<!tpu.dma_semaphore, #tpu.memory_space<semaphore_mem>>) {add = true}
    %dma_wait3A_597 = arith.constant 0 : i32
    %dma_wait3A_598 = arith.constant 2 : i32
    %dma_wait3A_599 = arith.constant 0 : i32
    %dma_wait3A_600 = arith.constant 0 : i32
    %dma_wait3A_601 = tpu.memref_slice %arg8[%dma_wait3A_598, %dma_wait3A_599, %dma_wait3A_600] : memref<4x64x128xf32, #tpu.memory_space<vmem>> -> memref<1x64x128xf32, #tpu.memory_space<vmem>>
    %dma_wait3A_602 = tpu.memref_squeeze %dma_wait3A_601 : memref<1x64x128xf32, #tpu.memory_space<vmem>> -> memref<64x128xf32, #tpu.memory_space<vmem>>
    %dma_wait3A_603 = arith.constant 0 : i32
    %dma_wait3A_604 = tpu.memref_slice %arg6[%dma_wait3A_597, %dma_wait3A_603] : memref<40x128xi32, #tpu.memory_space<vmem>> -> memref<1x64xi32, #tpu.memory_space<vmem>>
    %dma_wait3A_605 = tpu.memref_squeeze %dma_wait3A_604 : memref<1x64xi32, #tpu.memory_space<vmem>> -> memref<64xi32, #tpu.memory_space<vmem>>
    %dma_wait3A_606 = arith.constant 0 : i32
    %dma_wait3A_607 = arith.constant 0 : i32
    %dma_wait3A_608 = tpu.memref_slice %arg2[%dma_wait3A_606, %dma_wait3A_607] : memref<10000x128xf32, #tpu.memory_space<hbm>> -> memref<10000x128xf32, #tpu.memory_space<hbm>>
    tpu.wait_indirect_dma semaphore(%arg13 : memref<!tpu.dma_semaphore, #tpu.memory_space<semaphore_mem>>) src(%dma_wait3A_608 : memref<10000x128xf32, #tpu.memory_space<hbm>>) dst(%dma_wait3A_602 : memref<64x128xf32, #tpu.memory_space<vmem>>)
    %dma_start3A_609 = arith.constant 2 : i32
    %dma_start3A_610 = arith.constant 39 : i32
    %dma_start3A_611 = arith.constant 0 : i32
    %dma_start3A_612 = arith.constant 0 : i32
    %dma_start3A_613 = tpu.memref_slice %arg8[%dma_start3A_609, %dma_start3A_611, %dma_start3A_612] : memref<4x64x128xf32, #tpu.memory_space<vmem>> -> memref<1x64x128xf32, #tpu.memory_space<vmem>>
    %dma_start3A_614 = tpu.memref_squeeze %dma_start3A_613 : memref<1x64x128xf32, #tpu.memory_space<vmem>> -> memref<64x128xf32, #tpu.memory_space<vmem>>
    %dma_start3A_615 = arith.constant 0 : i32
    %dma_start3A_616 = tpu.memref_slice %arg7[%dma_start3A_610, %dma_start3A_615] : memref<40x128xi32, #tpu.memory_space<vmem>> -> memref<1x64xi32, #tpu.memory_space<vmem>>
    %dma_start3A_617 = tpu.memref_squeeze %dma_start3A_616 : memref<1x64xi32, #tpu.memory_space<vmem>> -> memref<64xi32, #tpu.memory_space<vmem>>
    %dma_start3A_618 = arith.constant 0 : i32
    %dma_start3A_619 = arith.constant 0 : i32
    %dma_start3A_620 = tpu.memref_slice %arg10[%dma_start3A_618, %dma_start3A_619] : memref<10240x128xf32, #tpu.memory_space<vmem_shared>> -> memref<10240x128xf32, #tpu.memory_space<vmem_shared>>
    tpu.enqueue_indirect_dma source(%dma_start3A_614 : memref<64x128xf32, #tpu.memory_space<vmem>>) target(%dma_start3A_620 : memref<10240x128xf32, #tpu.memory_space<vmem_shared>>) offsets(%dma_start3A_617 : memref<64xi32, #tpu.memory_space<vmem>>) semaphore(%arg17 : memref<!tpu.dma_semaphore, #tpu.memory_space<semaphore_mem>>) {add = true}
    %dma_wait3A_621 = arith.constant 0 : i32
    %dma_wait3A_622 = arith.constant 3 : i32
    %dma_wait3A_623 = arith.constant 0 : i32
    %dma_wait3A_624 = arith.constant 0 : i32
    %dma_wait3A_625 = tpu.memref_slice %arg8[%dma_wait3A_622, %dma_wait3A_623, %dma_wait3A_624] : memref<4x64x128xf32, #tpu.memory_space<vmem>> -> memref<1x64x128xf32, #tpu.memory_space<vmem>>
    %dma_wait3A_626 = tpu.memref_squeeze %dma_wait3A_625 : memref<1x64x128xf32, #tpu.memory_space<vmem>> -> memref<64x128xf32, #tpu.memory_space<vmem>>
    %dma_wait3A_627 = arith.constant 0 : i32
    %dma_wait3A_628 = tpu.memref_slice %arg6[%dma_wait3A_621, %dma_wait3A_627] : memref<40x128xi32, #tpu.memory_space<vmem>> -> memref<1x64xi32, #tpu.memory_space<vmem>>
    %dma_wait3A_629 = tpu.memref_squeeze %dma_wait3A_628 : memref<1x64xi32, #tpu.memory_space<vmem>> -> memref<64xi32, #tpu.memory_space<vmem>>
    %dma_wait3A_630 = arith.constant 0 : i32
    %dma_wait3A_631 = arith.constant 0 : i32
    %dma_wait3A_632 = tpu.memref_slice %arg2[%dma_wait3A_630, %dma_wait3A_631] : memref<10000x128xf32, #tpu.memory_space<hbm>> -> memref<10000x128xf32, #tpu.memory_space<hbm>>
    tpu.wait_indirect_dma semaphore(%arg14 : memref<!tpu.dma_semaphore, #tpu.memory_space<semaphore_mem>>) src(%dma_wait3A_632 : memref<10000x128xf32, #tpu.memory_space<hbm>>) dst(%dma_wait3A_626 : memref<64x128xf32, #tpu.memory_space<vmem>>)
    %dma_start3A_633 = arith.constant 3 : i32
    %dma_start3A_634 = arith.constant 39 : i32
    %dma_start3A_635 = arith.constant 0 : i32
    %dma_start3A_636 = arith.constant 0 : i32
    %dma_start3A_637 = tpu.memref_slice %arg8[%dma_start3A_633, %dma_start3A_635, %dma_start3A_636] : memref<4x64x128xf32, #tpu.memory_space<vmem>> -> memref<1x64x128xf32, #tpu.memory_space<vmem>>
    %dma_start3A_638 = tpu.memref_squeeze %dma_start3A_637 : memref<1x64x128xf32, #tpu.memory_space<vmem>> -> memref<64x128xf32, #tpu.memory_space<vmem>>
    %dma_start3A_639 = arith.constant 64 : i32
    %dma_start3A_640 = tpu.memref_slice %arg7[%dma_start3A_634, %dma_start3A_639] : memref<40x128xi32, #tpu.memory_space<vmem>> -> memref<1x64xi32, #tpu.memory_space<vmem>>
    %dma_start3A_641 = tpu.memref_squeeze %dma_start3A_640 : memref<1x64xi32, #tpu.memory_space<vmem>> -> memref<64xi32, #tpu.memory_space<vmem>>
    %dma_start3A_642 = arith.constant 0 : i32
    %dma_start3A_643 = arith.constant 0 : i32
    %dma_start3A_644 = tpu.memref_slice %arg10[%dma_start3A_642, %dma_start3A_643] : memref<10240x128xf32, #tpu.memory_space<vmem_shared>> -> memref<10240x128xf32, #tpu.memory_space<vmem_shared>>
    tpu.enqueue_indirect_dma source(%dma_start3A_638 : memref<64x128xf32, #tpu.memory_space<vmem>>) target(%dma_start3A_644 : memref<10240x128xf32, #tpu.memory_space<vmem_shared>>) offsets(%dma_start3A_641 : memref<64xi32, #tpu.memory_space<vmem>>) semaphore(%arg18 : memref<!tpu.dma_semaphore, #tpu.memory_space<semaphore_mem>>) {add = true}
    %dma_wait3A_645 = arith.constant 0 : i32
    %dma_wait3A_646 = arith.constant 0 : i32
    %dma_wait3A_647 = arith.constant 0 : i32
    %dma_wait3A_648 = arith.constant 0 : i32
    %dma_wait3A_649 = tpu.memref_slice %arg8[%dma_wait3A_645, %dma_wait3A_647, %dma_wait3A_648] : memref<4x64x128xf32, #tpu.memory_space<vmem>> -> memref<1x64x128xf32, #tpu.memory_space<vmem>>
    %dma_wait3A_650 = tpu.memref_squeeze %dma_wait3A_649 : memref<1x64x128xf32, #tpu.memory_space<vmem>> -> memref<64x128xf32, #tpu.memory_space<vmem>>
    %dma_wait3A_651 = arith.constant 0 : i32
    %dma_wait3A_652 = tpu.memref_slice %arg7[%dma_wait3A_646, %dma_wait3A_651] : memref<40x128xi32, #tpu.memory_space<vmem>> -> memref<1x64xi32, #tpu.memory_space<vmem>>
    %dma_wait3A_653 = tpu.memref_squeeze %dma_wait3A_652 : memref<1x64xi32, #tpu.memory_space<vmem>> -> memref<64xi32, #tpu.memory_space<vmem>>
    %dma_wait3A_654 = arith.constant 0 : i32
    %dma_wait3A_655 = arith.constant 0 : i32
    %dma_wait3A_656 = tpu.memref_slice %arg10[%dma_wait3A_654, %dma_wait3A_655] : memref<10240x128xf32, #tpu.memory_space<vmem_shared>> -> memref<10240x128xf32, #tpu.memory_space<vmem_shared>>
    tpu.wait_indirect_dma semaphore(%arg15 : memref<!tpu.dma_semaphore, #tpu.memory_space<semaphore_mem>>) src(%dma_wait3A_650 : memref<64x128xf32, #tpu.memory_space<vmem>>) dst(%dma_wait3A_656 : memref<10240x128xf32, #tpu.memory_space<vmem_shared>>)
    %dma_wait3A_657 = arith.constant 1 : i32
    %dma_wait3A_658 = arith.constant 0 : i32
    %dma_wait3A_659 = arith.constant 0 : i32
    %dma_wait3A_660 = arith.constant 0 : i32
    %dma_wait3A_661 = tpu.memref_slice %arg8[%dma_wait3A_657, %dma_wait3A_659, %dma_wait3A_660] : memref<4x64x128xf32, #tpu.memory_space<vmem>> -> memref<1x64x128xf32, #tpu.memory_space<vmem>>
    %dma_wait3A_662 = tpu.memref_squeeze %dma_wait3A_661 : memref<1x64x128xf32, #tpu.memory_space<vmem>> -> memref<64x128xf32, #tpu.memory_space<vmem>>
    %dma_wait3A_663 = arith.constant 0 : i32
    %dma_wait3A_664 = tpu.memref_slice %arg7[%dma_wait3A_658, %dma_wait3A_663] : memref<40x128xi32, #tpu.memory_space<vmem>> -> memref<1x64xi32, #tpu.memory_space<vmem>>
    %dma_wait3A_665 = tpu.memref_squeeze %dma_wait3A_664 : memref<1x64xi32, #tpu.memory_space<vmem>> -> memref<64xi32, #tpu.memory_space<vmem>>
    %dma_wait3A_666 = arith.constant 0 : i32
    %dma_wait3A_667 = arith.constant 0 : i32
    %dma_wait3A_668 = tpu.memref_slice %arg10[%dma_wait3A_666, %dma_wait3A_667] : memref<10240x128xf32, #tpu.memory_space<vmem_shared>> -> memref<10240x128xf32, #tpu.memory_space<vmem_shared>>
    tpu.wait_indirect_dma semaphore(%arg16 : memref<!tpu.dma_semaphore, #tpu.memory_space<semaphore_mem>>) src(%dma_wait3A_662 : memref<64x128xf32, #tpu.memory_space<vmem>>) dst(%dma_wait3A_668 : memref<10240x128xf32, #tpu.memory_space<vmem_shared>>)
    %dma_wait3A_669 = arith.constant 2 : i32
    %dma_wait3A_670 = arith.constant 0 : i32
    %dma_wait3A_671 = arith.constant 0 : i32
    %dma_wait3A_672 = arith.constant 0 : i32
    %dma_wait3A_673 = tpu.memref_slice %arg8[%dma_wait3A_669, %dma_wait3A_671, %dma_wait3A_672] : memref<4x64x128xf32, #tpu.memory_space<vmem>> -> memref<1x64x128xf32, #tpu.memory_space<vmem>>
    %dma_wait3A_674 = tpu.memref_squeeze %dma_wait3A_673 : memref<1x64x128xf32, #tpu.memory_space<vmem>> -> memref<64x128xf32, #tpu.memory_space<vmem>>
    %dma_wait3A_675 = arith.constant 0 : i32
    %dma_wait3A_676 = tpu.memref_slice %arg7[%dma_wait3A_670, %dma_wait3A_675] : memref<40x128xi32, #tpu.memory_space<vmem>> -> memref<1x64xi32, #tpu.memory_space<vmem>>
    %dma_wait3A_677 = tpu.memref_squeeze %dma_wait3A_676 : memref<1x64xi32, #tpu.memory_space<vmem>> -> memref<64xi32, #tpu.memory_space<vmem>>
    %dma_wait3A_678 = arith.constant 0 : i32
    %dma_wait3A_679 = arith.constant 0 : i32
    %dma_wait3A_680 = tpu.memref_slice %arg10[%dma_wait3A_678, %dma_wait3A_679] : memref<10240x128xf32, #tpu.memory_space<vmem_shared>> -> memref<10240x128xf32, #tpu.memory_space<vmem_shared>>
    tpu.wait_indirect_dma semaphore(%arg17 : memref<!tpu.dma_semaphore, #tpu.memory_space<semaphore_mem>>) src(%dma_wait3A_674 : memref<64x128xf32, #tpu.memory_space<vmem>>) dst(%dma_wait3A_680 : memref<10240x128xf32, #tpu.memory_space<vmem_shared>>)
    %dma_wait3A_681 = arith.constant 3 : i32
    %dma_wait3A_682 = arith.constant 0 : i32
    %dma_wait3A_683 = arith.constant 0 : i32
    %dma_wait3A_684 = arith.constant 0 : i32
    %dma_wait3A_685 = tpu.memref_slice %arg8[%dma_wait3A_681, %dma_wait3A_683, %dma_wait3A_684] : memref<4x64x128xf32, #tpu.memory_space<vmem>> -> memref<1x64x128xf32, #tpu.memory_space<vmem>>
    %dma_wait3A_686 = tpu.memref_squeeze %dma_wait3A_685 : memref<1x64x128xf32, #tpu.memory_space<vmem>> -> memref<64x128xf32, #tpu.memory_space<vmem>>
    %dma_wait3A_687 = arith.constant 0 : i32
    %dma_wait3A_688 = tpu.memref_slice %arg7[%dma_wait3A_682, %dma_wait3A_687] : memref<40x128xi32, #tpu.memory_space<vmem>> -> memref<1x64xi32, #tpu.memory_space<vmem>>
    %dma_wait3A_689 = tpu.memref_squeeze %dma_wait3A_688 : memref<1x64xi32, #tpu.memory_space<vmem>> -> memref<64xi32, #tpu.memory_space<vmem>>
    %dma_wait3A_690 = arith.constant 0 : i32
    %dma_wait3A_691 = arith.constant 0 : i32
    %dma_wait3A_692 = tpu.memref_slice %arg10[%dma_wait3A_690, %dma_wait3A_691] : memref<10240x128xf32, #tpu.memory_space<vmem_shared>> -> memref<10240x128xf32, #tpu.memory_space<vmem_shared>>
    tpu.wait_indirect_dma semaphore(%arg18 : memref<!tpu.dma_semaphore, #tpu.memory_space<semaphore_mem>>) src(%dma_wait3A_686 : memref<64x128xf32, #tpu.memory_space<vmem>>) dst(%dma_wait3A_692 : memref<10240x128xf32, #tpu.memory_space<vmem_shared>>)
    %barrier3A_693 = arith.constant 0 : index
    tpu.barrier barrier_id(%barrier3A_693)
    %mul3A_694 = arith.constant 640 : i32
    %mul3A_695 = arith.muli %arg1, %mul3A_694 : i32
    %add3A_696 = arith.constant 0 : i32
    %add3A_697 = arith.addi %mul3A_695, %add3A_696 : i32
    %dma_start3A_698 = arith.constant 0 : i32
    %dma_start3A_699 = tpu.memref_slice %arg5[%arg0, %add3A_697, %dma_start3A_698] : memref<2x10240x128xf32, #tpu.memory_space<hbm>> -> memref<1x128x128xf32, #tpu.memory_space<hbm>>
    %dma_start3A_700 = tpu.memref_squeeze %dma_start3A_699 : memref<1x128x128xf32, #tpu.memory_space<hbm>> -> memref<128x128xf32, #tpu.memory_space<hbm>>
    %dma_start3A_701 = arith.constant 0 : i32
    %dma_start3A_702 = tpu.memref_slice %arg10[%add3A_697, %dma_start3A_701] : memref<10240x128xf32, #tpu.memory_space<vmem_shared>> -> memref<128x128xf32, #tpu.memory_space<vmem_shared>>
    tpu.enqueue_dma source(%dma_start3A_702 : memref<128x128xf32, #tpu.memory_space<vmem_shared>>) target(%dma_start3A_700 : memref<128x128xf32, #tpu.memory_space<hbm>>) target_semaphore(%arg11 : memref<!tpu.dma_semaphore, #tpu.memory_space<semaphore_mem>>)
    %mul3A_703 = arith.constant 640 : i32
    %mul3A_704 = arith.muli %arg1, %mul3A_703 : i32
    %add3A_705 = arith.constant 128 : i32
    %add3A_706 = arith.addi %mul3A_704, %add3A_705 : i32
    %dma_start3A_707 = arith.constant 0 : i32
    %dma_start3A_708 = tpu.memref_slice %arg5[%arg0, %add3A_706, %dma_start3A_707] : memref<2x10240x128xf32, #tpu.memory_space<hbm>> -> memref<1x128x128xf32, #tpu.memory_space<hbm>>
    %dma_start3A_709 = tpu.memref_squeeze %dma_start3A_708 : memref<1x128x128xf32, #tpu.memory_space<hbm>> -> memref<128x128xf32, #tpu.memory_space<hbm>>
    %dma_start3A_710 = arith.constant 0 : i32
    %dma_start3A_711 = tpu.memref_slice %arg10[%add3A_706, %dma_start3A_710] : memref<10240x128xf32, #tpu.memory_space<vmem_shared>> -> memref<128x128xf32, #tpu.memory_space<vmem_shared>>
    tpu.enqueue_dma source(%dma_start3A_711 : memref<128x128xf32, #tpu.memory_space<vmem_shared>>) target(%dma_start3A_709 : memref<128x128xf32, #tpu.memory_space<hbm>>) target_semaphore(%arg11 : memref<!tpu.dma_semaphore, #tpu.memory_space<semaphore_mem>>)
    %mul3A_712 = arith.constant 640 : i32
    %mul3A_713 = arith.muli %arg1, %mul3A_712 : i32
    %add3A_714 = arith.constant 256 : i32
    %add3A_715 = arith.addi %mul3A_713, %add3A_714 : i32
    %dma_start3A_716 = arith.constant 0 : i32
    %dma_start3A_717 = tpu.memref_slice %arg5[%arg0, %add3A_715, %dma_start3A_716] : memref<2x10240x128xf32, #tpu.memory_space<hbm>> -> memref<1x128x128xf32, #tpu.memory_space<hbm>>
    %dma_start3A_718 = tpu.memref_squeeze %dma_start3A_717 : memref<1x128x128xf32, #tpu.memory_space<hbm>> -> memref<128x128xf32, #tpu.memory_space<hbm>>
    %dma_start3A_719 = arith.constant 0 : i32
    %dma_start3A_720 = tpu.memref_slice %arg10[%add3A_715, %dma_start3A_719] : memref<10240x128xf32, #tpu.memory_space<vmem_shared>> -> memref<128x128xf32, #tpu.memory_space<vmem_shared>>
    tpu.enqueue_dma source(%dma_start3A_720 : memref<128x128xf32, #tpu.memory_space<vmem_shared>>) target(%dma_start3A_718 : memref<128x128xf32, #tpu.memory_space<hbm>>) target_semaphore(%arg11 : memref<!tpu.dma_semaphore, #tpu.memory_space<semaphore_mem>>)
    %mul3A_721 = arith.constant 640 : i32
    %mul3A_722 = arith.muli %arg1, %mul3A_721 : i32
    %add3A_723 = arith.constant 384 : i32
    %add3A_724 = arith.addi %mul3A_722, %add3A_723 : i32
    %dma_start3A_725 = arith.constant 0 : i32
    %dma_start3A_726 = tpu.memref_slice %arg5[%arg0, %add3A_724, %dma_start3A_725] : memref<2x10240x128xf32, #tpu.memory_space<hbm>> -> memref<1x128x128xf32, #tpu.memory_space<hbm>>
    %dma_start3A_727 = tpu.memref_squeeze %dma_start3A_726 : memref<1x128x128xf32, #tpu.memory_space<hbm>> -> memref<128x128xf32, #tpu.memory_space<hbm>>
    %dma_start3A_728 = arith.constant 0 : i32
    %dma_start3A_729 = tpu.memref_slice %arg10[%add3A_724, %dma_start3A_728] : memref<10240x128xf32, #tpu.memory_space<vmem_shared>> -> memref<128x128xf32, #tpu.memory_space<vmem_shared>>
    tpu.enqueue_dma source(%dma_start3A_729 : memref<128x128xf32, #tpu.memory_space<vmem_shared>>) target(%dma_start3A_727 : memref<128x128xf32, #tpu.memory_space<hbm>>) target_semaphore(%arg11 : memref<!tpu.dma_semaphore, #tpu.memory_space<semaphore_mem>>)
    %mul3A_730 = arith.constant 640 : i32
    %mul3A_731 = arith.muli %arg1, %mul3A_730 : i32
    %add3A_732 = arith.constant 512 : i32
    %add3A_733 = arith.addi %mul3A_731, %add3A_732 : i32
    %dma_start3A_734 = arith.constant 0 : i32
    %dma_start3A_735 = tpu.memref_slice %arg5[%arg0, %add3A_733, %dma_start3A_734] : memref<2x10240x128xf32, #tpu.memory_space<hbm>> -> memref<1x128x128xf32, #tpu.memory_space<hbm>>
    %dma_start3A_736 = tpu.memref_squeeze %dma_start3A_735 : memref<1x128x128xf32, #tpu.memory_space<hbm>> -> memref<128x128xf32, #tpu.memory_space<hbm>>
    %dma_start3A_737 = arith.constant 0 : i32
    %dma_start3A_738 = tpu.memref_slice %arg10[%add3A_733, %dma_start3A_737] : memref<10240x128xf32, #tpu.memory_space<vmem_shared>> -> memref<128x128xf32, #tpu.memory_space<vmem_shared>>
    tpu.enqueue_dma source(%dma_start3A_738 : memref<128x128xf32, #tpu.memory_space<vmem_shared>>) target(%dma_start3A_736 : memref<128x128xf32, #tpu.memory_space<hbm>>) target_semaphore(%arg11 : memref<!tpu.dma_semaphore, #tpu.memory_space<semaphore_mem>>)
    %mul3A_739 = arith.constant 640 : i32
    %mul3A_740 = arith.muli %arg1, %mul3A_739 : i32
    %mul3A_741 = arith.constant 640 : i32
    %mul3A_742 = arith.muli %arg1, %mul3A_741 : i32
    %dma_wait3A_743 = arith.constant 0 : i32
    %dma_wait3A_744 = tpu.memref_slice %arg5[%arg0, %mul3A_742, %dma_wait3A_743] : memref<2x10240x128xf32, #tpu.memory_space<hbm>> -> memref<1x128x128xf32, #tpu.memory_space<hbm>>
    %dma_wait3A_745 = tpu.memref_squeeze %dma_wait3A_744 : memref<1x128x128xf32, #tpu.memory_space<hbm>> -> memref<128x128xf32, #tpu.memory_space<hbm>>
    %dma_wait3A_746 = arith.constant 0 : i32
    %dma_wait3A_747 = tpu.memref_slice %arg10[%mul3A_740, %dma_wait3A_746] : memref<10240x128xf32, #tpu.memory_space<vmem_shared>> -> memref<128x128xf32, #tpu.memory_space<vmem_shared>>
    tpu.wait_dma2 semaphore(%arg11 : memref<!tpu.dma_semaphore, #tpu.memory_space<semaphore_mem>>) src(%dma_wait3A_747 : memref<128x128xf32, #tpu.memory_space<vmem_shared>>) dst(%dma_wait3A_745 : memref<128x128xf32, #tpu.memory_space<hbm>>)
    %mul3A_748 = arith.constant 640 : i32
    %mul3A_749 = arith.muli %arg1, %mul3A_748 : i32
    %mul3A_750 = arith.constant 640 : i32
    %mul3A_751 = arith.muli %arg1, %mul3A_750 : i32
    %dma_wait3A_752 = arith.constant 0 : i32
    %dma_wait3A_753 = tpu.memref_slice %arg5[%arg0, %mul3A_751, %dma_wait3A_752] : memref<2x10240x128xf32, #tpu.memory_space<hbm>> -> memref<1x128x128xf32, #tpu.memory_space<hbm>>
    %dma_wait3A_754 = tpu.memref_squeeze %dma_wait3A_753 : memref<1x128x128xf32, #tpu.memory_space<hbm>> -> memref<128x128xf32, #tpu.memory_space<hbm>>
    %dma_wait3A_755 = arith.constant 0 : i32
    %dma_wait3A_756 = tpu.memref_slice %arg10[%mul3A_749, %dma_wait3A_755] : memref<10240x128xf32, #tpu.memory_space<vmem_shared>> -> memref<128x128xf32, #tpu.memory_space<vmem_shared>>
    tpu.wait_dma2 semaphore(%arg11 : memref<!tpu.dma_semaphore, #tpu.memory_space<semaphore_mem>>) src(%dma_wait3A_756 : memref<128x128xf32, #tpu.memory_space<vmem_shared>>) dst(%dma_wait3A_754 : memref<128x128xf32, #tpu.memory_space<hbm>>)
    %mul3A_757 = arith.constant 640 : i32
    %mul3A_758 = arith.muli %arg1, %mul3A_757 : i32
    %mul3A_759 = arith.constant 640 : i32
    %mul3A_760 = arith.muli %arg1, %mul3A_759 : i32
    %dma_wait3A_761 = arith.constant 0 : i32
    %dma_wait3A_762 = tpu.memref_slice %arg5[%arg0, %mul3A_760, %dma_wait3A_761] : memref<2x10240x128xf32, #tpu.memory_space<hbm>> -> memref<1x128x128xf32, #tpu.memory_space<hbm>>
    %dma_wait3A_763 = tpu.memref_squeeze %dma_wait3A_762 : memref<1x128x128xf32, #tpu.memory_space<hbm>> -> memref<128x128xf32, #tpu.memory_space<hbm>>
    %dma_wait3A_764 = arith.constant 0 : i32
    %dma_wait3A_765 = tpu.memref_slice %arg10[%mul3A_758, %dma_wait3A_764] : memref<10240x128xf32, #tpu.memory_space<vmem_shared>> -> memref<128x128xf32, #tpu.memory_space<vmem_shared>>
    tpu.wait_dma2 semaphore(%arg11 : memref<!tpu.dma_semaphore, #tpu.memory_space<semaphore_mem>>) src(%dma_wait3A_765 : memref<128x128xf32, #tpu.memory_space<vmem_shared>>) dst(%dma_wait3A_763 : memref<128x128xf32, #tpu.memory_space<hbm>>)
    %mul3A_766 = arith.constant 640 : i32
    %mul3A_767 = arith.muli %arg1, %mul3A_766 : i32
    %mul3A_768 = arith.constant 640 : i32
    %mul3A_769 = arith.muli %arg1, %mul3A_768 : i32
    %dma_wait3A_770 = arith.constant 0 : i32
    %dma_wait3A_771 = tpu.memref_slice %arg5[%arg0, %mul3A_769, %dma_wait3A_770] : memref<2x10240x128xf32, #tpu.memory_space<hbm>> -> memref<1x128x128xf32, #tpu.memory_space<hbm>>
    %dma_wait3A_772 = tpu.memref_squeeze %dma_wait3A_771 : memref<1x128x128xf32, #tpu.memory_space<hbm>> -> memref<128x128xf32, #tpu.memory_space<hbm>>
    %dma_wait3A_773 = arith.constant 0 : i32
    %dma_wait3A_774 = tpu.memref_slice %arg10[%mul3A_767, %dma_wait3A_773] : memref<10240x128xf32, #tpu.memory_space<vmem_shared>> -> memref<128x128xf32, #tpu.memory_space<vmem_shared>>
    tpu.wait_dma2 semaphore(%arg11 : memref<!tpu.dma_semaphore, #tpu.memory_space<semaphore_mem>>) src(%dma_wait3A_774 : memref<128x128xf32, #tpu.memory_space<vmem_shared>>) dst(%dma_wait3A_772 : memref<128x128xf32, #tpu.memory_space<hbm>>)
    %mul3A_775 = arith.constant 640 : i32
    %mul3A_776 = arith.muli %arg1, %mul3A_775 : i32
    %mul3A_777 = arith.constant 640 : i32
    %mul3A_778 = arith.muli %arg1, %mul3A_777 : i32
    %dma_wait3A_779 = arith.constant 0 : i32
    %dma_wait3A_780 = tpu.memref_slice %arg5[%arg0, %mul3A_778, %dma_wait3A_779] : memref<2x10240x128xf32, #tpu.memory_space<hbm>> -> memref<1x128x128xf32, #tpu.memory_space<hbm>>
    %dma_wait3A_781 = tpu.memref_squeeze %dma_wait3A_780 : memref<1x128x128xf32, #tpu.memory_space<hbm>> -> memref<128x128xf32, #tpu.memory_space<hbm>>
    %dma_wait3A_782 = arith.constant 0 : i32
    %dma_wait3A_783 = tpu.memref_slice %arg10[%mul3A_776, %dma_wait3A_782] : memref<10240x128xf32, #tpu.memory_space<vmem_shared>> -> memref<128x128xf32, #tpu.memory_space<vmem_shared>>
    tpu.wait_dma2 semaphore(%arg11 : memref<!tpu.dma_semaphore, #tpu.memory_space<semaphore_mem>>) src(%dma_wait3A_783 : memref<128x128xf32, #tpu.memory_space<vmem_shared>>) dst(%dma_wait3A_781 : memref<128x128xf32, #tpu.memory_space<hbm>>)
    return
  }
}

#map = affine_map<(d0, d1) -> (0, 0)>
#map1 = affine_map<(d0, d1) -> (0, 0, 0)>
module attributes {stable_mosaic.version = 14 : i64} {
  func.func @_agg_body(%arg0: i32, %arg1: i32, %arg2: memref<10000x128xf32, #tpu.memory_space<hbm>>, %arg3: memref<64x40x128xi32, #tpu.memory_space<hbm>>, %arg4: memref<64x40x128xi32, #tpu.memory_space<hbm>>, %arg5: memref<2x10240x128xf32, #tpu.memory_space<hbm>>, %arg6: memref<40x128xi32, #tpu.memory_space<vmem>>, %arg7: memref<40x128xi32, #tpu.memory_space<vmem>>, %arg8: memref<4x64x128xf32, #tpu.memory_space<vmem>>, %arg9: memref<32x128xf32, #tpu.memory_space<vmem>>, %arg10: memref<10240x128xf32, #tpu.memory_space<vmem_shared>>, %arg11: memref<!tpu.dma_semaphore, #tpu.memory_space<semaphore_mem>>, %arg12: memref<!tpu.dma_semaphore, #tpu.memory_space<semaphore_mem>>, %arg13: memref<!tpu.dma_semaphore, #tpu.memory_space<semaphore_mem>>, %arg14: memref<!tpu.dma_semaphore, #tpu.memory_space<semaphore_mem>>, %arg15: memref<!tpu.dma_semaphore, #tpu.memory_space<semaphore_mem>>, %arg16: memref<!tpu.dma_semaphore, #tpu.memory_space<semaphore_mem>>, %arg17: memref<!tpu.dma_semaphore, #tpu.memory_space<semaphore_mem>>, %arg18: memref<!tpu.dma_semaphore, #tpu.memory_space<semaphore_mem>>) attributes {dimension_semantics = [#tpu.dimension_semantics<core_parallel>, #tpu.dimension_semantics<subcore_parallel>], iteration_bounds = array<i64: 2, 16>, scalar_prefetch = 0 : i64, scratch_operands = 13 : i64, tpu.core_type = #tpu.core_type<sc_vector_subcore>, window_params = [{transform_indices = #map}, {transform_indices = #map1}, {transform_indices = #map1}, {transform_indices = #map1}]} {
    %mul3A = arith.constant 16 : i32
    %mul3A_0 = arith.muli %arg0, %mul3A : i32
    %add3A = arith.addi %mul3A_0, %arg1 : i32
    "tpu.region"() ({
      %run_scoped3A = tpu.sem_alloc : memref<!tpu.dma_semaphore, #tpu.memory_space<semaphore_mem>>
      %dma_start3A_784 = arith.constant 0 : i32
      %dma_start3A_785 = arith.constant 0 : i32
      %dma_start3A_786 = tpu.memref_slice %arg3[%add3A, %dma_start3A_784, %dma_start3A_785] : memref<64x40x128xi32, #tpu.memory_space<hbm>> -> memref<1x40x128xi32, #tpu.memory_space<hbm>>
      %dma_start3A_787 = tpu.memref_squeeze %dma_start3A_786 : memref<1x40x128xi32, #tpu.memory_space<hbm>> -> memref<40x128xi32, #tpu.memory_space<hbm>>
      %dma_start3A_788 = arith.constant 0 : i32
      %dma_start3A_789 = arith.constant 0 : i32
      %dma_start3A_790 = tpu.memref_slice %arg3[%add3A, %dma_start3A_788, %dma_start3A_789] : memref<64x40x128xi32, #tpu.memory_space<hbm>> -> memref<1x40x128xi32, #tpu.memory_space<hbm>>
      %dma_start3A_791 = tpu.memref_squeeze %dma_start3A_790 : memref<1x40x128xi32, #tpu.memory_space<hbm>> -> memref<40x128xi32, #tpu.memory_space<hbm>>
      tpu.enqueue_dma source(%dma_start3A_791 : memref<40x128xi32, #tpu.memory_space<hbm>>) target(%arg6 : memref<40x128xi32, #tpu.memory_space<vmem>>) target_semaphore(%run_scoped3A : memref<!tpu.dma_semaphore, #tpu.memory_space<semaphore_mem>>)
      %dma_wait3A_792 = arith.constant 0 : i32
      %dma_wait3A_793 = arith.constant 0 : i32
      %dma_wait3A_794 = tpu.memref_slice %arg3[%add3A, %dma_wait3A_792, %dma_wait3A_793] : memref<64x40x128xi32, #tpu.memory_space<hbm>> -> memref<1x40x128xi32, #tpu.memory_space<hbm>>
      %dma_wait3A_795 = tpu.memref_squeeze %dma_wait3A_794 : memref<1x40x128xi32, #tpu.memory_space<hbm>> -> memref<40x128xi32, #tpu.memory_space<hbm>>
      %dma_wait3A_796 = arith.constant 0 : i32
      %dma_wait3A_797 = arith.constant 0 : i32
      %dma_wait3A_798 = tpu.memref_slice %arg3[%add3A, %dma_wait3A_796, %dma_wait3A_797] : memref<64x40x128xi32, #tpu.memory_space<hbm>> -> memref<1x40x128xi32, #tpu.memory_space<hbm>>
      %dma_wait3A_799 = tpu.memref_squeeze %dma_wait3A_798 : memref<1x40x128xi32, #tpu.memory_space<hbm>> -> memref<40x128xi32, #tpu.memory_space<hbm>>
      tpu.wait_dma2 semaphore(%run_scoped3A : memref<!tpu.dma_semaphore, #tpu.memory_space<semaphore_mem>>) src(%dma_wait3A_799 : memref<40x128xi32, #tpu.memory_space<hbm>>) dst(%arg6 : memref<40x128xi32, #tpu.memory_space<vmem>>)
      tpu.yield
    }) : () -> ()
    "tpu.region"() ({
      %run_scoped3A = tpu.sem_alloc : memref<!tpu.dma_semaphore, #tpu.memory_space<semaphore_mem>>
      %dma_start3A_784 = arith.constant 0 : i32
      %dma_start3A_785 = arith.constant 0 : i32
      %dma_start3A_786 = tpu.memref_slice %arg4[%add3A, %dma_start3A_784, %dma_start3A_785] : memref<64x40x128xi32, #tpu.memory_space<hbm>> -> memref<1x40x128xi32, #tpu.memory_space<hbm>>
      %dma_start3A_787 = tpu.memref_squeeze %dma_start3A_786 : memref<1x40x128xi32, #tpu.memory_space<hbm>> -> memref<40x128xi32, #tpu.memory_space<hbm>>
      %dma_start3A_788 = arith.constant 0 : i32
      %dma_start3A_789 = arith.constant 0 : i32
      %dma_start3A_790 = tpu.memref_slice %arg4[%add3A, %dma_start3A_788, %dma_start3A_789] : memref<64x40x128xi32, #tpu.memory_space<hbm>> -> memref<1x40x128xi32, #tpu.memory_space<hbm>>
      %dma_start3A_791 = tpu.memref_squeeze %dma_start3A_790 : memref<1x40x128xi32, #tpu.memory_space<hbm>> -> memref<40x128xi32, #tpu.memory_space<hbm>>
      tpu.enqueue_dma source(%dma_start3A_791 : memref<40x128xi32, #tpu.memory_space<hbm>>) target(%arg7 : memref<40x128xi32, #tpu.memory_space<vmem>>) target_semaphore(%run_scoped3A : memref<!tpu.dma_semaphore, #tpu.memory_space<semaphore_mem>>)
      %dma_wait3A_792 = arith.constant 0 : i32
      %dma_wait3A_793 = arith.constant 0 : i32
      %dma_wait3A_794 = tpu.memref_slice %arg4[%add3A, %dma_wait3A_792, %dma_wait3A_793] : memref<64x40x128xi32, #tpu.memory_space<hbm>> -> memref<1x40x128xi32, #tpu.memory_space<hbm>>
      %dma_wait3A_795 = tpu.memref_squeeze %dma_wait3A_794 : memref<1x40x128xi32, #tpu.memory_space<hbm>> -> memref<40x128xi32, #tpu.memory_space<hbm>>
      %dma_wait3A_796 = arith.constant 0 : i32
      %dma_wait3A_797 = arith.constant 0 : i32
      %dma_wait3A_798 = tpu.memref_slice %arg4[%add3A, %dma_wait3A_796, %dma_wait3A_797] : memref<64x40x128xi32, #tpu.memory_space<hbm>> -> memref<1x40x128xi32, #tpu.memory_space<hbm>>
      %dma_wait3A_799 = tpu.memref_squeeze %dma_wait3A_798 : memref<1x40x128xi32, #tpu.memory_space<hbm>> -> memref<40x128xi32, #tpu.memory_space<hbm>>
      tpu.wait_dma2 semaphore(%run_scoped3A : memref<!tpu.dma_semaphore, #tpu.memory_space<semaphore_mem>>) src(%dma_wait3A_799 : memref<40x128xi32, #tpu.memory_space<hbm>>) dst(%arg7 : memref<40x128xi32, #tpu.memory_space<vmem>>)
      tpu.yield
    }) : () -> ()
    %scan3A = arith.constant 0 : i32
    %scan3A_1 = arith.constant 32 : i32
    %scan3A_2 = arith.addi %scan3A, %scan3A_1 : i32
    %scan3A_3 = arith.constant 1 : i32
    scf.for %scan3A_784 = %scan3A to %scan3A_2 step %scan3A_3  : i32 {
      %mul3A_785 = arith.constant 1 : i32
      %mul3A_786 = arith.muli %scan3A_784, %mul3A_785 : i32
      %add3A_787 = arith.constant 0 : i32
      %add3A_788 = arith.addi %add3A_787, %mul3A_786 : i32
      %broadcast_in_dim3A = arith.constant 0.000000e+00 : f32
      %broadcast_in_dim3A_789 = vector.broadcast %broadcast_in_dim3A : f32 to vector<16xf32>
      %swap3A = arith.index_cast %add3A_788 : i32 to index
      %swap3A_790 = arith.constant 0 : index
      %swap3A_791 = tpu.vector_load %arg9[%swap3A, %swap3A_790] {strides = array<i32>} : memref<32x128xf32, #tpu.memory_space<vmem>>, vector<1x16xf32>,
      %swap3A_792 = vector.shape_cast %swap3A_791 : vector<1x16xf32> to vector<16xf32>
      %swap3A_793 = vector.shape_cast %broadcast_in_dim3A_789 : vector<16xf32> to vector<1x16xf32>
      tpu.vector_store %arg9[%swap3A, %swap3A_790], %swap3A_793 {strides = array<i32>} : memref<32x128xf32, #tpu.memory_space<vmem>>, vector<1x16xf32>,
      %broadcast_in_dim3A_794 = arith.constant 0.000000e+00 : f32
      %broadcast_in_dim3A_795 = vector.broadcast %broadcast_in_dim3A_794 : f32 to vector<16xf32>
      %swap3A_796 = arith.index_cast %add3A_788 : i32 to index
      %swap3A_797 = arith.constant 16 : index
      %swap3A_798 = tpu.vector_load %arg9[%swap3A_796, %swap3A_797] {strides = array<i32>} : memref<32x128xf32, #tpu.memory_space<vmem>>, vector<1x16xf32>,
      %swap3A_799 = vector.shape_cast %swap3A_798 : vector<1x16xf32> to vector<16xf32>
      %swap3A_800 = vector.shape_cast %broadcast_in_dim3A_795 : vector<16xf32> to vector<1x16xf32>
      tpu.vector_store %arg9[%swap3A_796, %swap3A_797], %swap3A_800 {strides = array<i32>} : memref<32x128xf32, #tpu.memory_space<vmem>>, vector<1x16xf32>,
      %broadcast_in_dim3A_801 = arith.constant 0.000000e+00 : f32
      %broadcast_in_dim3A_802 = vector.broadcast %broadcast_in_dim3A_801 : f32 to vector<16xf32>
      %swap3A_803 = arith.index_cast %add3A_788 : i32 to index
      %swap3A_804 = arith.constant 32 : index
      %swap3A_805 = tpu.vector_load %arg9[%swap3A_803, %swap3A_804] {strides = array<i32>} : memref<32x128xf32, #tpu.memory_space<vmem>>, vector<1x16xf32>,
      %swap3A_806 = vector.shape_cast %swap3A_805 : vector<1x16xf32> to vector<16xf32>
      %swap3A_807 = vector.shape_cast %broadcast_in_dim3A_802 : vector<16xf32> to vector<1x16xf32>
      tpu.vector_store %arg9[%swap3A_803, %swap3A_804], %swap3A_807 {strides = array<i32>} : memref<32x128xf32, #tpu.memory_space<vmem>>, vector<1x16xf32>,
      %broadcast_in_dim3A_808 = arith.constant 0.000000e+00 : f32
      %broadcast_in_dim3A_809 = vector.broadcast %broadcast_in_dim3A_808 : f32 to vector<16xf32>
      %swap3A_810 = arith.index_cast %add3A_788 : i32 to index
      %swap3A_811 = arith.constant 48 : index
      %swap3A_812 = tpu.vector_load %arg9[%swap3A_810, %swap3A_811] {strides = array<i32>} : memref<32x128xf32, #tpu.memory_space<vmem>>, vector<1x16xf32>,
      %swap3A_813 = vector.shape_cast %swap3A_812 : vector<1x16xf32> to vector<16xf32>
      %swap3A_814 = vector.shape_cast %broadcast_in_dim3A_809 : vector<16xf32> to vector<1x16xf32>
      tpu.vector_store %arg9[%swap3A_810, %swap3A_811], %swap3A_814 {strides = array<i32>} : memref<32x128xf32, #tpu.memory_space<vmem>>, vector<1x16xf32>,
      %broadcast_in_dim3A_815 = arith.constant 0.000000e+00 : f32
      %broadcast_in_dim3A_816 = vector.broadcast %broadcast_in_dim3A_815 : f32 to vector<16xf32>
      %swap3A_817 = arith.index_cast %add3A_788 : i32 to index
      %swap3A_818 = arith.constant 64 : index
      %swap3A_819 = tpu.vector_load %arg9[%swap3A_817, %swap3A_818] {strides = array<i32>} : memref<32x128xf32, #tpu.memory_space<vmem>>, vector<1x16xf32>,
      %swap3A_820 = vector.shape_cast %swap3A_819 : vector<1x16xf32> to vector<16xf32>
      %swap3A_821 = vector.shape_cast %broadcast_in_dim3A_816 : vector<16xf32> to vector<1x16xf32>
      tpu.vector_store %arg9[%swap3A_817, %swap3A_818], %swap3A_821 {strides = array<i32>} : memref<32x128xf32, #tpu.memory_space<vmem>>, vector<1x16xf32>,
      %broadcast_in_dim3A_822 = arith.constant 0.000000e+00 : f32
      %broadcast_in_dim3A_823 = vector.broadcast %broadcast_in_dim3A_822 : f32 to vector<16xf32>
      %swap3A_824 = arith.index_cast %add3A_788 : i32 to index
      %swap3A_825 = arith.constant 80 : index
      %swap3A_826 = tpu.vector_load %arg9[%swap3A_824, %swap3A_825] {strides = array<i32>} : memref<32x128xf32, #tpu.memory_space<vmem>>, vector<1x16xf32>,
      %swap3A_827 = vector.shape_cast %swap3A_826 : vector<1x16xf32> to vector<16xf32>
      %swap3A_828 = vector.shape_cast %broadcast_in_dim3A_823 : vector<16xf32> to vector<1x16xf32>
      tpu.vector_store %arg9[%swap3A_824, %swap3A_825], %swap3A_828 {strides = array<i32>} : memref<32x128xf32, #tpu.memory_space<vmem>>, vector<1x16xf32>,
      %broadcast_in_dim3A_829 = arith.constant 0.000000e+00 : f32
      %broadcast_in_dim3A_830 = vector.broadcast %broadcast_in_dim3A_829 : f32 to vector<16xf32>
      %swap3A_831 = arith.index_cast %add3A_788 : i32 to index
      %swap3A_832 = arith.constant 96 : index
      %swap3A_833 = tpu.vector_load %arg9[%swap3A_831, %swap3A_832] {strides = array<i32>} : memref<32x128xf32, #tpu.memory_space<vmem>>, vector<1x16xf32>,
      %swap3A_834 = vector.shape_cast %swap3A_833 : vector<1x16xf32> to vector<16xf32>
      %swap3A_835 = vector.shape_cast %broadcast_in_dim3A_830 : vector<16xf32> to vector<1x16xf32>
      tpu.vector_store %arg9[%swap3A_831, %swap3A_832], %swap3A_835 {strides = array<i32>} : memref<32x128xf32, #tpu.memory_space<vmem>>, vector<1x16xf32>,
      %broadcast_in_dim3A_836 = arith.constant 0.000000e+00 : f32
      %broadcast_in_dim3A_837 = vector.broadcast %broadcast_in_dim3A_836 : f32 to vector<16xf32>
      %swap3A_838 = arith.index_cast %add3A_788 : i32 to index
      %swap3A_839 = arith.constant 112 : index
      %swap3A_840 = tpu.vector_load %arg9[%swap3A_838, %swap3A_839] {strides = array<i32>} : memref<32x128xf32, #tpu.memory_space<vmem>>, vector<1x16xf32>,
      %swap3A_841 = vector.shape_cast %swap3A_840 : vector<1x16xf32> to vector<16xf32>
      %swap3A_842 = vector.shape_cast %broadcast_in_dim3A_837 : vector<16xf32> to vector<1x16xf32>
      tpu.vector_store %arg9[%swap3A_838, %swap3A_839], %swap3A_842 {strides = array<i32>} : memref<32x128xf32, #tpu.memory_space<vmem>>, vector<1x16xf32>,
    }
    %scan3A_4 = arith.constant 32 : i32
    %mul3A_5 = arith.constant 640 : i32
    %mul3A_6 = arith.muli %arg1, %mul3A_5 : i32
    %add3A_7 = arith.constant 0 : i32
    %add3A_8 = arith.addi %mul3A_6, %add3A_7 : i32
    %dma_start3A = arith.constant 0 : i32
    %dma_start3A_9 = tpu.memref_slice %arg10[%add3A_8, %dma_start3A] : memref<10240x128xf32, #tpu.memory_space<vmem_shared>> -> memref<32x128xf32, #tpu.memory_space<vmem_shared>>
    %dma_start3A_10 = arith.constant 0 : i32
    %dma_start3A_11 = tpu.memref_slice %arg10[%add3A_8, %dma_start3A_10] : memref<10240x128xf32, #tpu.memory_space<vmem_shared>> -> memref<32x128xf32, #tpu.memory_space<vmem_shared>>
    tpu.enqueue_dma source(%arg9 : memref<32x128xf32, #tpu.memory_space<vmem>>) target(%dma_start3A_11 : memref<32x128xf32, #tpu.memory_space<vmem_shared>>) target_semaphore(%arg11 : memref<!tpu.dma_semaphore, #tpu.memory_space<semaphore_mem>>)
    %mul3A_12 = arith.constant 640 : i32
    %mul3A_13 = arith.muli %arg1, %mul3A_12 : i32
    %add3A_14 = arith.constant 32 : i32
    %add3A_15 = arith.addi %mul3A_13, %add3A_14 : i32
    %dma_start3A_16 = arith.constant 0 : i32
    %dma_start3A_17 = tpu.memref_slice %arg10[%add3A_15, %dma_start3A_16] : memref<10240x128xf32, #tpu.memory_space<vmem_shared>> -> memref<32x128xf32, #tpu.memory_space<vmem_shared>>
    %dma_start3A_18 = arith.constant 0 : i32
    %dma_start3A_19 = tpu.memref_slice %arg10[%add3A_15, %dma_start3A_18] : memref<10240x128xf32, #tpu.memory_space<vmem_shared>> -> memref<32x128xf32, #tpu.memory_space<vmem_shared>>
    tpu.enqueue_dma source(%arg9 : memref<32x128xf32, #tpu.memory_space<vmem>>) target(%dma_start3A_19 : memref<32x128xf32, #tpu.memory_space<vmem_shared>>) target_semaphore(%arg11 : memref<!tpu.dma_semaphore, #tpu.memory_space<semaphore_mem>>)
    %mul3A_20 = arith.constant 640 : i32
    %mul3A_21 = arith.muli %arg1, %mul3A_20 : i32
    %add3A_22 = arith.constant 64 : i32
    %add3A_23 = arith.addi %mul3A_21, %add3A_22 : i32
    %dma_start3A_24 = arith.constant 0 : i32
    %dma_start3A_25 = tpu.memref_slice %arg10[%add3A_23, %dma_start3A_24] : memref<10240x128xf32, #tpu.memory_space<vmem_shared>> -> memref<32x128xf32, #tpu.memory_space<vmem_shared>>
    %dma_start3A_26 = arith.constant 0 : i32
    %dma_start3A_27 = tpu.memref_slice %arg10[%add3A_23, %dma_start3A_26] : memref<10240x128xf32, #tpu.memory_space<vmem_shared>> -> memref<32x128xf32, #tpu.memory_space<vmem_shared>>
    tpu.enqueue_dma source(%arg9 : memref<32x128xf32, #tpu.memory_space<vmem>>) target(%dma_start3A_27 : memref<32x128xf32, #tpu.memory_space<vmem_shared>>) target_semaphore(%arg11 : memref<!tpu.dma_semaphore, #tpu.memory_space<semaphore_mem>>)
    %mul3A_28 = arith.constant 640 : i32
    %mul3A_29 = arith.muli %arg1, %mul3A_28 : i32
    %add3A_30 = arith.constant 96 : i32
    %add3A_31 = arith.addi %mul3A_29, %add3A_30 : i32
    %dma_start3A_32 = arith.constant 0 : i32
    %dma_start3A_33 = tpu.memref_slice %arg10[%add3A_31, %dma_start3A_32] : memref<10240x128xf32, #tpu.memory_space<vmem_shared>> -> memref<32x128xf32, #tpu.memory_space<vmem_shared>>
    %dma_start3A_34 = arith.constant 0 : i32
    %dma_start3A_35 = tpu.memref_slice %arg10[%add3A_31, %dma_start3A_34] : memref<10240x128xf32, #tpu.memory_space<vmem_shared>> -> memref<32x128xf32, #tpu.memory_space<vmem_shared>>
    tpu.enqueue_dma source(%arg9 : memref<32x128xf32, #tpu.memory_space<vmem>>) target(%dma_start3A_35 : memref<32x128xf32, #tpu.memory_space<vmem_shared>>) target_semaphore(%arg11 : memref<!tpu.dma_semaphore, #tpu.memory_space<semaphore_mem>>)
    %mul3A_36 = arith.constant 640 : i32
    %mul3A_37 = arith.muli %arg1, %mul3A_36 : i32
    %add3A_38 = arith.constant 128 : i32
    %add3A_39 = arith.addi %mul3A_37, %add3A_38 : i32
    %dma_start3A_40 = arith.constant 0 : i32
    %dma_start3A_41 = tpu.memref_slice %arg10[%add3A_39, %dma_start3A_40] : memref<10240x128xf32, #tpu.memory_space<vmem_shared>> -> memref<32x128xf32, #tpu.memory_space<vmem_shared>>
    %dma_start3A_42 = arith.constant 0 : i32
    %dma_start3A_43 = tpu.memref_slice %arg10[%add3A_39, %dma_start3A_42] : memref<10240x128xf32, #tpu.memory_space<vmem_shared>> -> memref<32x128xf32, #tpu.memory_space<vmem_shared>>
    tpu.enqueue_dma source(%arg9 : memref<32x128xf32, #tpu.memory_space<vmem>>) target(%dma_start3A_43 : memref<32x128xf32, #tpu.memory_space<vmem_shared>>) target_semaphore(%arg11 : memref<!tpu.dma_semaphore, #tpu.memory_space<semaphore_mem>>)
    %mul3A_44 = arith.constant 640 : i32
    %mul3A_45 = arith.muli %arg1, %mul3A_44 : i32
    %add3A_46 = arith.constant 160 : i32
    %add3A_47 = arith.addi %mul3A_45, %add3A_46 : i32
    %dma_start3A_48 = arith.constant 0 : i32
    %dma_start3A_49 = tpu.memref_slice %arg10[%add3A_47, %dma_start3A_48] : memref<10240x128xf32, #tpu.memory_space<vmem_shared>> -> memref<32x128xf32, #tpu.memory_space<vmem_shared>>
    %dma_start3A_50 = arith.constant 0 : i32
    %dma_start3A_51 = tpu.memref_slice %arg10[%add3A_47, %dma_start3A_50] : memref<10240x128xf32, #tpu.memory_space<vmem_shared>> -> memref<32x128xf32, #tpu.memory_space<vmem_shared>>
    tpu.enqueue_dma source(%arg9 : memref<32x128xf32, #tpu.memory_space<vmem>>) target(%dma_start3A_51 : memref<32x128xf32, #tpu.memory_space<vmem_shared>>) target_semaphore(%arg11 : memref<!tpu.dma_semaphore, #tpu.memory_space<semaphore_mem>>)
    %mul3A_52 = arith.constant 640 : i32
    %mul3A_53 = arith.muli %arg1, %mul3A_52 : i32
    %add3A_54 = arith.constant 192 : i32
    %add3A_55 = arith.addi %mul3A_53, %add3A_54 : i32
    %dma_start3A_56 = arith.constant 0 : i32
    %dma_start3A_57 = tpu.memref_slice %arg10[%add3A_55, %dma_start3A_56] : memref<10240x128xf32, #tpu.memory_space<vmem_shared>> -> memref<32x128xf32, #tpu.memory_space<vmem_shared>>
    %dma_start3A_58 = arith.constant 0 : i32
    %dma_start3A_59 = tpu.memref_slice %arg10[%add3A_55, %dma_start3A_58] : memref<10240x128xf32, #tpu.memory_space<vmem_shared>> -> memref<32x128xf32, #tpu.memory_space<vmem_shared>>
    tpu.enqueue_dma source(%arg9 : memref<32x128xf32, #tpu.memory_space<vmem>>) target(%dma_start3A_59 : memref<32x128xf32, #tpu.memory_space<vmem_shared>>) target_semaphore(%arg11 : memref<!tpu.dma_semaphore, #tpu.memory_space<semaphore_mem>>)
    %mul3A_60 = arith.constant 640 : i32
    %mul3A_61 = arith.muli %arg1, %mul3A_60 : i32
    %add3A_62 = arith.constant 224 : i32
    %add3A_63 = arith.addi %mul3A_61, %add3A_62 : i32
    %dma_start3A_64 = arith.constant 0 : i32
    %dma_start3A_65 = tpu.memref_slice %arg10[%add3A_63, %dma_start3A_64] : memref<10240x128xf32, #tpu.memory_space<vmem_shared>> -> memref<32x128xf32, #tpu.memory_space<vmem_shared>>
    %dma_start3A_66 = arith.constant 0 : i32
    %dma_start3A_67 = tpu.memref_slice %arg10[%add3A_63, %dma_start3A_66] : memref<10240x128xf32, #tpu.memory_space<vmem_shared>> -> memref<32x128xf32, #tpu.memory_space<vmem_shared>>
    tpu.enqueue_dma source(%arg9 : memref<32x128xf32, #tpu.memory_space<vmem>>) target(%dma_start3A_67 : memref<32x128xf32, #tpu.memory_space<vmem_shared>>) target_semaphore(%arg11 : memref<!tpu.dma_semaphore, #tpu.memory_space<semaphore_mem>>)
    %mul3A_68 = arith.constant 640 : i32
    %mul3A_69 = arith.muli %arg1, %mul3A_68 : i32
    %add3A_70 = arith.constant 256 : i32
    %add3A_71 = arith.addi %mul3A_69, %add3A_70 : i32
    %dma_start3A_72 = arith.constant 0 : i32
    %dma_start3A_73 = tpu.memref_slice %arg10[%add3A_71, %dma_start3A_72] : memref<10240x128xf32, #tpu.memory_space<vmem_shared>> -> memref<32x128xf32, #tpu.memory_space<vmem_shared>>
    %dma_start3A_74 = arith.constant 0 : i32
    %dma_start3A_75 = tpu.memref_slice %arg10[%add3A_71, %dma_start3A_74] : memref<10240x128xf32, #tpu.memory_space<vmem_shared>> -> memref<32x128xf32, #tpu.memory_space<vmem_shared>>
    tpu.enqueue_dma source(%arg9 : memref<32x128xf32, #tpu.memory_space<vmem>>) target(%dma_start3A_75 : memref<32x128xf32, #tpu.memory_space<vmem_shared>>) target_semaphore(%arg11 : memref<!tpu.dma_semaphore, #tpu.memory_space<semaphore_mem>>)
    %mul3A_76 = arith.constant 640 : i32
    %mul3A_77 = arith.muli %arg1, %mul3A_76 : i32
    %add3A_78 = arith.constant 288 : i32
    %add3A_79 = arith.addi %mul3A_77, %add3A_78 : i32
    %dma_start3A_80 = arith.constant 0 : i32
    %dma_start3A_81 = tpu.memref_slice %arg10[%add3A_79, %dma_start3A_80] : memref<10240x128xf32, #tpu.memory_space<vmem_shared>> -> memref<32x128xf32, #tpu.memory_space<vmem_shared>>
    %dma_start3A_82 = arith.constant 0 : i32
    %dma_start3A_83 = tpu.memref_slice %arg10[%add3A_79, %dma_start3A_82] : memref<10240x128xf32, #tpu.memory_space<vmem_shared>> -> memref<32x128xf32, #tpu.memory_space<vmem_shared>>
    tpu.enqueue_dma source(%arg9 : memref<32x128xf32, #tpu.memory_space<vmem>>) target(%dma_start3A_83 : memref<32x128xf32, #tpu.memory_space<vmem_shared>>) target_semaphore(%arg11 : memref<!tpu.dma_semaphore, #tpu.memory_space<semaphore_mem>>)
    %mul3A_84 = arith.constant 640 : i32
    %mul3A_85 = arith.muli %arg1, %mul3A_84 : i32
    %add3A_86 = arith.constant 320 : i32
    %add3A_87 = arith.addi %mul3A_85, %add3A_86 : i32
    %dma_start3A_88 = arith.constant 0 : i32
    %dma_start3A_89 = tpu.memref_slice %arg10[%add3A_87, %dma_start3A_88] : memref<10240x128xf32, #tpu.memory_space<vmem_shared>> -> memref<32x128xf32, #tpu.memory_space<vmem_shared>>
    %dma_start3A_90 = arith.constant 0 : i32
    %dma_start3A_91 = tpu.memref_slice %arg10[%add3A_87, %dma_start3A_90] : memref<10240x128xf32, #tpu.memory_space<vmem_shared>> -> memref<32x128xf32, #tpu.memory_space<vmem_shared>>
    tpu.enqueue_dma source(%arg9 : memref<32x128xf32, #tpu.memory_space<vmem>>) target(%dma_start3A_91 : memref<32x128xf32, #tpu.memory_space<vmem_shared>>) target_semaphore(%arg11 : memref<!tpu.dma_semaphore, #tpu.memory_space<semaphore_mem>>)
    %mul3A_92 = arith.constant 640 : i32
    %mul3A_93 = arith.muli %arg1, %mul3A_92 : i32
    %add3A_94 = arith.constant 352 : i32
    %add3A_95 = arith.addi %mul3A_93, %add3A_94 : i32
    %dma_start3A_96 = arith.constant 0 : i32
    %dma_start3A_97 = tpu.memref_slice %arg10[%add3A_95, %dma_start3A_96] : memref<10240x128xf32, #tpu.memory_space<vmem_shared>> -> memref<32x128xf32, #tpu.memory_space<vmem_shared>>
    %dma_start3A_98 = arith.constant 0 : i32
    %dma_start3A_99 = tpu.memref_slice %arg10[%add3A_95, %dma_start3A_98] : memref<10240x128xf32, #tpu.memory_space<vmem_shared>> -> memref<32x128xf32, #tpu.memory_space<vmem_shared>>
    tpu.enqueue_dma source(%arg9 : memref<32x128xf32, #tpu.memory_space<vmem>>) target(%dma_start3A_99 : memref<32x128xf32, #tpu.memory_space<vmem_shared>>) target_semaphore(%arg11 : memref<!tpu.dma_semaphore, #tpu.memory_space<semaphore_mem>>)
    %mul3A_100 = arith.constant 640 : i32
    %mul3A_101 = arith.muli %arg1, %mul3A_100 : i32
    %add3A_102 = arith.constant 384 : i32
    %add3A_103 = arith.addi %mul3A_101, %add3A_102 : i32
    %dma_start3A_104 = arith.constant 0 : i32
    %dma_start3A_105 = tpu.memref_slice %arg10[%add3A_103, %dma_start3A_104] : memref<10240x128xf32, #tpu.memory_space<vmem_shared>> -> memref<32x128xf32, #tpu.memory_space<vmem_shared>>
    %dma_start3A_106 = arith.constant 0 : i32
    %dma_start3A_107 = tpu.memref_slice %arg10[%add3A_103, %dma_start3A_106] : memref<10240x128xf32, #tpu.memory_space<vmem_shared>> -> memref<32x128xf32, #tpu.memory_space<vmem_shared>>
    tpu.enqueue_dma source(%arg9 : memref<32x128xf32, #tpu.memory_space<vmem>>) target(%dma_start3A_107 : memref<32x128xf32, #tpu.memory_space<vmem_shared>>) target_semaphore(%arg11 : memref<!tpu.dma_semaphore, #tpu.memory_space<semaphore_mem>>)
    %mul3A_108 = arith.constant 640 : i32
    %mul3A_109 = arith.muli %arg1, %mul3A_108 : i32
    %add3A_110 = arith.constant 416 : i32
    %add3A_111 = arith.addi %mul3A_109, %add3A_110 : i32
    %dma_start3A_112 = arith.constant 0 : i32
    %dma_start3A_113 = tpu.memref_slice %arg10[%add3A_111, %dma_start3A_112] : memref<10240x128xf32, #tpu.memory_space<vmem_shared>> -> memref<32x128xf32, #tpu.memory_space<vmem_shared>>
    %dma_start3A_114 = arith.constant 0 : i32
    %dma_start3A_115 = tpu.memref_slice %arg10[%add3A_111, %dma_start3A_114] : memref<10240x128xf32, #tpu.memory_space<vmem_shared>> -> memref<32x128xf32, #tpu.memory_space<vmem_shared>>
    tpu.enqueue_dma source(%arg9 : memref<32x128xf32, #tpu.memory_space<vmem>>) target(%dma_start3A_115 : memref<32x128xf32, #tpu.memory_space<vmem_shared>>) target_semaphore(%arg11 : memref<!tpu.dma_semaphore, #tpu.memory_space<semaphore_mem>>)
    %mul3A_116 = arith.constant 640 : i32
    %mul3A_117 = arith.muli %arg1, %mul3A_116 : i32
    %add3A_118 = arith.constant 448 : i32
    %add3A_119 = arith.addi %mul3A_117, %add3A_118 : i32
    %dma_start3A_120 = arith.constant 0 : i32
    %dma_start3A_121 = tpu.memref_slice %arg10[%add3A_119, %dma_start3A_120] : memref<10240x128xf32, #tpu.memory_space<vmem_shared>> -> memref<32x128xf32, #tpu.memory_space<vmem_shared>>
    %dma_start3A_122 = arith.constant 0 : i32
    %dma_start3A_123 = tpu.memref_slice %arg10[%add3A_119, %dma_start3A_122] : memref<10240x128xf32, #tpu.memory_space<vmem_shared>> -> memref<32x128xf32, #tpu.memory_space<vmem_shared>>
    tpu.enqueue_dma source(%arg9 : memref<32x128xf32, #tpu.memory_space<vmem>>) target(%dma_start3A_123 : memref<32x128xf32, #tpu.memory_space<vmem_shared>>) target_semaphore(%arg11 : memref<!tpu.dma_semaphore, #tpu.memory_space<semaphore_mem>>)
    %mul3A_124 = arith.constant 640 : i32
    %mul3A_125 = arith.muli %arg1, %mul3A_124 : i32
    %add3A_126 = arith.constant 480 : i32
    %add3A_127 = arith.addi %mul3A_125, %add3A_126 : i32
    %dma_start3A_128 = arith.constant 0 : i32
    %dma_start3A_129 = tpu.memref_slice %arg10[%add3A_127, %dma_start3A_128] : memref<10240x128xf32, #tpu.memory_space<vmem_shared>> -> memref<32x128xf32, #tpu.memory_space<vmem_shared>>
    %dma_start3A_130 = arith.constant 0 : i32
    %dma_start3A_131 = tpu.memref_slice %arg10[%add3A_127, %dma_start3A_130] : memref<10240x128xf32, #tpu.memory_space<vmem_shared>> -> memref<32x128xf32, #tpu.memory_space<vmem_shared>>
    tpu.enqueue_dma source(%arg9 : memref<32x128xf32, #tpu.memory_space<vmem>>) target(%dma_start3A_131 : memref<32x128xf32, #tpu.memory_space<vmem_shared>>) target_semaphore(%arg11 : memref<!tpu.dma_semaphore, #tpu.memory_space<semaphore_mem>>)
    %mul3A_132 = arith.constant 640 : i32
    %mul3A_133 = arith.muli %arg1, %mul3A_132 : i32
    %add3A_134 = arith.constant 512 : i32
    %add3A_135 = arith.addi %mul3A_133, %add3A_134 : i32
    %dma_start3A_136 = arith.constant 0 : i32
    %dma_start3A_137 = tpu.memref_slice %arg10[%add3A_135, %dma_start3A_136] : memref<10240x128xf32, #tpu.memory_space<vmem_shared>> -> memref<32x128xf32, #tpu.memory_space<vmem_shared>>
    %dma_start3A_138 = arith.constant 0 : i32
    %dma_start3A_139 = tpu.memref_slice %arg10[%add3A_135, %dma_start3A_138] : memref<10240x128xf32, #tpu.memory_space<vmem_shared>> -> memref<32x128xf32, #tpu.memory_space<vmem_shared>>
    tpu.enqueue_dma source(%arg9 : memref<32x128xf32, #tpu.memory_space<vmem>>) target(%dma_start3A_139 : memref<32x128xf32, #tpu.memory_space<vmem_shared>>) target_semaphore(%arg11 : memref<!tpu.dma_semaphore, #tpu.memory_space<semaphore_mem>>)
    %mul3A_140 = arith.constant 640 : i32
    %mul3A_141 = arith.muli %arg1, %mul3A_140 : i32
    %add3A_142 = arith.constant 544 : i32
    %add3A_143 = arith.addi %mul3A_141, %add3A_142 : i32
    %dma_start3A_144 = arith.constant 0 : i32
    %dma_start3A_145 = tpu.memref_slice %arg10[%add3A_143, %dma_start3A_144] : memref<10240x128xf32, #tpu.memory_space<vmem_shared>> -> memref<32x128xf32, #tpu.memory_space<vmem_shared>>
    %dma_start3A_146 = arith.constant 0 : i32
    %dma_start3A_147 = tpu.memref_slice %arg10[%add3A_143, %dma_start3A_146] : memref<10240x128xf32, #tpu.memory_space<vmem_shared>> -> memref<32x128xf32, #tpu.memory_space<vmem_shared>>
    tpu.enqueue_dma source(%arg9 : memref<32x128xf32, #tpu.memory_space<vmem>>) target(%dma_start3A_147 : memref<32x128xf32, #tpu.memory_space<vmem_shared>>) target_semaphore(%arg11 : memref<!tpu.dma_semaphore, #tpu.memory_space<semaphore_mem>>)
    %mul3A_148 = arith.constant 640 : i32
    %mul3A_149 = arith.muli %arg1, %mul3A_148 : i32
    %add3A_150 = arith.constant 576 : i32
    %add3A_151 = arith.addi %mul3A_149, %add3A_150 : i32
    %dma_start3A_152 = arith.constant 0 : i32
    %dma_start3A_153 = tpu.memref_slice %arg10[%add3A_151, %dma_start3A_152] : memref<10240x128xf32, #tpu.memory_space<vmem_shared>> -> memref<32x128xf32, #tpu.memory_space<vmem_shared>>
    %dma_start3A_154 = arith.constant 0 : i32
    %dma_start3A_155 = tpu.memref_slice %arg10[%add3A_151, %dma_start3A_154] : memref<10240x128xf32, #tpu.memory_space<vmem_shared>> -> memref<32x128xf32, #tpu.memory_space<vmem_shared>>
    tpu.enqueue_dma source(%arg9 : memref<32x128xf32, #tpu.memory_space<vmem>>) target(%dma_start3A_155 : memref<32x128xf32, #tpu.memory_space<vmem_shared>>) target_semaphore(%arg11 : memref<!tpu.dma_semaphore, #tpu.memory_space<semaphore_mem>>)
    %mul3A_156 = arith.constant 640 : i32
    %mul3A_157 = arith.muli %arg1, %mul3A_156 : i32
    %add3A_158 = arith.constant 608 : i32
    %add3A_159 = arith.addi %mul3A_157, %add3A_158 : i32
    %dma_start3A_160 = arith.constant 0 : i32
    %dma_start3A_161 = tpu.memref_slice %arg10[%add3A_159, %dma_start3A_160] : memref<10240x128xf32, #tpu.memory_space<vmem_shared>> -> memref<32x128xf32, #tpu.memory_space<vmem_shared>>
    %dma_start3A_162 = arith.constant 0 : i32
    %dma_start3A_163 = tpu.memref_slice %arg10[%add3A_159, %dma_start3A_162] : memref<10240x128xf32, #tpu.memory_space<vmem_shared>> -> memref<32x128xf32, #tpu.memory_space<vmem_shared>>
    tpu.enqueue_dma source(%arg9 : memref<32x128xf32, #tpu.memory_space<vmem>>) target(%dma_start3A_163 : memref<32x128xf32, #tpu.memory_space<vmem_shared>>) target_semaphore(%arg11 : memref<!tpu.dma_semaphore, #tpu.memory_space<semaphore_mem>>)
    %mul3A_164 = arith.constant 640 : i32
    %mul3A_165 = arith.muli %arg1, %mul3A_164 : i32
    %dma_wait3A = arith.constant 0 : i32
    %dma_wait3A_166 = tpu.memref_slice %arg10[%mul3A_165, %dma_wait3A] : memref<10240x128xf32, #tpu.memory_space<vmem_shared>> -> memref<32x128xf32, #tpu.memory_space<vmem_shared>>
    %dma_wait3A_167 = arith.constant 0 : i32
    %dma_wait3A_168 = tpu.memref_slice %arg10[%mul3A_165, %dma_wait3A_167] : memref<10240x128xf32, #tpu.memory_space<vmem_shared>> -> memref<32x128xf32, #tpu.memory_space<vmem_shared>>
    tpu.wait_dma2 semaphore(%arg11 : memref<!tpu.dma_semaphore, #tpu.memory_space<semaphore_mem>>) src(%arg9 : memref<32x128xf32, #tpu.memory_space<vmem>>) dst(%dma_wait3A_168 : memref<32x128xf32, #tpu.memory_space<vmem_shared>>)
    %mul3A_169 = arith.constant 640 : i32
    %mul3A_170 = arith.muli %arg1, %mul3A_169 : i32
    %dma_wait3A_171 = arith.constant 0 : i32
    %dma_wait3A_172 = tpu.memref_slice %arg10[%mul3A_170, %dma_wait3A_171] : memref<10240x128xf32, #tpu.memory_space<vmem_shared>> -> memref<32x128xf32, #tpu.memory_space<vmem_shared>>
    %dma_wait3A_173 = arith.constant 0 : i32
    %dma_wait3A_174 = tpu.memref_slice %arg10[%mul3A_170, %dma_wait3A_173] : memref<10240x128xf32, #tpu.memory_space<vmem_shared>> -> memref<32x128xf32, #tpu.memory_space<vmem_shared>>
    tpu.wait_dma2 semaphore(%arg11 : memref<!tpu.dma_semaphore, #tpu.memory_space<semaphore_mem>>) src(%arg9 : memref<32x128xf32, #tpu.memory_space<vmem>>) dst(%dma_wait3A_174 : memref<32x128xf32, #tpu.memory_space<vmem_shared>>)
    %mul3A_175 = arith.constant 640 : i32
    %mul3A_176 = arith.muli %arg1, %mul3A_175 : i32
    %dma_wait3A_177 = arith.constant 0 : i32
    %dma_wait3A_178 = tpu.memref_slice %arg10[%mul3A_176, %dma_wait3A_177] : memref<10240x128xf32, #tpu.memory_space<vmem_shared>> -> memref<32x128xf32, #tpu.memory_space<vmem_shared>>
    %dma_wait3A_179 = arith.constant 0 : i32
    %dma_wait3A_180 = tpu.memref_slice %arg10[%mul3A_176, %dma_wait3A_179] : memref<10240x128xf32, #tpu.memory_space<vmem_shared>> -> memref<32x128xf32, #tpu.memory_space<vmem_shared>>
    tpu.wait_dma2 semaphore(%arg11 : memref<!tpu.dma_semaphore, #tpu.memory_space<semaphore_mem>>) src(%arg9 : memref<32x128xf32, #tpu.memory_space<vmem>>) dst(%dma_wait3A_180 : memref<32x128xf32, #tpu.memory_space<vmem_shared>>)
    %mul3A_181 = arith.constant 640 : i32
    %mul3A_182 = arith.muli %arg1, %mul3A_181 : i32
    %dma_wait3A_183 = arith.constant 0 : i32
    %dma_wait3A_184 = tpu.memref_slice %arg10[%mul3A_182, %dma_wait3A_183] : memref<10240x128xf32, #tpu.memory_space<vmem_shared>> -> memref<32x128xf32, #tpu.memory_space<vmem_shared>>
    %dma_wait3A_185 = arith.constant 0 : i32
    %dma_wait3A_186 = tpu.memref_slice %arg10[%mul3A_182, %dma_wait3A_185] : memref<10240x128xf32, #tpu.memory_space<vmem_shared>> -> memref<32x128xf32, #tpu.memory_space<vmem_shared>>
    tpu.wait_dma2 semaphore(%arg11 : memref<!tpu.dma_semaphore, #tpu.memory_space<semaphore_mem>>) src(%arg9 : memref<32x128xf32, #tpu.memory_space<vmem>>) dst(%dma_wait3A_186 : memref<32x128xf32, #tpu.memory_space<vmem_shared>>)
    %mul3A_187 = arith.constant 640 : i32
    %mul3A_188 = arith.muli %arg1, %mul3A_187 : i32
    %dma_wait3A_189 = arith.constant 0 : i32
    %dma_wait3A_190 = tpu.memref_slice %arg10[%mul3A_188, %dma_wait3A_189] : memref<10240x128xf32, #tpu.memory_space<vmem_shared>> -> memref<32x128xf32, #tpu.memory_space<vmem_shared>>
    %dma_wait3A_191 = arith.constant 0 : i32
    %dma_wait3A_192 = tpu.memref_slice %arg10[%mul3A_188, %dma_wait3A_191] : memref<10240x128xf32, #tpu.memory_space<vmem_shared>> -> memref<32x128xf32, #tpu.memory_space<vmem_shared>>
    tpu.wait_dma2 semaphore(%arg11 : memref<!tpu.dma_semaphore, #tpu.memory_space<semaphore_mem>>) src(%arg9 : memref<32x128xf32, #tpu.memory_space<vmem>>) dst(%dma_wait3A_192 : memref<32x128xf32, #tpu.memory_space<vmem_shared>>)
    %mul3A_193 = arith.constant 640 : i32
    %mul3A_194 = arith.muli %arg1, %mul3A_193 : i32
    %dma_wait3A_195 = arith.constant 0 : i32
    %dma_wait3A_196 = tpu.memref_slice %arg10[%mul3A_194, %dma_wait3A_195] : memref<10240x128xf32, #tpu.memory_space<vmem_shared>> -> memref<32x128xf32, #tpu.memory_space<vmem_shared>>
    %dma_wait3A_197 = arith.constant 0 : i32
    %dma_wait3A_198 = tpu.memref_slice %arg10[%mul3A_194, %dma_wait3A_197] : memref<10240x128xf32, #tpu.memory_space<vmem_shared>> -> memref<32x128xf32, #tpu.memory_space<vmem_shared>>
    tpu.wait_dma2 semaphore(%arg11 : memref<!tpu.dma_semaphore, #tpu.memory_space<semaphore_mem>>) src(%arg9 : memref<32x128xf32, #tpu.memory_space<vmem>>) dst(%dma_wait3A_198 : memref<32x128xf32, #tpu.memory_space<vmem_shared>>)
    %mul3A_199 = arith.constant 640 : i32
    %mul3A_200 = arith.muli %arg1, %mul3A_199 : i32
    %dma_wait3A_201 = arith.constant 0 : i32
    %dma_wait3A_202 = tpu.memref_slice %arg10[%mul3A_200, %dma_wait3A_201] : memref<10240x128xf32, #tpu.memory_space<vmem_shared>> -> memref<32x128xf32, #tpu.memory_space<vmem_shared>>
    %dma_wait3A_203 = arith.constant 0 : i32
    %dma_wait3A_204 = tpu.memref_slice %arg10[%mul3A_200, %dma_wait3A_203] : memref<10240x128xf32, #tpu.memory_space<vmem_shared>> -> memref<32x128xf32, #tpu.memory_space<vmem_shared>>
    tpu.wait_dma2 semaphore(%arg11 : memref<!tpu.dma_semaphore, #tpu.memory_space<semaphore_mem>>) src(%arg9 : memref<32x128xf32, #tpu.memory_space<vmem>>) dst(%dma_wait3A_204 : memref<32x128xf32, #tpu.memory_space<vmem_shared>>)
    %mul3A_205 = arith.constant 640 : i32
    %mul3A_206 = arith.muli %arg1, %mul3A_205 : i32
    %dma_wait3A_207 = arith.constant 0 : i32
    %dma_wait3A_208 = tpu.memref_slice %arg10[%mul3A_206, %dma_wait3A_207] : memref<10240x128xf32, #tpu.memory_space<vmem_shared>> -> memref<32x128xf32, #tpu.memory_space<vmem_shared>>
    %dma_wait3A_209 = arith.constant 0 : i32
    %dma_wait3A_210 = tpu.memref_slice %arg10[%mul3A_206, %dma_wait3A_209] : memref<10240x128xf32, #tpu.memory_space<vmem_shared>> -> memref<32x128xf32, #tpu.memory_space<vmem_shared>>
    tpu.wait_dma2 semaphore(%arg11 : memref<!tpu.dma_semaphore, #tpu.memory_space<semaphore_mem>>) src(%arg9 : memref<32x128xf32, #tpu.memory_space<vmem>>) dst(%dma_wait3A_210 : memref<32x128xf32, #tpu.memory_space<vmem_shared>>)
    %mul3A_211 = arith.constant 640 : i32
    %mul3A_212 = arith.muli %arg1, %mul3A_211 : i32
    %dma_wait3A_213 = arith.constant 0 : i32
    %dma_wait3A_214 = tpu.memref_slice %arg10[%mul3A_212, %dma_wait3A_213] : memref<10240x128xf32, #tpu.memory_space<vmem_shared>> -> memref<32x128xf32, #tpu.memory_space<vmem_shared>>
    %dma_wait3A_215 = arith.constant 0 : i32
    %dma_wait3A_216 = tpu.memref_slice %arg10[%mul3A_212, %dma_wait3A_215] : memref<10240x128xf32, #tpu.memory_space<vmem_shared>> -> memref<32x128xf32, #tpu.memory_space<vmem_shared>>
    tpu.wait_dma2 semaphore(%arg11 : memref<!tpu.dma_semaphore, #tpu.memory_space<semaphore_mem>>) src(%arg9 : memref<32x128xf32, #tpu.memory_space<vmem>>) dst(%dma_wait3A_216 : memref<32x128xf32, #tpu.memory_space<vmem_shared>>)
    %mul3A_217 = arith.constant 640 : i32
    %mul3A_218 = arith.muli %arg1, %mul3A_217 : i32
    %dma_wait3A_219 = arith.constant 0 : i32
    %dma_wait3A_220 = tpu.memref_slice %arg10[%mul3A_218, %dma_wait3A_219] : memref<10240x128xf32, #tpu.memory_space<vmem_shared>> -> memref<32x128xf32, #tpu.memory_space<vmem_shared>>
    %dma_wait3A_221 = arith.constant 0 : i32
    %dma_wait3A_222 = tpu.memref_slice %arg10[%mul3A_218, %dma_wait3A_221] : memref<10240x128xf32, #tpu.memory_space<vmem_shared>> -> memref<32x128xf32, #tpu.memory_space<vmem_shared>>
    tpu.wait_dma2 semaphore(%arg11 : memref<!tpu.dma_semaphore, #tpu.memory_space<semaphore_mem>>) src(%arg9 : memref<32x128xf32, #tpu.memory_space<vmem>>) dst(%dma_wait3A_222 : memref<32x128xf32, #tpu.memory_space<vmem_shared>>)
    %mul3A_223 = arith.constant 640 : i32
    %mul3A_224 = arith.muli %arg1, %mul3A_223 : i32
    %dma_wait3A_225 = arith.constant 0 : i32
    %dma_wait3A_226 = tpu.memref_slice %arg10[%mul3A_224, %dma_wait3A_225] : memref<10240x128xf32, #tpu.memory_space<vmem_shared>> -> memref<32x128xf32, #tpu.memory_space<vmem_shared>>
    %dma_wait3A_227 = arith.constant 0 : i32
    %dma_wait3A_228 = tpu.memref_slice %arg10[%mul3A_224, %dma_wait3A_227] : memref<10240x128xf32, #tpu.memory_space<vmem_shared>> -> memref<32x128xf32, #tpu.memory_space<vmem_shared>>
    tpu.wait_dma2 semaphore(%arg11 : memref<!tpu.dma_semaphore, #tpu.memory_space<semaphore_mem>>) src(%arg9 : memref<32x128xf32, #tpu.memory_space<vmem>>) dst(%dma_wait3A_228 : memref<32x128xf32, #tpu.memory_space<vmem_shared>>)
    %mul3A_229 = arith.constant 640 : i32
    %mul3A_230 = arith.muli %arg1, %mul3A_229 : i32
    %dma_wait3A_231 = arith.constant 0 : i32
    %dma_wait3A_232 = tpu.memref_slice %arg10[%mul3A_230, %dma_wait3A_231] : memref<10240x128xf32, #tpu.memory_space<vmem_shared>> -> memref<32x128xf32, #tpu.memory_space<vmem_shared>>
    %dma_wait3A_233 = arith.constant 0 : i32
    %dma_wait3A_234 = tpu.memref_slice %arg10[%mul3A_230, %dma_wait3A_233] : memref<10240x128xf32, #tpu.memory_space<vmem_shared>> -> memref<32x128xf32, #tpu.memory_space<vmem_shared>>
    tpu.wait_dma2 semaphore(%arg11 : memref<!tpu.dma_semaphore, #tpu.memory_space<semaphore_mem>>) src(%arg9 : memref<32x128xf32, #tpu.memory_space<vmem>>) dst(%dma_wait3A_234 : memref<32x128xf32, #tpu.memory_space<vmem_shared>>)
    %mul3A_235 = arith.constant 640 : i32
    %mul3A_236 = arith.muli %arg1, %mul3A_235 : i32
    %dma_wait3A_237 = arith.constant 0 : i32
    %dma_wait3A_238 = tpu.memref_slice %arg10[%mul3A_236, %dma_wait3A_237] : memref<10240x128xf32, #tpu.memory_space<vmem_shared>> -> memref<32x128xf32, #tpu.memory_space<vmem_shared>>
    %dma_wait3A_239 = arith.constant 0 : i32
    %dma_wait3A_240 = tpu.memref_slice %arg10[%mul3A_236, %dma_wait3A_239] : memref<10240x128xf32, #tpu.memory_space<vmem_shared>> -> memref<32x128xf32, #tpu.memory_space<vmem_shared>>
    tpu.wait_dma2 semaphore(%arg11 : memref<!tpu.dma_semaphore, #tpu.memory_space<semaphore_mem>>) src(%arg9 : memref<32x128xf32, #tpu.memory_space<vmem>>) dst(%dma_wait3A_240 : memref<32x128xf32, #tpu.memory_space<vmem_shared>>)
    %mul3A_241 = arith.constant 640 : i32
    %mul3A_242 = arith.muli %arg1, %mul3A_241 : i32
    %dma_wait3A_243 = arith.constant 0 : i32
    %dma_wait3A_244 = tpu.memref_slice %arg10[%mul3A_242, %dma_wait3A_243] : memref<10240x128xf32, #tpu.memory_space<vmem_shared>> -> memref<32x128xf32, #tpu.memory_space<vmem_shared>>
    %dma_wait3A_245 = arith.constant 0 : i32
    %dma_wait3A_246 = tpu.memref_slice %arg10[%mul3A_242, %dma_wait3A_245] : memref<10240x128xf32, #tpu.memory_space<vmem_shared>> -> memref<32x128xf32, #tpu.memory_space<vmem_shared>>
    tpu.wait_dma2 semaphore(%arg11 : memref<!tpu.dma_semaphore, #tpu.memory_space<semaphore_mem>>) src(%arg9 : memref<32x128xf32, #tpu.memory_space<vmem>>) dst(%dma_wait3A_246 : memref<32x128xf32, #tpu.memory_space<vmem_shared>>)
    %mul3A_247 = arith.constant 640 : i32
    %mul3A_248 = arith.muli %arg1, %mul3A_247 : i32
    %dma_wait3A_249 = arith.constant 0 : i32
    %dma_wait3A_250 = tpu.memref_slice %arg10[%mul3A_248, %dma_wait3A_249] : memref<10240x128xf32, #tpu.memory_space<vmem_shared>> -> memref<32x128xf32, #tpu.memory_space<vmem_shared>>
    %dma_wait3A_251 = arith.constant 0 : i32
    %dma_wait3A_252 = tpu.memref_slice %arg10[%mul3A_248, %dma_wait3A_251] : memref<10240x128xf32, #tpu.memory_space<vmem_shared>> -> memref<32x128xf32, #tpu.memory_space<vmem_shared>>
    tpu.wait_dma2 semaphore(%arg11 : memref<!tpu.dma_semaphore, #tpu.memory_space<semaphore_mem>>) src(%arg9 : memref<32x128xf32, #tpu.memory_space<vmem>>) dst(%dma_wait3A_252 : memref<32x128xf32, #tpu.memory_space<vmem_shared>>)
    %mul3A_253 = arith.constant 640 : i32
    %mul3A_254 = arith.muli %arg1, %mul3A_253 : i32
    %dma_wait3A_255 = arith.constant 0 : i32
    %dma_wait3A_256 = tpu.memref_slice %arg10[%mul3A_254, %dma_wait3A_255] : memref<10240x128xf32, #tpu.memory_space<vmem_shared>> -> memref<32x128xf32, #tpu.memory_space<vmem_shared>>
    %dma_wait3A_257 = arith.constant 0 : i32
    %dma_wait3A_258 = tpu.memref_slice %arg10[%mul3A_254, %dma_wait3A_257] : memref<10240x128xf32, #tpu.memory_space<vmem_shared>> -> memref<32x128xf32, #tpu.memory_space<vmem_shared>>
    tpu.wait_dma2 semaphore(%arg11 : memref<!tpu.dma_semaphore, #tpu.memory_space<semaphore_mem>>) src(%arg9 : memref<32x128xf32, #tpu.memory_space<vmem>>) dst(%dma_wait3A_258 : memref<32x128xf32, #tpu.memory_space<vmem_shared>>)
    %mul3A_259 = arith.constant 640 : i32
    %mul3A_260 = arith.muli %arg1, %mul3A_259 : i32
    %dma_wait3A_261 = arith.constant 0 : i32
    %dma_wait3A_262 = tpu.memref_slice %arg10[%mul3A_260, %dma_wait3A_261] : memref<10240x128xf32, #tpu.memory_space<vmem_shared>> -> memref<32x128xf32, #tpu.memory_space<vmem_shared>>
    %dma_wait3A_263 = arith.constant 0 : i32
    %dma_wait3A_264 = tpu.memref_slice %arg10[%mul3A_260, %dma_wait3A_263] : memref<10240x128xf32, #tpu.memory_space<vmem_shared>> -> memref<32x128xf32, #tpu.memory_space<vmem_shared>>
    tpu.wait_dma2 semaphore(%arg11 : memref<!tpu.dma_semaphore, #tpu.memory_space<semaphore_mem>>) src(%arg9 : memref<32x128xf32, #tpu.memory_space<vmem>>) dst(%dma_wait3A_264 : memref<32x128xf32, #tpu.memory_space<vmem_shared>>)
    %mul3A_265 = arith.constant 640 : i32
    %mul3A_266 = arith.muli %arg1, %mul3A_265 : i32
    %dma_wait3A_267 = arith.constant 0 : i32
    %dma_wait3A_268 = tpu.memref_slice %arg10[%mul3A_266, %dma_wait3A_267] : memref<10240x128xf32, #tpu.memory_space<vmem_shared>> -> memref<32x128xf32, #tpu.memory_space<vmem_shared>>
    %dma_wait3A_269 = arith.constant 0 : i32
    %dma_wait3A_270 = tpu.memref_slice %arg10[%mul3A_266, %dma_wait3A_269] : memref<10240x128xf32, #tpu.memory_space<vmem_shared>> -> memref<32x128xf32, #tpu.memory_space<vmem_shared>>
    tpu.wait_dma2 semaphore(%arg11 : memref<!tpu.dma_semaphore, #tpu.memory_space<semaphore_mem>>) src(%arg9 : memref<32x128xf32, #tpu.memory_space<vmem>>) dst(%dma_wait3A_270 : memref<32x128xf32, #tpu.memory_space<vmem_shared>>)
    %mul3A_271 = arith.constant 640 : i32
    %mul3A_272 = arith.muli %arg1, %mul3A_271 : i32
    %dma_wait3A_273 = arith.constant 0 : i32
    %dma_wait3A_274 = tpu.memref_slice %arg10[%mul3A_272, %dma_wait3A_273] : memref<10240x128xf32, #tpu.memory_space<vmem_shared>> -> memref<32x128xf32, #tpu.memory_space<vmem_shared>>
    %dma_wait3A_275 = arith.constant 0 : i32
    %dma_wait3A_276 = tpu.memref_slice %arg10[%mul3A_272, %dma_wait3A_275] : memref<10240x128xf32, #tpu.memory_space<vmem_shared>> -> memref<32x128xf32, #tpu.memory_space<vmem_shared>>
    tpu.wait_dma2 semaphore(%arg11 : memref<!tpu.dma_semaphore, #tpu.memory_space<semaphore_mem>>) src(%arg9 : memref<32x128xf32, #tpu.memory_space<vmem>>) dst(%dma_wait3A_276 : memref<32x128xf32, #tpu.memory_space<vmem_shared>>)
    %mul3A_277 = arith.constant 640 : i32
    %mul3A_278 = arith.muli %arg1, %mul3A_277 : i32
    %dma_wait3A_279 = arith.constant 0 : i32
    %dma_wait3A_280 = tpu.memref_slice %arg10[%mul3A_278, %dma_wait3A_279] : memref<10240x128xf32, #tpu.memory_space<vmem_shared>> -> memref<32x128xf32, #tpu.memory_space<vmem_shared>>
    %dma_wait3A_281 = arith.constant 0 : i32
    %dma_wait3A_282 = tpu.memref_slice %arg10[%mul3A_278, %dma_wait3A_281] : memref<10240x128xf32, #tpu.memory_space<vmem_shared>> -> memref<32x128xf32, #tpu.memory_space<vmem_shared>>
    tpu.wait_dma2 semaphore(%arg11 : memref<!tpu.dma_semaphore, #tpu.memory_space<semaphore_mem>>) src(%arg9 : memref<32x128xf32, #tpu.memory_space<vmem>>) dst(%dma_wait3A_282 : memref<32x128xf32, #tpu.memory_space<vmem_shared>>)
    %barrier3A = arith.constant 0 : index
    tpu.barrier barrier_id(%barrier3A)
    %mul3A_283 = arith.constant 2 : i32
    %mul3A_284 = arith.muli %mul3A_283, %add3A : i32
    %add3A_285 = arith.constant 0 : i32
    %add3A_286 = arith.addi %mul3A_284, %add3A_285 : i32
    "tpu.region"() ({
      %run_scoped3A = tpu.sem_alloc : memref<!tpu.dma_semaphore, #tpu.memory_space<semaphore_mem>>
      %dma_start3A_784 = arith.constant 0 : i32
      %dma_start3A_785 = arith.constant 0 : i32
      %dma_start3A_786 = tpu.memref_slice %arg3[%add3A_286, %dma_start3A_784, %dma_start3A_785] : memref<64x40x128xi32, #tpu.memory_space<hbm>> -> memref<1x40x128xi32, #tpu.memory_space<hbm>>
      %dma_start3A_787 = tpu.memref_squeeze %dma_start3A_786 : memref<1x40x128xi32, #tpu.memory_space<hbm>> -> memref<40x128xi32, #tpu.memory_space<hbm>>
      %dma_start3A_788 = arith.constant 0 : i32
      %dma_start3A_789 = arith.constant 0 : i32
      %dma_start3A_790 = tpu.memref_slice %arg3[%add3A_286, %dma_start3A_788, %dma_start3A_789] : memref<64x40x128xi32, #tpu.memory_space<hbm>> -> memref<1x40x128xi32, #tpu.memory_space<hbm>>
      %dma_start3A_791 = tpu.memref_squeeze %dma_start3A_790 : memref<1x40x128xi32, #tpu.memory_space<hbm>> -> memref<40x128xi32, #tpu.memory_space<hbm>>
      tpu.enqueue_dma source(%dma_start3A_791 : memref<40x128xi32, #tpu.memory_space<hbm>>) target(%arg6 : memref<40x128xi32, #tpu.memory_space<vmem>>) target_semaphore(%run_scoped3A : memref<!tpu.dma_semaphore, #tpu.memory_space<semaphore_mem>>)
      %dma_wait3A_792 = arith.constant 0 : i32
      %dma_wait3A_793 = arith.constant 0 : i32
      %dma_wait3A_794 = tpu.memref_slice %arg3[%add3A_286, %dma_wait3A_792, %dma_wait3A_793] : memref<64x40x128xi32, #tpu.memory_space<hbm>> -> memref<1x40x128xi32, #tpu.memory_space<hbm>>
      %dma_wait3A_795 = tpu.memref_squeeze %dma_wait3A_794 : memref<1x40x128xi32, #tpu.memory_space<hbm>> -> memref<40x128xi32, #tpu.memory_space<hbm>>
      %dma_wait3A_796 = arith.constant 0 : i32
      %dma_wait3A_797 = arith.constant 0 : i32
      %dma_wait3A_798 = tpu.memref_slice %arg3[%add3A_286, %dma_wait3A_796, %dma_wait3A_797] : memref<64x40x128xi32, #tpu.memory_space<hbm>> -> memref<1x40x128xi32, #tpu.memory_space<hbm>>
      %dma_wait3A_799 = tpu.memref_squeeze %dma_wait3A_798 : memref<1x40x128xi32, #tpu.memory_space<hbm>> -> memref<40x128xi32, #tpu.memory_space<hbm>>
      tpu.wait_dma2 semaphore(%run_scoped3A : memref<!tpu.dma_semaphore, #tpu.memory_space<semaphore_mem>>) src(%dma_wait3A_799 : memref<40x128xi32, #tpu.memory_space<hbm>>) dst(%arg6 : memref<40x128xi32, #tpu.memory_space<vmem>>)
      tpu.yield
    }) : () -> ()
    %mul3A_287 = arith.constant 2 : i32
    %mul3A_288 = arith.muli %mul3A_287, %add3A : i32
    %add3A_289 = arith.constant 0 : i32
    %add3A_290 = arith.addi %mul3A_288, %add3A_289 : i32
    "tpu.region"() ({
      %run_scoped3A = tpu.sem_alloc : memref<!tpu.dma_semaphore, #tpu.memory_space<semaphore_mem>>
      %dma_start3A_784 = arith.constant 0 : i32
      %dma_start3A_785 = arith.constant 0 : i32
      %dma_start3A_786 = tpu.memref_slice %arg4[%add3A_290, %dma_start3A_784, %dma_start3A_785] : memref<64x40x128xi32, #tpu.memory_space<hbm>> -> memref<1x40x128xi32, #tpu.memory_space<hbm>>
      %dma_start3A_787 = tpu.memref_squeeze %dma_start3A_786 : memref<1x40x128xi32, #tpu.memory_space<hbm>> -> memref<40x128xi32, #tpu.memory_space<hbm>>
      %dma_start3A_788 = arith.constant 0 : i32
      %dma_start3A_789 = arith.constant 0 : i32
      %dma_start3A_790 = tpu.memref_slice %arg4[%add3A_290, %dma_start3A_788, %dma_start3A_789] : memref<64x40x128xi32, #tpu.memory_space<hbm>> -> memref<1x40x128xi32, #tpu.memory_space<hbm>>
      %dma_start3A_791 = tpu.memref_squeeze %dma_start3A_790 : memref<1x40x128xi32, #tpu.memory_space<hbm>> -> memref<40x128xi32, #tpu.memory_space<hbm>>
      tpu.enqueue_dma source(%dma_start3A_791 : memref<40x128xi32, #tpu.memory_space<hbm>>) target(%arg7 : memref<40x128xi32, #tpu.memory_space<vmem>>) target_semaphore(%run_scoped3A : memref<!tpu.dma_semaphore, #tpu.memory_space<semaphore_mem>>)
      %dma_wait3A_792 = arith.constant 0 : i32
      %dma_wait3A_793 = arith.constant 0 : i32
      %dma_wait3A_794 = tpu.memref_slice %arg4[%add3A_290, %dma_wait3A_792, %dma_wait3A_793] : memref<64x40x128xi32, #tpu.memory_space<hbm>> -> memref<1x40x128xi32, #tpu.memory_space<hbm>>
      %dma_wait3A_795 = tpu.memref_squeeze %dma_wait3A_794 : memref<1x40x128xi32, #tpu.memory_space<hbm>> -> memref<40x128xi32, #tpu.memory_space<hbm>>
      %dma_wait3A_796 = arith.constant 0 : i32
      %dma_wait3A_797 = arith.constant 0 : i32
      %dma_wait3A_798 = tpu.memref_slice %arg4[%add3A_290, %dma_wait3A_796, %dma_wait3A_797] : memref<64x40x128xi32, #tpu.memory_space<hbm>> -> memref<1x40x128xi32, #tpu.memory_space<hbm>>
      %dma_wait3A_799 = tpu.memref_squeeze %dma_wait3A_798 : memref<1x40x128xi32, #tpu.memory_space<hbm>> -> memref<40x128xi32, #tpu.memory_space<hbm>>
      tpu.wait_dma2 semaphore(%run_scoped3A : memref<!tpu.dma_semaphore, #tpu.memory_space<semaphore_mem>>) src(%dma_wait3A_799 : memref<40x128xi32, #tpu.memory_space<hbm>>) dst(%arg7 : memref<40x128xi32, #tpu.memory_space<vmem>>)
      tpu.yield
    }) : () -> ()
    %dma_start3A_291 = arith.constant 0 : i32
    %dma_start3A_292 = arith.constant 0 : i32
    %dma_start3A_293 = arith.constant 0 : i32
    %dma_start3A_294 = arith.constant 0 : i32
    %dma_start3A_295 = tpu.memref_slice %arg8[%dma_start3A_292, %dma_start3A_293, %dma_start3A_294] : memref<4x64x128xf32, #tpu.memory_space<vmem>> -> memref<1x64x128xf32, #tpu.memory_space<vmem>>
    %dma_start3A_296 = tpu.memref_squeeze %dma_start3A_295 : memref<1x64x128xf32, #tpu.memory_space<vmem>> -> memref<64x128xf32, #tpu.memory_space<vmem>>
    %dma_start3A_297 = arith.constant 0 : i32
    %dma_start3A_298 = tpu.memref_slice %arg6[%dma_start3A_291, %dma_start3A_297] : memref<40x128xi32, #tpu.memory_space<vmem>> -> memref<1x64xi32, #tpu.memory_space<vmem>>
    %dma_start3A_299 = tpu.memref_squeeze %dma_start3A_298 : memref<1x64xi32, #tpu.memory_space<vmem>> -> memref<64xi32, #tpu.memory_space<vmem>>
    %dma_start3A_300 = arith.constant 0 : i32
    %dma_start3A_301 = arith.constant 0 : i32
    %dma_start3A_302 = tpu.memref_slice %arg2[%dma_start3A_300, %dma_start3A_301] : memref<10000x128xf32, #tpu.memory_space<hbm>> -> memref<10000x128xf32, #tpu.memory_space<hbm>>
    tpu.enqueue_indirect_dma source(%dma_start3A_302 : memref<10000x128xf32, #tpu.memory_space<hbm>>) target(%dma_start3A_296 : memref<64x128xf32, #tpu.memory_space<vmem>>) offsets(%dma_start3A_299 : memref<64xi32, #tpu.memory_space<vmem>>) semaphore(%arg11 : memref<!tpu.dma_semaphore, #tpu.memory_space<semaphore_mem>>)
    %dma_start3A_303 = arith.constant 0 : i32
    %dma_start3A_304 = arith.constant 1 : i32
    %dma_start3A_305 = arith.constant 0 : i32
    %dma_start3A_306 = arith.constant 0 : i32
    %dma_start3A_307 = tpu.memref_slice %arg8[%dma_start3A_304, %dma_start3A_305, %dma_start3A_306] : memref<4x64x128xf32, #tpu.memory_space<vmem>> -> memref<1x64x128xf32, #tpu.memory_space<vmem>>
    %dma_start3A_308 = tpu.memref_squeeze %dma_start3A_307 : memref<1x64x128xf32, #tpu.memory_space<vmem>> -> memref<64x128xf32, #tpu.memory_space<vmem>>
    %dma_start3A_309 = arith.constant 64 : i32
    %dma_start3A_310 = tpu.memref_slice %arg6[%dma_start3A_303, %dma_start3A_309] : memref<40x128xi32, #tpu.memory_space<vmem>> -> memref<1x64xi32, #tpu.memory_space<vmem>>
    %dma_start3A_311 = tpu.memref_squeeze %dma_start3A_310 : memref<1x64xi32, #tpu.memory_space<vmem>> -> memref<64xi32, #tpu.memory_space<vmem>>
    %dma_start3A_312 = arith.constant 0 : i32
    %dma_start3A_313 = arith.constant 0 : i32
    %dma_start3A_314 = tpu.memref_slice %arg2[%dma_start3A_312, %dma_start3A_313] : memref<10000x128xf32, #tpu.memory_space<hbm>> -> memref<10000x128xf32, #tpu.memory_space<hbm>>
    tpu.enqueue_indirect_dma source(%dma_start3A_314 : memref<10000x128xf32, #tpu.memory_space<hbm>>) target(%dma_start3A_308 : memref<64x128xf32, #tpu.memory_space<vmem>>) offsets(%dma_start3A_311 : memref<64xi32, #tpu.memory_space<vmem>>) semaphore(%arg12 : memref<!tpu.dma_semaphore, #tpu.memory_space<semaphore_mem>>)
    %dma_start3A_315 = arith.constant 1 : i32
    %dma_start3A_316 = arith.constant 2 : i32
    %dma_start3A_317 = arith.constant 0 : i32
    %dma_start3A_318 = arith.constant 0 : i32
    %dma_start3A_319 = tpu.memref_slice %arg8[%dma_start3A_316, %dma_start3A_317, %dma_start3A_318] : memref<4x64x128xf32, #tpu.memory_space<vmem>> -> memref<1x64x128xf32, #tpu.memory_space<vmem>>
    %dma_start3A_320 = tpu.memref_squeeze %dma_start3A_319 : memref<1x64x128xf32, #tpu.memory_space<vmem>> -> memref<64x128xf32, #tpu.memory_space<vmem>>
    %dma_start3A_321 = arith.constant 0 : i32
    %dma_start3A_322 = tpu.memref_slice %arg6[%dma_start3A_315, %dma_start3A_321] : memref<40x128xi32, #tpu.memory_space<vmem>> -> memref<1x64xi32, #tpu.memory_space<vmem>>
    %dma_start3A_323 = tpu.memref_squeeze %dma_start3A_322 : memref<1x64xi32, #tpu.memory_space<vmem>> -> memref<64xi32, #tpu.memory_space<vmem>>
    %dma_start3A_324 = arith.constant 0 : i32
    %dma_start3A_325 = arith.constant 0 : i32
    %dma_start3A_326 = tpu.memref_slice %arg2[%dma_start3A_324, %dma_start3A_325] : memref<10000x128xf32, #tpu.memory_space<hbm>> -> memref<10000x128xf32, #tpu.memory_space<hbm>>
    tpu.enqueue_indirect_dma source(%dma_start3A_326 : memref<10000x128xf32, #tpu.memory_space<hbm>>) target(%dma_start3A_320 : memref<64x128xf32, #tpu.memory_space<vmem>>) offsets(%dma_start3A_323 : memref<64xi32, #tpu.memory_space<vmem>>) semaphore(%arg13 : memref<!tpu.dma_semaphore, #tpu.memory_space<semaphore_mem>>)
    %dma_start3A_327 = arith.constant 1 : i32
    %dma_start3A_328 = arith.constant 3 : i32
    %dma_start3A_329 = arith.constant 0 : i32
    %dma_start3A_330 = arith.constant 0 : i32
    %dma_start3A_331 = tpu.memref_slice %arg8[%dma_start3A_328, %dma_start3A_329, %dma_start3A_330] : memref<4x64x128xf32, #tpu.memory_space<vmem>> -> memref<1x64x128xf32, #tpu.memory_space<vmem>>
    %dma_start3A_332 = tpu.memref_squeeze %dma_start3A_331 : memref<1x64x128xf32, #tpu.memory_space<vmem>> -> memref<64x128xf32, #tpu.memory_space<vmem>>
    %dma_start3A_333 = arith.constant 64 : i32
    %dma_start3A_334 = tpu.memref_slice %arg6[%dma_start3A_327, %dma_start3A_333] : memref<40x128xi32, #tpu.memory_space<vmem>> -> memref<1x64xi32, #tpu.memory_space<vmem>>
    %dma_start3A_335 = tpu.memref_squeeze %dma_start3A_334 : memref<1x64xi32, #tpu.memory_space<vmem>> -> memref<64xi32, #tpu.memory_space<vmem>>
    %dma_start3A_336 = arith.constant 0 : i32
    %dma_start3A_337 = arith.constant 0 : i32
    %dma_start3A_338 = tpu.memref_slice %arg2[%dma_start3A_336, %dma_start3A_337] : memref<10000x128xf32, #tpu.memory_space<hbm>> -> memref<10000x128xf32, #tpu.memory_space<hbm>>
    tpu.enqueue_indirect_dma source(%dma_start3A_338 : memref<10000x128xf32, #tpu.memory_space<hbm>>) target(%dma_start3A_332 : memref<64x128xf32, #tpu.memory_space<vmem>>) offsets(%dma_start3A_335 : memref<64xi32, #tpu.memory_space<vmem>>) semaphore(%arg14 : memref<!tpu.dma_semaphore, #tpu.memory_space<semaphore_mem>>)
    %scan3A_339 = arith.constant 0 : i32
    %scan3A_340 = arith.constant 19 : i32
    %scan3A_341 = arith.addi %scan3A_339, %scan3A_340 : i32
    %scan3A_342 = arith.constant 1 : i32
    scf.for %scan3A_784 = %scan3A_339 to %scan3A_341 step %scan3A_342  : i32 {
      %mul3A_785 = arith.constant 1 : i32
      %mul3A_786 = arith.muli %scan3A_784, %mul3A_785 : i32
      %add3A_787 = arith.constant 0 : i32
      %add3A_788 = arith.addi %add3A_787, %mul3A_786 : i32
      %dma_wait3A_789 = arith.constant 0 : i32
      %dma_wait3A_790 = arith.constant 0 : i32
      %dma_wait3A_791 = arith.constant 0 : i32
      %dma_wait3A_792 = arith.constant 0 : i32
      %dma_wait3A_793 = tpu.memref_slice %arg8[%dma_wait3A_790, %dma_wait3A_791, %dma_wait3A_792] : memref<4x64x128xf32, #tpu.memory_space<vmem>> -> memref<1x64x128xf32, #tpu.memory_space<vmem>>
      %dma_wait3A_794 = tpu.memref_squeeze %dma_wait3A_793 : memref<1x64x128xf32, #tpu.memory_space<vmem>> -> memref<64x128xf32, #tpu.memory_space<vmem>>
      %dma_wait3A_795 = arith.constant 0 : i32
      %dma_wait3A_796 = tpu.memref_slice %arg6[%dma_wait3A_789, %dma_wait3A_795] : memref<40x128xi32, #tpu.memory_space<vmem>> -> memref<1x64xi32, #tpu.memory_space<vmem>>
      %dma_wait3A_797 = tpu.memref_squeeze %dma_wait3A_796 : memref<1x64xi32, #tpu.memory_space<vmem>> -> memref<64xi32, #tpu.memory_space<vmem>>
      %dma_wait3A_798 = arith.constant 0 : i32
      %dma_wait3A_799 = arith.constant 0 : i32
      %dma_wait3A_800 = tpu.memref_slice %arg2[%dma_wait3A_798, %dma_wait3A_799] : memref<10000x128xf32, #tpu.memory_space<hbm>> -> memref<10000x128xf32, #tpu.memory_space<hbm>>
      tpu.wait_indirect_dma semaphore(%arg11 : memref<!tpu.dma_semaphore, #tpu.memory_space<semaphore_mem>>) src(%dma_wait3A_800 : memref<10000x128xf32, #tpu.memory_space<hbm>>) dst(%dma_wait3A_794 : memref<64x128xf32, #tpu.memory_space<vmem>>)
      %mul3A_801 = arith.constant 2 : i32
      %mul3A_802 = arith.muli %mul3A_801, %add3A_788 : i32
      %add3A_803 = arith.constant 0 : i32
      %add3A_804 = arith.addi %mul3A_802, %add3A_803 : i32
      %dma_start3A_805 = arith.constant 0 : i32
      %dma_start3A_806 = arith.constant 0 : i32
      %dma_start3A_807 = arith.constant 0 : i32
      %dma_start3A_808 = tpu.memref_slice %arg8[%dma_start3A_805, %dma_start3A_806, %dma_start3A_807] : memref<4x64x128xf32, #tpu.memory_space<vmem>> -> memref<1x64x128xf32, #tpu.memory_space<vmem>>
      %dma_start3A_809 = tpu.memref_squeeze %dma_start3A_808 : memref<1x64x128xf32, #tpu.memory_space<vmem>> -> memref<64x128xf32, #tpu.memory_space<vmem>>
      %dma_start3A_810 = arith.constant 0 : i32
      %dma_start3A_811 = tpu.memref_slice %arg7[%add3A_804, %dma_start3A_810] : memref<40x128xi32, #tpu.memory_space<vmem>> -> memref<1x64xi32, #tpu.memory_space<vmem>>
      %dma_start3A_812 = tpu.memref_squeeze %dma_start3A_811 : memref<1x64xi32, #tpu.memory_space<vmem>> -> memref<64xi32, #tpu.memory_space<vmem>>
      %dma_start3A_813 = arith.constant 0 : i32
      %dma_start3A_814 = arith.constant 0 : i32
      %dma_start3A_815 = tpu.memref_slice %arg10[%dma_start3A_813, %dma_start3A_814] : memref<10240x128xf32, #tpu.memory_space<vmem_shared>> -> memref<10240x128xf32, #tpu.memory_space<vmem_shared>>
      tpu.enqueue_indirect_dma source(%dma_start3A_809 : memref<64x128xf32, #tpu.memory_space<vmem>>) target(%dma_start3A_815 : memref<10240x128xf32, #tpu.memory_space<vmem_shared>>) offsets(%dma_start3A_812 : memref<64xi32, #tpu.memory_space<vmem>>) semaphore(%arg15 : memref<!tpu.dma_semaphore, #tpu.memory_space<semaphore_mem>>) {add = true}
      %dma_wait3A_816 = arith.constant 0 : i32
      %dma_wait3A_817 = arith.constant 1 : i32
      %dma_wait3A_818 = arith.constant 0 : i32
      %dma_wait3A_819 = arith.constant 0 : i32
      %dma_wait3A_820 = tpu.memref_slice %arg8[%dma_wait3A_817, %dma_wait3A_818, %dma_wait3A_819] : memref<4x64x128xf32, #tpu.memory_space<vmem>> -> memref<1x64x128xf32, #tpu.memory_space<vmem>>
      %dma_wait3A_821 = tpu.memref_squeeze %dma_wait3A_820 : memref<1x64x128xf32, #tpu.memory_space<vmem>> -> memref<64x128xf32, #tpu.memory_space<vmem>>
      %dma_wait3A_822 = arith.constant 0 : i32
      %dma_wait3A_823 = tpu.memref_slice %arg6[%dma_wait3A_816, %dma_wait3A_822] : memref<40x128xi32, #tpu.memory_space<vmem>> -> memref<1x64xi32, #tpu.memory_space<vmem>>
      %dma_wait3A_824 = tpu.memref_squeeze %dma_wait3A_823 : memref<1x64xi32, #tpu.memory_space<vmem>> -> memref<64xi32, #tpu.memory_space<vmem>>
      %dma_wait3A_825 = arith.constant 0 : i32
      %dma_wait3A_826 = arith.constant 0 : i32
      %dma_wait3A_827 = tpu.memref_slice %arg2[%dma_wait3A_825, %dma_wait3A_826] : memref<10000x128xf32, #tpu.memory_space<hbm>> -> memref<10000x128xf32, #tpu.memory_space<hbm>>
      tpu.wait_indirect_dma semaphore(%arg12 : memref<!tpu.dma_semaphore, #tpu.memory_space<semaphore_mem>>) src(%dma_wait3A_827 : memref<10000x128xf32, #tpu.memory_space<hbm>>) dst(%dma_wait3A_821 : memref<64x128xf32, #tpu.memory_space<vmem>>)
      %mul3A_828 = arith.constant 2 : i32
      %mul3A_829 = arith.muli %mul3A_828, %add3A_788 : i32
      %add3A_830 = arith.constant 0 : i32
      %add3A_831 = arith.addi %mul3A_829, %add3A_830 : i32
      %dma_start3A_832 = arith.constant 1 : i32
      %dma_start3A_833 = arith.constant 0 : i32
      %dma_start3A_834 = arith.constant 0 : i32
      %dma_start3A_835 = tpu.memref_slice %arg8[%dma_start3A_832, %dma_start3A_833, %dma_start3A_834] : memref<4x64x128xf32, #tpu.memory_space<vmem>> -> memref<1x64x128xf32, #tpu.memory_space<vmem>>
      %dma_start3A_836 = tpu.memref_squeeze %dma_start3A_835 : memref<1x64x128xf32, #tpu.memory_space<vmem>> -> memref<64x128xf32, #tpu.memory_space<vmem>>
      %dma_start3A_837 = arith.constant 64 : i32
      %dma_start3A_838 = tpu.memref_slice %arg7[%add3A_831, %dma_start3A_837] : memref<40x128xi32, #tpu.memory_space<vmem>> -> memref<1x64xi32, #tpu.memory_space<vmem>>
      %dma_start3A_839 = tpu.memref_squeeze %dma_start3A_838 : memref<1x64xi32, #tpu.memory_space<vmem>> -> memref<64xi32, #tpu.memory_space<vmem>>
      %dma_start3A_840 = arith.constant 0 : i32
      %dma_start3A_841 = arith.constant 0 : i32
      %dma_start3A_842 = tpu.memref_slice %arg10[%dma_start3A_840, %dma_start3A_841] : memref<10240x128xf32, #tpu.memory_space<vmem_shared>> -> memref<10240x128xf32, #tpu.memory_space<vmem_shared>>
      tpu.enqueue_indirect_dma source(%dma_start3A_836 : memref<64x128xf32, #tpu.memory_space<vmem>>) target(%dma_start3A_842 : memref<10240x128xf32, #tpu.memory_space<vmem_shared>>) offsets(%dma_start3A_839 : memref<64xi32, #tpu.memory_space<vmem>>) semaphore(%arg16 : memref<!tpu.dma_semaphore, #tpu.memory_space<semaphore_mem>>) {add = true}
      %dma_wait3A_843 = arith.constant 0 : i32
      %dma_wait3A_844 = arith.constant 2 : i32
      %dma_wait3A_845 = arith.constant 0 : i32
      %dma_wait3A_846 = arith.constant 0 : i32
      %dma_wait3A_847 = tpu.memref_slice %arg8[%dma_wait3A_844, %dma_wait3A_845, %dma_wait3A_846] : memref<4x64x128xf32, #tpu.memory_space<vmem>> -> memref<1x64x128xf32, #tpu.memory_space<vmem>>
      %dma_wait3A_848 = tpu.memref_squeeze %dma_wait3A_847 : memref<1x64x128xf32, #tpu.memory_space<vmem>> -> memref<64x128xf32, #tpu.memory_space<vmem>>
      %dma_wait3A_849 = arith.constant 0 : i32
      %dma_wait3A_850 = tpu.memref_slice %arg6[%dma_wait3A_843, %dma_wait3A_849] : memref<40x128xi32, #tpu.memory_space<vmem>> -> memref<1x64xi32, #tpu.memory_space<vmem>>
      %dma_wait3A_851 = tpu.memref_squeeze %dma_wait3A_850 : memref<1x64xi32, #tpu.memory_space<vmem>> -> memref<64xi32, #tpu.memory_space<vmem>>
      %dma_wait3A_852 = arith.constant 0 : i32
      %dma_wait3A_853 = arith.constant 0 : i32
      %dma_wait3A_854 = tpu.memref_slice %arg2[%dma_wait3A_852, %dma_wait3A_853] : memref<10000x128xf32, #tpu.memory_space<hbm>> -> memref<10000x128xf32, #tpu.memory_space<hbm>>
      tpu.wait_indirect_dma semaphore(%arg13 : memref<!tpu.dma_semaphore, #tpu.memory_space<semaphore_mem>>) src(%dma_wait3A_854 : memref<10000x128xf32, #tpu.memory_space<hbm>>) dst(%dma_wait3A_848 : memref<64x128xf32, #tpu.memory_space<vmem>>)
      %mul3A_855 = arith.constant 2 : i32
      %mul3A_856 = arith.muli %mul3A_855, %add3A_788 : i32
      %add3A_857 = arith.constant 1 : i32
      %add3A_858 = arith.addi %mul3A_856, %add3A_857 : i32
      %dma_start3A_859 = arith.constant 2 : i32
      %dma_start3A_860 = arith.constant 0 : i32
      %dma_start3A_861 = arith.constant 0 : i32
      %dma_start3A_862 = tpu.memref_slice %arg8[%dma_start3A_859, %dma_start3A_860, %dma_start3A_861] : memref<4x64x128xf32, #tpu.memory_space<vmem>> -> memref<1x64x128xf32, #tpu.memory_space<vmem>>
      %dma_start3A_863 = tpu.memref_squeeze %dma_start3A_862 : memref<1x64x128xf32, #tpu.memory_space<vmem>> -> memref<64x128xf32, #tpu.memory_space<vmem>>
      %dma_start3A_864 = arith.constant 0 : i32
      %dma_start3A_865 = tpu.memref_slice %arg7[%add3A_858, %dma_start3A_864] : memref<40x128xi32, #tpu.memory_space<vmem>> -> memref<1x64xi32, #tpu.memory_space<vmem>>
      %dma_start3A_866 = tpu.memref_squeeze %dma_start3A_865 : memref<1x64xi32, #tpu.memory_space<vmem>> -> memref<64xi32, #tpu.memory_space<vmem>>
      %dma_start3A_867 = arith.constant 0 : i32
      %dma_start3A_868 = arith.constant 0 : i32
      %dma_start3A_869 = tpu.memref_slice %arg10[%dma_start3A_867, %dma_start3A_868] : memref<10240x128xf32, #tpu.memory_space<vmem_shared>> -> memref<10240x128xf32, #tpu.memory_space<vmem_shared>>
      tpu.enqueue_indirect_dma source(%dma_start3A_863 : memref<64x128xf32, #tpu.memory_space<vmem>>) target(%dma_start3A_869 : memref<10240x128xf32, #tpu.memory_space<vmem_shared>>) offsets(%dma_start3A_866 : memref<64xi32, #tpu.memory_space<vmem>>) semaphore(%arg17 : memref<!tpu.dma_semaphore, #tpu.memory_space<semaphore_mem>>) {add = true}
      %dma_wait3A_870 = arith.constant 0 : i32
      %dma_wait3A_871 = arith.constant 3 : i32
      %dma_wait3A_872 = arith.constant 0 : i32
      %dma_wait3A_873 = arith.constant 0 : i32
      %dma_wait3A_874 = tpu.memref_slice %arg8[%dma_wait3A_871, %dma_wait3A_872, %dma_wait3A_873] : memref<4x64x128xf32, #tpu.memory_space<vmem>> -> memref<1x64x128xf32, #tpu.memory_space<vmem>>
      %dma_wait3A_875 = tpu.memref_squeeze %dma_wait3A_874 : memref<1x64x128xf32, #tpu.memory_space<vmem>> -> memref<64x128xf32, #tpu.memory_space<vmem>>
      %dma_wait3A_876 = arith.constant 0 : i32
      %dma_wait3A_877 = tpu.memref_slice %arg6[%dma_wait3A_870, %dma_wait3A_876] : memref<40x128xi32, #tpu.memory_space<vmem>> -> memref<1x64xi32, #tpu.memory_space<vmem>>
      %dma_wait3A_878 = tpu.memref_squeeze %dma_wait3A_877 : memref<1x64xi32, #tpu.memory_space<vmem>> -> memref<64xi32, #tpu.memory_space<vmem>>
      %dma_wait3A_879 = arith.constant 0 : i32
      %dma_wait3A_880 = arith.constant 0 : i32
      %dma_wait3A_881 = tpu.memref_slice %arg2[%dma_wait3A_879, %dma_wait3A_880] : memref<10000x128xf32, #tpu.memory_space<hbm>> -> memref<10000x128xf32, #tpu.memory_space<hbm>>
      tpu.wait_indirect_dma semaphore(%arg14 : memref<!tpu.dma_semaphore, #tpu.memory_space<semaphore_mem>>) src(%dma_wait3A_881 : memref<10000x128xf32, #tpu.memory_space<hbm>>) dst(%dma_wait3A_875 : memref<64x128xf32, #tpu.memory_space<vmem>>)
      %mul3A_882 = arith.constant 2 : i32
      %mul3A_883 = arith.muli %mul3A_882, %add3A_788 : i32
      %add3A_884 = arith.constant 1 : i32
      %add3A_885 = arith.addi %mul3A_883, %add3A_884 : i32
      %dma_start3A_886 = arith.constant 3 : i32
      %dma_start3A_887 = arith.constant 0 : i32
      %dma_start3A_888 = arith.constant 0 : i32
      %dma_start3A_889 = tpu.memref_slice %arg8[%dma_start3A_886, %dma_start3A_887, %dma_start3A_888] : memref<4x64x128xf32, #tpu.memory_space<vmem>> -> memref<1x64x128xf32, #tpu.memory_space<vmem>>
      %dma_start3A_890 = tpu.memref_squeeze %dma_start3A_889 : memref<1x64x128xf32, #tpu.memory_space<vmem>> -> memref<64x128xf32, #tpu.memory_space<vmem>>
      %dma_start3A_891 = arith.constant 64 : i32
      %dma_start3A_892 = tpu.memref_slice %arg7[%add3A_885, %dma_start3A_891] : memref<40x128xi32, #tpu.memory_space<vmem>> -> memref<1x64xi32, #tpu.memory_space<vmem>>
      %dma_start3A_893 = tpu.memref_squeeze %dma_start3A_892 : memref<1x64xi32, #tpu.memory_space<vmem>> -> memref<64xi32, #tpu.memory_space<vmem>>
      %dma_start3A_894 = arith.constant 0 : i32
      %dma_start3A_895 = arith.constant 0 : i32
      %dma_start3A_896 = tpu.memref_slice %arg10[%dma_start3A_894, %dma_start3A_895] : memref<10240x128xf32, #tpu.memory_space<vmem_shared>> -> memref<10240x128xf32, #tpu.memory_space<vmem_shared>>
      tpu.enqueue_indirect_dma source(%dma_start3A_890 : memref<64x128xf32, #tpu.memory_space<vmem>>) target(%dma_start3A_896 : memref<10240x128xf32, #tpu.memory_space<vmem_shared>>) offsets(%dma_start3A_893 : memref<64xi32, #tpu.memory_space<vmem>>) semaphore(%arg18 : memref<!tpu.dma_semaphore, #tpu.memory_space<semaphore_mem>>) {add = true}
      %dma_wait3A_897 = arith.constant 0 : i32
      %dma_wait3A_898 = arith.constant 0 : i32
      %dma_wait3A_899 = arith.constant 0 : i32
      %dma_wait3A_900 = arith.constant 0 : i32
      %dma_wait3A_901 = tpu.memref_slice %arg8[%dma_wait3A_897, %dma_wait3A_899, %dma_wait3A_900] : memref<4x64x128xf32, #tpu.memory_space<vmem>> -> memref<1x64x128xf32, #tpu.memory_space<vmem>>
      %dma_wait3A_902 = tpu.memref_squeeze %dma_wait3A_901 : memref<1x64x128xf32, #tpu.memory_space<vmem>> -> memref<64x128xf32, #tpu.memory_space<vmem>>
      %dma_wait3A_903 = arith.constant 0 : i32
      %dma_wait3A_904 = tpu.memref_slice %arg7[%dma_wait3A_898, %dma_wait3A_903] : memref<40x128xi32, #tpu.memory_space<vmem>> -> memref<1x64xi32, #tpu.memory_space<vmem>>
      %dma_wait3A_905 = tpu.memref_squeeze %dma_wait3A_904 : memref<1x64xi32, #tpu.memory_space<vmem>> -> memref<64xi32, #tpu.memory_space<vmem>>
      %dma_wait3A_906 = arith.constant 0 : i32
      %dma_wait3A_907 = arith.constant 0 : i32
      %dma_wait3A_908 = tpu.memref_slice %arg10[%dma_wait3A_906, %dma_wait3A_907] : memref<10240x128xf32, #tpu.memory_space<vmem_shared>> -> memref<10240x128xf32, #tpu.memory_space<vmem_shared>>
      tpu.wait_indirect_dma semaphore(%arg15 : memref<!tpu.dma_semaphore, #tpu.memory_space<semaphore_mem>>) src(%dma_wait3A_902 : memref<64x128xf32, #tpu.memory_space<vmem>>) dst(%dma_wait3A_908 : memref<10240x128xf32, #tpu.memory_space<vmem_shared>>)
      %add3A_909 = arith.constant 1 : i32
      %add3A_910 = arith.addi %add3A_788, %add3A_909 : i32
      %mul3A_911 = arith.constant 2 : i32
      %mul3A_912 = arith.muli %mul3A_911, %add3A_910 : i32
      %add3A_913 = arith.constant 0 : i32
      %add3A_914 = arith.addi %mul3A_912, %add3A_913 : i32
      %dma_start3A_915 = arith.constant 0 : i32
      %dma_start3A_916 = arith.constant 0 : i32
      %dma_start3A_917 = arith.constant 0 : i32
      %dma_start3A_918 = tpu.memref_slice %arg8[%dma_start3A_915, %dma_start3A_916, %dma_start3A_917] : memref<4x64x128xf32, #tpu.memory_space<vmem>> -> memref<1x64x128xf32, #tpu.memory_space<vmem>>
      %dma_start3A_919 = tpu.memref_squeeze %dma_start3A_918 : memref<1x64x128xf32, #tpu.memory_space<vmem>> -> memref<64x128xf32, #tpu.memory_space<vmem>>
      %dma_start3A_920 = arith.constant 0 : i32
      %dma_start3A_921 = tpu.memref_slice %arg6[%add3A_914, %dma_start3A_920] : memref<40x128xi32, #tpu.memory_space<vmem>> -> memref<1x64xi32, #tpu.memory_space<vmem>>
      %dma_start3A_922 = tpu.memref_squeeze %dma_start3A_921 : memref<1x64xi32, #tpu.memory_space<vmem>> -> memref<64xi32, #tpu.memory_space<vmem>>
      %dma_start3A_923 = arith.constant 0 : i32
      %dma_start3A_924 = arith.constant 0 : i32
      %dma_start3A_925 = tpu.memref_slice %arg2[%dma_start3A_923, %dma_start3A_924] : memref<10000x128xf32, #tpu.memory_space<hbm>> -> memref<10000x128xf32, #tpu.memory_space<hbm>>
      tpu.enqueue_indirect_dma source(%dma_start3A_925 : memref<10000x128xf32, #tpu.memory_space<hbm>>) target(%dma_start3A_919 : memref<64x128xf32, #tpu.memory_space<vmem>>) offsets(%dma_start3A_922 : memref<64xi32, #tpu.memory_space<vmem>>) semaphore(%arg11 : memref<!tpu.dma_semaphore, #tpu.memory_space<semaphore_mem>>)
      %dma_wait3A_926 = arith.constant 1 : i32
      %dma_wait3A_927 = arith.constant 0 : i32
      %dma_wait3A_928 = arith.constant 0 : i32
      %dma_wait3A_929 = arith.constant 0 : i32
      %dma_wait3A_930 = tpu.memref_slice %arg8[%dma_wait3A_926, %dma_wait3A_928, %dma_wait3A_929] : memref<4x64x128xf32, #tpu.memory_space<vmem>> -> memref<1x64x128xf32, #tpu.memory_space<vmem>>
      %dma_wait3A_931 = tpu.memref_squeeze %dma_wait3A_930 : memref<1x64x128xf32, #tpu.memory_space<vmem>> -> memref<64x128xf32, #tpu.memory_space<vmem>>
      %dma_wait3A_932 = arith.constant 0 : i32
      %dma_wait3A_933 = tpu.memref_slice %arg7[%dma_wait3A_927, %dma_wait3A_932] : memref<40x128xi32, #tpu.memory_space<vmem>> -> memref<1x64xi32, #tpu.memory_space<vmem>>
      %dma_wait3A_934 = tpu.memref_squeeze %dma_wait3A_933 : memref<1x64xi32, #tpu.memory_space<vmem>> -> memref<64xi32, #tpu.memory_space<vmem>>
      %dma_wait3A_935 = arith.constant 0 : i32
      %dma_wait3A_936 = arith.constant 0 : i32
      %dma_wait3A_937 = tpu.memref_slice %arg10[%dma_wait3A_935, %dma_wait3A_936] : memref<10240x128xf32, #tpu.memory_space<vmem_shared>> -> memref<10240x128xf32, #tpu.memory_space<vmem_shared>>
      tpu.wait_indirect_dma semaphore(%arg16 : memref<!tpu.dma_semaphore, #tpu.memory_space<semaphore_mem>>) src(%dma_wait3A_931 : memref<64x128xf32, #tpu.memory_space<vmem>>) dst(%dma_wait3A_937 : memref<10240x128xf32, #tpu.memory_space<vmem_shared>>)
      %add3A_938 = arith.constant 1 : i32
      %add3A_939 = arith.addi %add3A_788, %add3A_938 : i32
      %mul3A_940 = arith.constant 2 : i32
      %mul3A_941 = arith.muli %mul3A_940, %add3A_939 : i32
      %add3A_942 = arith.constant 0 : i32
      %add3A_943 = arith.addi %mul3A_941, %add3A_942 : i32
      %dma_start3A_944 = arith.constant 1 : i32
      %dma_start3A_945 = arith.constant 0 : i32
      %dma_start3A_946 = arith.constant 0 : i32
      %dma_start3A_947 = tpu.memref_slice %arg8[%dma_start3A_944, %dma_start3A_945, %dma_start3A_946] : memref<4x64x128xf32, #tpu.memory_space<vmem>> -> memref<1x64x128xf32, #tpu.memory_space<vmem>>
      %dma_start3A_948 = tpu.memref_squeeze %dma_start3A_947 : memref<1x64x128xf32, #tpu.memory_space<vmem>> -> memref<64x128xf32, #tpu.memory_space<vmem>>
      %dma_start3A_949 = arith.constant 64 : i32
      %dma_start3A_950 = tpu.memref_slice %arg6[%add3A_943, %dma_start3A_949] : memref<40x128xi32, #tpu.memory_space<vmem>> -> memref<1x64xi32, #tpu.memory_space<vmem>>
      %dma_start3A_951 = tpu.memref_squeeze %dma_start3A_950 : memref<1x64xi32, #tpu.memory_space<vmem>> -> memref<64xi32, #tpu.memory_space<vmem>>
      %dma_start3A_952 = arith.constant 0 : i32
      %dma_start3A_953 = arith.constant 0 : i32
      %dma_start3A_954 = tpu.memref_slice %arg2[%dma_start3A_952, %dma_start3A_953] : memref<10000x128xf32, #tpu.memory_space<hbm>> -> memref<10000x128xf32, #tpu.memory_space<hbm>>
      tpu.enqueue_indirect_dma source(%dma_start3A_954 : memref<10000x128xf32, #tpu.memory_space<hbm>>) target(%dma_start3A_948 : memref<64x128xf32, #tpu.memory_space<vmem>>) offsets(%dma_start3A_951 : memref<64xi32, #tpu.memory_space<vmem>>) semaphore(%arg12 : memref<!tpu.dma_semaphore, #tpu.memory_space<semaphore_mem>>)
      %dma_wait3A_955 = arith.constant 2 : i32
      %dma_wait3A_956 = arith.constant 0 : i32
      %dma_wait3A_957 = arith.constant 0 : i32
      %dma_wait3A_958 = arith.constant 0 : i32
      %dma_wait3A_959 = tpu.memref_slice %arg8[%dma_wait3A_955, %dma_wait3A_957, %dma_wait3A_958] : memref<4x64x128xf32, #tpu.memory_space<vmem>> -> memref<1x64x128xf32, #tpu.memory_space<vmem>>
      %dma_wait3A_960 = tpu.memref_squeeze %dma_wait3A_959 : memref<1x64x128xf32, #tpu.memory_space<vmem>> -> memref<64x128xf32, #tpu.memory_space<vmem>>
      %dma_wait3A_961 = arith.constant 0 : i32
      %dma_wait3A_962 = tpu.memref_slice %arg7[%dma_wait3A_956, %dma_wait3A_961] : memref<40x128xi32, #tpu.memory_space<vmem>> -> memref<1x64xi32, #tpu.memory_space<vmem>>
      %dma_wait3A_963 = tpu.memref_squeeze %dma_wait3A_962 : memref<1x64xi32, #tpu.memory_space<vmem>> -> memref<64xi32, #tpu.memory_space<vmem>>
      %dma_wait3A_964 = arith.constant 0 : i32
      %dma_wait3A_965 = arith.constant 0 : i32
      %dma_wait3A_966 = tpu.memref_slice %arg10[%dma_wait3A_964, %dma_wait3A_965] : memref<10240x128xf32, #tpu.memory_space<vmem_shared>> -> memref<10240x128xf32, #tpu.memory_space<vmem_shared>>
      tpu.wait_indirect_dma semaphore(%arg17 : memref<!tpu.dma_semaphore, #tpu.memory_space<semaphore_mem>>) src(%dma_wait3A_960 : memref<64x128xf32, #tpu.memory_space<vmem>>) dst(%dma_wait3A_966 : memref<10240x128xf32, #tpu.memory_space<vmem_shared>>)
      %add3A_967 = arith.constant 1 : i32
      %add3A_968 = arith.addi %add3A_788, %add3A_967 : i32
      %mul3A_969 = arith.constant 2 : i32
      %mul3A_970 = arith.muli %mul3A_969, %add3A_968 : i32
      %add3A_971 = arith.constant 1 : i32
      %add3A_972 = arith.addi %mul3A_970, %add3A_971 : i32
      %dma_start3A_973 = arith.constant 2 : i32
      %dma_start3A_974 = arith.constant 0 : i32
      %dma_start3A_975 = arith.constant 0 : i32
      %dma_start3A_976 = tpu.memref_slice %arg8[%dma_start3A_973, %dma_start3A_974, %dma_start3A_975] : memref<4x64x128xf32, #tpu.memory_space<vmem>> -> memref<1x64x128xf32, #tpu.memory_space<vmem>>
      %dma_start3A_977 = tpu.memref_squeeze %dma_start3A_976 : memref<1x64x128xf32, #tpu.memory_space<vmem>> -> memref<64x128xf32, #tpu.memory_space<vmem>>
      %dma_start3A_978 = arith.constant 0 : i32
      %dma_start3A_979 = tpu.memref_slice %arg6[%add3A_972, %dma_start3A_978] : memref<40x128xi32, #tpu.memory_space<vmem>> -> memref<1x64xi32, #tpu.memory_space<vmem>>
      %dma_start3A_980 = tpu.memref_squeeze %dma_start3A_979 : memref<1x64xi32, #tpu.memory_space<vmem>> -> memref<64xi32, #tpu.memory_space<vmem>>
      %dma_start3A_981 = arith.constant 0 : i32
      %dma_start3A_982 = arith.constant 0 : i32
      %dma_start3A_983 = tpu.memref_slice %arg2[%dma_start3A_981, %dma_start3A_982] : memref<10000x128xf32, #tpu.memory_space<hbm>> -> memref<10000x128xf32, #tpu.memory_space<hbm>>
      tpu.enqueue_indirect_dma source(%dma_start3A_983 : memref<10000x128xf32, #tpu.memory_space<hbm>>) target(%dma_start3A_977 : memref<64x128xf32, #tpu.memory_space<vmem>>) offsets(%dma_start3A_980 : memref<64xi32, #tpu.memory_space<vmem>>) semaphore(%arg13 : memref<!tpu.dma_semaphore, #tpu.memory_space<semaphore_mem>>)
      %dma_wait3A_984 = arith.constant 3 : i32
      %dma_wait3A_985 = arith.constant 0 : i32
      %dma_wait3A_986 = arith.constant 0 : i32
      %dma_wait3A_987 = arith.constant 0 : i32
      %dma_wait3A_988 = tpu.memref_slice %arg8[%dma_wait3A_984, %dma_wait3A_986, %dma_wait3A_987] : memref<4x64x128xf32, #tpu.memory_space<vmem>> -> memref<1x64x128xf32, #tpu.memory_space<vmem>>
      %dma_wait3A_989 = tpu.memref_squeeze %dma_wait3A_988 : memref<1x64x128xf32, #tpu.memory_space<vmem>> -> memref<64x128xf32, #tpu.memory_space<vmem>>
      %dma_wait3A_990 = arith.constant 0 : i32
      %dma_wait3A_991 = tpu.memref_slice %arg7[%dma_wait3A_985, %dma_wait3A_990] : memref<40x128xi32, #tpu.memory_space<vmem>> -> memref<1x64xi32, #tpu.memory_space<vmem>>
      %dma_wait3A_992 = tpu.memref_squeeze %dma_wait3A_991 : memref<1x64xi32, #tpu.memory_space<vmem>> -> memref<64xi32, #tpu.memory_space<vmem>>
      %dma_wait3A_993 = arith.constant 0 : i32
      %dma_wait3A_994 = arith.constant 0 : i32
      %dma_wait3A_995 = tpu.memref_slice %arg10[%dma_wait3A_993, %dma_wait3A_994] : memref<10240x128xf32, #tpu.memory_space<vmem_shared>> -> memref<10240x128xf32, #tpu.memory_space<vmem_shared>>
      tpu.wait_indirect_dma semaphore(%arg18 : memref<!tpu.dma_semaphore, #tpu.memory_space<semaphore_mem>>) src(%dma_wait3A_989 : memref<64x128xf32, #tpu.memory_space<vmem>>) dst(%dma_wait3A_995 : memref<10240x128xf32, #tpu.memory_space<vmem_shared>>)
      %add3A_996 = arith.constant 1 : i32
      %add3A_997 = arith.addi %add3A_788, %add3A_996 : i32
      %mul3A_998 = arith.constant 2 : i32
      %mul3A_999 = arith.muli %mul3A_998, %add3A_997 : i32
      %add3A_1000 = arith.constant 1 : i32
      %add3A_1001 = arith.addi %mul3A_999, %add3A_1000 : i32
      %dma_start3A_1002 = arith.constant 3 : i32
      %dma_start3A_1003 = arith.constant 0 : i32
      %dma_start3A_1004 = arith.constant 0 : i32
      %dma_start3A_1005 = tpu.memref_slice %arg8[%dma_start3A_1002, %dma_start3A_1003, %dma_start3A_1004] : memref<4x64x128xf32, #tpu.memory_space<vmem>> -> memref<1x64x128xf32, #tpu.memory_space<vmem>>
      %dma_start3A_1006 = tpu.memref_squeeze %dma_start3A_1005 : memref<1x64x128xf32, #tpu.memory_space<vmem>> -> memref<64x128xf32, #tpu.memory_space<vmem>>
      %dma_start3A_1007 = arith.constant 64 : i32
      %dma_start3A_1008 = tpu.memref_slice %arg6[%add3A_1001, %dma_start3A_1007] : memref<40x128xi32, #tpu.memory_space<vmem>> -> memref<1x64xi32, #tpu.memory_space<vmem>>
      %dma_start3A_1009 = tpu.memref_squeeze %dma_start3A_1008 : memref<1x64xi32, #tpu.memory_space<vmem>> -> memref<64xi32, #tpu.memory_space<vmem>>
      %dma_start3A_1010 = arith.constant 0 : i32
      %dma_start3A_1011 = arith.constant 0 : i32
      %dma_start3A_1012 = tpu.memref_slice %arg2[%dma_start3A_1010, %dma_start3A_1011] : memref<10000x128xf32, #tpu.memory_space<hbm>> -> memref<10000x128xf32, #tpu.memory_space<hbm>>
      tpu.enqueue_indirect_dma source(%dma_start3A_1012 : memref<10000x128xf32, #tpu.memory_space<hbm>>) target(%dma_start3A_1006 : memref<64x128xf32, #tpu.memory_space<vmem>>) offsets(%dma_start3A_1009 : memref<64xi32, #tpu.memory_space<vmem>>) semaphore(%arg14 : memref<!tpu.dma_semaphore, #tpu.memory_space<semaphore_mem>>)
    }
    %scan3A_343 = arith.constant 19 : i32
    %dma_wait3A_344 = arith.constant 0 : i32
    %dma_wait3A_345 = arith.constant 0 : i32
    %dma_wait3A_346 = arith.constant 0 : i32
    %dma_wait3A_347 = arith.constant 0 : i32
    %dma_wait3A_348 = tpu.memref_slice %arg8[%dma_wait3A_345, %dma_wait3A_346, %dma_wait3A_347] : memref<4x64x128xf32, #tpu.memory_space<vmem>> -> memref<1x64x128xf32, #tpu.memory_space<vmem>>
    %dma_wait3A_349 = tpu.memref_squeeze %dma_wait3A_348 : memref<1x64x128xf32, #tpu.memory_space<vmem>> -> memref<64x128xf32, #tpu.memory_space<vmem>>
    %dma_wait3A_350 = arith.constant 0 : i32
    %dma_wait3A_351 = tpu.memref_slice %arg6[%dma_wait3A_344, %dma_wait3A_350] : memref<40x128xi32, #tpu.memory_space<vmem>> -> memref<1x64xi32, #tpu.memory_space<vmem>>
    %dma_wait3A_352 = tpu.memref_squeeze %dma_wait3A_351 : memref<1x64xi32, #tpu.memory_space<vmem>> -> memref<64xi32, #tpu.memory_space<vmem>>
    %dma_wait3A_353 = arith.constant 0 : i32
    %dma_wait3A_354 = arith.constant 0 : i32
    %dma_wait3A_355 = tpu.memref_slice %arg2[%dma_wait3A_353, %dma_wait3A_354] : memref<10000x128xf32, #tpu.memory_space<hbm>> -> memref<10000x128xf32, #tpu.memory_space<hbm>>
    tpu.wait_indirect_dma semaphore(%arg11 : memref<!tpu.dma_semaphore, #tpu.memory_space<semaphore_mem>>) src(%dma_wait3A_355 : memref<10000x128xf32, #tpu.memory_space<hbm>>) dst(%dma_wait3A_349 : memref<64x128xf32, #tpu.memory_space<vmem>>)
    %dma_start3A_356 = arith.constant 0 : i32
    %dma_start3A_357 = arith.constant 38 : i32
    %dma_start3A_358 = arith.constant 0 : i32
    %dma_start3A_359 = arith.constant 0 : i32
    %dma_start3A_360 = tpu.memref_slice %arg8[%dma_start3A_356, %dma_start3A_358, %dma_start3A_359] : memref<4x64x128xf32, #tpu.memory_space<vmem>> -> memref<1x64x128xf32, #tpu.memory_space<vmem>>
    %dma_start3A_361 = tpu.memref_squeeze %dma_start3A_360 : memref<1x64x128xf32, #tpu.memory_space<vmem>> -> memref<64x128xf32, #tpu.memory_space<vmem>>
    %dma_start3A_362 = arith.constant 0 : i32
    %dma_start3A_363 = tpu.memref_slice %arg7[%dma_start3A_357, %dma_start3A_362] : memref<40x128xi32, #tpu.memory_space<vmem>> -> memref<1x64xi32, #tpu.memory_space<vmem>>
    %dma_start3A_364 = tpu.memref_squeeze %dma_start3A_363 : memref<1x64xi32, #tpu.memory_space<vmem>> -> memref<64xi32, #tpu.memory_space<vmem>>
    %dma_start3A_365 = arith.constant 0 : i32
    %dma_start3A_366 = arith.constant 0 : i32
    %dma_start3A_367 = tpu.memref_slice %arg10[%dma_start3A_365, %dma_start3A_366] : memref<10240x128xf32, #tpu.memory_space<vmem_shared>> -> memref<10240x128xf32, #tpu.memory_space<vmem_shared>>
    tpu.enqueue_indirect_dma source(%dma_start3A_361 : memref<64x128xf32, #tpu.memory_space<vmem>>) target(%dma_start3A_367 : memref<10240x128xf32, #tpu.memory_space<vmem_shared>>) offsets(%dma_start3A_364 : memref<64xi32, #tpu.memory_space<vmem>>) semaphore(%arg15 : memref<!tpu.dma_semaphore, #tpu.memory_space<semaphore_mem>>) {add = true}
    %dma_wait3A_368 = arith.constant 0 : i32
    %dma_wait3A_369 = arith.constant 1 : i32
    %dma_wait3A_370 = arith.constant 0 : i32
    %dma_wait3A_371 = arith.constant 0 : i32
    %dma_wait3A_372 = tpu.memref_slice %arg8[%dma_wait3A_369, %dma_wait3A_370, %dma_wait3A_371] : memref<4x64x128xf32, #tpu.memory_space<vmem>> -> memref<1x64x128xf32, #tpu.memory_space<vmem>>
    %dma_wait3A_373 = tpu.memref_squeeze %dma_wait3A_372 : memref<1x64x128xf32, #tpu.memory_space<vmem>> -> memref<64x128xf32, #tpu.memory_space<vmem>>
    %dma_wait3A_374 = arith.constant 0 : i32
    %dma_wait3A_375 = tpu.memref_slice %arg6[%dma_wait3A_368, %dma_wait3A_374] : memref<40x128xi32, #tpu.memory_space<vmem>> -> memref<1x64xi32, #tpu.memory_space<vmem>>
    %dma_wait3A_376 = tpu.memref_squeeze %dma_wait3A_375 : memref<1x64xi32, #tpu.memory_space<vmem>> -> memref<64xi32, #tpu.memory_space<vmem>>
    %dma_wait3A_377 = arith.constant 0 : i32
    %dma_wait3A_378 = arith.constant 0 : i32
    %dma_wait3A_379 = tpu.memref_slice %arg2[%dma_wait3A_377, %dma_wait3A_378] : memref<10000x128xf32, #tpu.memory_space<hbm>> -> memref<10000x128xf32, #tpu.memory_space<hbm>>
    tpu.wait_indirect_dma semaphore(%arg12 : memref<!tpu.dma_semaphore, #tpu.memory_space<semaphore_mem>>) src(%dma_wait3A_379 : memref<10000x128xf32, #tpu.memory_space<hbm>>) dst(%dma_wait3A_373 : memref<64x128xf32, #tpu.memory_space<vmem>>)
    %dma_start3A_380 = arith.constant 1 : i32
    %dma_start3A_381 = arith.constant 38 : i32
    %dma_start3A_382 = arith.constant 0 : i32
    %dma_start3A_383 = arith.constant 0 : i32
    %dma_start3A_384 = tpu.memref_slice %arg8[%dma_start3A_380, %dma_start3A_382, %dma_start3A_383] : memref<4x64x128xf32, #tpu.memory_space<vmem>> -> memref<1x64x128xf32, #tpu.memory_space<vmem>>
    %dma_start3A_385 = tpu.memref_squeeze %dma_start3A_384 : memref<1x64x128xf32, #tpu.memory_space<vmem>> -> memref<64x128xf32, #tpu.memory_space<vmem>>
    %dma_start3A_386 = arith.constant 64 : i32
    %dma_start3A_387 = tpu.memref_slice %arg7[%dma_start3A_381, %dma_start3A_386] : memref<40x128xi32, #tpu.memory_space<vmem>> -> memref<1x64xi32, #tpu.memory_space<vmem>>
    %dma_start3A_388 = tpu.memref_squeeze %dma_start3A_387 : memref<1x64xi32, #tpu.memory_space<vmem>> -> memref<64xi32, #tpu.memory_space<vmem>>
    %dma_start3A_389 = arith.constant 0 : i32
    %dma_start3A_390 = arith.constant 0 : i32
    %dma_start3A_391 = tpu.memref_slice %arg10[%dma_start3A_389, %dma_start3A_390] : memref<10240x128xf32, #tpu.memory_space<vmem_shared>> -> memref<10240x128xf32, #tpu.memory_space<vmem_shared>>
    tpu.enqueue_indirect_dma source(%dma_start3A_385 : memref<64x128xf32, #tpu.memory_space<vmem>>) target(%dma_start3A_391 : memref<10240x128xf32, #tpu.memory_space<vmem_shared>>) offsets(%dma_start3A_388 : memref<64xi32, #tpu.memory_space<vmem>>) semaphore(%arg16 : memref<!tpu.dma_semaphore, #tpu.memory_space<semaphore_mem>>) {add = true}
    %dma_wait3A_392 = arith.constant 0 : i32
    %dma_wait3A_393 = arith.constant 2 : i32
    %dma_wait3A_394 = arith.constant 0 : i32
    %dma_wait3A_395 = arith.constant 0 : i32
    %dma_wait3A_396 = tpu.memref_slice %arg8[%dma_wait3A_393, %dma_wait3A_394, %dma_wait3A_395] : memref<4x64x128xf32, #tpu.memory_space<vmem>> -> memref<1x64x128xf32, #tpu.memory_space<vmem>>
    %dma_wait3A_397 = tpu.memref_squeeze %dma_wait3A_396 : memref<1x64x128xf32, #tpu.memory_space<vmem>> -> memref<64x128xf32, #tpu.memory_space<vmem>>
    %dma_wait3A_398 = arith.constant 0 : i32
    %dma_wait3A_399 = tpu.memref_slice %arg6[%dma_wait3A_392, %dma_wait3A_398] : memref<40x128xi32, #tpu.memory_space<vmem>> -> memref<1x64xi32, #tpu.memory_space<vmem>>
    %dma_wait3A_400 = tpu.memref_squeeze %dma_wait3A_399 : memref<1x64xi32, #tpu.memory_space<vmem>> -> memref<64xi32, #tpu.memory_space<vmem>>
    %dma_wait3A_401 = arith.constant 0 : i32
    %dma_wait3A_402 = arith.constant 0 : i32
    %dma_wait3A_403 = tpu.memref_slice %arg2[%dma_wait3A_401, %dma_wait3A_402] : memref<10000x128xf32, #tpu.memory_space<hbm>> -> memref<10000x128xf32, #tpu.memory_space<hbm>>
    tpu.wait_indirect_dma semaphore(%arg13 : memref<!tpu.dma_semaphore, #tpu.memory_space<semaphore_mem>>) src(%dma_wait3A_403 : memref<10000x128xf32, #tpu.memory_space<hbm>>) dst(%dma_wait3A_397 : memref<64x128xf32, #tpu.memory_space<vmem>>)
    %dma_start3A_404 = arith.constant 2 : i32
    %dma_start3A_405 = arith.constant 39 : i32
    %dma_start3A_406 = arith.constant 0 : i32
    %dma_start3A_407 = arith.constant 0 : i32
    %dma_start3A_408 = tpu.memref_slice %arg8[%dma_start3A_404, %dma_start3A_406, %dma_start3A_407] : memref<4x64x128xf32, #tpu.memory_space<vmem>> -> memref<1x64x128xf32, #tpu.memory_space<vmem>>
    %dma_start3A_409 = tpu.memref_squeeze %dma_start3A_408 : memref<1x64x128xf32, #tpu.memory_space<vmem>> -> memref<64x128xf32, #tpu.memory_space<vmem>>
    %dma_start3A_410 = arith.constant 0 : i32
    %dma_start3A_411 = tpu.memref_slice %arg7[%dma_start3A_405, %dma_start3A_410] : memref<40x128xi32, #tpu.memory_space<vmem>> -> memref<1x64xi32, #tpu.memory_space<vmem>>
    %dma_start3A_412 = tpu.memref_squeeze %dma_start3A_411 : memref<1x64xi32, #tpu.memory_space<vmem>> -> memref<64xi32, #tpu.memory_space<vmem>>
    %dma_start3A_413 = arith.constant 0 : i32
    %dma_start3A_414 = arith.constant 0 : i32
    %dma_start3A_415 = tpu.memref_slice %arg10[%dma_start3A_413, %dma_start3A_414] : memref<10240x128xf32, #tpu.memory_space<vmem_shared>> -> memref<10240x128xf32, #tpu.memory_space<vmem_shared>>
    tpu.enqueue_indirect_dma source(%dma_start3A_409 : memref<64x128xf32, #tpu.memory_space<vmem>>) target(%dma_start3A_415 : memref<10240x128xf32, #tpu.memory_space<vmem_shared>>) offsets(%dma_start3A_412 : memref<64xi32, #tpu.memory_space<vmem>>) semaphore(%arg17 : memref<!tpu.dma_semaphore, #tpu.memory_space<semaphore_mem>>) {add = true}
    %dma_wait3A_416 = arith.constant 0 : i32
    %dma_wait3A_417 = arith.constant 3 : i32
    %dma_wait3A_418 = arith.constant 0 : i32
    %dma_wait3A_419 = arith.constant 0 : i32
    %dma_wait3A_420 = tpu.memref_slice %arg8[%dma_wait3A_417, %dma_wait3A_418, %dma_wait3A_419] : memref<4x64x128xf32, #tpu.memory_space<vmem>> -> memref<1x64x128xf32, #tpu.memory_space<vmem>>
    %dma_wait3A_421 = tpu.memref_squeeze %dma_wait3A_420 : memref<1x64x128xf32, #tpu.memory_space<vmem>> -> memref<64x128xf32, #tpu.memory_space<vmem>>
    %dma_wait3A_422 = arith.constant 0 : i32
    %dma_wait3A_423 = tpu.memref_slice %arg6[%dma_wait3A_416, %dma_wait3A_422] : memref<40x128xi32, #tpu.memory_space<vmem>> -> memref<1x64xi32, #tpu.memory_space<vmem>>
    %dma_wait3A_424 = tpu.memref_squeeze %dma_wait3A_423 : memref<1x64xi32, #tpu.memory_space<vmem>> -> memref<64xi32, #tpu.memory_space<vmem>>
    %dma_wait3A_425 = arith.constant 0 : i32
    %dma_wait3A_426 = arith.constant 0 : i32
    %dma_wait3A_427 = tpu.memref_slice %arg2[%dma_wait3A_425, %dma_wait3A_426] : memref<10000x128xf32, #tpu.memory_space<hbm>> -> memref<10000x128xf32, #tpu.memory_space<hbm>>
    tpu.wait_indirect_dma semaphore(%arg14 : memref<!tpu.dma_semaphore, #tpu.memory_space<semaphore_mem>>) src(%dma_wait3A_427 : memref<10000x128xf32, #tpu.memory_space<hbm>>) dst(%dma_wait3A_421 : memref<64x128xf32, #tpu.memory_space<vmem>>)
    %dma_start3A_428 = arith.constant 3 : i32
    %dma_start3A_429 = arith.constant 39 : i32
    %dma_start3A_430 = arith.constant 0 : i32
    %dma_start3A_431 = arith.constant 0 : i32
    %dma_start3A_432 = tpu.memref_slice %arg8[%dma_start3A_428, %dma_start3A_430, %dma_start3A_431] : memref<4x64x128xf32, #tpu.memory_space<vmem>> -> memref<1x64x128xf32, #tpu.memory_space<vmem>>
    %dma_start3A_433 = tpu.memref_squeeze %dma_start3A_432 : memref<1x64x128xf32, #tpu.memory_space<vmem>> -> memref<64x128xf32, #tpu.memory_space<vmem>>
    %dma_start3A_434 = arith.constant 64 : i32
    %dma_start3A_435 = tpu.memref_slice %arg7[%dma_start3A_429, %dma_start3A_434] : memref<40x128xi32, #tpu.memory_space<vmem>> -> memref<1x64xi32, #tpu.memory_space<vmem>>
    %dma_start3A_436 = tpu.memref_squeeze %dma_start3A_435 : memref<1x64xi32, #tpu.memory_space<vmem>> -> memref<64xi32, #tpu.memory_space<vmem>>
    %dma_start3A_437 = arith.constant 0 : i32
    %dma_start3A_438 = arith.constant 0 : i32
    %dma_start3A_439 = tpu.memref_slice %arg10[%dma_start3A_437, %dma_start3A_438] : memref<10240x128xf32, #tpu.memory_space<vmem_shared>> -> memref<10240x128xf32, #tpu.memory_space<vmem_shared>>
    tpu.enqueue_indirect_dma source(%dma_start3A_433 : memref<64x128xf32, #tpu.memory_space<vmem>>) target(%dma_start3A_439 : memref<10240x128xf32, #tpu.memory_space<vmem_shared>>) offsets(%dma_start3A_436 : memref<64xi32, #tpu.memory_space<vmem>>) semaphore(%arg18 : memref<!tpu.dma_semaphore, #tpu.memory_space<semaphore_mem>>) {add = true}
    %dma_wait3A_440 = arith.constant 0 : i32
    %dma_wait3A_441 = arith.constant 0 : i32
    %dma_wait3A_442 = arith.constant 0 : i32
    %dma_wait3A_443 = arith.constant 0 : i32
    %dma_wait3A_444 = tpu.memref_slice %arg8[%dma_wait3A_440, %dma_wait3A_442, %dma_wait3A_443] : memref<4x64x128xf32, #tpu.memory_space<vmem>> -> memref<1x64x128xf32, #tpu.memory_space<vmem>>
    %dma_wait3A_445 = tpu.memref_squeeze %dma_wait3A_444 : memref<1x64x128xf32, #tpu.memory_space<vmem>> -> memref<64x128xf32, #tpu.memory_space<vmem>>
    %dma_wait3A_446 = arith.constant 0 : i32
    %dma_wait3A_447 = tpu.memref_slice %arg7[%dma_wait3A_441, %dma_wait3A_446] : memref<40x128xi32, #tpu.memory_space<vmem>> -> memref<1x64xi32, #tpu.memory_space<vmem>>
    %dma_wait3A_448 = tpu.memref_squeeze %dma_wait3A_447 : memref<1x64xi32, #tpu.memory_space<vmem>> -> memref<64xi32, #tpu.memory_space<vmem>>
    %dma_wait3A_449 = arith.constant 0 : i32
    %dma_wait3A_450 = arith.constant 0 : i32
    %dma_wait3A_451 = tpu.memref_slice %arg10[%dma_wait3A_449, %dma_wait3A_450] : memref<10240x128xf32, #tpu.memory_space<vmem_shared>> -> memref<10240x128xf32, #tpu.memory_space<vmem_shared>>
    tpu.wait_indirect_dma semaphore(%arg15 : memref<!tpu.dma_semaphore, #tpu.memory_space<semaphore_mem>>) src(%dma_wait3A_445 : memref<64x128xf32, #tpu.memory_space<vmem>>) dst(%dma_wait3A_451 : memref<10240x128xf32, #tpu.memory_space<vmem_shared>>)
    %dma_wait3A_452 = arith.constant 1 : i32
    %dma_wait3A_453 = arith.constant 0 : i32
    %dma_wait3A_454 = arith.constant 0 : i32
    %dma_wait3A_455 = arith.constant 0 : i32
    %dma_wait3A_456 = tpu.memref_slice %arg8[%dma_wait3A_452, %dma_wait3A_454, %dma_wait3A_455] : memref<4x64x128xf32, #tpu.memory_space<vmem>> -> memref<1x64x128xf32, #tpu.memory_space<vmem>>
    %dma_wait3A_457 = tpu.memref_squeeze %dma_wait3A_456 : memref<1x64x128xf32, #tpu.memory_space<vmem>> -> memref<64x128xf32, #tpu.memory_space<vmem>>
    %dma_wait3A_458 = arith.constant 0 : i32
    %dma_wait3A_459 = tpu.memref_slice %arg7[%dma_wait3A_453, %dma_wait3A_458] : memref<40x128xi32, #tpu.memory_space<vmem>> -> memref<1x64xi32, #tpu.memory_space<vmem>>
    %dma_wait3A_460 = tpu.memref_squeeze %dma_wait3A_459 : memref<1x64xi32, #tpu.memory_space<vmem>> -> memref<64xi32, #tpu.memory_space<vmem>>
    %dma_wait3A_461 = arith.constant 0 : i32
    %dma_wait3A_462 = arith.constant 0 : i32
    %dma_wait3A_463 = tpu.memref_slice %arg10[%dma_wait3A_461, %dma_wait3A_462] : memref<10240x128xf32, #tpu.memory_space<vmem_shared>> -> memref<10240x128xf32, #tpu.memory_space<vmem_shared>>
    tpu.wait_indirect_dma semaphore(%arg16 : memref<!tpu.dma_semaphore, #tpu.memory_space<semaphore_mem>>) src(%dma_wait3A_457 : memref<64x128xf32, #tpu.memory_space<vmem>>) dst(%dma_wait3A_463 : memref<10240x128xf32, #tpu.memory_space<vmem_shared>>)
    %dma_wait3A_464 = arith.constant 2 : i32
    %dma_wait3A_465 = arith.constant 0 : i32
    %dma_wait3A_466 = arith.constant 0 : i32
    %dma_wait3A_467 = arith.constant 0 : i32
    %dma_wait3A_468 = tpu.memref_slice %arg8[%dma_wait3A_464, %dma_wait3A_466, %dma_wait3A_467] : memref<4x64x128xf32, #tpu.memory_space<vmem>> -> memref<1x64x128xf32, #tpu.memory_space<vmem>>
    %dma_wait3A_469 = tpu.memref_squeeze %dma_wait3A_468 : memref<1x64x128xf32, #tpu.memory_space<vmem>> -> memref<64x128xf32, #tpu.memory_space<vmem>>
    %dma_wait3A_470 = arith.constant 0 : i32
    %dma_wait3A_471 = tpu.memref_slice %arg7[%dma_wait3A_465, %dma_wait3A_470] : memref<40x128xi32, #tpu.memory_space<vmem>> -> memref<1x64xi32, #tpu.memory_space<vmem>>
    %dma_wait3A_472 = tpu.memref_squeeze %dma_wait3A_471 : memref<1x64xi32, #tpu.memory_space<vmem>> -> memref<64xi32, #tpu.memory_space<vmem>>
    %dma_wait3A_473 = arith.constant 0 : i32
    %dma_wait3A_474 = arith.constant 0 : i32
    %dma_wait3A_475 = tpu.memref_slice %arg10[%dma_wait3A_473, %dma_wait3A_474] : memref<10240x128xf32, #tpu.memory_space<vmem_shared>> -> memref<10240x128xf32, #tpu.memory_space<vmem_shared>>
    tpu.wait_indirect_dma semaphore(%arg17 : memref<!tpu.dma_semaphore, #tpu.memory_space<semaphore_mem>>) src(%dma_wait3A_469 : memref<64x128xf32, #tpu.memory_space<vmem>>) dst(%dma_wait3A_475 : memref<10240x128xf32, #tpu.memory_space<vmem_shared>>)
    %dma_wait3A_476 = arith.constant 3 : i32
    %dma_wait3A_477 = arith.constant 0 : i32
    %dma_wait3A_478 = arith.constant 0 : i32
    %dma_wait3A_479 = arith.constant 0 : i32
    %dma_wait3A_480 = tpu.memref_slice %arg8[%dma_wait3A_476, %dma_wait3A_478, %dma_wait3A_479] : memref<4x64x128xf32, #tpu.memory_space<vmem>> -> memref<1x64x128xf32, #tpu.memory_space<vmem>>
    %dma_wait3A_481 = tpu.memref_squeeze %dma_wait3A_480 : memref<1x64x128xf32, #tpu.memory_space<vmem>> -> memref<64x128xf32, #tpu.memory_space<vmem>>
    %dma_wait3A_482 = arith.constant 0 : i32
    %dma_wait3A_483 = tpu.memref_slice %arg7[%dma_wait3A_477, %dma_wait3A_482] : memref<40x128xi32, #tpu.memory_space<vmem>> -> memref<1x64xi32, #tpu.memory_space<vmem>>
    %dma_wait3A_484 = tpu.memref_squeeze %dma_wait3A_483 : memref<1x64xi32, #tpu.memory_space<vmem>> -> memref<64xi32, #tpu.memory_space<vmem>>
    %dma_wait3A_485 = arith.constant 0 : i32
    %dma_wait3A_486 = arith.constant 0 : i32
    %dma_wait3A_487 = tpu.memref_slice %arg10[%dma_wait3A_485, %dma_wait3A_486] : memref<10240x128xf32, #tpu.memory_space<vmem_shared>> -> memref<10240x128xf32, #tpu.memory_space<vmem_shared>>
    tpu.wait_indirect_dma semaphore(%arg18 : memref<!tpu.dma_semaphore, #tpu.memory_space<semaphore_mem>>) src(%dma_wait3A_481 : memref<64x128xf32, #tpu.memory_space<vmem>>) dst(%dma_wait3A_487 : memref<10240x128xf32, #tpu.memory_space<vmem_shared>>)
    %mul3A_488 = arith.constant 2 : i32
    %mul3A_489 = arith.muli %mul3A_488, %add3A : i32
    %add3A_490 = arith.constant 1 : i32
    %add3A_491 = arith.addi %mul3A_489, %add3A_490 : i32
    "tpu.region"() ({
      %run_scoped3A = tpu.sem_alloc : memref<!tpu.dma_semaphore, #tpu.memory_space<semaphore_mem>>
      %dma_start3A_784 = arith.constant 0 : i32
      %dma_start3A_785 = arith.constant 0 : i32
      %dma_start3A_786 = tpu.memref_slice %arg3[%add3A_491, %dma_start3A_784, %dma_start3A_785] : memref<64x40x128xi32, #tpu.memory_space<hbm>> -> memref<1x40x128xi32, #tpu.memory_space<hbm>>
      %dma_start3A_787 = tpu.memref_squeeze %dma_start3A_786 : memref<1x40x128xi32, #tpu.memory_space<hbm>> -> memref<40x128xi32, #tpu.memory_space<hbm>>
      %dma_start3A_788 = arith.constant 0 : i32
      %dma_start3A_789 = arith.constant 0 : i32
      %dma_start3A_790 = tpu.memref_slice %arg3[%add3A_491, %dma_start3A_788, %dma_start3A_789] : memref<64x40x128xi32, #tpu.memory_space<hbm>> -> memref<1x40x128xi32, #tpu.memory_space<hbm>>
      %dma_start3A_791 = tpu.memref_squeeze %dma_start3A_790 : memref<1x40x128xi32, #tpu.memory_space<hbm>> -> memref<40x128xi32, #tpu.memory_space<hbm>>
      tpu.enqueue_dma source(%dma_start3A_791 : memref<40x128xi32, #tpu.memory_space<hbm>>) target(%arg6 : memref<40x128xi32, #tpu.memory_space<vmem>>) target_semaphore(%run_scoped3A : memref<!tpu.dma_semaphore, #tpu.memory_space<semaphore_mem>>)
      %dma_wait3A_792 = arith.constant 0 : i32
      %dma_wait3A_793 = arith.constant 0 : i32
      %dma_wait3A_794 = tpu.memref_slice %arg3[%add3A_491, %dma_wait3A_792, %dma_wait3A_793] : memref<64x40x128xi32, #tpu.memory_space<hbm>> -> memref<1x40x128xi32, #tpu.memory_space<hbm>>
      %dma_wait3A_795 = tpu.memref_squeeze %dma_wait3A_794 : memref<1x40x128xi32, #tpu.memory_space<hbm>> -> memref<40x128xi32, #tpu.memory_space<hbm>>
      %dma_wait3A_796 = arith.constant 0 : i32
      %dma_wait3A_797 = arith.constant 0 : i32
      %dma_wait3A_798 = tpu.memref_slice %arg3[%add3A_491, %dma_wait3A_796, %dma_wait3A_797] : memref<64x40x128xi32, #tpu.memory_space<hbm>> -> memref<1x40x128xi32, #tpu.memory_space<hbm>>
      %dma_wait3A_799 = tpu.memref_squeeze %dma_wait3A_798 : memref<1x40x128xi32, #tpu.memory_space<hbm>> -> memref<40x128xi32, #tpu.memory_space<hbm>>
      tpu.wait_dma2 semaphore(%run_scoped3A : memref<!tpu.dma_semaphore, #tpu.memory_space<semaphore_mem>>) src(%dma_wait3A_799 : memref<40x128xi32, #tpu.memory_space<hbm>>) dst(%arg6 : memref<40x128xi32, #tpu.memory_space<vmem>>)
      tpu.yield
    }) : () -> ()
    %mul3A_492 = arith.constant 2 : i32
    %mul3A_493 = arith.muli %mul3A_492, %add3A : i32
    %add3A_494 = arith.constant 1 : i32
    %add3A_495 = arith.addi %mul3A_493, %add3A_494 : i32
    "tpu.region"() ({
      %run_scoped3A = tpu.sem_alloc : memref<!tpu.dma_semaphore, #tpu.memory_space<semaphore_mem>>
      %dma_start3A_784 = arith.constant 0 : i32
      %dma_start3A_785 = arith.constant 0 : i32
      %dma_start3A_786 = tpu.memref_slice %arg4[%add3A_495, %dma_start3A_784, %dma_start3A_785] : memref<64x40x128xi32, #tpu.memory_space<hbm>> -> memref<1x40x128xi32, #tpu.memory_space<hbm>>
      %dma_start3A_787 = tpu.memref_squeeze %dma_start3A_786 : memref<1x40x128xi32, #tpu.memory_space<hbm>> -> memref<40x128xi32, #tpu.memory_space<hbm>>
      %dma_start3A_788 = arith.constant 0 : i32
      %dma_start3A_789 = arith.constant 0 : i32
      %dma_start3A_790 = tpu.memref_slice %arg4[%add3A_495, %dma_start3A_788, %dma_start3A_789] : memref<64x40x128xi32, #tpu.memory_space<hbm>> -> memref<1x40x128xi32, #tpu.memory_space<hbm>>
      %dma_start3A_791 = tpu.memref_squeeze %dma_start3A_790 : memref<1x40x128xi32, #tpu.memory_space<hbm>> -> memref<40x128xi32, #tpu.memory_space<hbm>>
      tpu.enqueue_dma source(%dma_start3A_791 : memref<40x128xi32, #tpu.memory_space<hbm>>) target(%arg7 : memref<40x128xi32, #tpu.memory_space<vmem>>) target_semaphore(%run_scoped3A : memref<!tpu.dma_semaphore, #tpu.memory_space<semaphore_mem>>)
      %dma_wait3A_792 = arith.constant 0 : i32
      %dma_wait3A_793 = arith.constant 0 : i32
      %dma_wait3A_794 = tpu.memref_slice %arg4[%add3A_495, %dma_wait3A_792, %dma_wait3A_793] : memref<64x40x128xi32, #tpu.memory_space<hbm>> -> memref<1x40x128xi32, #tpu.memory_space<hbm>>
      %dma_wait3A_795 = tpu.memref_squeeze %dma_wait3A_794 : memref<1x40x128xi32, #tpu.memory_space<hbm>> -> memref<40x128xi32, #tpu.memory_space<hbm>>
      %dma_wait3A_796 = arith.constant 0 : i32
      %dma_wait3A_797 = arith.constant 0 : i32
      %dma_wait3A_798 = tpu.memref_slice %arg4[%add3A_495, %dma_wait3A_796, %dma_wait3A_797] : memref<64x40x128xi32, #tpu.memory_space<hbm>> -> memref<1x40x128xi32, #tpu.memory_space<hbm>>
      %dma_wait3A_799 = tpu.memref_squeeze %dma_wait3A_798 : memref<1x40x128xi32, #tpu.memory_space<hbm>> -> memref<40x128xi32, #tpu.memory_space<hbm>>
      tpu.wait_dma2 semaphore(%run_scoped3A : memref<!tpu.dma_semaphore, #tpu.memory_space<semaphore_mem>>) src(%dma_wait3A_799 : memref<40x128xi32, #tpu.memory_space<hbm>>) dst(%arg7 : memref<40x128xi32, #tpu.memory_space<vmem>>)
      tpu.yield
    }) : () -> ()
    %dma_start3A_496 = arith.constant 0 : i32
    %dma_start3A_497 = arith.constant 0 : i32
    %dma_start3A_498 = arith.constant 0 : i32
    %dma_start3A_499 = arith.constant 0 : i32
    %dma_start3A_500 = tpu.memref_slice %arg8[%dma_start3A_497, %dma_start3A_498, %dma_start3A_499] : memref<4x64x128xf32, #tpu.memory_space<vmem>> -> memref<1x64x128xf32, #tpu.memory_space<vmem>>
    %dma_start3A_501 = tpu.memref_squeeze %dma_start3A_500 : memref<1x64x128xf32, #tpu.memory_space<vmem>> -> memref<64x128xf32, #tpu.memory_space<vmem>>
    %dma_start3A_502 = arith.constant 0 : i32
    %dma_start3A_503 = tpu.memref_slice %arg6[%dma_start3A_496, %dma_start3A_502] : memref<40x128xi32, #tpu.memory_space<vmem>> -> memref<1x64xi32, #tpu.memory_space<vmem>>
    %dma_start3A_504 = tpu.memref_squeeze %dma_start3A_503 : memref<1x64xi32, #tpu.memory_space<vmem>> -> memref<64xi32, #tpu.memory_space<vmem>>
    %dma_start3A_505 = arith.constant 0 : i32
    %dma_start3A_506 = arith.constant 0 : i32
    %dma_start3A_507 = tpu.memref_slice %arg2[%dma_start3A_505, %dma_start3A_506] : memref<10000x128xf32, #tpu.memory_space<hbm>> -> memref<10000x128xf32, #tpu.memory_space<hbm>>
    tpu.enqueue_indirect_dma source(%dma_start3A_507 : memref<10000x128xf32, #tpu.memory_space<hbm>>) target(%dma_start3A_501 : memref<64x128xf32, #tpu.memory_space<vmem>>) offsets(%dma_start3A_504 : memref<64xi32, #tpu.memory_space<vmem>>) semaphore(%arg11 : memref<!tpu.dma_semaphore, #tpu.memory_space<semaphore_mem>>)
    %dma_start3A_508 = arith.constant 0 : i32
    %dma_start3A_509 = arith.constant 1 : i32
    %dma_start3A_510 = arith.constant 0 : i32
    %dma_start3A_511 = arith.constant 0 : i32
    %dma_start3A_512 = tpu.memref_slice %arg8[%dma_start3A_509, %dma_start3A_510, %dma_start3A_511] : memref<4x64x128xf32, #tpu.memory_space<vmem>> -> memref<1x64x128xf32, #tpu.memory_space<vmem>>
    %dma_start3A_513 = tpu.memref_squeeze %dma_start3A_512 : memref<1x64x128xf32, #tpu.memory_space<vmem>> -> memref<64x128xf32, #tpu.memory_space<vmem>>
    %dma_start3A_514 = arith.constant 64 : i32
    %dma_start3A_515 = tpu.memref_slice %arg6[%dma_start3A_508, %dma_start3A_514] : memref<40x128xi32, #tpu.memory_space<vmem>> -> memref<1x64xi32, #tpu.memory_space<vmem>>
    %dma_start3A_516 = tpu.memref_squeeze %dma_start3A_515 : memref<1x64xi32, #tpu.memory_space<vmem>> -> memref<64xi32, #tpu.memory_space<vmem>>
    %dma_start3A_517 = arith.constant 0 : i32
    %dma_start3A_518 = arith.constant 0 : i32
    %dma_start3A_519 = tpu.memref_slice %arg2[%dma_start3A_517, %dma_start3A_518] : memref<10000x128xf32, #tpu.memory_space<hbm>> -> memref<10000x128xf32, #tpu.memory_space<hbm>>
    tpu.enqueue_indirect_dma source(%dma_start3A_519 : memref<10000x128xf32, #tpu.memory_space<hbm>>) target(%dma_start3A_513 : memref<64x128xf32, #tpu.memory_space<vmem>>) offsets(%dma_start3A_516 : memref<64xi32, #tpu.memory_space<vmem>>) semaphore(%arg12 : memref<!tpu.dma_semaphore, #tpu.memory_space<semaphore_mem>>)
    %dma_start3A_520 = arith.constant 1 : i32
    %dma_start3A_521 = arith.constant 2 : i32
    %dma_start3A_522 = arith.constant 0 : i32
    %dma_start3A_523 = arith.constant 0 : i32
    %dma_start3A_524 = tpu.memref_slice %arg8[%dma_start3A_521, %dma_start3A_522, %dma_start3A_523] : memref<4x64x128xf32, #tpu.memory_space<vmem>> -> memref<1x64x128xf32, #tpu.memory_space<vmem>>
    %dma_start3A_525 = tpu.memref_squeeze %dma_start3A_524 : memref<1x64x128xf32, #tpu.memory_space<vmem>> -> memref<64x128xf32, #tpu.memory_space<vmem>>
    %dma_start3A_526 = arith.constant 0 : i32
    %dma_start3A_527 = tpu.memref_slice %arg6[%dma_start3A_520, %dma_start3A_526] : memref<40x128xi32, #tpu.memory_space<vmem>> -> memref<1x64xi32, #tpu.memory_space<vmem>>
    %dma_start3A_528 = tpu.memref_squeeze %dma_start3A_527 : memref<1x64xi32, #tpu.memory_space<vmem>> -> memref<64xi32, #tpu.memory_space<vmem>>
    %dma_start3A_529 = arith.constant 0 : i32
    %dma_start3A_530 = arith.constant 0 : i32
    %dma_start3A_531 = tpu.memref_slice %arg2[%dma_start3A_529, %dma_start3A_530] : memref<10000x128xf32, #tpu.memory_space<hbm>> -> memref<10000x128xf32, #tpu.memory_space<hbm>>
    tpu.enqueue_indirect_dma source(%dma_start3A_531 : memref<10000x128xf32, #tpu.memory_space<hbm>>) target(%dma_start3A_525 : memref<64x128xf32, #tpu.memory_space<vmem>>) offsets(%dma_start3A_528 : memref<64xi32, #tpu.memory_space<vmem>>) semaphore(%arg13 : memref<!tpu.dma_semaphore, #tpu.memory_space<semaphore_mem>>)
    %dma_start3A_532 = arith.constant 1 : i32
    %dma_start3A_533 = arith.constant 3 : i32
    %dma_start3A_534 = arith.constant 0 : i32
    %dma_start3A_535 = arith.constant 0 : i32
    %dma_start3A_536 = tpu.memref_slice %arg8[%dma_start3A_533, %dma_start3A_534, %dma_start3A_535] : memref<4x64x128xf32, #tpu.memory_space<vmem>> -> memref<1x64x128xf32, #tpu.memory_space<vmem>>
    %dma_start3A_537 = tpu.memref_squeeze %dma_start3A_536 : memref<1x64x128xf32, #tpu.memory_space<vmem>> -> memref<64x128xf32, #tpu.memory_space<vmem>>
    %dma_start3A_538 = arith.constant 64 : i32
    %dma_start3A_539 = tpu.memref_slice %arg6[%dma_start3A_532, %dma_start3A_538] : memref<40x128xi32, #tpu.memory_space<vmem>> -> memref<1x64xi32, #tpu.memory_space<vmem>>
    %dma_start3A_540 = tpu.memref_squeeze %dma_start3A_539 : memref<1x64xi32, #tpu.memory_space<vmem>> -> memref<64xi32, #tpu.memory_space<vmem>>
    %dma_start3A_541 = arith.constant 0 : i32
    %dma_start3A_542 = arith.constant 0 : i32
    %dma_start3A_543 = tpu.memref_slice %arg2[%dma_start3A_541, %dma_start3A_542] : memref<10000x128xf32, #tpu.memory_space<hbm>> -> memref<10000x128xf32, #tpu.memory_space<hbm>>
    tpu.enqueue_indirect_dma source(%dma_start3A_543 : memref<10000x128xf32, #tpu.memory_space<hbm>>) target(%dma_start3A_537 : memref<64x128xf32, #tpu.memory_space<vmem>>) offsets(%dma_start3A_540 : memref<64xi32, #tpu.memory_space<vmem>>) semaphore(%arg14 : memref<!tpu.dma_semaphore, #tpu.memory_space<semaphore_mem>>)
    %scan3A_544 = arith.constant 0 : i32
    %scan3A_545 = arith.constant 19 : i32
    %scan3A_546 = arith.addi %scan3A_544, %scan3A_545 : i32
    %scan3A_547 = arith.constant 1 : i32
    scf.for %scan3A_784 = %scan3A_544 to %scan3A_546 step %scan3A_547  : i32 {
      %mul3A_785 = arith.constant 1 : i32
      %mul3A_786 = arith.muli %scan3A_784, %mul3A_785 : i32
      %add3A_787 = arith.constant 0 : i32
      %add3A_788 = arith.addi %add3A_787, %mul3A_786 : i32
      %dma_wait3A_789 = arith.constant 0 : i32
      %dma_wait3A_790 = arith.constant 0 : i32
      %dma_wait3A_791 = arith.constant 0 : i32
      %dma_wait3A_792 = arith.constant 0 : i32
      %dma_wait3A_793 = tpu.memref_slice %arg8[%dma_wait3A_790, %dma_wait3A_791, %dma_wait3A_792] : memref<4x64x128xf32, #tpu.memory_space<vmem>> -> memref<1x64x128xf32, #tpu.memory_space<vmem>>
      %dma_wait3A_794 = tpu.memref_squeeze %dma_wait3A_793 : memref<1x64x128xf32, #tpu.memory_space<vmem>> -> memref<64x128xf32, #tpu.memory_space<vmem>>
      %dma_wait3A_795 = arith.constant 0 : i32
      %dma_wait3A_796 = tpu.memref_slice %arg6[%dma_wait3A_789, %dma_wait3A_795] : memref<40x128xi32, #tpu.memory_space<vmem>> -> memref<1x64xi32, #tpu.memory_space<vmem>>
      %dma_wait3A_797 = tpu.memref_squeeze %dma_wait3A_796 : memref<1x64xi32, #tpu.memory_space<vmem>> -> memref<64xi32, #tpu.memory_space<vmem>>
      %dma_wait3A_798 = arith.constant 0 : i32
      %dma_wait3A_799 = arith.constant 0 : i32
      %dma_wait3A_800 = tpu.memref_slice %arg2[%dma_wait3A_798, %dma_wait3A_799] : memref<10000x128xf32, #tpu.memory_space<hbm>> -> memref<10000x128xf32, #tpu.memory_space<hbm>>
      tpu.wait_indirect_dma semaphore(%arg11 : memref<!tpu.dma_semaphore, #tpu.memory_space<semaphore_mem>>) src(%dma_wait3A_800 : memref<10000x128xf32, #tpu.memory_space<hbm>>) dst(%dma_wait3A_794 : memref<64x128xf32, #tpu.memory_space<vmem>>)
      %mul3A_801 = arith.constant 2 : i32
      %mul3A_802 = arith.muli %mul3A_801, %add3A_788 : i32
      %add3A_803 = arith.constant 0 : i32
      %add3A_804 = arith.addi %mul3A_802, %add3A_803 : i32
      %dma_start3A_805 = arith.constant 0 : i32
      %dma_start3A_806 = arith.constant 0 : i32
      %dma_start3A_807 = arith.constant 0 : i32
      %dma_start3A_808 = tpu.memref_slice %arg8[%dma_start3A_805, %dma_start3A_806, %dma_start3A_807] : memref<4x64x128xf32, #tpu.memory_space<vmem>> -> memref<1x64x128xf32, #tpu.memory_space<vmem>>
      %dma_start3A_809 = tpu.memref_squeeze %dma_start3A_808 : memref<1x64x128xf32, #tpu.memory_space<vmem>> -> memref<64x128xf32, #tpu.memory_space<vmem>>
      %dma_start3A_810 = arith.constant 0 : i32
      %dma_start3A_811 = tpu.memref_slice %arg7[%add3A_804, %dma_start3A_810] : memref<40x128xi32, #tpu.memory_space<vmem>> -> memref<1x64xi32, #tpu.memory_space<vmem>>
      %dma_start3A_812 = tpu.memref_squeeze %dma_start3A_811 : memref<1x64xi32, #tpu.memory_space<vmem>> -> memref<64xi32, #tpu.memory_space<vmem>>
      %dma_start3A_813 = arith.constant 0 : i32
      %dma_start3A_814 = arith.constant 0 : i32
      %dma_start3A_815 = tpu.memref_slice %arg10[%dma_start3A_813, %dma_start3A_814] : memref<10240x128xf32, #tpu.memory_space<vmem_shared>> -> memref<10240x128xf32, #tpu.memory_space<vmem_shared>>
      tpu.enqueue_indirect_dma source(%dma_start3A_809 : memref<64x128xf32, #tpu.memory_space<vmem>>) target(%dma_start3A_815 : memref<10240x128xf32, #tpu.memory_space<vmem_shared>>) offsets(%dma_start3A_812 : memref<64xi32, #tpu.memory_space<vmem>>) semaphore(%arg15 : memref<!tpu.dma_semaphore, #tpu.memory_space<semaphore_mem>>) {add = true}
      %dma_wait3A_816 = arith.constant 0 : i32
      %dma_wait3A_817 = arith.constant 1 : i32
      %dma_wait3A_818 = arith.constant 0 : i32
      %dma_wait3A_819 = arith.constant 0 : i32
      %dma_wait3A_820 = tpu.memref_slice %arg8[%dma_wait3A_817, %dma_wait3A_818, %dma_wait3A_819] : memref<4x64x128xf32, #tpu.memory_space<vmem>> -> memref<1x64x128xf32, #tpu.memory_space<vmem>>
      %dma_wait3A_821 = tpu.memref_squeeze %dma_wait3A_820 : memref<1x64x128xf32, #tpu.memory_space<vmem>> -> memref<64x128xf32, #tpu.memory_space<vmem>>
      %dma_wait3A_822 = arith.constant 0 : i32
      %dma_wait3A_823 = tpu.memref_slice %arg6[%dma_wait3A_816, %dma_wait3A_822] : memref<40x128xi32, #tpu.memory_space<vmem>> -> memref<1x64xi32, #tpu.memory_space<vmem>>
      %dma_wait3A_824 = tpu.memref_squeeze %dma_wait3A_823 : memref<1x64xi32, #tpu.memory_space<vmem>> -> memref<64xi32, #tpu.memory_space<vmem>>
      %dma_wait3A_825 = arith.constant 0 : i32
      %dma_wait3A_826 = arith.constant 0 : i32
      %dma_wait3A_827 = tpu.memref_slice %arg2[%dma_wait3A_825, %dma_wait3A_826] : memref<10000x128xf32, #tpu.memory_space<hbm>> -> memref<10000x128xf32, #tpu.memory_space<hbm>>
      tpu.wait_indirect_dma semaphore(%arg12 : memref<!tpu.dma_semaphore, #tpu.memory_space<semaphore_mem>>) src(%dma_wait3A_827 : memref<10000x128xf32, #tpu.memory_space<hbm>>) dst(%dma_wait3A_821 : memref<64x128xf32, #tpu.memory_space<vmem>>)
      %mul3A_828 = arith.constant 2 : i32
      %mul3A_829 = arith.muli %mul3A_828, %add3A_788 : i32
      %add3A_830 = arith.constant 0 : i32
      %add3A_831 = arith.addi %mul3A_829, %add3A_830 : i32
      %dma_start3A_832 = arith.constant 1 : i32
      %dma_start3A_833 = arith.constant 0 : i32
      %dma_start3A_834 = arith.constant 0 : i32
      %dma_start3A_835 = tpu.memref_slice %arg8[%dma_start3A_832, %dma_start3A_833, %dma_start3A_834] : memref<4x64x128xf32, #tpu.memory_space<vmem>> -> memref<1x64x128xf32, #tpu.memory_space<vmem>>
      %dma_start3A_836 = tpu.memref_squeeze %dma_start3A_835 : memref<1x64x128xf32, #tpu.memory_space<vmem>> -> memref<64x128xf32, #tpu.memory_space<vmem>>
      %dma_start3A_837 = arith.constant 64 : i32
      %dma_start3A_838 = tpu.memref_slice %arg7[%add3A_831, %dma_start3A_837] : memref<40x128xi32, #tpu.memory_space<vmem>> -> memref<1x64xi32, #tpu.memory_space<vmem>>
      %dma_start3A_839 = tpu.memref_squeeze %dma_start3A_838 : memref<1x64xi32, #tpu.memory_space<vmem>> -> memref<64xi32, #tpu.memory_space<vmem>>
      %dma_start3A_840 = arith.constant 0 : i32
      %dma_start3A_841 = arith.constant 0 : i32
      %dma_start3A_842 = tpu.memref_slice %arg10[%dma_start3A_840, %dma_start3A_841] : memref<10240x128xf32, #tpu.memory_space<vmem_shared>> -> memref<10240x128xf32, #tpu.memory_space<vmem_shared>>
      tpu.enqueue_indirect_dma source(%dma_start3A_836 : memref<64x128xf32, #tpu.memory_space<vmem>>) target(%dma_start3A_842 : memref<10240x128xf32, #tpu.memory_space<vmem_shared>>) offsets(%dma_start3A_839 : memref<64xi32, #tpu.memory_space<vmem>>) semaphore(%arg16 : memref<!tpu.dma_semaphore, #tpu.memory_space<semaphore_mem>>) {add = true}
      %dma_wait3A_843 = arith.constant 0 : i32
      %dma_wait3A_844 = arith.constant 2 : i32
      %dma_wait3A_845 = arith.constant 0 : i32
      %dma_wait3A_846 = arith.constant 0 : i32
      %dma_wait3A_847 = tpu.memref_slice %arg8[%dma_wait3A_844, %dma_wait3A_845, %dma_wait3A_846] : memref<4x64x128xf32, #tpu.memory_space<vmem>> -> memref<1x64x128xf32, #tpu.memory_space<vmem>>
      %dma_wait3A_848 = tpu.memref_squeeze %dma_wait3A_847 : memref<1x64x128xf32, #tpu.memory_space<vmem>> -> memref<64x128xf32, #tpu.memory_space<vmem>>
      %dma_wait3A_849 = arith.constant 0 : i32
      %dma_wait3A_850 = tpu.memref_slice %arg6[%dma_wait3A_843, %dma_wait3A_849] : memref<40x128xi32, #tpu.memory_space<vmem>> -> memref<1x64xi32, #tpu.memory_space<vmem>>
      %dma_wait3A_851 = tpu.memref_squeeze %dma_wait3A_850 : memref<1x64xi32, #tpu.memory_space<vmem>> -> memref<64xi32, #tpu.memory_space<vmem>>
      %dma_wait3A_852 = arith.constant 0 : i32
      %dma_wait3A_853 = arith.constant 0 : i32
      %dma_wait3A_854 = tpu.memref_slice %arg2[%dma_wait3A_852, %dma_wait3A_853] : memref<10000x128xf32, #tpu.memory_space<hbm>> -> memref<10000x128xf32, #tpu.memory_space<hbm>>
      tpu.wait_indirect_dma semaphore(%arg13 : memref<!tpu.dma_semaphore, #tpu.memory_space<semaphore_mem>>) src(%dma_wait3A_854 : memref<10000x128xf32, #tpu.memory_space<hbm>>) dst(%dma_wait3A_848 : memref<64x128xf32, #tpu.memory_space<vmem>>)
      %mul3A_855 = arith.constant 2 : i32
      %mul3A_856 = arith.muli %mul3A_855, %add3A_788 : i32
      %add3A_857 = arith.constant 1 : i32
      %add3A_858 = arith.addi %mul3A_856, %add3A_857 : i32
      %dma_start3A_859 = arith.constant 2 : i32
      %dma_start3A_860 = arith.constant 0 : i32
      %dma_start3A_861 = arith.constant 0 : i32
      %dma_start3A_862 = tpu.memref_slice %arg8[%dma_start3A_859, %dma_start3A_860, %dma_start3A_861] : memref<4x64x128xf32, #tpu.memory_space<vmem>> -> memref<1x64x128xf32, #tpu.memory_space<vmem>>
      %dma_start3A_863 = tpu.memref_squeeze %dma_start3A_862 : memref<1x64x128xf32, #tpu.memory_space<vmem>> -> memref<64x128xf32, #tpu.memory_space<vmem>>
      %dma_start3A_864 = arith.constant 0 : i32
      %dma_start3A_865 = tpu.memref_slice %arg7[%add3A_858, %dma_start3A_864] : memref<40x128xi32, #tpu.memory_space<vmem>> -> memref<1x64xi32, #tpu.memory_space<vmem>>
      %dma_start3A_866 = tpu.memref_squeeze %dma_start3A_865 : memref<1x64xi32, #tpu.memory_space<vmem>> -> memref<64xi32, #tpu.memory_space<vmem>>
      %dma_start3A_867 = arith.constant 0 : i32
      %dma_start3A_868 = arith.constant 0 : i32
      %dma_start3A_869 = tpu.memref_slice %arg10[%dma_start3A_867, %dma_start3A_868] : memref<10240x128xf32, #tpu.memory_space<vmem_shared>> -> memref<10240x128xf32, #tpu.memory_space<vmem_shared>>
      tpu.enqueue_indirect_dma source(%dma_start3A_863 : memref<64x128xf32, #tpu.memory_space<vmem>>) target(%dma_start3A_869 : memref<10240x128xf32, #tpu.memory_space<vmem_shared>>) offsets(%dma_start3A_866 : memref<64xi32, #tpu.memory_space<vmem>>) semaphore(%arg17 : memref<!tpu.dma_semaphore, #tpu.memory_space<semaphore_mem>>) {add = true}
      %dma_wait3A_870 = arith.constant 0 : i32
      %dma_wait3A_871 = arith.constant 3 : i32
      %dma_wait3A_872 = arith.constant 0 : i32
      %dma_wait3A_873 = arith.constant 0 : i32
      %dma_wait3A_874 = tpu.memref_slice %arg8[%dma_wait3A_871, %dma_wait3A_872, %dma_wait3A_873] : memref<4x64x128xf32, #tpu.memory_space<vmem>> -> memref<1x64x128xf32, #tpu.memory_space<vmem>>
      %dma_wait3A_875 = tpu.memref_squeeze %dma_wait3A_874 : memref<1x64x128xf32, #tpu.memory_space<vmem>> -> memref<64x128xf32, #tpu.memory_space<vmem>>
      %dma_wait3A_876 = arith.constant 0 : i32
      %dma_wait3A_877 = tpu.memref_slice %arg6[%dma_wait3A_870, %dma_wait3A_876] : memref<40x128xi32, #tpu.memory_space<vmem>> -> memref<1x64xi32, #tpu.memory_space<vmem>>
      %dma_wait3A_878 = tpu.memref_squeeze %dma_wait3A_877 : memref<1x64xi32, #tpu.memory_space<vmem>> -> memref<64xi32, #tpu.memory_space<vmem>>
      %dma_wait3A_879 = arith.constant 0 : i32
      %dma_wait3A_880 = arith.constant 0 : i32
      %dma_wait3A_881 = tpu.memref_slice %arg2[%dma_wait3A_879, %dma_wait3A_880] : memref<10000x128xf32, #tpu.memory_space<hbm>> -> memref<10000x128xf32, #tpu.memory_space<hbm>>
      tpu.wait_indirect_dma semaphore(%arg14 : memref<!tpu.dma_semaphore, #tpu.memory_space<semaphore_mem>>) src(%dma_wait3A_881 : memref<10000x128xf32, #tpu.memory_space<hbm>>) dst(%dma_wait3A_875 : memref<64x128xf32, #tpu.memory_space<vmem>>)
      %mul3A_882 = arith.constant 2 : i32
      %mul3A_883 = arith.muli %mul3A_882, %add3A_788 : i32
      %add3A_884 = arith.constant 1 : i32
      %add3A_885 = arith.addi %mul3A_883, %add3A_884 : i32
      %dma_start3A_886 = arith.constant 3 : i32
      %dma_start3A_887 = arith.constant 0 : i32
      %dma_start3A_888 = arith.constant 0 : i32
      %dma_start3A_889 = tpu.memref_slice %arg8[%dma_start3A_886, %dma_start3A_887, %dma_start3A_888] : memref<4x64x128xf32, #tpu.memory_space<vmem>> -> memref<1x64x128xf32, #tpu.memory_space<vmem>>
      %dma_start3A_890 = tpu.memref_squeeze %dma_start3A_889 : memref<1x64x128xf32, #tpu.memory_space<vmem>> -> memref<64x128xf32, #tpu.memory_space<vmem>>
      %dma_start3A_891 = arith.constant 64 : i32
      %dma_start3A_892 = tpu.memref_slice %arg7[%add3A_885, %dma_start3A_891] : memref<40x128xi32, #tpu.memory_space<vmem>> -> memref<1x64xi32, #tpu.memory_space<vmem>>
      %dma_start3A_893 = tpu.memref_squeeze %dma_start3A_892 : memref<1x64xi32, #tpu.memory_space<vmem>> -> memref<64xi32, #tpu.memory_space<vmem>>
      %dma_start3A_894 = arith.constant 0 : i32
      %dma_start3A_895 = arith.constant 0 : i32
      %dma_start3A_896 = tpu.memref_slice %arg10[%dma_start3A_894, %dma_start3A_895] : memref<10240x128xf32, #tpu.memory_space<vmem_shared>> -> memref<10240x128xf32, #tpu.memory_space<vmem_shared>>
      tpu.enqueue_indirect_dma source(%dma_start3A_890 : memref<64x128xf32, #tpu.memory_space<vmem>>) target(%dma_start3A_896 : memref<10240x128xf32, #tpu.memory_space<vmem_shared>>) offsets(%dma_start3A_893 : memref<64xi32, #tpu.memory_space<vmem>>) semaphore(%arg18 : memref<!tpu.dma_semaphore, #tpu.memory_space<semaphore_mem>>) {add = true}
      %dma_wait3A_897 = arith.constant 0 : i32
      %dma_wait3A_898 = arith.constant 0 : i32
      %dma_wait3A_899 = arith.constant 0 : i32
      %dma_wait3A_900 = arith.constant 0 : i32
      %dma_wait3A_901 = tpu.memref_slice %arg8[%dma_wait3A_897, %dma_wait3A_899, %dma_wait3A_900] : memref<4x64x128xf32, #tpu.memory_space<vmem>> -> memref<1x64x128xf32, #tpu.memory_space<vmem>>
      %dma_wait3A_902 = tpu.memref_squeeze %dma_wait3A_901 : memref<1x64x128xf32, #tpu.memory_space<vmem>> -> memref<64x128xf32, #tpu.memory_space<vmem>>
      %dma_wait3A_903 = arith.constant 0 : i32
      %dma_wait3A_904 = tpu.memref_slice %arg7[%dma_wait3A_898, %dma_wait3A_903] : memref<40x128xi32, #tpu.memory_space<vmem>> -> memref<1x64xi32, #tpu.memory_space<vmem>>
      %dma_wait3A_905 = tpu.memref_squeeze %dma_wait3A_904 : memref<1x64xi32, #tpu.memory_space<vmem>> -> memref<64xi32, #tpu.memory_space<vmem>>
      %dma_wait3A_906 = arith.constant 0 : i32
      %dma_wait3A_907 = arith.constant 0 : i32
      %dma_wait3A_908 = tpu.memref_slice %arg10[%dma_wait3A_906, %dma_wait3A_907] : memref<10240x128xf32, #tpu.memory_space<vmem_shared>> -> memref<10240x128xf32, #tpu.memory_space<vmem_shared>>
      tpu.wait_indirect_dma semaphore(%arg15 : memref<!tpu.dma_semaphore, #tpu.memory_space<semaphore_mem>>) src(%dma_wait3A_902 : memref<64x128xf32, #tpu.memory_space<vmem>>) dst(%dma_wait3A_908 : memref<10240x128xf32, #tpu.memory_space<vmem_shared>>)
      %add3A_909 = arith.constant 1 : i32
      %add3A_910 = arith.addi %add3A_788, %add3A_909 : i32
      %mul3A_911 = arith.constant 2 : i32
      %mul3A_912 = arith.muli %mul3A_911, %add3A_910 : i32
      %add3A_913 = arith.constant 0 : i32
      %add3A_914 = arith.addi %mul3A_912, %add3A_913 : i32
      %dma_start3A_915 = arith.constant 0 : i32
      %dma_start3A_916 = arith.constant 0 : i32
      %dma_start3A_917 = arith.constant 0 : i32
      %dma_start3A_918 = tpu.memref_slice %arg8[%dma_start3A_915, %dma_start3A_916, %dma_start3A_917] : memref<4x64x128xf32, #tpu.memory_space<vmem>> -> memref<1x64x128xf32, #tpu.memory_space<vmem>>
      %dma_start3A_919 = tpu.memref_squeeze %dma_start3A_918 : memref<1x64x128xf32, #tpu.memory_space<vmem>> -> memref<64x128xf32, #tpu.memory_space<vmem>>
      %dma_start3A_920 = arith.constant 0 : i32
      %dma_start3A_921 = tpu.memref_slice %arg6[%add3A_914, %dma_start3A_920] : memref<40x128xi32, #tpu.memory_space<vmem>> -> memref<1x64xi32, #tpu.memory_space<vmem>>
      %dma_start3A_922 = tpu.memref_squeeze %dma_start3A_921 : memref<1x64xi32, #tpu.memory_space<vmem>> -> memref<64xi32, #tpu.memory_space<vmem>>
      %dma_start3A_923 = arith.constant 0 : i32
      %dma_start3A_924 = arith.constant 0 : i32
      %dma_start3A_925 = tpu.memref_slice %arg2[%dma_start3A_923, %dma_start3A_924] : memref<10000x128xf32, #tpu.memory_space<hbm>> -> memref<10000x128xf32, #tpu.memory_space<hbm>>
      tpu.enqueue_indirect_dma source(%dma_start3A_925 : memref<10000x128xf32, #tpu.memory_space<hbm>>) target(%dma_start3A_919 : memref<64x128xf32, #tpu.memory_space<vmem>>) offsets(%dma_start3A_922 : memref<64xi32, #tpu.memory_space<vmem>>) semaphore(%arg11 : memref<!tpu.dma_semaphore, #tpu.memory_space<semaphore_mem>>)
      %dma_wait3A_926 = arith.constant 1 : i32
      %dma_wait3A_927 = arith.constant 0 : i32
      %dma_wait3A_928 = arith.constant 0 : i32
      %dma_wait3A_929 = arith.constant 0 : i32
      %dma_wait3A_930 = tpu.memref_slice %arg8[%dma_wait3A_926, %dma_wait3A_928, %dma_wait3A_929] : memref<4x64x128xf32, #tpu.memory_space<vmem>> -> memref<1x64x128xf32, #tpu.memory_space<vmem>>
      %dma_wait3A_931 = tpu.memref_squeeze %dma_wait3A_930 : memref<1x64x128xf32, #tpu.memory_space<vmem>> -> memref<64x128xf32, #tpu.memory_space<vmem>>
      %dma_wait3A_932 = arith.constant 0 : i32
      %dma_wait3A_933 = tpu.memref_slice %arg7[%dma_wait3A_927, %dma_wait3A_932] : memref<40x128xi32, #tpu.memory_space<vmem>> -> memref<1x64xi32, #tpu.memory_space<vmem>>
      %dma_wait3A_934 = tpu.memref_squeeze %dma_wait3A_933 : memref<1x64xi32, #tpu.memory_space<vmem>> -> memref<64xi32, #tpu.memory_space<vmem>>
      %dma_wait3A_935 = arith.constant 0 : i32
      %dma_wait3A_936 = arith.constant 0 : i32
      %dma_wait3A_937 = tpu.memref_slice %arg10[%dma_wait3A_935, %dma_wait3A_936] : memref<10240x128xf32, #tpu.memory_space<vmem_shared>> -> memref<10240x128xf32, #tpu.memory_space<vmem_shared>>
      tpu.wait_indirect_dma semaphore(%arg16 : memref<!tpu.dma_semaphore, #tpu.memory_space<semaphore_mem>>) src(%dma_wait3A_931 : memref<64x128xf32, #tpu.memory_space<vmem>>) dst(%dma_wait3A_937 : memref<10240x128xf32, #tpu.memory_space<vmem_shared>>)
      %add3A_938 = arith.constant 1 : i32
      %add3A_939 = arith.addi %add3A_788, %add3A_938 : i32
      %mul3A_940 = arith.constant 2 : i32
      %mul3A_941 = arith.muli %mul3A_940, %add3A_939 : i32
      %add3A_942 = arith.constant 0 : i32
      %add3A_943 = arith.addi %mul3A_941, %add3A_942 : i32
      %dma_start3A_944 = arith.constant 1 : i32
      %dma_start3A_945 = arith.constant 0 : i32
      %dma_start3A_946 = arith.constant 0 : i32
      %dma_start3A_947 = tpu.memref_slice %arg8[%dma_start3A_944, %dma_start3A_945, %dma_start3A_946] : memref<4x64x128xf32, #tpu.memory_space<vmem>> -> memref<1x64x128xf32, #tpu.memory_space<vmem>>
      %dma_start3A_948 = tpu.memref_squeeze %dma_start3A_947 : memref<1x64x128xf32, #tpu.memory_space<vmem>> -> memref<64x128xf32, #tpu.memory_space<vmem>>
      %dma_start3A_949 = arith.constant 64 : i32
      %dma_start3A_950 = tpu.memref_slice %arg6[%add3A_943, %dma_start3A_949] : memref<40x128xi32, #tpu.memory_space<vmem>> -> memref<1x64xi32, #tpu.memory_space<vmem>>
      %dma_start3A_951 = tpu.memref_squeeze %dma_start3A_950 : memref<1x64xi32, #tpu.memory_space<vmem>> -> memref<64xi32, #tpu.memory_space<vmem>>
      %dma_start3A_952 = arith.constant 0 : i32
      %dma_start3A_953 = arith.constant 0 : i32
      %dma_start3A_954 = tpu.memref_slice %arg2[%dma_start3A_952, %dma_start3A_953] : memref<10000x128xf32, #tpu.memory_space<hbm>> -> memref<10000x128xf32, #tpu.memory_space<hbm>>
      tpu.enqueue_indirect_dma source(%dma_start3A_954 : memref<10000x128xf32, #tpu.memory_space<hbm>>) target(%dma_start3A_948 : memref<64x128xf32, #tpu.memory_space<vmem>>) offsets(%dma_start3A_951 : memref<64xi32, #tpu.memory_space<vmem>>) semaphore(%arg12 : memref<!tpu.dma_semaphore, #tpu.memory_space<semaphore_mem>>)
      %dma_wait3A_955 = arith.constant 2 : i32
      %dma_wait3A_956 = arith.constant 0 : i32
      %dma_wait3A_957 = arith.constant 0 : i32
      %dma_wait3A_958 = arith.constant 0 : i32
      %dma_wait3A_959 = tpu.memref_slice %arg8[%dma_wait3A_955, %dma_wait3A_957, %dma_wait3A_958] : memref<4x64x128xf32, #tpu.memory_space<vmem>> -> memref<1x64x128xf32, #tpu.memory_space<vmem>>
      %dma_wait3A_960 = tpu.memref_squeeze %dma_wait3A_959 : memref<1x64x128xf32, #tpu.memory_space<vmem>> -> memref<64x128xf32, #tpu.memory_space<vmem>>
      %dma_wait3A_961 = arith.constant 0 : i32
      %dma_wait3A_962 = tpu.memref_slice %arg7[%dma_wait3A_956, %dma_wait3A_961] : memref<40x128xi32, #tpu.memory_space<vmem>> -> memref<1x64xi32, #tpu.memory_space<vmem>>
      %dma_wait3A_963 = tpu.memref_squeeze %dma_wait3A_962 : memref<1x64xi32, #tpu.memory_space<vmem>> -> memref<64xi32, #tpu.memory_space<vmem>>
      %dma_wait3A_964 = arith.constant 0 : i32
      %dma_wait3A_965 = arith.constant 0 : i32
      %dma_wait3A_966 = tpu.memref_slice %arg10[%dma_wait3A_964, %dma_wait3A_965] : memref<10240x128xf32, #tpu.memory_space<vmem_shared>> -> memref<10240x128xf32, #tpu.memory_space<vmem_shared>>
      tpu.wait_indirect_dma semaphore(%arg17 : memref<!tpu.dma_semaphore, #tpu.memory_space<semaphore_mem>>) src(%dma_wait3A_960 : memref<64x128xf32, #tpu.memory_space<vmem>>) dst(%dma_wait3A_966 : memref<10240x128xf32, #tpu.memory_space<vmem_shared>>)
      %add3A_967 = arith.constant 1 : i32
      %add3A_968 = arith.addi %add3A_788, %add3A_967 : i32
      %mul3A_969 = arith.constant 2 : i32
      %mul3A_970 = arith.muli %mul3A_969, %add3A_968 : i32
      %add3A_971 = arith.constant 1 : i32
      %add3A_972 = arith.addi %mul3A_970, %add3A_971 : i32
      %dma_start3A_973 = arith.constant 2 : i32
      %dma_start3A_974 = arith.constant 0 : i32
      %dma_start3A_975 = arith.constant 0 : i32
      %dma_start3A_976 = tpu.memref_slice %arg8[%dma_start3A_973, %dma_start3A_974, %dma_start3A_975] : memref<4x64x128xf32, #tpu.memory_space<vmem>> -> memref<1x64x128xf32, #tpu.memory_space<vmem>>
      %dma_start3A_977 = tpu.memref_squeeze %dma_start3A_976 : memref<1x64x128xf32, #tpu.memory_space<vmem>> -> memref<64x128xf32, #tpu.memory_space<vmem>>
      %dma_start3A_978 = arith.constant 0 : i32
      %dma_start3A_979 = tpu.memref_slice %arg6[%add3A_972, %dma_start3A_978] : memref<40x128xi32, #tpu.memory_space<vmem>> -> memref<1x64xi32, #tpu.memory_space<vmem>>
      %dma_start3A_980 = tpu.memref_squeeze %dma_start3A_979 : memref<1x64xi32, #tpu.memory_space<vmem>> -> memref<64xi32, #tpu.memory_space<vmem>>
      %dma_start3A_981 = arith.constant 0 : i32
      %dma_start3A_982 = arith.constant 0 : i32
      %dma_start3A_983 = tpu.memref_slice %arg2[%dma_start3A_981, %dma_start3A_982] : memref<10000x128xf32, #tpu.memory_space<hbm>> -> memref<10000x128xf32, #tpu.memory_space<hbm>>
      tpu.enqueue_indirect_dma source(%dma_start3A_983 : memref<10000x128xf32, #tpu.memory_space<hbm>>) target(%dma_start3A_977 : memref<64x128xf32, #tpu.memory_space<vmem>>) offsets(%dma_start3A_980 : memref<64xi32, #tpu.memory_space<vmem>>) semaphore(%arg13 : memref<!tpu.dma_semaphore, #tpu.memory_space<semaphore_mem>>)
      %dma_wait3A_984 = arith.constant 3 : i32
      %dma_wait3A_985 = arith.constant 0 : i32
      %dma_wait3A_986 = arith.constant 0 : i32
      %dma_wait3A_987 = arith.constant 0 : i32
      %dma_wait3A_988 = tpu.memref_slice %arg8[%dma_wait3A_984, %dma_wait3A_986, %dma_wait3A_987] : memref<4x64x128xf32, #tpu.memory_space<vmem>> -> memref<1x64x128xf32, #tpu.memory_space<vmem>>
      %dma_wait3A_989 = tpu.memref_squeeze %dma_wait3A_988 : memref<1x64x128xf32, #tpu.memory_space<vmem>> -> memref<64x128xf32, #tpu.memory_space<vmem>>
      %dma_wait3A_990 = arith.constant 0 : i32
      %dma_wait3A_991 = tpu.memref_slice %arg7[%dma_wait3A_985, %dma_wait3A_990] : memref<40x128xi32, #tpu.memory_space<vmem>> -> memref<1x64xi32, #tpu.memory_space<vmem>>
      %dma_wait3A_992 = tpu.memref_squeeze %dma_wait3A_991 : memref<1x64xi32, #tpu.memory_space<vmem>> -> memref<64xi32, #tpu.memory_space<vmem>>
      %dma_wait3A_993 = arith.constant 0 : i32
      %dma_wait3A_994 = arith.constant 0 : i32
      %dma_wait3A_995 = tpu.memref_slice %arg10[%dma_wait3A_993, %dma_wait3A_994] : memref<10240x128xf32, #tpu.memory_space<vmem_shared>> -> memref<10240x128xf32, #tpu.memory_space<vmem_shared>>
      tpu.wait_indirect_dma semaphore(%arg18 : memref<!tpu.dma_semaphore, #tpu.memory_space<semaphore_mem>>) src(%dma_wait3A_989 : memref<64x128xf32, #tpu.memory_space<vmem>>) dst(%dma_wait3A_995 : memref<10240x128xf32, #tpu.memory_space<vmem_shared>>)
      %add3A_996 = arith.constant 1 : i32
      %add3A_997 = arith.addi %add3A_788, %add3A_996 : i32
      %mul3A_998 = arith.constant 2 : i32
      %mul3A_999 = arith.muli %mul3A_998, %add3A_997 : i32
      %add3A_1000 = arith.constant 1 : i32
      %add3A_1001 = arith.addi %mul3A_999, %add3A_1000 : i32
      %dma_start3A_1002 = arith.constant 3 : i32
      %dma_start3A_1003 = arith.constant 0 : i32
      %dma_start3A_1004 = arith.constant 0 : i32
      %dma_start3A_1005 = tpu.memref_slice %arg8[%dma_start3A_1002, %dma_start3A_1003, %dma_start3A_1004] : memref<4x64x128xf32, #tpu.memory_space<vmem>> -> memref<1x64x128xf32, #tpu.memory_space<vmem>>
      %dma_start3A_1006 = tpu.memref_squeeze %dma_start3A_1005 : memref<1x64x128xf32, #tpu.memory_space<vmem>> -> memref<64x128xf32, #tpu.memory_space<vmem>>
      %dma_start3A_1007 = arith.constant 64 : i32
      %dma_start3A_1008 = tpu.memref_slice %arg6[%add3A_1001, %dma_start3A_1007] : memref<40x128xi32, #tpu.memory_space<vmem>> -> memref<1x64xi32, #tpu.memory_space<vmem>>
      %dma_start3A_1009 = tpu.memref_squeeze %dma_start3A_1008 : memref<1x64xi32, #tpu.memory_space<vmem>> -> memref<64xi32, #tpu.memory_space<vmem>>
      %dma_start3A_1010 = arith.constant 0 : i32
      %dma_start3A_1011 = arith.constant 0 : i32
      %dma_start3A_1012 = tpu.memref_slice %arg2[%dma_start3A_1010, %dma_start3A_1011] : memref<10000x128xf32, #tpu.memory_space<hbm>> -> memref<10000x128xf32, #tpu.memory_space<hbm>>
      tpu.enqueue_indirect_dma source(%dma_start3A_1012 : memref<10000x128xf32, #tpu.memory_space<hbm>>) target(%dma_start3A_1006 : memref<64x128xf32, #tpu.memory_space<vmem>>) offsets(%dma_start3A_1009 : memref<64xi32, #tpu.memory_space<vmem>>) semaphore(%arg14 : memref<!tpu.dma_semaphore, #tpu.memory_space<semaphore_mem>>)
    }
    %scan3A_548 = arith.constant 19 : i32
    %dma_wait3A_549 = arith.constant 0 : i32
    %dma_wait3A_550 = arith.constant 0 : i32
    %dma_wait3A_551 = arith.constant 0 : i32
    %dma_wait3A_552 = arith.constant 0 : i32
    %dma_wait3A_553 = tpu.memref_slice %arg8[%dma_wait3A_550, %dma_wait3A_551, %dma_wait3A_552] : memref<4x64x128xf32, #tpu.memory_space<vmem>> -> memref<1x64x128xf32, #tpu.memory_space<vmem>>
    %dma_wait3A_554 = tpu.memref_squeeze %dma_wait3A_553 : memref<1x64x128xf32, #tpu.memory_space<vmem>> -> memref<64x128xf32, #tpu.memory_space<vmem>>
    %dma_wait3A_555 = arith.constant 0 : i32
    %dma_wait3A_556 = tpu.memref_slice %arg6[%dma_wait3A_549, %dma_wait3A_555] : memref<40x128xi32, #tpu.memory_space<vmem>> -> memref<1x64xi32, #tpu.memory_space<vmem>>
    %dma_wait3A_557 = tpu.memref_squeeze %dma_wait3A_556 : memref<1x64xi32, #tpu.memory_space<vmem>> -> memref<64xi32, #tpu.memory_space<vmem>>
    %dma_wait3A_558 = arith.constant 0 : i32
    %dma_wait3A_559 = arith.constant 0 : i32
    %dma_wait3A_560 = tpu.memref_slice %arg2[%dma_wait3A_558, %dma_wait3A_559] : memref<10000x128xf32, #tpu.memory_space<hbm>> -> memref<10000x128xf32, #tpu.memory_space<hbm>>
    tpu.wait_indirect_dma semaphore(%arg11 : memref<!tpu.dma_semaphore, #tpu.memory_space<semaphore_mem>>) src(%dma_wait3A_560 : memref<10000x128xf32, #tpu.memory_space<hbm>>) dst(%dma_wait3A_554 : memref<64x128xf32, #tpu.memory_space<vmem>>)
    %dma_start3A_561 = arith.constant 0 : i32
    %dma_start3A_562 = arith.constant 38 : i32
    %dma_start3A_563 = arith.constant 0 : i32
    %dma_start3A_564 = arith.constant 0 : i32
    %dma_start3A_565 = tpu.memref_slice %arg8[%dma_start3A_561, %dma_start3A_563, %dma_start3A_564] : memref<4x64x128xf32, #tpu.memory_space<vmem>> -> memref<1x64x128xf32, #tpu.memory_space<vmem>>
    %dma_start3A_566 = tpu.memref_squeeze %dma_start3A_565 : memref<1x64x128xf32, #tpu.memory_space<vmem>> -> memref<64x128xf32, #tpu.memory_space<vmem>>
    %dma_start3A_567 = arith.constant 0 : i32
    %dma_start3A_568 = tpu.memref_slice %arg7[%dma_start3A_562, %dma_start3A_567] : memref<40x128xi32, #tpu.memory_space<vmem>> -> memref<1x64xi32, #tpu.memory_space<vmem>>
    %dma_start3A_569 = tpu.memref_squeeze %dma_start3A_568 : memref<1x64xi32, #tpu.memory_space<vmem>> -> memref<64xi32, #tpu.memory_space<vmem>>
    %dma_start3A_570 = arith.constant 0 : i32
    %dma_start3A_571 = arith.constant 0 : i32
    %dma_start3A_572 = tpu.memref_slice %arg10[%dma_start3A_570, %dma_start3A_571] : memref<10240x128xf32, #tpu.memory_space<vmem_shared>> -> memref<10240x128xf32, #tpu.memory_space<vmem_shared>>
    tpu.enqueue_indirect_dma source(%dma_start3A_566 : memref<64x128xf32, #tpu.memory_space<vmem>>) target(%dma_start3A_572 : memref<10240x128xf32, #tpu.memory_space<vmem_shared>>) offsets(%dma_start3A_569 : memref<64xi32, #tpu.memory_space<vmem>>) semaphore(%arg15 : memref<!tpu.dma_semaphore, #tpu.memory_space<semaphore_mem>>) {add = true}
    %dma_wait3A_573 = arith.constant 0 : i32
    %dma_wait3A_574 = arith.constant 1 : i32
    %dma_wait3A_575 = arith.constant 0 : i32
    %dma_wait3A_576 = arith.constant 0 : i32
    %dma_wait3A_577 = tpu.memref_slice %arg8[%dma_wait3A_574, %dma_wait3A_575, %dma_wait3A_576] : memref<4x64x128xf32, #tpu.memory_space<vmem>> -> memref<1x64x128xf32, #tpu.memory_space<vmem>>
    %dma_wait3A_578 = tpu.memref_squeeze %dma_wait3A_577 : memref<1x64x128xf32, #tpu.memory_space<vmem>> -> memref<64x128xf32, #tpu.memory_space<vmem>>
    %dma_wait3A_579 = arith.constant 0 : i32
    %dma_wait3A_580 = tpu.memref_slice %arg6[%dma_wait3A_573, %dma_wait3A_579] : memref<40x128xi32, #tpu.memory_space<vmem>> -> memref<1x64xi32, #tpu.memory_space<vmem>>
    %dma_wait3A_581 = tpu.memref_squeeze %dma_wait3A_580 : memref<1x64xi32, #tpu.memory_space<vmem>> -> memref<64xi32, #tpu.memory_space<vmem>>
    %dma_wait3A_582 = arith.constant 0 : i32
    %dma_wait3A_583 = arith.constant 0 : i32
    %dma_wait3A_584 = tpu.memref_slice %arg2[%dma_wait3A_582, %dma_wait3A_583] : memref<10000x128xf32, #tpu.memory_space<hbm>> -> memref<10000x128xf32, #tpu.memory_space<hbm>>
    tpu.wait_indirect_dma semaphore(%arg12 : memref<!tpu.dma_semaphore, #tpu.memory_space<semaphore_mem>>) src(%dma_wait3A_584 : memref<10000x128xf32, #tpu.memory_space<hbm>>) dst(%dma_wait3A_578 : memref<64x128xf32, #tpu.memory_space<vmem>>)
    %dma_start3A_585 = arith.constant 1 : i32
    %dma_start3A_586 = arith.constant 38 : i32
    %dma_start3A_587 = arith.constant 0 : i32
    %dma_start3A_588 = arith.constant 0 : i32
    %dma_start3A_589 = tpu.memref_slice %arg8[%dma_start3A_585, %dma_start3A_587, %dma_start3A_588] : memref<4x64x128xf32, #tpu.memory_space<vmem>> -> memref<1x64x128xf32, #tpu.memory_space<vmem>>
    %dma_start3A_590 = tpu.memref_squeeze %dma_start3A_589 : memref<1x64x128xf32, #tpu.memory_space<vmem>> -> memref<64x128xf32, #tpu.memory_space<vmem>>
    %dma_start3A_591 = arith.constant 64 : i32
    %dma_start3A_592 = tpu.memref_slice %arg7[%dma_start3A_586, %dma_start3A_591] : memref<40x128xi32, #tpu.memory_space<vmem>> -> memref<1x64xi32, #tpu.memory_space<vmem>>
    %dma_start3A_593 = tpu.memref_squeeze %dma_start3A_592 : memref<1x64xi32, #tpu.memory_space<vmem>> -> memref<64xi32, #tpu.memory_space<vmem>>
    %dma_start3A_594 = arith.constant 0 : i32
    %dma_start3A_595 = arith.constant 0 : i32
    %dma_start3A_596 = tpu.memref_slice %arg10[%dma_start3A_594, %dma_start3A_595] : memref<10240x128xf32, #tpu.memory_space<vmem_shared>> -> memref<10240x128xf32, #tpu.memory_space<vmem_shared>>
    tpu.enqueue_indirect_dma source(%dma_start3A_590 : memref<64x128xf32, #tpu.memory_space<vmem>>) target(%dma_start3A_596 : memref<10240x128xf32, #tpu.memory_space<vmem_shared>>) offsets(%dma_start3A_593 : memref<64xi32, #tpu.memory_space<vmem>>) semaphore(%arg16 : memref<!tpu.dma_semaphore, #tpu.memory_space<semaphore_mem>>) {add = true}
    %dma_wait3A_597 = arith.constant 0 : i32
    %dma_wait3A_598 = arith.constant 2 : i32
    %dma_wait3A_599 = arith.constant 0 : i32
    %dma_wait3A_600 = arith.constant 0 : i32
    %dma_wait3A_601 = tpu.memref_slice %arg8[%dma_wait3A_598, %dma_wait3A_599, %dma_wait3A_600] : memref<4x64x128xf32, #tpu.memory_space<vmem>> -> memref<1x64x128xf32, #tpu.memory_space<vmem>>
    %dma_wait3A_602 = tpu.memref_squeeze %dma_wait3A_601 : memref<1x64x128xf32, #tpu.memory_space<vmem>> -> memref<64x128xf32, #tpu.memory_space<vmem>>
    %dma_wait3A_603 = arith.constant 0 : i32
    %dma_wait3A_604 = tpu.memref_slice %arg6[%dma_wait3A_597, %dma_wait3A_603] : memref<40x128xi32, #tpu.memory_space<vmem>> -> memref<1x64xi32, #tpu.memory_space<vmem>>
    %dma_wait3A_605 = tpu.memref_squeeze %dma_wait3A_604 : memref<1x64xi32, #tpu.memory_space<vmem>> -> memref<64xi32, #tpu.memory_space<vmem>>
    %dma_wait3A_606 = arith.constant 0 : i32
    %dma_wait3A_607 = arith.constant 0 : i32
    %dma_wait3A_608 = tpu.memref_slice %arg2[%dma_wait3A_606, %dma_wait3A_607] : memref<10000x128xf32, #tpu.memory_space<hbm>> -> memref<10000x128xf32, #tpu.memory_space<hbm>>
    tpu.wait_indirect_dma semaphore(%arg13 : memref<!tpu.dma_semaphore, #tpu.memory_space<semaphore_mem>>) src(%dma_wait3A_608 : memref<10000x128xf32, #tpu.memory_space<hbm>>) dst(%dma_wait3A_602 : memref<64x128xf32, #tpu.memory_space<vmem>>)
    %dma_start3A_609 = arith.constant 2 : i32
    %dma_start3A_610 = arith.constant 39 : i32
    %dma_start3A_611 = arith.constant 0 : i32
    %dma_start3A_612 = arith.constant 0 : i32
    %dma_start3A_613 = tpu.memref_slice %arg8[%dma_start3A_609, %dma_start3A_611, %dma_start3A_612] : memref<4x64x128xf32, #tpu.memory_space<vmem>> -> memref<1x64x128xf32, #tpu.memory_space<vmem>>
    %dma_start3A_614 = tpu.memref_squeeze %dma_start3A_613 : memref<1x64x128xf32, #tpu.memory_space<vmem>> -> memref<64x128xf32, #tpu.memory_space<vmem>>
    %dma_start3A_615 = arith.constant 0 : i32
    %dma_start3A_616 = tpu.memref_slice %arg7[%dma_start3A_610, %dma_start3A_615] : memref<40x128xi32, #tpu.memory_space<vmem>> -> memref<1x64xi32, #tpu.memory_space<vmem>>
    %dma_start3A_617 = tpu.memref_squeeze %dma_start3A_616 : memref<1x64xi32, #tpu.memory_space<vmem>> -> memref<64xi32, #tpu.memory_space<vmem>>
    %dma_start3A_618 = arith.constant 0 : i32
    %dma_start3A_619 = arith.constant 0 : i32
    %dma_start3A_620 = tpu.memref_slice %arg10[%dma_start3A_618, %dma_start3A_619] : memref<10240x128xf32, #tpu.memory_space<vmem_shared>> -> memref<10240x128xf32, #tpu.memory_space<vmem_shared>>
    tpu.enqueue_indirect_dma source(%dma_start3A_614 : memref<64x128xf32, #tpu.memory_space<vmem>>) target(%dma_start3A_620 : memref<10240x128xf32, #tpu.memory_space<vmem_shared>>) offsets(%dma_start3A_617 : memref<64xi32, #tpu.memory_space<vmem>>) semaphore(%arg17 : memref<!tpu.dma_semaphore, #tpu.memory_space<semaphore_mem>>) {add = true}
    %dma_wait3A_621 = arith.constant 0 : i32
    %dma_wait3A_622 = arith.constant 3 : i32
    %dma_wait3A_623 = arith.constant 0 : i32
    %dma_wait3A_624 = arith.constant 0 : i32
    %dma_wait3A_625 = tpu.memref_slice %arg8[%dma_wait3A_622, %dma_wait3A_623, %dma_wait3A_624] : memref<4x64x128xf32, #tpu.memory_space<vmem>> -> memref<1x64x128xf32, #tpu.memory_space<vmem>>
    %dma_wait3A_626 = tpu.memref_squeeze %dma_wait3A_625 : memref<1x64x128xf32, #tpu.memory_space<vmem>> -> memref<64x128xf32, #tpu.memory_space<vmem>>
    %dma_wait3A_627 = arith.constant 0 : i32
    %dma_wait3A_628 = tpu.memref_slice %arg6[%dma_wait3A_621, %dma_wait3A_627] : memref<40x128xi32, #tpu.memory_space<vmem>> -> memref<1x64xi32, #tpu.memory_space<vmem>>
    %dma_wait3A_629 = tpu.memref_squeeze %dma_wait3A_628 : memref<1x64xi32, #tpu.memory_space<vmem>> -> memref<64xi32, #tpu.memory_space<vmem>>
    %dma_wait3A_630 = arith.constant 0 : i32
    %dma_wait3A_631 = arith.constant 0 : i32
    %dma_wait3A_632 = tpu.memref_slice %arg2[%dma_wait3A_630, %dma_wait3A_631] : memref<10000x128xf32, #tpu.memory_space<hbm>> -> memref<10000x128xf32, #tpu.memory_space<hbm>>
    tpu.wait_indirect_dma semaphore(%arg14 : memref<!tpu.dma_semaphore, #tpu.memory_space<semaphore_mem>>) src(%dma_wait3A_632 : memref<10000x128xf32, #tpu.memory_space<hbm>>) dst(%dma_wait3A_626 : memref<64x128xf32, #tpu.memory_space<vmem>>)
    %dma_start3A_633 = arith.constant 3 : i32
    %dma_start3A_634 = arith.constant 39 : i32
    %dma_start3A_635 = arith.constant 0 : i32
    %dma_start3A_636 = arith.constant 0 : i32
    %dma_start3A_637 = tpu.memref_slice %arg8[%dma_start3A_633, %dma_start3A_635, %dma_start3A_636] : memref<4x64x128xf32, #tpu.memory_space<vmem>> -> memref<1x64x128xf32, #tpu.memory_space<vmem>>
    %dma_start3A_638 = tpu.memref_squeeze %dma_start3A_637 : memref<1x64x128xf32, #tpu.memory_space<vmem>> -> memref<64x128xf32, #tpu.memory_space<vmem>>
    %dma_start3A_639 = arith.constant 64 : i32
    %dma_start3A_640 = tpu.memref_slice %arg7[%dma_start3A_634, %dma_start3A_639] : memref<40x128xi32, #tpu.memory_space<vmem>> -> memref<1x64xi32, #tpu.memory_space<vmem>>
    %dma_start3A_641 = tpu.memref_squeeze %dma_start3A_640 : memref<1x64xi32, #tpu.memory_space<vmem>> -> memref<64xi32, #tpu.memory_space<vmem>>
    %dma_start3A_642 = arith.constant 0 : i32
    %dma_start3A_643 = arith.constant 0 : i32
    %dma_start3A_644 = tpu.memref_slice %arg10[%dma_start3A_642, %dma_start3A_643] : memref<10240x128xf32, #tpu.memory_space<vmem_shared>> -> memref<10240x128xf32, #tpu.memory_space<vmem_shared>>
    tpu.enqueue_indirect_dma source(%dma_start3A_638 : memref<64x128xf32, #tpu.memory_space<vmem>>) target(%dma_start3A_644 : memref<10240x128xf32, #tpu.memory_space<vmem_shared>>) offsets(%dma_start3A_641 : memref<64xi32, #tpu.memory_space<vmem>>) semaphore(%arg18 : memref<!tpu.dma_semaphore, #tpu.memory_space<semaphore_mem>>) {add = true}
    %dma_wait3A_645 = arith.constant 0 : i32
    %dma_wait3A_646 = arith.constant 0 : i32
    %dma_wait3A_647 = arith.constant 0 : i32
    %dma_wait3A_648 = arith.constant 0 : i32
    %dma_wait3A_649 = tpu.memref_slice %arg8[%dma_wait3A_645, %dma_wait3A_647, %dma_wait3A_648] : memref<4x64x128xf32, #tpu.memory_space<vmem>> -> memref<1x64x128xf32, #tpu.memory_space<vmem>>
    %dma_wait3A_650 = tpu.memref_squeeze %dma_wait3A_649 : memref<1x64x128xf32, #tpu.memory_space<vmem>> -> memref<64x128xf32, #tpu.memory_space<vmem>>
    %dma_wait3A_651 = arith.constant 0 : i32
    %dma_wait3A_652 = tpu.memref_slice %arg7[%dma_wait3A_646, %dma_wait3A_651] : memref<40x128xi32, #tpu.memory_space<vmem>> -> memref<1x64xi32, #tpu.memory_space<vmem>>
    %dma_wait3A_653 = tpu.memref_squeeze %dma_wait3A_652 : memref<1x64xi32, #tpu.memory_space<vmem>> -> memref<64xi32, #tpu.memory_space<vmem>>
    %dma_wait3A_654 = arith.constant 0 : i32
    %dma_wait3A_655 = arith.constant 0 : i32
    %dma_wait3A_656 = tpu.memref_slice %arg10[%dma_wait3A_654, %dma_wait3A_655] : memref<10240x128xf32, #tpu.memory_space<vmem_shared>> -> memref<10240x128xf32, #tpu.memory_space<vmem_shared>>
    tpu.wait_indirect_dma semaphore(%arg15 : memref<!tpu.dma_semaphore, #tpu.memory_space<semaphore_mem>>) src(%dma_wait3A_650 : memref<64x128xf32, #tpu.memory_space<vmem>>) dst(%dma_wait3A_656 : memref<10240x128xf32, #tpu.memory_space<vmem_shared>>)
    %dma_wait3A_657 = arith.constant 1 : i32
    %dma_wait3A_658 = arith.constant 0 : i32
    %dma_wait3A_659 = arith.constant 0 : i32
    %dma_wait3A_660 = arith.constant 0 : i32
    %dma_wait3A_661 = tpu.memref_slice %arg8[%dma_wait3A_657, %dma_wait3A_659, %dma_wait3A_660] : memref<4x64x128xf32, #tpu.memory_space<vmem>> -> memref<1x64x128xf32, #tpu.memory_space<vmem>>
    %dma_wait3A_662 = tpu.memref_squeeze %dma_wait3A_661 : memref<1x64x128xf32, #tpu.memory_space<vmem>> -> memref<64x128xf32, #tpu.memory_space<vmem>>
    %dma_wait3A_663 = arith.constant 0 : i32
    %dma_wait3A_664 = tpu.memref_slice %arg7[%dma_wait3A_658, %dma_wait3A_663] : memref<40x128xi32, #tpu.memory_space<vmem>> -> memref<1x64xi32, #tpu.memory_space<vmem>>
    %dma_wait3A_665 = tpu.memref_squeeze %dma_wait3A_664 : memref<1x64xi32, #tpu.memory_space<vmem>> -> memref<64xi32, #tpu.memory_space<vmem>>
    %dma_wait3A_666 = arith.constant 0 : i32
    %dma_wait3A_667 = arith.constant 0 : i32
    %dma_wait3A_668 = tpu.memref_slice %arg10[%dma_wait3A_666, %dma_wait3A_667] : memref<10240x128xf32, #tpu.memory_space<vmem_shared>> -> memref<10240x128xf32, #tpu.memory_space<vmem_shared>>
    tpu.wait_indirect_dma semaphore(%arg16 : memref<!tpu.dma_semaphore, #tpu.memory_space<semaphore_mem>>) src(%dma_wait3A_662 : memref<64x128xf32, #tpu.memory_space<vmem>>) dst(%dma_wait3A_668 : memref<10240x128xf32, #tpu.memory_space<vmem_shared>>)
    %dma_wait3A_669 = arith.constant 2 : i32
    %dma_wait3A_670 = arith.constant 0 : i32
    %dma_wait3A_671 = arith.constant 0 : i32
    %dma_wait3A_672 = arith.constant 0 : i32
    %dma_wait3A_673 = tpu.memref_slice %arg8[%dma_wait3A_669, %dma_wait3A_671, %dma_wait3A_672] : memref<4x64x128xf32, #tpu.memory_space<vmem>> -> memref<1x64x128xf32, #tpu.memory_space<vmem>>
    %dma_wait3A_674 = tpu.memref_squeeze %dma_wait3A_673 : memref<1x64x128xf32, #tpu.memory_space<vmem>> -> memref<64x128xf32, #tpu.memory_space<vmem>>
    %dma_wait3A_675 = arith.constant 0 : i32
    %dma_wait3A_676 = tpu.memref_slice %arg7[%dma_wait3A_670, %dma_wait3A_675] : memref<40x128xi32, #tpu.memory_space<vmem>> -> memref<1x64xi32, #tpu.memory_space<vmem>>
    %dma_wait3A_677 = tpu.memref_squeeze %dma_wait3A_676 : memref<1x64xi32, #tpu.memory_space<vmem>> -> memref<64xi32, #tpu.memory_space<vmem>>
    %dma_wait3A_678 = arith.constant 0 : i32
    %dma_wait3A_679 = arith.constant 0 : i32
    %dma_wait3A_680 = tpu.memref_slice %arg10[%dma_wait3A_678, %dma_wait3A_679] : memref<10240x128xf32, #tpu.memory_space<vmem_shared>> -> memref<10240x128xf32, #tpu.memory_space<vmem_shared>>
    tpu.wait_indirect_dma semaphore(%arg17 : memref<!tpu.dma_semaphore, #tpu.memory_space<semaphore_mem>>) src(%dma_wait3A_674 : memref<64x128xf32, #tpu.memory_space<vmem>>) dst(%dma_wait3A_680 : memref<10240x128xf32, #tpu.memory_space<vmem_shared>>)
    %dma_wait3A_681 = arith.constant 3 : i32
    %dma_wait3A_682 = arith.constant 0 : i32
    %dma_wait3A_683 = arith.constant 0 : i32
    %dma_wait3A_684 = arith.constant 0 : i32
    %dma_wait3A_685 = tpu.memref_slice %arg8[%dma_wait3A_681, %dma_wait3A_683, %dma_wait3A_684] : memref<4x64x128xf32, #tpu.memory_space<vmem>> -> memref<1x64x128xf32, #tpu.memory_space<vmem>>
    %dma_wait3A_686 = tpu.memref_squeeze %dma_wait3A_685 : memref<1x64x128xf32, #tpu.memory_space<vmem>> -> memref<64x128xf32, #tpu.memory_space<vmem>>
    %dma_wait3A_687 = arith.constant 0 : i32
    %dma_wait3A_688 = tpu.memref_slice %arg7[%dma_wait3A_682, %dma_wait3A_687] : memref<40x128xi32, #tpu.memory_space<vmem>> -> memref<1x64xi32, #tpu.memory_space<vmem>>
    %dma_wait3A_689 = tpu.memref_squeeze %dma_wait3A_688 : memref<1x64xi32, #tpu.memory_space<vmem>> -> memref<64xi32, #tpu.memory_space<vmem>>
    %dma_wait3A_690 = arith.constant 0 : i32
    %dma_wait3A_691 = arith.constant 0 : i32
    %dma_wait3A_692 = tpu.memref_slice %arg10[%dma_wait3A_690, %dma_wait3A_691] : memref<10240x128xf32, #tpu.memory_space<vmem_shared>> -> memref<10240x128xf32, #tpu.memory_space<vmem_shared>>
    tpu.wait_indirect_dma semaphore(%arg18 : memref<!tpu.dma_semaphore, #tpu.memory_space<semaphore_mem>>) src(%dma_wait3A_686 : memref<64x128xf32, #tpu.memory_space<vmem>>) dst(%dma_wait3A_692 : memref<10240x128xf32, #tpu.memory_space<vmem_shared>>)
    %barrier3A_693 = arith.constant 0 : index
    tpu.barrier barrier_id(%barrier3A_693)
    %mul3A_694 = arith.constant 640 : i32
    %mul3A_695 = arith.muli %arg1, %mul3A_694 : i32
    %add3A_696 = arith.constant 0 : i32
    %add3A_697 = arith.addi %mul3A_695, %add3A_696 : i32
    %dma_start3A_698 = arith.constant 0 : i32
    %dma_start3A_699 = tpu.memref_slice %arg5[%arg0, %add3A_697, %dma_start3A_698] : memref<2x10240x128xf32, #tpu.memory_space<hbm>> -> memref<1x128x128xf32, #tpu.memory_space<hbm>>
    %dma_start3A_700 = tpu.memref_squeeze %dma_start3A_699 : memref<1x128x128xf32, #tpu.memory_space<hbm>> -> memref<128x128xf32, #tpu.memory_space<hbm>>
    %dma_start3A_701 = arith.constant 0 : i32
    %dma_start3A_702 = tpu.memref_slice %arg10[%add3A_697, %dma_start3A_701] : memref<10240x128xf32, #tpu.memory_space<vmem_shared>> -> memref<128x128xf32, #tpu.memory_space<vmem_shared>>
    tpu.enqueue_dma source(%dma_start3A_702 : memref<128x128xf32, #tpu.memory_space<vmem_shared>>) target(%dma_start3A_700 : memref<128x128xf32, #tpu.memory_space<hbm>>) target_semaphore(%arg11 : memref<!tpu.dma_semaphore, #tpu.memory_space<semaphore_mem>>)
    %mul3A_703 = arith.constant 640 : i32
    %mul3A_704 = arith.muli %arg1, %mul3A_703 : i32
    %add3A_705 = arith.constant 128 : i32
    %add3A_706 = arith.addi %mul3A_704, %add3A_705 : i32
    %dma_start3A_707 = arith.constant 0 : i32
    %dma_start3A_708 = tpu.memref_slice %arg5[%arg0, %add3A_706, %dma_start3A_707] : memref<2x10240x128xf32, #tpu.memory_space<hbm>> -> memref<1x128x128xf32, #tpu.memory_space<hbm>>
    %dma_start3A_709 = tpu.memref_squeeze %dma_start3A_708 : memref<1x128x128xf32, #tpu.memory_space<hbm>> -> memref<128x128xf32, #tpu.memory_space<hbm>>
    %dma_start3A_710 = arith.constant 0 : i32
    %dma_start3A_711 = tpu.memref_slice %arg10[%add3A_706, %dma_start3A_710] : memref<10240x128xf32, #tpu.memory_space<vmem_shared>> -> memref<128x128xf32, #tpu.memory_space<vmem_shared>>
    tpu.enqueue_dma source(%dma_start3A_711 : memref<128x128xf32, #tpu.memory_space<vmem_shared>>) target(%dma_start3A_709 : memref<128x128xf32, #tpu.memory_space<hbm>>) target_semaphore(%arg11 : memref<!tpu.dma_semaphore, #tpu.memory_space<semaphore_mem>>)
    %mul3A_712 = arith.constant 640 : i32
    %mul3A_713 = arith.muli %arg1, %mul3A_712 : i32
    %add3A_714 = arith.constant 256 : i32
    %add3A_715 = arith.addi %mul3A_713, %add3A_714 : i32
    %dma_start3A_716 = arith.constant 0 : i32
    %dma_start3A_717 = tpu.memref_slice %arg5[%arg0, %add3A_715, %dma_start3A_716] : memref<2x10240x128xf32, #tpu.memory_space<hbm>> -> memref<1x128x128xf32, #tpu.memory_space<hbm>>
    %dma_start3A_718 = tpu.memref_squeeze %dma_start3A_717 : memref<1x128x128xf32, #tpu.memory_space<hbm>> -> memref<128x128xf32, #tpu.memory_space<hbm>>
    %dma_start3A_719 = arith.constant 0 : i32
    %dma_start3A_720 = tpu.memref_slice %arg10[%add3A_715, %dma_start3A_719] : memref<10240x128xf32, #tpu.memory_space<vmem_shared>> -> memref<128x128xf32, #tpu.memory_space<vmem_shared>>
    tpu.enqueue_dma source(%dma_start3A_720 : memref<128x128xf32, #tpu.memory_space<vmem_shared>>) target(%dma_start3A_718 : memref<128x128xf32, #tpu.memory_space<hbm>>) target_semaphore(%arg11 : memref<!tpu.dma_semaphore, #tpu.memory_space<semaphore_mem>>)
    %mul3A_721 = arith.constant 640 : i32
    %mul3A_722 = arith.muli %arg1, %mul3A_721 : i32
    %add3A_723 = arith.constant 384 : i32
    %add3A_724 = arith.addi %mul3A_722, %add3A_723 : i32
    %dma_start3A_725 = arith.constant 0 : i32
    %dma_start3A_726 = tpu.memref_slice %arg5[%arg0, %add3A_724, %dma_start3A_725] : memref<2x10240x128xf32, #tpu.memory_space<hbm>> -> memref<1x128x128xf32, #tpu.memory_space<hbm>>
    %dma_start3A_727 = tpu.memref_squeeze %dma_start3A_726 : memref<1x128x128xf32, #tpu.memory_space<hbm>> -> memref<128x128xf32, #tpu.memory_space<hbm>>
    %dma_start3A_728 = arith.constant 0 : i32
    %dma_start3A_729 = tpu.memref_slice %arg10[%add3A_724, %dma_start3A_728] : memref<10240x128xf32, #tpu.memory_space<vmem_shared>> -> memref<128x128xf32, #tpu.memory_space<vmem_shared>>
    tpu.enqueue_dma source(%dma_start3A_729 : memref<128x128xf32, #tpu.memory_space<vmem_shared>>) target(%dma_start3A_727 : memref<128x128xf32, #tpu.memory_space<hbm>>) target_semaphore(%arg11 : memref<!tpu.dma_semaphore, #tpu.memory_space<semaphore_mem>>)
    %mul3A_730 = arith.constant 640 : i32
    %mul3A_731 = arith.muli %arg1, %mul3A_730 : i32
    %add3A_732 = arith.constant 512 : i32
    %add3A_733 = arith.addi %mul3A_731, %add3A_732 : i32
    %dma_start3A_734 = arith.constant 0 : i32
    %dma_start3A_735 = tpu.memref_slice %arg5[%arg0, %add3A_733, %dma_start3A_734] : memref<2x10240x128xf32, #tpu.memory_space<hbm>> -> memref<1x128x128xf32, #tpu.memory_space<hbm>>
    %dma_start3A_736 = tpu.memref_squeeze %dma_start3A_735 : memref<1x128x128xf32, #tpu.memory_space<hbm>> -> memref<128x128xf32, #tpu.memory_space<hbm>>
    %dma_start3A_737 = arith.constant 0 : i32
    %dma_start3A_738 = tpu.memref_slice %arg10[%add3A_733, %dma_start3A_737] : memref<10240x128xf32, #tpu.memory_space<vmem_shared>> -> memref<128x128xf32, #tpu.memory_space<vmem_shared>>
    tpu.enqueue_dma source(%dma_start3A_738 : memref<128x128xf32, #tpu.memory_space<vmem_shared>>) target(%dma_start3A_736 : memref<128x128xf32, #tpu.memory_space<hbm>>) target_semaphore(%arg11 : memref<!tpu.dma_semaphore, #tpu.memory_space<semaphore_mem>>)
    %mul3A_739 = arith.constant 640 : i32
    %mul3A_740 = arith.muli %arg1, %mul3A_739 : i32
    %mul3A_741 = arith.constant 640 : i32
    %mul3A_742 = arith.muli %arg1, %mul3A_741 : i32
    %dma_wait3A_743 = arith.constant 0 : i32
    %dma_wait3A_744 = tpu.memref_slice %arg5[%arg0, %mul3A_742, %dma_wait3A_743] : memref<2x10240x128xf32, #tpu.memory_space<hbm>> -> memref<1x128x128xf32, #tpu.memory_space<hbm>>
    %dma_wait3A_745 = tpu.memref_squeeze %dma_wait3A_744 : memref<1x128x128xf32, #tpu.memory_space<hbm>> -> memref<128x128xf32, #tpu.memory_space<hbm>>
    %dma_wait3A_746 = arith.constant 0 : i32
    %dma_wait3A_747 = tpu.memref_slice %arg10[%mul3A_740, %dma_wait3A_746] : memref<10240x128xf32, #tpu.memory_space<vmem_shared>> -> memref<128x128xf32, #tpu.memory_space<vmem_shared>>
    tpu.wait_dma2 semaphore(%arg11 : memref<!tpu.dma_semaphore, #tpu.memory_space<semaphore_mem>>) src(%dma_wait3A_747 : memref<128x128xf32, #tpu.memory_space<vmem_shared>>) dst(%dma_wait3A_745 : memref<128x128xf32, #tpu.memory_space<hbm>>)
    %mul3A_748 = arith.constant 640 : i32
    %mul3A_749 = arith.muli %arg1, %mul3A_748 : i32
    %mul3A_750 = arith.constant 640 : i32
    %mul3A_751 = arith.muli %arg1, %mul3A_750 : i32
    %dma_wait3A_752 = arith.constant 0 : i32
    %dma_wait3A_753 = tpu.memref_slice %arg5[%arg0, %mul3A_751, %dma_wait3A_752] : memref<2x10240x128xf32, #tpu.memory_space<hbm>> -> memref<1x128x128xf32, #tpu.memory_space<hbm>>
    %dma_wait3A_754 = tpu.memref_squeeze %dma_wait3A_753 : memref<1x128x128xf32, #tpu.memory_space<hbm>> -> memref<128x128xf32, #tpu.memory_space<hbm>>
    %dma_wait3A_755 = arith.constant 0 : i32
    %dma_wait3A_756 = tpu.memref_slice %arg10[%mul3A_749, %dma_wait3A_755] : memref<10240x128xf32, #tpu.memory_space<vmem_shared>> -> memref<128x128xf32, #tpu.memory_space<vmem_shared>>
    tpu.wait_dma2 semaphore(%arg11 : memref<!tpu.dma_semaphore, #tpu.memory_space<semaphore_mem>>) src(%dma_wait3A_756 : memref<128x128xf32, #tpu.memory_space<vmem_shared>>) dst(%dma_wait3A_754 : memref<128x128xf32, #tpu.memory_space<hbm>>)
    %mul3A_757 = arith.constant 640 : i32
    %mul3A_758 = arith.muli %arg1, %mul3A_757 : i32
    %mul3A_759 = arith.constant 640 : i32
    %mul3A_760 = arith.muli %arg1, %mul3A_759 : i32
    %dma_wait3A_761 = arith.constant 0 : i32
    %dma_wait3A_762 = tpu.memref_slice %arg5[%arg0, %mul3A_760, %dma_wait3A_761] : memref<2x10240x128xf32, #tpu.memory_space<hbm>> -> memref<1x128x128xf32, #tpu.memory_space<hbm>>
    %dma_wait3A_763 = tpu.memref_squeeze %dma_wait3A_762 : memref<1x128x128xf32, #tpu.memory_space<hbm>> -> memref<128x128xf32, #tpu.memory_space<hbm>>
    %dma_wait3A_764 = arith.constant 0 : i32
    %dma_wait3A_765 = tpu.memref_slice %arg10[%mul3A_758, %dma_wait3A_764] : memref<10240x128xf32, #tpu.memory_space<vmem_shared>> -> memref<128x128xf32, #tpu.memory_space<vmem_shared>>
    tpu.wait_dma2 semaphore(%arg11 : memref<!tpu.dma_semaphore, #tpu.memory_space<semaphore_mem>>) src(%dma_wait3A_765 : memref<128x128xf32, #tpu.memory_space<vmem_shared>>) dst(%dma_wait3A_763 : memref<128x128xf32, #tpu.memory_space<hbm>>)
    %mul3A_766 = arith.constant 640 : i32
    %mul3A_767 = arith.muli %arg1, %mul3A_766 : i32
    %mul3A_768 = arith.constant 640 : i32
    %mul3A_769 = arith.muli %arg1, %mul3A_768 : i32
    %dma_wait3A_770 = arith.constant 0 : i32
    %dma_wait3A_771 = tpu.memref_slice %arg5[%arg0, %mul3A_769, %dma_wait3A_770] : memref<2x10240x128xf32, #tpu.memory_space<hbm>> -> memref<1x128x128xf32, #tpu.memory_space<hbm>>
    %dma_wait3A_772 = tpu.memref_squeeze %dma_wait3A_771 : memref<1x128x128xf32, #tpu.memory_space<hbm>> -> memref<128x128xf32, #tpu.memory_space<hbm>>
    %dma_wait3A_773 = arith.constant 0 : i32
    %dma_wait3A_774 = tpu.memref_slice %arg10[%mul3A_767, %dma_wait3A_773] : memref<10240x128xf32, #tpu.memory_space<vmem_shared>> -> memref<128x128xf32, #tpu.memory_space<vmem_shared>>
    tpu.wait_dma2 semaphore(%arg11 : memref<!tpu.dma_semaphore, #tpu.memory_space<semaphore_mem>>) src(%dma_wait3A_774 : memref<128x128xf32, #tpu.memory_space<vmem_shared>>) dst(%dma_wait3A_772 : memref<128x128xf32, #tpu.memory_space<hbm>>)
    %mul3A_775 = arith.constant 640 : i32
    %mul3A_776 = arith.muli %arg1, %mul3A_775 : i32
    %mul3A_777 = arith.constant 640 : i32
    %mul3A_778 = arith.muli %arg1, %mul3A_777 : i32
    %dma_wait3A_779 = arith.constant 0 : i32
    %dma_wait3A_780 = tpu.memref_slice %arg5[%arg0, %mul3A_778, %dma_wait3A_779] : memref<2x10240x128xf32, #tpu.memory_space<hbm>> -> memref<1x128x128xf32, #tpu.memory_space<hbm>>
    %dma_wait3A_781 = tpu.memref_squeeze %dma_wait3A_780 : memref<1x128x128xf32, #tpu.memory_space<hbm>> -> memref<128x128xf32, #tpu.memory_space<hbm>>
    %dma_wait3A_782 = arith.constant 0 : i32
    %dma_wait3A_783 = tpu.memref_slice %arg10[%mul3A_776, %dma_wait3A_782] : memref<10240x128xf32, #tpu.memory_space<vmem_shared>> -> memref<128x128xf32, #tpu.memory_space<vmem_shared>>
    tpu.wait_dma2 semaphore(%arg11 : memref<!tpu.dma_semaphore, #tpu.memory_space<semaphore_mem>>) src(%dma_wait3A_783 : memref<128x128xf32, #tpu.memory_space<vmem_shared>>) dst(%dma_wait3A_781 : memref<128x128xf32, #tpu.memory_space<hbm>>)
    return
  }
}

module attributes {stable_mosaic.version = 14 : i64} {
  func.func @body(%arg0: i32, %arg1: memref<2000x128xf32, #tpu.memory_space<vmem>>, %arg2: memref<128x128xf32, #tpu.memory_space<vmem>>, %arg3: memref<2000x128xf32, #tpu.memory_space<vmem>>) attributes {dimension_semantics = [#tpu.dimension_semantics<arbitrary>], iteration_bounds = array<i64: 5>, scalar_prefetch = 0 : i64, scratch_operands = 0 : i64, tpu.core_type = #tpu.core_type<tc>, window_params = [{transform_indices = @transform_0, window_bounds = array<i64: 2000, 128>}, {pipeline_mode = #tpu.pipeline_mode<synchronous>, transform_indices = @transform_1, window_bounds = array<i64: 128, 128>}, {transform_indices = @transform_2, window_bounds = array<i64: 2000, 128>}]} {
    %get3A = arith.constant 0 : index
    %get3A_0 = arith.constant 0 : index
    %get3A_1 = vector.load %arg1[%get3A, %get3A_0] : memref<2000x128xf32, #tpu.memory_space<vmem>>, vector<2000x128xf32>
    %get3A_2 = arith.constant 0 : index
    %get3A_3 = arith.constant 0 : index
    %get3A_4 = vector.load %arg2[%get3A_2, %get3A_3] : memref<128x128xf32, #tpu.memory_space<vmem>>, vector<128x128xf32>
    %dot_general3A = arith.constant dense<0.000000e+00> : vector<2000x128xf32>
    %dot_general3A_5 = tpu.matmul %get3A_1, %get3A_4, %dot_general3A {dimension_numbers = #tpu.dot_dimension_numbers<[1], [0], [0], [1], [0, 0, 1, 1], [], []>, precision = #tpu.contract_precision<fp32>, transpose_lhs_hint = false} : vector<2000x128xf32>, vector<128x128xf32>, vector<2000x128xf32> -> vector<2000x128xf32>
    %swap3A = arith.constant 0 : index
    %swap3A_6 = arith.constant 0 : index
    %swap3A_7 = vector.load %arg3[%swap3A, %swap3A_6] : memref<2000x128xf32, #tpu.memory_space<vmem>>, vector<2000x128xf32>
    tpu.vector_store %arg3[%swap3A, %swap3A_6], %dot_general3A_5 {strides = array<i32>} : memref<2000x128xf32, #tpu.memory_space<vmem>>, vector<2000x128xf32>,
    return
  }
  func.func @transform_0(%arg0: i32) -> (i32, i32) {
    %c0_i32 = arith.constant 0 : i32
    %c0_i32_0 = arith.constant 0 : i32
    return %arg0, %c0_i32 : i32, i32
  }
  func.func @transform_1(%arg0: i32) -> (i32, i32) {
    %c0_i32 = arith.constant 0 : i32
    %c0_i32_0 = arith.constant 0 : i32
    %c0_i32_1 = arith.constant 0 : i32
    return %c0_i32, %c0_i32_0 : i32, i32
  }
  func.func @transform_2(%arg0: i32) -> (i32, i32) {
    %c0_i32 = arith.constant 0 : i32
    %c0_i32_0 = arith.constant 0 : i32
    return %arg0, %c0_i32 : i32, i32
  }
}

module attributes {stable_mosaic.version = 14 : i64} {
  func.func @body(%arg0: i32, %arg1: memref<2x2000x8xf32, #tpu.memory_space<vmem>>, %arg2: memref<2000x128xf32, #tpu.memory_space<vmem>>, %arg3: memref<2000x128xf32, #tpu.memory_space<vmem>>) attributes {dimension_semantics = [#tpu.dimension_semantics<arbitrary>], iteration_bounds = array<i64: 5>, scalar_prefetch = 0 : i64, scratch_operands = 0 : i64, tpu.core_type = #tpu.core_type<tc>, window_params = [{transform_indices = @transform_0, window_bounds = array<i64: 2, 2000, 8>}, {transform_indices = @transform_1, window_bounds = array<i64: 2000, 128>}, {transform_indices = @transform_2, window_bounds = array<i64: 2000, 128>}]} {
    %get3A = arith.constant 0 : index
    %get3A_0 = arith.constant 0 : index
    %get3A_1 = vector.load %arg2[%get3A, %get3A_0] : memref<2000x128xf32, #tpu.memory_space<vmem>>, vector<2000x128xf32>
    %get3A_2 = arith.constant 0 : index
    %get3A_3 = arith.constant 0 : index
    %get3A_4 = arith.constant 0 : index
    %get3A_5 = vector.load %arg1[%get3A_2, %get3A_3, %get3A_4] : memref<2x2000x8xf32, #tpu.memory_space<vmem>>, vector<1x2000x1xf32>
    %get3A_6 = vector.shape_cast %get3A_5 : vector<1x2000x1xf32> to vector<2000x1xf32>
    %get3A_7 = arith.constant 1 : index
    %get3A_8 = arith.constant 0 : index
    %get3A_9 = arith.constant 0 : index
    %get3A_10 = vector.load %arg1[%get3A_7, %get3A_8, %get3A_9] : memref<2x2000x8xf32, #tpu.memory_space<vmem>>, vector<1x2000x1xf32>
    %get3A_11 = vector.shape_cast %get3A_10 : vector<1x2000x1xf32> to vector<2000x1xf32>
    %add3A = arith.addf %get3A_6, %get3A_11 : vector<2000x1xf32>
    %add3A_12 = arith.constant 1.000000e+00 : f32
    %add3A_13 = vector.broadcast %add3A_12 : f32 to vector<2000x1xf32>
    %add3A_14 = arith.addf %add3A, %add3A_13 : vector<2000x1xf32>
    %rsqrt3A = math.rsqrt %add3A_14 : vector<2000x1xf32>
    %mul3A = vector.broadcast %rsqrt3A : vector<2000x1xf32> to vector<2000x128xf32>
    %mul3A_15 = arith.mulf %get3A_1, %mul3A : vector<2000x128xf32>
    %swap3A = arith.constant 0 : index
    %swap3A_16 = arith.constant 0 : index
    %swap3A_17 = vector.load %arg3[%swap3A, %swap3A_16] : memref<2000x128xf32, #tpu.memory_space<vmem>>, vector<2000x128xf32>
    tpu.vector_store %arg3[%swap3A, %swap3A_16], %mul3A_15 {strides = array<i32>} : memref<2000x128xf32, #tpu.memory_space<vmem>>, vector<2000x128xf32>,
    return
  }
  func.func @transform_0(%arg0: i32) -> (i32, i32, i32) {
    %c0_i32 = arith.constant 0 : i32
    %c0_i32_0 = arith.constant 0 : i32
    %c0_i32_1 = arith.constant 0 : i32
    return %c0_i32, %arg0, %c0_i32_0 : i32, i32, i32
  }
  func.func @transform_1(%arg0: i32) -> (i32, i32) {
    %c0_i32 = arith.constant 0 : i32
    %c0_i32_0 = arith.constant 0 : i32
    return %arg0, %c0_i32 : i32, i32
  }
  func.func @transform_2(%arg0: i32) -> (i32, i32) {
    %c0_i32 = arith.constant 0 : i32
    %c0_i32_0 = arith.constant 0 : i32
    return %arg0, %c0_i32 : i32, i32
  }
}

module attributes {stable_mosaic.version = 14 : i64} {
  func.func @body(%arg0: i32, %arg1: memref<2x2000x128xf32, #tpu.memory_space<vmem>>, %arg2: memref<2000x128xf32, #tpu.memory_space<vmem>>, %arg3: memref<2x2000x8xf32, #tpu.memory_space<vmem>>, %arg4: memref<1x128xf32, #tpu.memory_space<vmem>>, %arg5: memref<128x128xf32, #tpu.memory_space<vmem>>, %arg6: memref<2000x128xf32, #tpu.memory_space<vmem>>) attributes {dimension_semantics = [#tpu.dimension_semantics<arbitrary>], iteration_bounds = array<i64: 5>, scalar_prefetch = 0 : i64, scratch_operands = 0 : i64, tpu.core_type = #tpu.core_type<tc>, window_params = [{transform_indices = @transform_0, window_bounds = array<i64: 2, 2000, 128>}, {transform_indices = @transform_1, window_bounds = array<i64: 2000, 128>}, {transform_indices = @transform_2, window_bounds = array<i64: 2, 2000, 8>}, {pipeline_mode = #tpu.pipeline_mode<synchronous>, transform_indices = @transform_3, window_bounds = array<i64: 1, 128>}, {pipeline_mode = #tpu.pipeline_mode<synchronous>, transform_indices = @transform_4, window_bounds = array<i64: 128, 128>}, {transform_indices = @transform_5, window_bounds = array<i64: 2000, 128>}]} {
    %get3A = arith.constant 0 : index
    %get3A_0 = arith.constant 0 : index
    %get3A_1 = arith.constant 0 : index
    %get3A_2 = vector.load %arg3[%get3A, %get3A_0, %get3A_1] : memref<2x2000x8xf32, #tpu.memory_space<vmem>>, vector<1x2000x1xf32>
    %get3A_3 = vector.shape_cast %get3A_2 : vector<1x2000x1xf32> to vector<2000x1xf32>
    %get3A_4 = arith.constant 1 : index
    %get3A_5 = arith.constant 0 : index
    %get3A_6 = arith.constant 0 : index
    %get3A_7 = vector.load %arg3[%get3A_4, %get3A_5, %get3A_6] : memref<2x2000x8xf32, #tpu.memory_space<vmem>>, vector<1x2000x1xf32>
    %get3A_8 = vector.shape_cast %get3A_7 : vector<1x2000x1xf32> to vector<2000x1xf32>
    %add3A = arith.addf %get3A_3, %get3A_8 : vector<2000x1xf32>
    %add3A_9 = arith.constant 1.000000e+00 : f32
    %add3A_10 = vector.broadcast %add3A_9 : f32 to vector<2000x1xf32>
    %add3A_11 = arith.addf %add3A, %add3A_10 : vector<2000x1xf32>
    %rsqrt3A = math.rsqrt %add3A_11 : vector<2000x1xf32>
    %get3A_12 = arith.constant 0 : index
    %get3A_13 = arith.constant 0 : index
    %get3A_14 = arith.constant 0 : index
    %get3A_15 = vector.load %arg1[%get3A_12, %get3A_13, %get3A_14] : memref<2x2000x128xf32, #tpu.memory_space<vmem>>, vector<1x2000x128xf32>
    %get3A_16 = vector.shape_cast %get3A_15 : vector<1x2000x128xf32> to vector<2000x128xf32>
    %get3A_17 = arith.constant 1 : index
    %get3A_18 = arith.constant 0 : index
    %get3A_19 = arith.constant 0 : index
    %get3A_20 = vector.load %arg1[%get3A_17, %get3A_18, %get3A_19] : memref<2x2000x128xf32, #tpu.memory_space<vmem>>, vector<1x2000x128xf32>
    %get3A_21 = vector.shape_cast %get3A_20 : vector<1x2000x128xf32> to vector<2000x128xf32>
    %add3A_22 = arith.addf %get3A_16, %get3A_21 : vector<2000x128xf32>
    %get3A_23 = arith.constant 0 : index
    %get3A_24 = arith.constant 0 : index
    %get3A_25 = vector.load %arg2[%get3A_23, %get3A_24] : memref<2000x128xf32, #tpu.memory_space<vmem>>, vector<2000x128xf32>
    %add3A_26 = arith.addf %add3A_22, %get3A_25 : vector<2000x128xf32>
    %mul3A = vector.broadcast %rsqrt3A : vector<2000x1xf32> to vector<2000x128xf32>
    %mul3A_27 = arith.mulf %mul3A, %add3A_26 : vector<2000x128xf32>
    %get3A_28 = arith.constant 0 : index
    %get3A_29 = arith.constant 0 : index
    %get3A_30 = vector.load %arg4[%get3A_28, %get3A_29] : memref<1x128xf32, #tpu.memory_space<vmem>>, vector<1x128xf32>
    %add3A_31 = vector.broadcast %get3A_30 : vector<1x128xf32> to vector<2000x128xf32>
    %add3A_32 = arith.addf %mul3A_27, %add3A_31 : vector<2000x128xf32>
    %max3A = arith.constant 0.000000e+00 : f32
    %max3A_33 = vector.broadcast %max3A : f32 to vector<2000x128xf32>
    %max3A_34 = arith.maximumf %add3A_32, %max3A_33 : vector<2000x128xf32>
    %get3A_35 = arith.constant 0 : index
    %get3A_36 = arith.constant 0 : index
    %get3A_37 = vector.load %arg5[%get3A_35, %get3A_36] : memref<128x128xf32, #tpu.memory_space<vmem>>, vector<128x128xf32>
    %dot_general3A = arith.constant dense<0.000000e+00> : vector<2000x128xf32>
    %dot_general3A_38 = tpu.matmul %max3A_34, %get3A_37, %dot_general3A {dimension_numbers = #tpu.dot_dimension_numbers<[1], [0], [0], [1], [0, 0, 1, 1], [], []>, precision = #tpu.contract_precision<fp32>, transpose_lhs_hint = false} : vector<2000x128xf32>, vector<128x128xf32>, vector<2000x128xf32> -> vector<2000x128xf32>
    %mul3A_39 = vector.broadcast %rsqrt3A : vector<2000x1xf32> to vector<2000x128xf32>
    %mul3A_40 = arith.mulf %dot_general3A_38, %mul3A_39 : vector<2000x128xf32>
    %swap3A = arith.constant 0 : index
    %swap3A_41 = arith.constant 0 : index
    %swap3A_42 = vector.load %arg6[%swap3A, %swap3A_41] : memref<2000x128xf32, #tpu.memory_space<vmem>>, vector<2000x128xf32>
    tpu.vector_store %arg6[%swap3A, %swap3A_41], %mul3A_40 {strides = array<i32>} : memref<2000x128xf32, #tpu.memory_space<vmem>>, vector<2000x128xf32>,
    return
  }
  func.func @transform_0(%arg0: i32) -> (i32, i32, i32) {
    %c0_i32 = arith.constant 0 : i32
    %c0_i32_0 = arith.constant 0 : i32
    %c0_i32_1 = arith.constant 0 : i32
    return %c0_i32, %arg0, %c0_i32_0 : i32, i32, i32
  }
  func.func @transform_1(%arg0: i32) -> (i32, i32) {
    %c0_i32 = arith.constant 0 : i32
    %c0_i32_0 = arith.constant 0 : i32
    return %arg0, %c0_i32 : i32, i32
  }
  func.func @transform_2(%arg0: i32) -> (i32, i32, i32) {
    %c0_i32 = arith.constant 0 : i32
    %c0_i32_0 = arith.constant 0 : i32
    %c0_i32_1 = arith.constant 0 : i32
    return %c0_i32, %arg0, %c0_i32_0 : i32, i32, i32
  }
  func.func @transform_3(%arg0: i32) -> (i32, i32) {
    %c0_i32 = arith.constant 0 : i32
    %c0_i32_0 = arith.constant 0 : i32
    %c0_i32_1 = arith.constant 0 : i32
    return %c0_i32, %c0_i32_0 : i32, i32
  }
  func.func @transform_4(%arg0: i32) -> (i32, i32) {
    %c0_i32 = arith.constant 0 : i32
    %c0_i32_0 = arith.constant 0 : i32
    %c0_i32_1 = arith.constant 0 : i32
    return %c0_i32, %c0_i32_0 : i32, i32
  }
  func.func @transform_5(%arg0: i32) -> (i32, i32) {
    %c0_i32 = arith.constant 0 : i32
    %c0_i32_0 = arith.constant 0 : i32
    return %arg0, %c0_i32 : i32, i32
  }
}

module attributes {stable_mosaic.version = 14 : i64} {
  func.func @body(%arg0: i32, %arg1: memref<2x2000x128xf32, #tpu.memory_space<vmem>>, %arg2: memref<2000x128xf32, #tpu.memory_space<vmem>>, %arg3: memref<2x2000x8xf32, #tpu.memory_space<vmem>>, %arg4: memref<1x128xf32, #tpu.memory_space<vmem>>, %arg5: memref<2000x128xf32, #tpu.memory_space<vmem>>) attributes {dimension_semantics = [#tpu.dimension_semantics<arbitrary>], iteration_bounds = array<i64: 5>, scalar_prefetch = 0 : i64, scratch_operands = 0 : i64, tpu.core_type = #tpu.core_type<tc>, window_params = [{transform_indices = @transform_0, window_bounds = array<i64: 2, 2000, 128>}, {transform_indices = @transform_1, window_bounds = array<i64: 2000, 128>}, {transform_indices = @transform_2, window_bounds = array<i64: 2, 2000, 8>}, {pipeline_mode = #tpu.pipeline_mode<synchronous>, transform_indices = @transform_3, window_bounds = array<i64: 1, 128>}, {transform_indices = @transform_4, window_bounds = array<i64: 2000, 128>}]} {
    %get3A = arith.constant 0 : index
    %get3A_0 = arith.constant 0 : index
    %get3A_1 = arith.constant 0 : index
    %get3A_2 = vector.load %arg3[%get3A, %get3A_0, %get3A_1] : memref<2x2000x8xf32, #tpu.memory_space<vmem>>, vector<1x2000x1xf32>
    %get3A_3 = vector.shape_cast %get3A_2 : vector<1x2000x1xf32> to vector<2000x1xf32>
    %get3A_4 = arith.constant 1 : index
    %get3A_5 = arith.constant 0 : index
    %get3A_6 = arith.constant 0 : index
    %get3A_7 = vector.load %arg3[%get3A_4, %get3A_5, %get3A_6] : memref<2x2000x8xf32, #tpu.memory_space<vmem>>, vector<1x2000x1xf32>
    %get3A_8 = vector.shape_cast %get3A_7 : vector<1x2000x1xf32> to vector<2000x1xf32>
    %add3A = arith.addf %get3A_3, %get3A_8 : vector<2000x1xf32>
    %add3A_9 = arith.constant 1.000000e+00 : f32
    %add3A_10 = vector.broadcast %add3A_9 : f32 to vector<2000x1xf32>
    %add3A_11 = arith.addf %add3A, %add3A_10 : vector<2000x1xf32>
    %rsqrt3A = math.rsqrt %add3A_11 : vector<2000x1xf32>
    %get3A_12 = arith.constant 0 : index
    %get3A_13 = arith.constant 0 : index
    %get3A_14 = arith.constant 0 : index
    %get3A_15 = vector.load %arg1[%get3A_12, %get3A_13, %get3A_14] : memref<2x2000x128xf32, #tpu.memory_space<vmem>>, vector<1x2000x128xf32>
    %get3A_16 = vector.shape_cast %get3A_15 : vector<1x2000x128xf32> to vector<2000x128xf32>
    %get3A_17 = arith.constant 1 : index
    %get3A_18 = arith.constant 0 : index
    %get3A_19 = arith.constant 0 : index
    %get3A_20 = vector.load %arg1[%get3A_17, %get3A_18, %get3A_19] : memref<2x2000x128xf32, #tpu.memory_space<vmem>>, vector<1x2000x128xf32>
    %get3A_21 = vector.shape_cast %get3A_20 : vector<1x2000x128xf32> to vector<2000x128xf32>
    %add3A_22 = arith.addf %get3A_16, %get3A_21 : vector<2000x128xf32>
    %get3A_23 = arith.constant 0 : index
    %get3A_24 = arith.constant 0 : index
    %get3A_25 = vector.load %arg2[%get3A_23, %get3A_24] : memref<2000x128xf32, #tpu.memory_space<vmem>>, vector<2000x128xf32>
    %add3A_26 = arith.addf %add3A_22, %get3A_25 : vector<2000x128xf32>
    %mul3A = vector.broadcast %rsqrt3A : vector<2000x1xf32> to vector<2000x128xf32>
    %mul3A_27 = arith.mulf %mul3A, %add3A_26 : vector<2000x128xf32>
    %get3A_28 = arith.constant 0 : index
    %get3A_29 = arith.constant 0 : index
    %get3A_30 = vector.load %arg4[%get3A_28, %get3A_29] : memref<1x128xf32, #tpu.memory_space<vmem>>, vector<1x128xf32>
    %add3A_31 = vector.broadcast %get3A_30 : vector<1x128xf32> to vector<2000x128xf32>
    %add3A_32 = arith.addf %mul3A_27, %add3A_31 : vector<2000x128xf32>
    %max3A = arith.constant 0.000000e+00 : f32
    %max3A_33 = vector.broadcast %max3A : f32 to vector<2000x128xf32>
    %max3A_34 = arith.maximumf %add3A_32, %max3A_33 : vector<2000x128xf32>
    %swap3A = arith.constant 0 : index
    %swap3A_35 = arith.constant 0 : index
    %swap3A_36 = vector.load %arg5[%swap3A, %swap3A_35] : memref<2000x128xf32, #tpu.memory_space<vmem>>, vector<2000x128xf32>
    tpu.vector_store %arg5[%swap3A, %swap3A_35], %max3A_34 {strides = array<i32>} : memref<2000x128xf32, #tpu.memory_space<vmem>>, vector<2000x128xf32>,
    return
  }
  func.func @transform_0(%arg0: i32) -> (i32, i32, i32) {
    %c0_i32 = arith.constant 0 : i32
    %c0_i32_0 = arith.constant 0 : i32
    %c0_i32_1 = arith.constant 0 : i32
    return %c0_i32, %arg0, %c0_i32_0 : i32, i32, i32
  }
  func.func @transform_1(%arg0: i32) -> (i32, i32) {
    %c0_i32 = arith.constant 0 : i32
    %c0_i32_0 = arith.constant 0 : i32
    return %arg0, %c0_i32 : i32, i32
  }
  func.func @transform_2(%arg0: i32) -> (i32, i32, i32) {
    %c0_i32 = arith.constant 0 : i32
    %c0_i32_0 = arith.constant 0 : i32
    %c0_i32_1 = arith.constant 0 : i32
    return %c0_i32, %arg0, %c0_i32_0 : i32, i32, i32
  }
  func.func @transform_3(%arg0: i32) -> (i32, i32) {
    %c0_i32 = arith.constant 0 : i32
    %c0_i32_0 = arith.constant 0 : i32
    %c0_i32_1 = arith.constant 0 : i32
    return %c0_i32, %c0_i32_0 : i32, i32
  }
  func.func @transform_4(%arg0: i32) -> (i32, i32) {
    %c0_i32 = arith.constant 0 : i32
    %c0_i32_0 = arith.constant 0 : i32
    return %arg0, %c0_i32 : i32, i32
  }
}

</mosaic_0001>

<sc_bundles>
// kernel: kernel.12.cloned.1.call-start
scs
__scs_entry_jumppad:
0x0: {  	(pc) =	sbr.rel $0x88, $3  }
0x1: {  	(tag) =	ssettag $0x0;
	lr =	simm.s32 $0x1  }
0x2: {  	[smem:$0x3F9B] =	sst lr;
	_ =	strace $0xD0000000  }
0x3: {  	_ = 	snop  }
0x4: {  	_ = 	snop  }
0x5: {  	_ = 	snop  }
0x6: {  	_ = 	snop  }
0x7: {  	_ = 	snop  }
__scs_overlays_trampoline_lowered:
0x8: {  	[smem:$0x3FAA] =	sst s0  }
0x9: {  	[smem:$0x3FAB] =	sst s1  }
0xa: {  	[smem:$0x3FAC] =	sst s2  }
0xb: {  	[smem:$0x3FAD] =	sst s3  }
0xc: {  	[smem:$0x3FAE] =	sst s4  }
0xd: {  	[smem:$0x3FAF] =	sst s5  }
0xe: {  	[smem:$0x3FB0] =	sst s6  }
0xf: {  	[smem:$0x3FB1] =	sst s7  }
0x10: {  	[smem:$0x3FB2] =	sst s8  }
0x11: {  	[smem:$0x3FB3] =	sst s9;
	s0 =	simm.s32 @!p0 $0x0  }
0x12: {  	s1 =	sld [smem:$0x3F99];
	s0 =	simm.s32 @p0 $0x1  }
0x13: {  	[smem:$0x3FB4] =	sst s0;
	s0 =	simm.s32 @!p1 $0x0  }
0x14: {  	s2 =	sld [smem:$0x3F98];
	s0 =	simm.s32 @p1 $0x1  }
0x15: {  	[smem:$0x3FB5] =	sst s0;
	s0 =	simm.s32 @!p2 $0x0  }
0x16: {  	s3 =	sld [smem:$0x3FDB];
	s0 =	simm.s32 @p2 $0x1  }
0x17: {  	s4 =	simm.s32 $0x1BF5;
	[smem:$0x3FB7] =	sst s0  }
0x18: {  	s0 =	sld [smem:$0x3F9A];
	_ =	swait.ge [sflag:s4], $0x0  }
0x19: {  	s7 =	sld [smem:$0x3F9B]  }
0x1a: {  	s8 =	sadd.s32 $0xFFFFE003, lr  }
0x1b: {  	s9 =	sadd.s32 $0xFFFFFEF7, lr;
	s5 =	simm.s32 $0xFFFFFFFF;
	p2 =	slt.u32 s8, $0xFFFFF086  }
0x1c: {  	p1 =	slt.u32 s9, $0xF7A;
	s5 =	simm.s32 @!p2 $0x0  }
0x1d: {  	s5 =	simm.s32 @p1 $0x1;
	p0 =	seq.s32 s7, s2  }
0x1e: {  	s7 =	smul.u32 @!p0 $0xF7A, s2;
	p2 =	seq.s32 @!p0 s5, $0x0  }
0x1f: {  	s9 =	smul.u32 $0xF7A, s1;
	s8 =	simm.s32 @!p0 $0x1BF5;
	p2 =	por !p2, p0  }
0x20: {  	[sflag:s8] =	ssyncset.s32 @!p0 $0xFFFFF086;
	s6 =	sadd.s32 @!p0 s3, s7;
	s7 =	simm.s32 @!p0 $0x108  }
0x21: {  	s3 =	sadd.s32 s3, s9;
	s6 =	sadd.s32 @!p0 $0x88, s6;
	s7 =	simm.s32 @p2 $0x1082  }
0x22: {  	[simem:s7], [sflag:s8] =	dma.local @!p0 [hbm:s6], $0xF7A  }
0x23: {  	s9 =	sor.u32 $0xD0000000, s2;
	s6 =	simm.s32 $0x108;
	_ =	swait.ge @!p0 [sflag:s8], $0x0  }
0x24: {  	s3 =	sadd.s32 $0x88, s3;
	s6 =	simm.s32 @!p1 $0x1082;
	[sflag:s4] =	ssyncset.s32 $0xFFFFF086  }
0x25: {  	[simem:s6], [sflag:s4] =	dma.local [hbm:s3], $0xF7A  }
0x26: {  	[smem:$0x3F9B] =	sst s1;
	(tag) =	ssettag s2;
	_ =	strace s9  }
0x27: {  	s1 =	sld [smem:$0x3FAB]  }
0x28: {  	s2 =	sld [smem:$0x3FAC]  }
0x29: {  	s4 =	sld [smem:$0x3FAE]  }
0x2a: {  	p0 =	seq.s32 s5, $0x0;
	s5 =	sld [smem:$0x3FAF]  }
0x2b: {  	s6 =	sld [smem:$0x3FB0]  }
0x2c: {  	s7 =	sld [smem:$0x3FB1]  }
0x2d: {  	s3 =	simm.s32 $0x108;
	s8 =	sld [smem:$0x3FB2]  }
0x2e: {  	s3 =	simm.s32 @!p0 $0x1082;
	s9 =	sld [smem:$0x3FB3]  }
0x2f: {  	lr =	sadd.s32 s0, s3;
	s0 =	sld [smem:$0x3FAA]  }
0x30: {  	s3 =	sld [smem:$0x3FAD]  }
0x31: {  	[smem:$0x3FB6] =	sst s10  }
0x32: {  	s10 =	sld [smem:$0x3FB4];
	_ =	sdelay $0x3  }
0x33: {  	p0 =	seq.s32 s10, $0x1;
	s10 =	sld [smem:$0x3FB6];
	_ =	sdelay $0x3  }
0x34: {  	[smem:$0x3FB6] =	sst s10  }
0x35: {  	s10 =	sld [smem:$0x3FB5];
	_ =	sdelay $0x3  }
0x36: {  	p1 =	seq.s32 s10, $0x1;
	s10 =	sld [smem:$0x3FB6];
	_ =	sdelay $0x3  }
0x37: {  	[smem:$0x3FB6] =	sst s10  }
0x38: {  	s10 =	sld [smem:$0x3FB7]  }
0x39: {  	_ = 	snop;
	(pc) =	sbr.ind lr, $3  }
0x3a: {  	_ = 	snop  }
0x3b: {  	_ = 	snop  }
0x3c: {  	p2 =	seq.s32 s10, $0x1;
	s10 =	sld [smem:$0x3FB6]  }
0x3d: {  	_ =	shalt  }
0x3e: {  	_ =	shalt  }
0x3f: {  	_ =	shalt  }
0x40: {  	_ =	shalt  }
0x41: {  	_ =	shalt  }
0x42: {  	_ =	shalt  }
0x43: {  	_ =	shalt  }
0x44: {  	_ =	shalt  }
0x45: {  	_ =	shalt  }
0x46: {  	_ =	shalt  }
0x47: {  	_ =	shalt  }
0x48: {  	_ =	shalt  }
0x49: {  	_ =	shalt  }
0x4a: {  	_ =	shalt  }
0x4b: {  	_ =	shalt  }
0x4c: {  	_ =	shalt  }
0x4d: {  	_ =	shalt  }
0x4e: {  	_ =	shalt  }
0x4f: {  	_ =	shalt  }
0x50: {  	_ =	shalt  }
0x51: {  	_ =	shalt  }
0x52: {  	_ =	shalt  }
0x53: {  	_ =	shalt  }
0x54: {  	_ =	shalt  }
0x55: {  	_ =	shalt  }
0x56: {  	_ =	shalt  }
0x57: {  	_ =	shalt  }
0x58: {  	_ =	shalt  }
0x59: {  	_ =	shalt  }
0x5a: {  	_ =	shalt  }
0x5b: {  	_ =	shalt  }
0x5c: {  	_ =	shalt  }
0x5d: {  	_ =	shalt  }
0x5e: {  	_ =	shalt  }
0x5f: {  	_ =	shalt  }
0x60: {  	_ =	shalt  }
0x61: {  	_ =	shalt  }
0x62: {  	_ =	shalt  }
0x63: {  	_ =	shalt  }
0x64: {  	_ =	shalt  }
0x65: {  	_ =	shalt  }
0x66: {  	_ =	shalt  }
0x67: {  	_ =	shalt  }
0x68: {  	_ =	shalt  }
0x69: {  	_ =	shalt  }
0x6a: {  	_ =	shalt  }
0x6b: {  	_ =	shalt  }
0x6c: {  	_ =	shalt  }
0x6d: {  	_ =	shalt  }
0x6e: {  	_ =	shalt  }
0x6f: {  	_ =	shalt  }
0x70: {  	_ =	shalt  }
0x71: {  	_ =	shalt  }
0x72: {  	_ =	shalt  }
0x73: {  	_ =	shalt  }
0x74: {  	_ =	shalt  }
0x75: {  	_ =	shalt  }
0x76: {  	_ =	shalt  }
0x77: {  	_ =	shalt  }
0x78: {  	_ =	shalt  }
0x79: {  	_ =	shalt  }
0x7a: {  	_ =	shalt  }
0x7b: {  	_ =	shalt  }
0x7c: {  	_ =	shalt  }
0x7d: {  	_ =	shalt  }
0x7e: {  	_ =	shalt  }
0x7f: {  	_ =	shalt  }
0x80: {  	_ =	shalt  }
0x81: {  	_ =	shalt  }
0x82: {  	_ =	shalt  }
0x83: {  	_ =	shalt  }
0x84: {  	_ =	shalt  }
0x85: {  	_ =	shalt  }
0x86: {  	_ =	shalt  }
0x87: {  	_ =	shalt  }
.Lfunc_end0:
.L_simem_size_0:
called_computation.1_lowered:
.L_overlay_start_0:
0x88: {  	s2 =	sld [smem:$0x3FD9]  }
0x89: {  	s3 =	sld [smem:$0x3FFE];
	_ =	sdelay $0x1  }
0x8a: {  	s1 =	srdreg.scid  }
0x8b: {  	s0 =	sand.u32 $0x1, s1  }
0x8c: {  	s17 =	sshll.u32 s0, $0xA;
	s2 =	sadd.s32 s3, s2  }
0x8d: {  	s2 =	sadd.s32 s2, s17  }
0x8e: {  	[smem:$0x3FC2] =	sst s2  }
0x8f: {  	_ = 	snop  }
0x90: {  	s2 =	sld [smem:$0x3FD0];
	(tm) =	ssettm $0x1  }
0x91: {  	s18 =	sld [smem:$0x3FFB];
	_ =	sdelay $0x3  }
0x92: {  	_ =	strace s18  }
0x93: {  	s3 =	sld [smem:$0x3FFC];
	_ =	sdelay $0x3  }
0x94: {  	_ =	strace s3  }
0x95: {  	s3 =	sld [smem:$0x3FFD];
	_ =	sdelay $0x3  }
0x96: {  	_ =	strace s3  }
0x97: {  	_ =	strace $0x8FFFFFFF  }
0x98: {  	s19 =	sld [smem:$0x3FDB];
	_ =	sdelay $0x1  }
0x99: {  	s4 =	simm.s32 $_scs_section_size  }
0x9a: {  	s5 =	simm.s32 $_size__tile_overlayer_lowered;
	s6 =	simm.s32 $_tile_overlayer_lowered  }
0x9b: {  	s22 =	simm.s32 $0x1BFF;
	s21 =	sshll.u32 s6, $0x1;
	s3 =	sadd.s32 s4, s19  }
0x9c: {  	s7 =	simm.s32 $0x0;
	s20 =	sshll.u32 s5, $0x1;
	s5 =	sadd.s32 s21, s3  }
0x9d: {  	[timem:s7], [sflag:s22] =	dma.local [hbm:s5], s20  }
0x9e: {  	_ =	swait.ge [sflag:s22], s20  }
0x9f: {  	s4 =	ssub.s32 $0x0, s20;
	[sflag:s22] =	ssyncset.done $0x0  }
0xa0: {  	[sflag:s22] =	ssyncadd.s32 s4;
	_ =	sdelay $0x1  }
0xa1: {  	s23 =	simm.s32 $0x1B8B  }
0xa2: {  	_ =	swait.ge [sflag:s23], $0x1  }
0xa3: {  	[sflag:s23] =	ssyncset.done $0x0  }
0xa4: {  	s25 =	simm.s32 $0x1B8E;
	s24 =	sld [smem:$0x3FFE];
	[sflag:s23] =	ssyncadd.s32 $0xFFFFFFFF  }
0xa5: {  	s26 =	simm.s32 $execute0_lowered;
	[smem:$0x3FD2] =	sst s25  }
0xa6: {  	s5 =	sshll.u32 s26, $0x1;
	_ =	strace $0x80000049;
	[dreg:$0x1] =	wrdreg $0xFFFFFFFF  }
0xa7: {  	s28 =	simm.s32 $_size_execute0_lowered;
	s3 =	sadd.s32 s3, s5;
	[dreg:$0x0] =	wrdreg $0x0  }
0xa8: {  	s5 =	sshll.u32 s28, $0x1;
	[dreg:$0x2] =	wrdreg s3  }
0xa9: {  	[dreg:$0x3] =	wrdreg s5  }
0xaa: {  	[dreg:$0x4] =	wrdreg $0xC0  }
0xab: {  	_ =	task [dreg:s7], $0x5FFFF  }
0xac: {  	[dreg:$0x1] =	wrdreg $0xFFFFFFFF  }
0xad: {  	[dreg:$0x0] =	wrdreg $0x60  }
0xae: {  	[dreg:$0x2] =	wrdreg s2  }
0xaf: {  	[dreg:$0x3] =	wrdreg s24  }
0xb0: {  	[dreg:$0x4] =	wrdreg $0xB8000  }
0xb1: {  	[dreg:$0x5] =	wrdreg $0x9  }
0xb2: {  	_ =	task.clear_ibuf [dreg:s7], $0x6FFFF;
	_ =	strace $0x90000049  }
0xb3: {  	s29 =	simm.s32 $0x9;
	_ =	strace $0x8000004B  }
0xb4: {  	_ =	swait.ge [sflag:s29], $0x1  }
0xb5: {  	[sflag:s29] =	ssyncadd.s32 $0xFFFFFFFF  }
0xb6: {  	_ =	strace $0x9000004B  }
0xb7: {  	_ =	sfence  }
0xb8: {  	s30 =	sld [smem:$0x0];
	_ =	sdelay $0x2  }
0xb9: {  	s31 =	sshll.u32 s1, $0xD;
	s1 =	sshrl.u32 s1, $0x2  }
0xba: {  	s3 =	sand.u32 $0x4000, s31;
	s1 =	sadd.s32 s1, s30  }
0xbb: {  	s0 =	sor.u32 s3, s0;
	s1 =	sshll.u32 s1, $0x11  }
0xbc: {  	s0 =	sor.u32 s1, s0  }
0xbd: {  	s0 =	sadd.s32 $0x8F2B, s0  }
0xbe: {  	[sflag:s0] =	ssyncadd.remote.s32 $0x1  }
0xbf: {  	_ =	sfence.sel $0xFFFF  }
0xc0: {  	[dreg:$0x0] =	wrdreg $0xFFFFFFFF;
	(pc) =	sbr.abs _section_cstart, $3  }
0xc1: {  	[dreg:$0x1] =	wrdreg $0xFFFFFFFF  }
0xc2: {  	_ =	task.clear_ibuf [dreg:s7], $0x2FFFF;
	_ =	strace $0x9FFFFFFF  }
0xc3: {  	(tm) =	ssettm $0x7FFFFFFF  }
tec
execute0_lowered:
.L_overlay_start_1:
0x0: {  	(tag) =	ssettag $0x1  }
0x1: {  	s1 =	rddreg [dreg:$0x0]  }
0x2: {  	s0 =	rddreg [dreg:$0x1]  }
0x3: {  	s2 =	rddreg [dreg:$0x2]  }
0x4: {  	s3 =	simm.s32 $0x0;
	s16 =	srdreg.scid;
	s11 =	stileid.u32  }
0x5: {  	s28 =	simm.s32 $0x5;
	s29 =	simm.s32 $0x6;
	s30 =	simm.s32 $0x7  }
0x6: {  	s31 =	simm.s32 $0x8;
	[smem:$0x7FF] =	sst s3;
	s3 =	sand.u32 $0x1, s16  }
0x7: {  	s4 =	sadd.s32 $0xCC00, s0;
	s7 =	smul.u32 $0x50000, s11;
	s8 =	sadd.s32 $0x2C00, s0  }
0x8: {  	s0 =	sadd.s32 $0x66C00, s0;
	s19 =	smul.u32 $0x14000, s11;
	_ =	strace $0x8000004A  }
0x9: {  	s5 =	sshll.u32 s3, $0x4;
	s6 =	ssub.s32 $0x2, s3;
	s3 =	smul.u32 $0x140000, s3  }
0xa: {  	s5 =	sor.u32 s11, s5;
	s9 =	sshrl.u32 s6, $0x1;
	s17 =	sshrl.u32 s7, $0x2  }
0xb: {  	s23 =	sadd.s32 $0x4000, s19;
	s13 =	sadd.s32 $0x8000, s19;
	s14 =	sadd.s32 $0xC000, s19  }
0xc: {  	s10 =	smul.u32 $0x280, s5;
	s9 =	ssub.s32 s6, s9;
	s6 =	sadd.s32 s17, s2  }
0xd: {  	s15 =	sadd.s32 $0x10000, s19;
	s12 =	smul.u32 $0x500, s5;
	s20 =	sadd.s32 $0x1000, s6  }
0xe: {  	s11 =	sadd.s32 s23, s2;
	s21 =	sadd.s32 $0x2000, s6;
	[dreg:$0x6] =	wrdreg s20  }
0xf: {  	s5 =	smul.u32 $0x2800, s5;
	s22 =	sadd.s32 $0x3000, s6;
	[dreg:$0x7] =	wrdreg s21  }
0x10: {  	s7 =	sadd.s32 s19, s3;
	s17 =	sadd.s32 $0xB000, s6;
	[dreg:$0x8] =	wrdreg s22  }
0x11: {  	s24 =	sshrl.u32 s7, $0x3;
	s19 =	sadd.s32 $0xE000, s6;
	[dreg:$0x18] =	wrdreg s17  }
0x12: {  	s7 =	sadd.s32 s3, s14;
	s18 =	sadd.s32 s4, s10;
	[dreg:$0x1a] =	wrdreg s19  }
0x13: {  	s10 =	sadd.s32 s8, s10;
	s16 =	sadd.s32 s4, s12;
	[dreg:$0x4] =	wrdreg s18  }
0x14: {  	s12 =	sadd.s32 s8, s12;
	s5 =	sshrl.u32 s5, $0x3;
	[dreg:$0x5] =	wrdreg s10  }
0x15: {  	s22 =	sadd.s32 s13, s2;
	s20 =	sadd.s32 $0xF000, s6;
	[dreg:$0x9] =	wrdreg s16  }
0x16: {  	s21 =	sadd.s32 $0x11000, s6;
	[dreg:$0xa] =	wrdreg s12;
	s5 =	sadd.s32 $0x280, s5  }
0x17: {  	s10 =	sadd.s32 s3, s23;
	s23 =	sadd.s32 s14, s2;
	s12 =	smax.u32 s9, $0x1  }
0x18: {  	s14 =	sadd.s32 $0x7000, s6;
	s16 =	sadd.s32 $0xA000, s6;
	[dreg:$0x1b] =	wrdreg s20  }
0x19: {  	s18 =	sadd.s32 $0xD000, s6;
	[dreg:$0x1c] =	wrdreg s21;
	s9 =	simm.s32 $0x9  }
0x1a: {  	s20 =	simm.s32 $0x8800;
	s21 =	simm.s32 $0x2;
	[dreg:$0x13] =	wrdreg s12  }
0x1b: {  	s4 =	sadd.s32 s4, s5;
	s25 =	sshrl.u32 s10, $0x3;
	[dreg:$0x15] =	wrdreg s14  }
0x1c: {  	s5 =	sadd.s32 s8, s5;
	s10 =	sadd.s32 $0x5000, s6;
	[dreg:$0x17] =	wrdreg s16  }
0x1d: {  	[dreg:$0x19] =	wrdreg s18;
	s12 =	simm.s32 $0xA800;
	s14 =	simm.s32 $0x40  }
0x1e: {  	s16 =	simm.s32 $0x4800;
	s18 =	simm.s32 $0x6800;
	[dreg:$0xb] =	wrdreg s4  }
0x1f: {  	[dreg:$0xc] =	wrdreg s5;
	s4 =	sadd.s32 s0, s24;
	s26 =	sadd.s32 s0, s25  }
0x20: {  	s5 =	sadd.s32 s3, s13;
	s3 =	sadd.s32 s3, s15;
	[dreg:$0x12] =	wrdreg s10  }
0x21: {  	s24 =	sadd.s32 s15, s2;
	s13 =	sadd.s32 $0x6000, s6;
	[dreg:$0xd] =	wrdreg s4  }
0x22: {  	s15 =	sadd.s32 $0x9000, s6;
	s25 =	sadd.s32 $0x12000, s6;
	[dreg:$0xe] =	wrdreg s26  }
0x23: {  	s10 =	simm.s32 $0x1400;
	s4 =	sshrl.u32 s5, $0x3;
	[dreg:$0x14] =	wrdreg s13  }
0x24: {  	s5 =	sshrl.u32 s7, $0x3;
	s3 =	sshrl.u32 s3, $0x3;
	[dreg:$0x16] =	wrdreg s15  }
0x25: {  	[dreg:$0x1d] =	wrdreg s25;
	s26 =	sadd.s32 $0x13000, s6;
	s13 =	simm.s32 $0x1  }
0x26: {  	s15 =	simm.s32 $0x2800;
	s25 =	simm.s32 $0x3;
	s7 =	simm.s32 $0x0  }
0x27: {  	s4 =	sadd.s32 s0, s4;
	s8 =	sadd.s32 s0, s5;
	[dreg:$0x1e] =	wrdreg s26  }
0x28: {  	s0 =	sadd.s32 s0, s3;
	s26 =	simm.s32 $0x4;
	[dreg:$0xf] =	wrdreg s4  }
0x29: {  	s3 =	simm.s32 $0x2780;
	s5 =	simm.s32 $0x27C0;
	[dreg:$0x10] =	wrdreg s8  }
0x2a: {  	v0 =	vimm.f32 $0.0e+00;
	[dreg:$0x11] =	wrdreg s0;
	s0 =	simm.s32 $0x2700;
	s4 =	simm.s32 $0x2740  }
.LBB2_1:
0x2b: {  	s8 =	simm.s32 $0x0;
	s17 =	rddreg [dreg:$0x4]  }
0x2c: {  	[tilespmem:s8], [sflag:$0x9] =	stream.linear.gather [hbm4b:s17+s8], $0x1400, $0x38;
	[tilespmem:$0x1F800] =	vst v63  }
0x2d: {  	_ =	swait.ge [sflag:s9], $0x1400  }
0x2e: {  	[sflag:s9] =	ssyncset.done $0x0  }
0x2f: {  	s19 =	rddreg [dreg:$0x5];
	[sflag:s9] =	ssyncadd.s32 $0xFFFFEC00  }
0x30: {  	[tilespmem:s10], [sflag:$0x9] =	stream.linear.gather [hbm4b:s19+s8], $0x1400, $0x38;
	[tilespmem:$0x1F800] =	vst v63  }
0x31: {  	_ =	swait.ge [sflag:s9], $0x1400  }
0x32: {  	[sflag:s9] =	ssyncset.done $0x0  }
0x33: {  	s17 =	simm.s32 $0x200;
	s8 =	simm.s32 $0x0;
	[sflag:s9] =	ssyncadd.s32 $0xFFFFEC00  }
.LBB2_2:
0x34: {  	p0 =	sne.s32 s17, $0x3E00;
	[tilespmem:s8+$0xA870] =	vst v0  }
0x35: {  	[tilespmem:s8+$0xA800] =	vst v0  }
0x36: {  	[tilespmem:s8+$0xA810] =	vst v0  }
.Ltmp0:
0x37: {  	[tilespmem:s8+$0xA820] =	vst v0;
	(pc) =	sbr.rel @p0 .LBB2_2-.Ltmp0, $4  }
0x38: {  	[tilespmem:s8+$0xA830] =	vst v0  }
0x39: {  	[tilespmem:s8+$0xA840] =	vst v0  }
0x3a: {  	[tilespmem:s8+$0xA850] =	vst v0  }
0x3b: {  	[tilespmem:s8+$0xA860] =	vst v0;
	s8 =	sshra.s32 s17, $0x2;
	s17 =	sadd.s32 $0x200, s17  }
0x3c: {  	[tilespmem:s8+$0xA870] =	vst v0  }
0x3d: {  	[tilespmem:s8+$0xA800] =	vst v0  }
0x3e: {  	[tilespmem:s8+$0xA810] =	vst v0  }
0x3f: {  	[tilespmem:s8+$0xA820] =	vst v0  }
0x40: {  	[tilespmem:s8+$0xA830] =	vst v0  }
0x41: {  	[tilespmem:s8+$0xA840] =	vst v0  }
0x42: {  	[tilespmem:s8+$0xA850] =	vst v0  }
0x43: {  	[tilespmem:s8+$0xA860] =	vst v0  }
0x44: {  	[spmem:s6] =	stream.linear.scatter [tilespmem:s12], [sflag:$0x1], $0x1000, $0x38;
	[tilespmem:$0x1F800] =	vst v63  }
0x45: {  	s17 =	rddreg [dreg:$0x6]  }
0x46: {  	[spmem:s17] =	stream.linear.scatter [tilespmem:s12], [sflag:$0x1], $0x1000, $0x38;
	[tilespmem:$0x1F800] =	vst v63  }
0x47: {  	s19 =	rddreg [dreg:$0x7]  }
0x48: {  	[spmem:s19] =	stream.linear.scatter [tilespmem:s12], [sflag:$0x1], $0x1000, $0x38;
	[tilespmem:$0x1F800] =	vst v63  }
0x49: {  	s17 =	rddreg [dreg:$0x8]  }
0x4a: {  	[spmem:s17] =	stream.linear.scatter [tilespmem:s12], [sflag:$0x1], $0x1000, $0x38;
	[tilespmem:$0x1F800] =	vst v63  }
0x4b: {  	_ = 	snop  }
0x4c: {  	[spmem:s11] =	stream.linear.scatter [tilespmem:s12], [sflag:$0x1], $0x1000, $0x38;
	[tilespmem:$0x1F800] =	vst v63  }
0x4d: {  	s19 =	rddreg [dreg:$0x12]  }
0x4e: {  	[spmem:s19] =	stream.linear.scatter [tilespmem:s12], [sflag:$0x1], $0x1000, $0x38;
	[tilespmem:$0x1F800] =	vst v63  }
0x4f: {  	s17 =	rddreg [dreg:$0x14]  }
0x50: {  	[spmem:s17] =	stream.linear.scatter [tilespmem:s12], [sflag:$0x1], $0x1000, $0x38;
	[tilespmem:$0x1F800] =	vst v63  }
0x51: {  	s19 =	rddreg [dreg:$0x15]  }
0x52: {  	[spmem:s19] =	stream.linear.scatter [tilespmem:s12], [sflag:$0x1], $0x1000, $0x38;
	[tilespmem:$0x1F800] =	vst v63  }
0x53: {  	_ = 	snop  }
0x54: {  	[spmem:s22] =	stream.linear.scatter [tilespmem:s12], [sflag:$0x1], $0x1000, $0x38;
	[tilespmem:$0x1F800] =	vst v63  }
0x55: {  	s17 =	rddreg [dreg:$0x16]  }
0x56: {  	[spmem:s17] =	stream.linear.scatter [tilespmem:s12], [sflag:$0x1], $0x1000, $0x38;
	[tilespmem:$0x1F800] =	vst v63  }
0x57: {  	s19 =	rddreg [dreg:$0x17]  }
0x58: {  	[spmem:s19] =	stream.linear.scatter [tilespmem:s12], [sflag:$0x1], $0x1000, $0x38;
	[tilespmem:$0x1F800] =	vst v63  }
0x59: {  	s17 =	rddreg [dreg:$0x18]  }
0x5a: {  	[spmem:s17] =	stream.linear.scatter [tilespmem:s12], [sflag:$0x1], $0x1000, $0x38;
	[tilespmem:$0x1F800] =	vst v63  }
0x5b: {  	_ = 	snop  }
0x5c: {  	[spmem:s23] =	stream.linear.scatter [tilespmem:s12], [sflag:$0x1], $0x1000, $0x38;
	[tilespmem:$0x1F800] =	vst v63  }
0x5d: {  	s19 =	rddreg [dreg:$0x19]  }
0x5e: {  	[spmem:s19] =	stream.linear.scatter [tilespmem:s12], [sflag:$0x1], $0x1000, $0x38;
	[tilespmem:$0x1F800] =	vst v63  }
0x5f: {  	s17 =	rddreg [dreg:$0x1a]  }
0x60: {  	[spmem:s17] =	stream.linear.scatter [tilespmem:s12], [sflag:$0x1], $0x1000, $0x38;
	[tilespmem:$0x1F800] =	vst v63  }
0x61: {  	s19 =	rddreg [dreg:$0x1b]  }
0x62: {  	[spmem:s19] =	stream.linear.scatter [tilespmem:s12], [sflag:$0x1], $0x1000, $0x38;
	[tilespmem:$0x1F800] =	vst v63  }
0x63: {  	_ = 	snop  }
0x64: {  	[spmem:s24] =	stream.linear.scatter [tilespmem:s12], [sflag:$0x1], $0x1000, $0x38;
	[tilespmem:$0x1F800] =	vst v63  }
0x65: {  	s17 =	rddreg [dreg:$0x1c]  }
0x66: {  	[spmem:s17] =	stream.linear.scatter [tilespmem:s12], [sflag:$0x1], $0x1000, $0x38;
	[tilespmem:$0x1F800] =	vst v63  }
0x67: {  	s19 =	rddreg [dreg:$0x1d]  }
0x68: {  	[spmem:s19] =	stream.linear.scatter [tilespmem:s12], [sflag:$0x1], $0x1000, $0x38;
	[tilespmem:$0x1F800] =	vst v63  }
0x69: {  	s17 =	rddreg [dreg:$0x1e]  }
0x6a: {  	[spmem:s17] =	stream.linear.scatter [tilespmem:s12], [sflag:$0x1], $0x1000, $0x38;
	[tilespmem:$0x1F800] =	vst v63  }
0x6b: {  	_ =	swait.ge [sflag:s13], $0x1000  }
0x6c: {  	[sflag:s13] =	ssyncset.done $0x0  }
0x6d: {  	[sflag:s13] =	ssyncadd.s32 $0xFFFFF000  }
0x6e: {  	_ =	swait.ge [sflag:s13], $0x1000  }
0x6f: {  	[sflag:s13] =	ssyncset.done $0x0  }
0x70: {  	[sflag:s13] =	ssyncadd.s32 $0xFFFFF000  }
0x71: {  	_ =	swait.ge [sflag:s13], $0x1000  }
0x72: {  	[sflag:s13] =	ssyncset.done $0x0  }
0x73: {  	[sflag:s13] =	ssyncadd.s32 $0xFFFFF000  }
0x74: {  	_ =	swait.ge [sflag:s13], $0x1000  }
0x75: {  	[sflag:s13] =	ssyncset.done $0x0  }
0x76: {  	[sflag:s13] =	ssyncadd.s32 $0xFFFFF000  }
0x77: {  	_ =	swait.ge [sflag:s13], $0x1000  }
0x78: {  	[sflag:s13] =	ssyncset.done $0x0  }
0x79: {  	[sflag:s13] =	ssyncadd.s32 $0xFFFFF000  }
0x7a: {  	_ =	swait.ge [sflag:s13], $0x1000  }
0x7b: {  	[sflag:s13] =	ssyncset.done $0x0  }
0x7c: {  	[sflag:s13] =	ssyncadd.s32 $0xFFFFF000  }
0x7d: {  	_ =	swait.ge [sflag:s13], $0x1000  }
0x7e: {  	[sflag:s13] =	ssyncset.done $0x0  }
0x7f: {  	[sflag:s13] =	ssyncadd.s32 $0xFFFFF000  }
0x80: {  	_ =	swait.ge [sflag:s13], $0x1000  }
0x81: {  	[sflag:s13] =	ssyncset.done $0x0  }
0x82: {  	[sflag:s13] =	ssyncadd.s32 $0xFFFFF000  }
0x83: {  	_ =	swait.ge [sflag:s13], $0x1000  }
0x84: {  	[sflag:s13] =	ssyncset.done $0x0  }
0x85: {  	[sflag:s13] =	ssyncadd.s32 $0xFFFFF000  }
0x86: {  	_ =	swait.ge [sflag:s13], $0x1000  }
0x87: {  	[sflag:s13] =	ssyncset.done $0x0  }
0x88: {  	[sflag:s13] =	ssyncadd.s32 $0xFFFFF000  }
0x89: {  	_ =	swait.ge [sflag:s13], $0x1000  }
0x8a: {  	[sflag:s13] =	ssyncset.done $0x0  }
0x8b: {  	[sflag:s13] =	ssyncadd.s32 $0xFFFFF000  }
0x8c: {  	_ =	swait.ge [sflag:s13], $0x1000  }
0x8d: {  	[sflag:s13] =	ssyncset.done $0x0  }
0x8e: {  	[sflag:s13] =	ssyncadd.s32 $0xFFFFF000  }
0x8f: {  	_ =	swait.ge [sflag:s13], $0x1000  }
0x90: {  	[sflag:s13] =	ssyncset.done $0x0  }
0x91: {  	[sflag:s13] =	ssyncadd.s32 $0xFFFFF000  }
0x92: {  	_ =	swait.ge [sflag:s13], $0x1000  }
0x93: {  	[sflag:s13] =	ssyncset.done $0x0  }
0x94: {  	[sflag:s13] =	ssyncadd.s32 $0xFFFFF000  }
0x95: {  	_ =	swait.ge [sflag:s13], $0x1000  }
0x96: {  	[sflag:s13] =	ssyncset.done $0x0  }
0x97: {  	[sflag:s13] =	ssyncadd.s32 $0xFFFFF000  }
0x98: {  	_ =	swait.ge [sflag:s13], $0x1000  }
0x99: {  	[sflag:s13] =	ssyncset.done $0x0  }
0x9a: {  	[sflag:s13] =	ssyncadd.s32 $0xFFFFF000  }
0x9b: {  	_ =	swait.ge [sflag:s13], $0x1000  }
0x9c: {  	[sflag:s13] =	ssyncset.done $0x0  }
0x9d: {  	[sflag:s13] =	ssyncadd.s32 $0xFFFFF000  }
0x9e: {  	_ =	swait.ge [sflag:s13], $0x1000  }
0x9f: {  	[sflag:s13] =	ssyncset.done $0x0  }
0xa0: {  	[sflag:s13] =	ssyncadd.s32 $0xFFFFF000  }
0xa1: {  	_ =	swait.ge [sflag:s13], $0x1000  }
0xa2: {  	[sflag:s13] =	ssyncset.done $0x0  }
0xa3: {  	[sflag:s13] =	ssyncadd.s32 $0xFFFFF000  }
0xa4: {  	_ =	swait.ge [sflag:s13], $0x1000  }
0xa5: {  	[sflag:s13] =	ssyncset.done $0x0  }
0xa6: {  	[sflag:s13] =	ssyncadd.s32 $0xFFFFF000  }
0xa7: {  	[bflag:$0x0] =	sbarrier.arrive $0xFFFF  }
0xa8: {  	s8 =	simm.s32 $0x0;
	s17 =	rddreg [dreg:$0x9]  }
0xa9: {  	[tilespmem:s8], [sflag:$0x9] =	stream.linear.gather [hbm4b:s17+s8], $0x1400, $0x38;
	[tilespmem:$0x1F800] =	vst v63  }
0xaa: {  	_ =	swait.ge [sflag:s9], $0x1400  }
0xab: {  	[sflag:s9] =	ssyncset.done $0x0  }
0xac: {  	s19 =	rddreg [dreg:$0xa];
	[sflag:s9] =	ssyncadd.s32 $0xFFFFEC00  }
0xad: {  	[tilespmem:s10], [sflag:$0x9] =	stream.linear.gather [hbm4b:s19+s8], $0x1400, $0x38;
	[tilespmem:$0x1F800] =	vst v63  }
0xae: {  	_ =	swait.ge [sflag:s9], $0x1400  }
0xaf: {  	[sflag:s9] =	ssyncset.done $0x0  }
0xb0: {  	[sflag:s9] =	ssyncadd.s32 $0xFFFFEC00  }
0xb1: {  	[tilespmem:s15], [sflag:$0x1] =	stream.indirect.gather [hbm4b:s1+s14], $0x80, s8, s14, $0xb8;
	[tilespmem:$0x1F800] =	vst v63  }
0xb2: {  	_ = 	snop  }
0xb3: {  	[tilespmem:s16], [sflag:$0x2] =	stream.indirect.gather [hbm4b:s1+s14], $0x80, s14, s14, $0xb8;
	[tilespmem:$0x1F800] =	vst v63  }
0xb4: {  	s19 =	simm.s32 $0x80  }
0xb5: {  	[tilespmem:s18], [sflag:$0x3] =	stream.indirect.gather [hbm4b:s1+s14], $0x80, s19, s14, $0xb8;
	[tilespmem:$0x1F800] =	vst v63  }
0xb6: {  	s17 =	simm.s32 $0xC0  }
0xb7: {  	[tilespmem:s20], [sflag:$0x4] =	stream.indirect.gather [hbm4b:s1+s14], $0x80, s17, s14, $0xb8;
	[tilespmem:$0x1F800] =	vst v63  }
0xb8: {  	_ =	swait.ge [sflag:s13], $0x2000  }
0xb9: {  	[sflag:s13] =	ssyncset.done $0x0  }
0xba: {  	s19 =	simm.s32 $0x1400;
	[sflag:s13] =	ssyncadd.s32 $0xFFFFE000  }
0xbb: {  	[spmem:s2] =	stream.indirect.scatter.add.f32 [tilespmem:s15], [sflag:$0x5], $0x80, s19, s14, $0xb8;
	[tilespmem:$0x1F800] =	vst v63  }
0xbc: {  	_ =	swait.ge [sflag:s21], $0x2000  }
0xbd: {  	[sflag:s21] =	ssyncset.done $0x0  }
0xbe: {  	s17 =	simm.s32 $0x1440;
	[sflag:s21] =	ssyncadd.s32 $0xFFFFE000  }
0xbf: {  	[spmem:s2] =	stream.indirect.scatter.add.f32 [tilespmem:s16], [sflag:$0x6], $0x80, s17, s14, $0xb8;
	[tilespmem:$0x1F800] =	vst v63  }
0xc0: {  	_ =	swait.ge [sflag:s25], $0x2000  }
0xc1: {  	[sflag:s25] =	ssyncset.done $0x0  }
0xc2: {  	s19 =	simm.s32 $0x1480;
	[sflag:s25] =	ssyncadd.s32 $0xFFFFE000  }
0xc3: {  	[spmem:s2] =	stream.indirect.scatter.add.f32 [tilespmem:s18], [sflag:$0x7], $0x80, s19, s14, $0xb8;
	[tilespmem:$0x1F800] =	vst v63  }
0xc4: {  	_ =	swait.ge [sflag:s26], $0x2000  }
0xc5: {  	[sflag:s26] =	ssyncset.done $0x0  }
0xc6: {  	s17 =	simm.s32 $0x14C0;
	[sflag:s26] =	ssyncadd.s32 $0xFFFFE000  }
0xc7: {  	[spmem:s2] =	stream.indirect.scatter.add.f32 [tilespmem:s20], [sflag:$0x8], $0x80, s17, s14, $0xb8;
	[tilespmem:$0x1F800] =	vst v63  }
0xc8: {  	_ =	swait.ge [sflag:s28], $0x2000  }
0xc9: {  	[sflag:s28] =	ssyncset.done $0x0  }
0xca: {  	s19 =	simm.s32 $0x100;
	[sflag:s28] =	ssyncadd.s32 $0xFFFFE000  }
0xcb: {  	[tilespmem:s15], [sflag:$0x1] =	stream.indirect.gather [hbm4b:s1+s14], $0x80, s19, s14, $0xb8;
	[tilespmem:$0x1F800] =	vst v63  }
0xcc: {  	_ =	swait.ge [sflag:s29], $0x2000  }
0xcd: {  	[sflag:s29] =	ssyncset.done $0x0  }
0xce: {  	s17 =	simm.s32 $0x140;
	[sflag:s29] =	ssyncadd.s32 $0xFFFFE000  }
0xcf: {  	[tilespmem:s16], [sflag:$0x2] =	stream.indirect.gather [hbm4b:s1+s14], $0x80, s17, s14, $0xb8;
	[tilespmem:$0x1F800] =	vst v63  }
0xd0: {  	_ =	swait.ge [sflag:s30], $0x2000  }
0xd1: {  	[sflag:s30] =	ssyncset.done $0x0  }
0xd2: {  	s19 =	simm.s32 $0x180;
	[sflag:s30] =	ssyncadd.s32 $0xFFFFE000  }
0xd3: {  	[tilespmem:s18], [sflag:$0x3] =	stream.indirect.gather [hbm4b:s1+s14], $0x80, s19, s14, $0xb8;
	[tilespmem:$0x1F800] =	vst v63  }
0xd4: {  	_ =	swait.ge [sflag:s31], $0x2000  }
0xd5: {  	[sflag:s31] =	ssyncset.done $0x0  }
0xd6: {  	s8 =	simm.s32 $0x1C0;
	s17 =	simm.s32 $0x400;
	[sflag:s31] =	ssyncadd.s32 $0xFFFFE000  }
.LBB2_4:
0xd7: {  	[tilespmem:s20], [sflag:$0x4] =	stream.indirect.gather [hbm4b:s1+s14], $0x80, s8, s14, $0xb8;
	[tilespmem:$0x1F800] =	vst v63  }
0xd8: {  	s8 =	smov.u32 s17  }
0xd9: {  	p0 =	sne.s32 s17, $0x4800;
	s17 =	sadd.s32 $0x400, s17;
	_ =	swait.ge [sflag:s13], $0x2000  }
0xda: {  	s8 =	sshra.s32 s8, $0x2;
	[sflag:s13] =	ssyncset.done $0x0  }
0xdb: {  	s19 =	sadd.s32 $0x1400, s8;
	[sflag:s13] =	ssyncadd.s32 $0xFFFFE000  }
0xdc: {  	[spmem:s2] =	stream.indirect.scatter.add.f32 [tilespmem:s15], [sflag:$0x5], $0x80, s19, s14, $0xb8;
	[tilespmem:$0x1F800] =	vst v63  }
0xdd: {  	_ =	swait.ge [sflag:s21], $0x2000  }
0xde: {  	[sflag:s21] =	ssyncset.done $0x0  }
0xdf: {  	s19 =	sadd.s32 $0x1440, s8;
	[sflag:s21] =	ssyncadd.s32 $0xFFFFE000  }
0xe0: {  	[spmem:s2] =	stream.indirect.scatter.add.f32 [tilespmem:s16], [sflag:$0x6], $0x80, s19, s14, $0xb8;
	[tilespmem:$0x1F800] =	vst v63  }
0xe1: {  	_ =	swait.ge [sflag:s25], $0x2000  }
0xe2: {  	[sflag:s25] =	ssyncset.done $0x0  }
0xe3: {  	s19 =	sadd.s32 $0x1480, s8;
	[sflag:s25] =	ssyncadd.s32 $0xFFFFE000  }
0xe4: {  	[spmem:s2] =	stream.indirect.scatter.add.f32 [tilespmem:s18], [sflag:$0x7], $0x80, s19, s14, $0xb8;
	[tilespmem:$0x1F800] =	vst v63  }
0xe5: {  	_ =	swait.ge [sflag:s26], $0x2000  }
0xe6: {  	[sflag:s26] =	ssyncset.done $0x0  }
0xe7: {  	s19 =	sadd.s32 $0x14C0, s8;
	[sflag:s26] =	ssyncadd.s32 $0xFFFFE000  }
0xe8: {  	[spmem:s2] =	stream.indirect.scatter.add.f32 [tilespmem:s20], [sflag:$0x8], $0x80, s19, s14, $0xb8;
	[tilespmem:$0x1F800] =	vst v63  }
0xe9: {  	_ =	swait.ge [sflag:s28], $0x2000  }
0xea: {  	[sflag:s28] =	ssyncset.done $0x0  }
0xeb: {  	s19 =	sadd.s32 $0x100, s8;
	[sflag:s28] =	ssyncadd.s32 $0xFFFFE000  }
0xec: {  	[tilespmem:s15], [sflag:$0x1] =	stream.indirect.gather [hbm4b:s1+s14], $0x80, s19, s14, $0xb8;
	[tilespmem:$0x1F800] =	vst v63  }
0xed: {  	_ =	swait.ge [sflag:s29], $0x2000  }
0xee: {  	[sflag:s29] =	ssyncset.done $0x0  }
0xef: {  	s19 =	sadd.s32 $0x140, s8;
	[sflag:s29] =	ssyncadd.s32 $0xFFFFE000  }
0xf0: {  	[tilespmem:s16], [sflag:$0x2] =	stream.indirect.gather [hbm4b:s1+s14], $0x80, s19, s14, $0xb8;
	[tilespmem:$0x1F800] =	vst v63  }
0xf1: {  	_ =	swait.ge [sflag:s30], $0x2000  }
0xf2: {  	[sflag:s30] =	ssyncset.done $0x0  }
.Ltmp1:
0xf3: {  	s19 =	sadd.s32 $0x180, s8;
	[sflag:s30] =	ssyncadd.s32 $0xFFFFE000;
	(pc) =	sbr.rel @p0 .LBB2_4-.Ltmp1, $4  }
0xf4: {  	[tilespmem:s18], [sflag:$0x3] =	stream.indirect.gather [hbm4b:s1+s14], $0x80, s19, s14, $0xb8;
	[tilespmem:$0x1F800] =	vst v63  }
0xf5: {  	_ =	swait.ge [sflag:s31], $0x2000  }
0xf6: {  	[sflag:s31] =	ssyncset.done $0x0  }
0xf7: {  	s8 =	sadd.s32 $0x1C0, s8;
	[sflag:s31] =	ssyncadd.s32 $0xFFFFE000  }
0xf8: {  	[tilespmem:s20], [sflag:$0x4] =	stream.indirect.gather [hbm4b:s1+s14], $0x80, s8, s14, $0xb8;
	[tilespmem:$0x1F800] =	vst v63  }
0xf9: {  	_ =	swait.ge [sflag:s13], $0x2000  }
0xfa: {  	[sflag:s13] =	ssyncset.done $0x0  }
0xfb: {  	[sflag:s13] =	ssyncadd.s32 $0xFFFFE000  }
0xfc: {  	[spmem:s2] =	stream.indirect.scatter.add.f32 [tilespmem:s15], [sflag:$0x5], $0x80, s0, s14, $0xb8;
	[tilespmem:$0x1F800] =	vst v63  }
0xfd: {  	_ =	swait.ge [sflag:s21], $0x2000  }
0xfe: {  	[sflag:s21] =	ssyncset.done $0x0  }
0xff: {  	[sflag:s21] =	ssyncadd.s32 $0xFFFFE000  }
0x100: {  	[spmem:s2] =	stream.indirect.scatter.add.f32 [tilespmem:s16], [sflag:$0x6], $0x80, s4, s14, $0xb8;
	[tilespmem:$0x1F800] =	vst v63  }
0x101: {  	_ =	swait.ge [sflag:s25], $0x2000  }
0x102: {  	[sflag:s25] =	ssyncset.done $0x0  }
0x103: {  	[sflag:s25] =	ssyncadd.s32 $0xFFFFE000  }
0x104: {  	[spmem:s2] =	stream.indirect.scatter.add.f32 [tilespmem:s18], [sflag:$0x7], $0x80, s3, s14, $0xb8;
	[tilespmem:$0x1F800] =	vst v63  }
0x105: {  	_ =	swait.ge [sflag:s26], $0x2000  }
0x106: {  	[sflag:s26] =	ssyncset.done $0x0  }
0x107: {  	[sflag:s26] =	ssyncadd.s32 $0xFFFFE000  }
0x108: {  	[spmem:s2] =	stream.indirect.scatter.add.f32 [tilespmem:s20], [sflag:$0x8], $0x80, s5, s14, $0xb8;
	[tilespmem:$0x1F800] =	vst v63  }
0x109: {  	_ =	swait.ge [sflag:s28], $0x2000  }
0x10a: {  	[sflag:s28] =	ssyncset.done $0x0  }
0x10b: {  	[sflag:s28] =	ssyncadd.s32 $0xFFFFE000  }
0x10c: {  	_ =	swait.ge [sflag:s29], $0x2000  }
0x10d: {  	[sflag:s29] =	ssyncset.done $0x0  }
0x10e: {  	[sflag:s29] =	ssyncadd.s32 $0xFFFFE000  }
0x10f: {  	_ =	swait.ge [sflag:s30], $0x2000  }
0x110: {  	[sflag:s30] =	ssyncset.done $0x0  }
0x111: {  	[sflag:s30] =	ssyncadd.s32 $0xFFFFE000  }
0x112: {  	_ =	swait.ge [sflag:s31], $0x2000  }
0x113: {  	[sflag:s31] =	ssyncset.done $0x0  }
0x114: {  	s8 =	simm.s32 $0x0;
	s17 =	rddreg [dreg:$0xb];
	[sflag:s31] =	ssyncadd.s32 $0xFFFFE000  }
0x115: {  	[tilespmem:s8], [sflag:$0x9] =	stream.linear.gather [hbm4b:s17+s8], $0x1400, $0x38;
	[tilespmem:$0x1F800] =	vst v63  }
0x116: {  	_ =	swait.ge [sflag:s9], $0x1400  }
0x117: {  	[sflag:s9] =	ssyncset.done $0x0  }
0x118: {  	s19 =	rddreg [dreg:$0xc];
	[sflag:s9] =	ssyncadd.s32 $0xFFFFEC00  }
0x119: {  	[tilespmem:s10], [sflag:$0x9] =	stream.linear.gather [hbm4b:s19+s8], $0x1400, $0x38;
	[tilespmem:$0x1F800] =	vst v63  }
0x11a: {  	_ =	swait.ge [sflag:s9], $0x1400  }
0x11b: {  	[sflag:s9] =	ssyncset.done $0x0  }
0x11c: {  	[sflag:s9] =	ssyncadd.s32 $0xFFFFEC00  }
0x11d: {  	[tilespmem:s15], [sflag:$0x1] =	stream.indirect.gather [hbm4b:s1+s14], $0x80, s8, s14, $0xb8;
	[tilespmem:$0x1F800] =	vst v63  }
0x11e: {  	_ = 	snop  }
0x11f: {  	[tilespmem:s16], [sflag:$0x2] =	stream.indirect.gather [hbm4b:s1+s14], $0x80, s14, s14, $0xb8;
	[tilespmem:$0x1F800] =	vst v63  }
0x120: {  	s19 =	simm.s32 $0x80  }
0x121: {  	[tilespmem:s18], [sflag:$0x3] =	stream.indirect.gather [hbm4b:s1+s14], $0x80, s19, s14, $0xb8;
	[tilespmem:$0x1F800] =	vst v63  }
0x122: {  	s17 =	simm.s32 $0xC0  }
0x123: {  	[tilespmem:s20], [sflag:$0x4] =	stream.indirect.gather [hbm4b:s1+s14], $0x80, s17, s14, $0xb8;
	[tilespmem:$0x1F800] =	vst v63  }
0x124: {  	_ =	swait.ge [sflag:s13], $0x2000  }
0x125: {  	[sflag:s13] =	ssyncset.done $0x0  }
0x126: {  	s19 =	simm.s32 $0x1400;
	[sflag:s13] =	ssyncadd.s32 $0xFFFFE000  }
0x127: {  	[spmem:s2] =	stream.indirect.scatter.add.f32 [tilespmem:s15], [sflag:$0x5], $0x80, s19, s14, $0xb8;
	[tilespmem:$0x1F800] =	vst v63  }
0x128: {  	_ =	swait.ge [sflag:s21], $0x2000  }
0x129: {  	[sflag:s21] =	ssyncset.done $0x0  }
0x12a: {  	s17 =	simm.s32 $0x1440;
	[sflag:s21] =	ssyncadd.s32 $0xFFFFE000  }
0x12b: {  	[spmem:s2] =	stream.indirect.scatter.add.f32 [tilespmem:s16], [sflag:$0x6], $0x80, s17, s14, $0xb8;
	[tilespmem:$0x1F800] =	vst v63  }
0x12c: {  	_ =	swait.ge [sflag:s25], $0x2000  }
0x12d: {  	[sflag:s25] =	ssyncset.done $0x0  }
0x12e: {  	s19 =	simm.s32 $0x1480;
	[sflag:s25] =	ssyncadd.s32 $0xFFFFE000  }
0x12f: {  	[spmem:s2] =	stream.indirect.scatter.add.f32 [tilespmem:s18], [sflag:$0x7], $0x80, s19, s14, $0xb8;
	[tilespmem:$0x1F800] =	vst v63  }
0x130: {  	_ =	swait.ge [sflag:s26], $0x2000  }
0x131: {  	[sflag:s26] =	ssyncset.done $0x0  }
0x132: {  	s17 =	simm.s32 $0x14C0;
	[sflag:s26] =	ssyncadd.s32 $0xFFFFE000  }
0x133: {  	[spmem:s2] =	stream.indirect.scatter.add.f32 [tilespmem:s20], [sflag:$0x8], $0x80, s17, s14, $0xb8;
	[tilespmem:$0x1F800] =	vst v63  }
0x134: {  	_ =	swait.ge [sflag:s28], $0x2000  }
0x135: {  	[sflag:s28] =	ssyncset.done $0x0  }
0x136: {  	s19 =	simm.s32 $0x100;
	[sflag:s28] =	ssyncadd.s32 $0xFFFFE000  }
0x137: {  	[tilespmem:s15], [sflag:$0x1] =	stream.indirect.gather [hbm4b:s1+s14], $0x80, s19, s14, $0xb8;
	[tilespmem:$0x1F800] =	vst v63  }
0x138: {  	_ =	swait.ge [sflag:s29], $0x2000  }
0x139: {  	[sflag:s29] =	ssyncset.done $0x0  }
0x13a: {  	s17 =	simm.s32 $0x140;
	[sflag:s29] =	ssyncadd.s32 $0xFFFFE000  }
0x13b: {  	[tilespmem:s16], [sflag:$0x2] =	stream.indirect.gather [hbm4b:s1+s14], $0x80, s17, s14, $0xb8;
	[tilespmem:$0x1F800] =	vst v63  }
0x13c: {  	_ =	swait.ge [sflag:s30], $0x2000  }
0x13d: {  	[sflag:s30] =	ssyncset.done $0x0  }
0x13e: {  	s19 =	simm.s32 $0x180;
	[sflag:s30] =	ssyncadd.s32 $0xFFFFE000  }
0x13f: {  	[tilespmem:s18], [sflag:$0x3] =	stream.indirect.gather [hbm4b:s1+s14], $0x80, s19, s14, $0xb8;
	[tilespmem:$0x1F800] =	vst v63  }
0x140: {  	_ =	swait.ge [sflag:s31], $0x2000  }
0x141: {  	[sflag:s31] =	ssyncset.done $0x0  }
0x142: {  	s8 =	simm.s32 $0x1C0;
	s17 =	simm.s32 $0x400;
	[sflag:s31] =	ssyncadd.s32 $0xFFFFE000  }
.LBB2_6:
0x143: {  	[tilespmem:s20], [sflag:$0x4] =	stream.indirect.gather [hbm4b:s1+s14], $0x80, s8, s14, $0xb8;
	[tilespmem:$0x1F800] =	vst v63  }
0x144: {  	s8 =	smov.u32 s17  }
0x145: {  	p0 =	sne.s32 s17, $0x4800;
	s17 =	sadd.s32 $0x400, s17;
	_ =	swait.ge [sflag:s13], $0x2000  }
0x146: {  	s8 =	sshra.s32 s8, $0x2;
	[sflag:s13] =	ssyncset.done $0x0  }
0x147: {  	s19 =	sadd.s32 $0x1400, s8;
	[sflag:s13] =	ssyncadd.s32 $0xFFFFE000  }
0x148: {  	[spmem:s2] =	stream.indirect.scatter.add.f32 [tilespmem:s15], [sflag:$0x5], $0x80, s19, s14, $0xb8;
	[tilespmem:$0x1F800] =	vst v63  }
0x149: {  	_ =	swait.ge [sflag:s21], $0x2000  }
0x14a: {  	[sflag:s21] =	ssyncset.done $0x0  }
0x14b: {  	s19 =	sadd.s32 $0x1440, s8;
	[sflag:s21] =	ssyncadd.s32 $0xFFFFE000  }
0x14c: {  	[spmem:s2] =	stream.indirect.scatter.add.f32 [tilespmem:s16], [sflag:$0x6], $0x80, s19, s14, $0xb8;
	[tilespmem:$0x1F800] =	vst v63  }
0x14d: {  	_ =	swait.ge [sflag:s25], $0x2000  }
0x14e: {  	[sflag:s25] =	ssyncset.done $0x0  }
0x14f: {  	s19 =	sadd.s32 $0x1480, s8;
	[sflag:s25] =	ssyncadd.s32 $0xFFFFE000  }
0x150: {  	[spmem:s2] =	stream.indirect.scatter.add.f32 [tilespmem:s18], [sflag:$0x7], $0x80, s19, s14, $0xb8;
	[tilespmem:$0x1F800] =	vst v63  }
0x151: {  	_ =	swait.ge [sflag:s26], $0x2000  }
0x152: {  	[sflag:s26] =	ssyncset.done $0x0  }
0x153: {  	s19 =	sadd.s32 $0x14C0, s8;
	[sflag:s26] =	ssyncadd.s32 $0xFFFFE000  }
0x154: {  	[spmem:s2] =	stream.indirect.scatter.add.f32 [tilespmem:s20], [sflag:$0x8], $0x80, s19, s14, $0xb8;
	[tilespmem:$0x1F800] =	vst v63  }
0x155: {  	_ =	swait.ge [sflag:s28], $0x2000  }
0x156: {  	[sflag:s28] =	ssyncset.done $0x0  }
0x157: {  	s19 =	sadd.s32 $0x100, s8;
	[sflag:s28] =	ssyncadd.s32 $0xFFFFE000  }
0x158: {  	[tilespmem:s15], [sflag:$0x1] =	stream.indirect.gather [hbm4b:s1+s14], $0x80, s19, s14, $0xb8;
	[tilespmem:$0x1F800] =	vst v63  }
0x159: {  	_ =	swait.ge [sflag:s29], $0x2000  }
0x15a: {  	[sflag:s29] =	ssyncset.done $0x0  }
0x15b: {  	s19 =	sadd.s32 $0x140, s8;
	[sflag:s29] =	ssyncadd.s32 $0xFFFFE000  }
0x15c: {  	[tilespmem:s16], [sflag:$0x2] =	stream.indirect.gather [hbm4b:s1+s14], $0x80, s19, s14, $0xb8;
	[tilespmem:$0x1F800] =	vst v63  }
0x15d: {  	_ =	swait.ge [sflag:s30], $0x2000  }
0x15e: {  	[sflag:s30] =	ssyncset.done $0x0  }
.Ltmp2:
0x15f: {  	s19 =	sadd.s32 $0x180, s8;
	[sflag:s30] =	ssyncadd.s32 $0xFFFFE000;
	(pc) =	sbr.rel @p0 .LBB2_6-.Ltmp2, $4  }
0x160: {  	[tilespmem:s18], [sflag:$0x3] =	stream.indirect.gather [hbm4b:s1+s14], $0x80, s19, s14, $0xb8;
	[tilespmem:$0x1F800] =	vst v63  }
0x161: {  	_ =	swait.ge [sflag:s31], $0x2000  }
0x162: {  	[sflag:s31] =	ssyncset.done $0x0  }
0x163: {  	s8 =	sadd.s32 $0x1C0, s8;
	[sflag:s31] =	ssyncadd.s32 $0xFFFFE000  }
0x164: {  	[tilespmem:s20], [sflag:$0x4] =	stream.indirect.gather [hbm4b:s1+s14], $0x80, s8, s14, $0xb8;
	[tilespmem:$0x1F800] =	vst v63  }
0x165: {  	_ =	swait.ge [sflag:s13], $0x2000  }
0x166: {  	[sflag:s13] =	ssyncset.done $0x0  }
0x167: {  	[sflag:s13] =	ssyncadd.s32 $0xFFFFE000  }
0x168: {  	[spmem:s2] =	stream.indirect.scatter.add.f32 [tilespmem:s15], [sflag:$0x5], $0x80, s0, s14, $0xb8;
	[tilespmem:$0x1F800] =	vst v63  }
0x169: {  	_ =	swait.ge [sflag:s21], $0x2000  }
0x16a: {  	[sflag:s21] =	ssyncset.done $0x0  }
0x16b: {  	[sflag:s21] =	ssyncadd.s32 $0xFFFFE000  }
0x16c: {  	[spmem:s2] =	stream.indirect.scatter.add.f32 [tilespmem:s16], [sflag:$0x6], $0x80, s4, s14, $0xb8;
	[tilespmem:$0x1F800] =	vst v63  }
0x16d: {  	_ =	swait.ge [sflag:s25], $0x2000  }
0x16e: {  	[sflag:s25] =	ssyncset.done $0x0  }
0x16f: {  	[sflag:s25] =	ssyncadd.s32 $0xFFFFE000  }
0x170: {  	[spmem:s2] =	stream.indirect.scatter.add.f32 [tilespmem:s18], [sflag:$0x7], $0x80, s3, s14, $0xb8;
	[tilespmem:$0x1F800] =	vst v63  }
0x171: {  	_ =	swait.ge [sflag:s26], $0x2000  }
0x172: {  	[sflag:s26] =	ssyncset.done $0x0  }
0x173: {  	[sflag:s26] =	ssyncadd.s32 $0xFFFFE000  }
0x174: {  	[spmem:s2] =	stream.indirect.scatter.add.f32 [tilespmem:s20], [sflag:$0x8], $0x80, s5, s14, $0xb8;
	[tilespmem:$0x1F800] =	vst v63  }
0x175: {  	_ =	swait.ge [sflag:s28], $0x2000  }
0x176: {  	[sflag:s28] =	ssyncset.done $0x0  }
0x177: {  	[sflag:s28] =	ssyncadd.s32 $0xFFFFE000  }
0x178: {  	_ =	swait.ge [sflag:s29], $0x2000  }
0x179: {  	[sflag:s29] =	ssyncset.done $0x0  }
0x17a: {  	[sflag:s29] =	ssyncadd.s32 $0xFFFFE000  }
0x17b: {  	_ =	swait.ge [sflag:s30], $0x2000  }
0x17c: {  	[sflag:s30] =	ssyncset.done $0x0  }
0x17d: {  	[sflag:s30] =	ssyncadd.s32 $0xFFFFE000  }
0x17e: {  	_ =	swait.ge [sflag:s31], $0x2000  }
0x17f: {  	[sflag:s31] =	ssyncset.done $0x0  }
0x180: {  	s17 =	stileid.u32;
	[sflag:s31] =	ssyncadd.s32 $0xFFFFE000  }
0x181: {  	s8 =	sshll.u32 s17, $0x6;
	[bflag:$0x0] =	sbarrier.arrive $0xFFFF  }
0x182: {  	s17 =	sshrl.u32 s6, $0x3;
	s8 =	sor.u32 $0x1C01, s8;
	s19 =	rddreg [dreg:$0xd]  }
0x183: {  	[hbm:s19], [sflag:s8] =	dma.local [spmem:s17], $0x800  }
0x184: {  	s17 =	sshrl.u32 s11, $0x3;
	s19 =	rddreg [dreg:$0xe]  }
0x185: {  	[hbm:s19], [sflag:s8] =	dma.local [spmem:s17], $0x800  }
0x186: {  	s17 =	sshrl.u32 s22, $0x3;
	s19 =	rddreg [dreg:$0xf]  }
0x187: {  	[hbm:s19], [sflag:s8] =	dma.local [spmem:s17], $0x800  }
0x188: {  	s17 =	sshrl.u32 s23, $0x3;
	s19 =	rddreg [dreg:$0x10]  }
0x189: {  	[hbm:s19], [sflag:s8] =	dma.local [spmem:s17], $0x800  }
0x18a: {  	s17 =	sshrl.u32 s24, $0x3;
	s19 =	rddreg [dreg:$0x11]  }
0x18b: {  	[hbm:s19], [sflag:s8] =	dma.local [spmem:s17], $0x800  }
0x18c: {  	_ =	swait.ge [sflag:s13], $0x800  }
0x18d: {  	[sflag:s13] =	ssyncset.done $0x0  }
0x18e: {  	[sflag:s13] =	ssyncadd.s32 $0xFFFFF800  }
0x18f: {  	_ =	swait.ge [sflag:s13], $0x800  }
0x190: {  	[sflag:s13] =	ssyncset.done $0x0  }
0x191: {  	[sflag:s13] =	ssyncadd.s32 $0xFFFFF800  }
0x192: {  	_ =	swait.ge [sflag:s13], $0x800  }
0x193: {  	[sflag:s13] =	ssyncset.done $0x0  }
0x194: {  	[sflag:s13] =	ssyncadd.s32 $0xFFFFF800  }
0x195: {  	_ =	swait.ge [sflag:s13], $0x800  }
0x196: {  	[sflag:s13] =	ssyncset.done $0x0  }
0x197: {  	[sflag:s13] =	ssyncadd.s32 $0xFFFFF800  }
0x198: {  	_ =	swait.ge [sflag:s13], $0x800  }
0x199: {  	s7 =	sadd.s32 $0x1, s7;
	s19 =	rddreg [dreg:$0x13]  }
0x19a: {  	p0 =	sne.s32 s7, s19  }
.Ltmp3:
0x19b: {  	_ = 	snop;
	(pc) =	sbr.rel @p0 .LBB2_1-.Ltmp3, $3  }
0x19c: {  	_ =	sdelay $0x1  }
0x19d: {  	[sflag:s13] =	ssyncset.done $0x0  }
0x19e: {  	[sflag:s13] =	ssyncadd.s32 $0xFFFFF800  }
0x19f: {  	_ =	sfence.sel $0x180000  }
0x1a0: {  	[bflag:$0x0] =	sbarrier.arrive $0xFFFF  }
0x1a1: {  	_ =	strace $0x9000004A  }
0x1a2: {  	s0 =	stileid.u32;
	[bflag:$0x2] =	sbarrier.arrive $0xFFFF  }
0x1a3: {  	p0 =	sne.s32 s0, $0x0;
	s0 =	rddreg [dreg:$0x3]  }
0x1a4: {  	s0 =	sadd.s32 @!p0 $0x100000, s0  }
0x1a5: {  	[sflag:s0] =	ssyncadd.tile.s32 @!p0 $0x1;
	_ =	shalt  }
.Lfunc_end2:
_tile_overlayer_lowered:
.L_overlay_start_2:
0x1a6: {  	(tag) =	ssettag $0x2  }
0x1a7: {  	s0 =	rddreg [dreg:$0x0];
	s2 =	stileid.u32  }
0x1a8: {  	s1 =	rddreg [dreg:$0x1];
	p0 =	sne.s32 s2, $0x0  }
0x1a9: {  	s3 =	rddreg [dreg:$0x2];
	[bflag:$0x3] =	sbarrier.arrive $0xFFFF;
	s2 =	simm.s32 @!p0 $0x1C09  }
0x1aa: {  	[timem:s3], [sflag:s2] =	dma.local @!p0 [hbm:s0], s1  }
0x1ab: {  	s0 =	simm.s32 @!p0 $0x9  }
0x1ac: {  	_ =	swait.ge @!p0 [sflag:s0], s1  }
0x1ad: {  	s1 =	ssub.s32 @!p0 $0x0, s1;
	[sflag:s0] =	ssyncset.done @!p0 $0x0  }
0x1ae: {  	[sflag:s0] =	ssyncadd.s32 @!p0 s1  }
0x1af: {  	[bflag:$0x3] =	sbarrier.arrive $0xFFFF  }
0x1b0: {  	_ =	shalt  }

// kernel: kernel.15.cloned.1.call-start
scs
__scs_entry_jumppad:
0x0: {  	(pc) =	sbr.rel $0x88, $3  }
0x1: {  	(tag) =	ssettag $0x0;
	lr =	simm.s32 $0x1  }
0x2: {  	[smem:$0x3F9B] =	sst lr;
	_ =	strace $0xD0000000  }
0x3: {  	_ = 	snop  }
0x4: {  	_ = 	snop  }
0x5: {  	_ = 	snop  }
0x6: {  	_ = 	snop  }
0x7: {  	_ = 	snop  }
__scs_overlays_trampoline_lowered:
0x8: {  	[smem:$0x3FAA] =	sst s0  }
0x9: {  	[smem:$0x3FAB] =	sst s1  }
0xa: {  	[smem:$0x3FAC] =	sst s2  }
0xb: {  	[smem:$0x3FAD] =	sst s3  }
0xc: {  	[smem:$0x3FAE] =	sst s4  }
0xd: {  	[smem:$0x3FAF] =	sst s5  }
0xe: {  	[smem:$0x3FB0] =	sst s6  }
0xf: {  	[smem:$0x3FB1] =	sst s7  }
0x10: {  	[smem:$0x3FB2] =	sst s8  }
0x11: {  	[smem:$0x3FB3] =	sst s9;
	s0 =	simm.s32 @!p0 $0x0  }
0x12: {  	s1 =	sld [smem:$0x3F99];
	s0 =	simm.s32 @p0 $0x1  }
0x13: {  	[smem:$0x3FB4] =	sst s0;
	s0 =	simm.s32 @!p1 $0x0  }
0x14: {  	s2 =	sld [smem:$0x3F98];
	s0 =	simm.s32 @p1 $0x1  }
0x15: {  	[smem:$0x3FB5] =	sst s0;
	s0 =	simm.s32 @!p2 $0x0  }
0x16: {  	s3 =	sld [smem:$0x3FDB];
	s0 =	simm.s32 @p2 $0x1  }
0x17: {  	s4 =	simm.s32 $0x1BF5;
	[smem:$0x3FB7] =	sst s0  }
0x18: {  	s0 =	sld [smem:$0x3F9A];
	_ =	swait.ge [sflag:s4], $0x0  }
0x19: {  	s7 =	sld [smem:$0x3F9B]  }
0x1a: {  	s8 =	sadd.s32 $0xFFFFE003, lr  }
0x1b: {  	s9 =	sadd.s32 $0xFFFFFEF7, lr;
	s5 =	simm.s32 $0xFFFFFFFF;
	p2 =	slt.u32 s8, $0xFFFFF086  }
0x1c: {  	p1 =	slt.u32 s9, $0xF7A;
	s5 =	simm.s32 @!p2 $0x0  }
0x1d: {  	s5 =	simm.s32 @p1 $0x1;
	p0 =	seq.s32 s7, s2  }
0x1e: {  	s7 =	smul.u32 @!p0 $0xF7A, s2;
	p2 =	seq.s32 @!p0 s5, $0x0  }
0x1f: {  	s9 =	smul.u32 $0xF7A, s1;
	s8 =	simm.s32 @!p0 $0x1BF5;
	p2 =	por !p2, p0  }
0x20: {  	[sflag:s8] =	ssyncset.s32 @!p0 $0xFFFFF086;
	s6 =	sadd.s32 @!p0 s3, s7;
	s7 =	simm.s32 @!p0 $0x108  }
0x21: {  	s3 =	sadd.s32 s3, s9;
	s6 =	sadd.s32 @!p0 $0x88, s6;
	s7 =	simm.s32 @p2 $0x1082  }
0x22: {  	[simem:s7], [sflag:s8] =	dma.local @!p0 [hbm:s6], $0xF7A  }
0x23: {  	s9 =	sor.u32 $0xD0000000, s2;
	s6 =	simm.s32 $0x108;
	_ =	swait.ge @!p0 [sflag:s8], $0x0  }
0x24: {  	s3 =	sadd.s32 $0x88, s3;
	s6 =	simm.s32 @!p1 $0x1082;
	[sflag:s4] =	ssyncset.s32 $0xFFFFF086  }
0x25: {  	[simem:s6], [sflag:s4] =	dma.local [hbm:s3], $0xF7A  }
0x26: {  	[smem:$0x3F9B] =	sst s1;
	(tag) =	ssettag s2;
	_ =	strace s9  }
0x27: {  	s1 =	sld [smem:$0x3FAB]  }
0x28: {  	s2 =	sld [smem:$0x3FAC]  }
0x29: {  	s4 =	sld [smem:$0x3FAE]  }
0x2a: {  	p0 =	seq.s32 s5, $0x0;
	s5 =	sld [smem:$0x3FAF]  }
0x2b: {  	s6 =	sld [smem:$0x3FB0]  }
0x2c: {  	s7 =	sld [smem:$0x3FB1]  }
0x2d: {  	s3 =	simm.s32 $0x108;
	s8 =	sld [smem:$0x3FB2]  }
0x2e: {  	s3 =	simm.s32 @!p0 $0x1082;
	s9 =	sld [smem:$0x3FB3]  }
0x2f: {  	lr =	sadd.s32 s0, s3;
	s0 =	sld [smem:$0x3FAA]  }
0x30: {  	s3 =	sld [smem:$0x3FAD]  }
0x31: {  	[smem:$0x3FB6] =	sst s10  }
0x32: {  	s10 =	sld [smem:$0x3FB4];
	_ =	sdelay $0x3  }
0x33: {  	p0 =	seq.s32 s10, $0x1;
	s10 =	sld [smem:$0x3FB6];
	_ =	sdelay $0x3  }
0x34: {  	[smem:$0x3FB6] =	sst s10  }
0x35: {  	s10 =	sld [smem:$0x3FB5];
	_ =	sdelay $0x3  }
0x36: {  	p1 =	seq.s32 s10, $0x1;
	s10 =	sld [smem:$0x3FB6];
	_ =	sdelay $0x3  }
0x37: {  	[smem:$0x3FB6] =	sst s10  }
0x38: {  	s10 =	sld [smem:$0x3FB7]  }
0x39: {  	_ = 	snop;
	(pc) =	sbr.ind lr, $3  }
0x3a: {  	_ = 	snop  }
0x3b: {  	_ = 	snop  }
0x3c: {  	p2 =	seq.s32 s10, $0x1;
	s10 =	sld [smem:$0x3FB6]  }
0x3d: {  	_ =	shalt  }
0x3e: {  	_ =	shalt  }
0x3f: {  	_ =	shalt  }
0x40: {  	_ =	shalt  }
0x41: {  	_ =	shalt  }
0x42: {  	_ =	shalt  }
0x43: {  	_ =	shalt  }
0x44: {  	_ =	shalt  }
0x45: {  	_ =	shalt  }
0x46: {  	_ =	shalt  }
0x47: {  	_ =	shalt  }
0x48: {  	_ =	shalt  }
0x49: {  	_ =	shalt  }
0x4a: {  	_ =	shalt  }
0x4b: {  	_ =	shalt  }
0x4c: {  	_ =	shalt  }
0x4d: {  	_ =	shalt  }
0x4e: {  	_ =	shalt  }
0x4f: {  	_ =	shalt  }
0x50: {  	_ =	shalt  }
0x51: {  	_ =	shalt  }
0x52: {  	_ =	shalt  }
0x53: {  	_ =	shalt  }
0x54: {  	_ =	shalt  }
0x55: {  	_ =	shalt  }
0x56: {  	_ =	shalt  }
0x57: {  	_ =	shalt  }
0x58: {  	_ =	shalt  }
0x59: {  	_ =	shalt  }
0x5a: {  	_ =	shalt  }
0x5b: {  	_ =	shalt  }
0x5c: {  	_ =	shalt  }
0x5d: {  	_ =	shalt  }
0x5e: {  	_ =	shalt  }
0x5f: {  	_ =	shalt  }
0x60: {  	_ =	shalt  }
0x61: {  	_ =	shalt  }
0x62: {  	_ =	shalt  }
0x63: {  	_ =	shalt  }
0x64: {  	_ =	shalt  }
0x65: {  	_ =	shalt  }
0x66: {  	_ =	shalt  }
0x67: {  	_ =	shalt  }
0x68: {  	_ =	shalt  }
0x69: {  	_ =	shalt  }
0x6a: {  	_ =	shalt  }
0x6b: {  	_ =	shalt  }
0x6c: {  	_ =	shalt  }
0x6d: {  	_ =	shalt  }
0x6e: {  	_ =	shalt  }
0x6f: {  	_ =	shalt  }
0x70: {  	_ =	shalt  }
0x71: {  	_ =	shalt  }
0x72: {  	_ =	shalt  }
0x73: {  	_ =	shalt  }
0x74: {  	_ =	shalt  }
0x75: {  	_ =	shalt  }
0x76: {  	_ =	shalt  }
0x77: {  	_ =	shalt  }
0x78: {  	_ =	shalt  }
0x79: {  	_ =	shalt  }
0x7a: {  	_ =	shalt  }
0x7b: {  	_ =	shalt  }
0x7c: {  	_ =	shalt  }
0x7d: {  	_ =	shalt  }
0x7e: {  	_ =	shalt  }
0x7f: {  	_ =	shalt  }
0x80: {  	_ =	shalt  }
0x81: {  	_ =	shalt  }
0x82: {  	_ =	shalt  }
0x83: {  	_ =	shalt  }
0x84: {  	_ =	shalt  }
0x85: {  	_ =	shalt  }
0x86: {  	_ =	shalt  }
0x87: {  	_ =	shalt  }
.Lfunc_end0:
.L_simem_size_0:
called_computation.2_lowered:
.L_overlay_start_0:
0x88: {  	s2 =	sld [smem:$0x3FD9]  }
0x89: {  	s3 =	sld [smem:$0x3FFE];
	_ =	sdelay $0x1  }
0x8a: {  	s1 =	srdreg.scid  }
0x8b: {  	s0 =	sand.u32 $0x1, s1  }
0x8c: {  	s17 =	sshll.u32 s0, $0xA;
	s2 =	sadd.s32 s3, s2  }
0x8d: {  	s2 =	sadd.s32 s2, s17  }
0x8e: {  	[smem:$0x3FC2] =	sst s2  }
0x8f: {  	_ = 	snop  }
0x90: {  	s2 =	sld [smem:$0x3FD0];
	(tm) =	ssettm $0x1  }
0x91: {  	s18 =	sld [smem:$0x3FFB];
	_ =	sdelay $0x3  }
0x92: {  	_ =	strace s18  }
0x93: {  	s3 =	sld [smem:$0x3FFC];
	_ =	sdelay $0x3  }
0x94: {  	_ =	strace s3  }
0x95: {  	s3 =	sld [smem:$0x3FFD];
	_ =	sdelay $0x3  }
0x96: {  	_ =	strace s3  }
0x97: {  	_ =	strace $0x8FFFFFFF  }
0x98: {  	s19 =	sld [smem:$0x3FDB];
	_ =	sdelay $0x1  }
0x99: {  	s4 =	simm.s32 $_scs_section_size  }
0x9a: {  	s5 =	simm.s32 $_size__tile_overlayer_lowered;
	s6 =	simm.s32 $_tile_overlayer_lowered  }
0x9b: {  	s22 =	simm.s32 $0x1BFF;
	s21 =	sshll.u32 s6, $0x1;
	s3 =	sadd.s32 s4, s19  }
0x9c: {  	s7 =	simm.s32 $0x0;
	s20 =	sshll.u32 s5, $0x1;
	s5 =	sadd.s32 s21, s3  }
0x9d: {  	[timem:s7], [sflag:s22] =	dma.local [hbm:s5], s20  }
0x9e: {  	_ =	swait.ge [sflag:s22], s20  }
0x9f: {  	s4 =	ssub.s32 $0x0, s20;
	[sflag:s22] =	ssyncset.done $0x0  }
0xa0: {  	[sflag:s22] =	ssyncadd.s32 s4;
	_ =	sdelay $0x1  }
0xa1: {  	s23 =	simm.s32 $0x1B8B  }
0xa2: {  	_ =	swait.ge [sflag:s23], $0x1  }
0xa3: {  	[sflag:s23] =	ssyncset.done $0x0  }
0xa4: {  	s25 =	simm.s32 $0x1B8E;
	s24 =	sld [smem:$0x3FFE];
	[sflag:s23] =	ssyncadd.s32 $0xFFFFFFFF  }
0xa5: {  	s26 =	simm.s32 $execute0_lowered;
	[smem:$0x3FD2] =	sst s25  }
0xa6: {  	s5 =	sshll.u32 s26, $0x1;
	_ =	strace $0x8000004C;
	[dreg:$0x1] =	wrdreg $0xFFFFFFFF  }
0xa7: {  	s28 =	simm.s32 $_size_execute0_lowered;
	s3 =	sadd.s32 s3, s5;
	[dreg:$0x0] =	wrdreg $0x0  }
0xa8: {  	s5 =	sshll.u32 s28, $0x1;
	[dreg:$0x2] =	wrdreg s3  }
0xa9: {  	[dreg:$0x3] =	wrdreg s5  }
0xaa: {  	[dreg:$0x4] =	wrdreg $0xC0  }
0xab: {  	_ =	task [dreg:s7], $0x5FFFF  }
0xac: {  	[dreg:$0x1] =	wrdreg $0xFFFFFFFF  }
0xad: {  	[dreg:$0x0] =	wrdreg $0x60  }
0xae: {  	[dreg:$0x2] =	wrdreg s2  }
0xaf: {  	[dreg:$0x3] =	wrdreg s24  }
0xb0: {  	[dreg:$0x4] =	wrdreg $0xB8000  }
0xb1: {  	[dreg:$0x5] =	wrdreg $0x9  }
0xb2: {  	_ =	task.clear_ibuf [dreg:s7], $0x6FFFF;
	_ =	strace $0x9000004C  }
0xb3: {  	s29 =	simm.s32 $0x9;
	_ =	strace $0x8000004E  }
0xb4: {  	_ =	swait.ge [sflag:s29], $0x1  }
0xb5: {  	[sflag:s29] =	ssyncadd.s32 $0xFFFFFFFF  }
0xb6: {  	_ =	strace $0x9000004E  }
0xb7: {  	_ =	sfence  }
0xb8: {  	s30 =	sld [smem:$0x0];
	_ =	sdelay $0x2  }
0xb9: {  	s31 =	sshll.u32 s1, $0xD;
	s1 =	sshrl.u32 s1, $0x2  }
0xba: {  	s3 =	sand.u32 $0x4000, s31;
	s1 =	sadd.s32 s1, s30  }
0xbb: {  	s0 =	sor.u32 s3, s0;
	s1 =	sshll.u32 s1, $0x11  }
0xbc: {  	s0 =	sor.u32 s1, s0  }
0xbd: {  	s0 =	sadd.s32 $0x8F2B, s0  }
0xbe: {  	[sflag:s0] =	ssyncadd.remote.s32 $0x1  }
0xbf: {  	_ =	sfence.sel $0xFFFF  }
0xc0: {  	[dreg:$0x0] =	wrdreg $0xFFFFFFFF;
	(pc) =	sbr.abs _section_cstart, $3  }
0xc1: {  	[dreg:$0x1] =	wrdreg $0xFFFFFFFF  }
0xc2: {  	_ =	task.clear_ibuf [dreg:s7], $0x2FFFF;
	_ =	strace $0x9FFFFFFF  }
0xc3: {  	(tm) =	ssettm $0x7FFFFFFF  }
tec
execute0_lowered:
.L_overlay_start_1:
0x0: {  	(tag) =	ssettag $0x1  }
0x1: {  	s1 =	rddreg [dreg:$0x0]  }
0x2: {  	s0 =	rddreg [dreg:$0x1]  }
0x3: {  	s2 =	rddreg [dreg:$0x2]  }
0x4: {  	s3 =	simm.s32 $0x0;
	s16 =	srdreg.scid;
	s11 =	stileid.u32  }
0x5: {  	s28 =	simm.s32 $0x5;
	s29 =	simm.s32 $0x6;
	s30 =	simm.s32 $0x7  }
0x6: {  	s31 =	simm.s32 $0x8;
	[smem:$0x7FF] =	sst s3;
	s3 =	sand.u32 $0x1, s16  }
0x7: {  	s4 =	sadd.s32 $0xCC00, s0;
	s7 =	smul.u32 $0x50000, s11;
	s8 =	sadd.s32 $0x2C00, s0  }
0x8: {  	s0 =	sadd.s32 $0x66C00, s0;
	s19 =	smul.u32 $0x14000, s11;
	_ =	strace $0x8000004D  }
0x9: {  	s5 =	sshll.u32 s3, $0x4;
	s6 =	ssub.s32 $0x2, s3;
	s3 =	smul.u32 $0x140000, s3  }
0xa: {  	s5 =	sor.u32 s11, s5;
	s9 =	sshrl.u32 s6, $0x1;
	s17 =	sshrl.u32 s7, $0x2  }
0xb: {  	s23 =	sadd.s32 $0x4000, s19;
	s13 =	sadd.s32 $0x8000, s19;
	s14 =	sadd.s32 $0xC000, s19  }
0xc: {  	s10 =	smul.u32 $0x280, s5;
	s9 =	ssub.s32 s6, s9;
	s6 =	sadd.s32 s17, s2  }
0xd: {  	s15 =	sadd.s32 $0x10000, s19;
	s12 =	smul.u32 $0x500, s5;
	s20 =	sadd.s32 $0x1000, s6  }
0xe: {  	s11 =	sadd.s32 s23, s2;
	s21 =	sadd.s32 $0x2000, s6;
	[dreg:$0x6] =	wrdreg s20  }
0xf: {  	s5 =	smul.u32 $0x2800, s5;
	s22 =	sadd.s32 $0x3000, s6;
	[dreg:$0x7] =	wrdreg s21  }
0x10: {  	s7 =	sadd.s32 s19, s3;
	s17 =	sadd.s32 $0xB000, s6;
	[dreg:$0x8] =	wrdreg s22  }
0x11: {  	s24 =	sshrl.u32 s7, $0x3;
	s19 =	sadd.s32 $0xE000, s6;
	[dreg:$0x18] =	wrdreg s17  }
0x12: {  	s7 =	sadd.s32 s3, s14;
	s18 =	sadd.s32 s4, s10;
	[dreg:$0x1a] =	wrdreg s19  }
0x13: {  	s10 =	sadd.s32 s8, s10;
	s16 =	sadd.s32 s4, s12;
	[dreg:$0x4] =	wrdreg s18  }
0x14: {  	s12 =	sadd.s32 s8, s12;
	s5 =	sshrl.u32 s5, $0x3;
	[dreg:$0x5] =	wrdreg s10  }
0x15: {  	s22 =	sadd.s32 s13, s2;
	s20 =	sadd.s32 $0xF000, s6;
	[dreg:$0x9] =	wrdreg s16  }
0x16: {  	s21 =	sadd.s32 $0x11000, s6;
	[dreg:$0xa] =	wrdreg s12;
	s5 =	sadd.s32 $0x280, s5  }
0x17: {  	s10 =	sadd.s32 s3, s23;
	s23 =	sadd.s32 s14, s2;
	s12 =	smax.u32 s9, $0x1  }
0x18: {  	s14 =	sadd.s32 $0x7000, s6;
	s16 =	sadd.s32 $0xA000, s6;
	[dreg:$0x1b] =	wrdreg s20  }
0x19: {  	s18 =	sadd.s32 $0xD000, s6;
	[dreg:$0x1c] =	wrdreg s21;
	s9 =	simm.s32 $0x9  }
0x1a: {  	s20 =	simm.s32 $0x8800;
	s21 =	simm.s32 $0x2;
	[dreg:$0x13] =	wrdreg s12  }
0x1b: {  	s4 =	sadd.s32 s4, s5;
	s25 =	sshrl.u32 s10, $0x3;
	[dreg:$0x15] =	wrdreg s14  }
0x1c: {  	s5 =	sadd.s32 s8, s5;
	s10 =	sadd.s32 $0x5000, s6;
	[dreg:$0x17] =	wrdreg s16  }
0x1d: {  	[dreg:$0x19] =	wrdreg s18;
	s12 =	simm.s32 $0xA800;
	s14 =	simm.s32 $0x40  }
0x1e: {  	s16 =	simm.s32 $0x4800;
	s18 =	simm.s32 $0x6800;
	[dreg:$0xb] =	wrdreg s4  }
0x1f: {  	[dreg:$0xc] =	wrdreg s5;
	s4 =	sadd.s32 s0, s24;
	s26 =	sadd.s32 s0, s25  }
0x20: {  	s5 =	sadd.s32 s3, s13;
	s3 =	sadd.s32 s3, s15;
	[dreg:$0x12] =	wrdreg s10  }
0x21: {  	s24 =	sadd.s32 s15, s2;
	s13 =	sadd.s32 $0x6000, s6;
	[dreg:$0xd] =	wrdreg s4  }
0x22: {  	s15 =	sadd.s32 $0x9000, s6;
	s25 =	sadd.s32 $0x12000, s6;
	[dreg:$0xe] =	wrdreg s26  }
0x23: {  	s10 =	simm.s32 $0x1400;
	s4 =	sshrl.u32 s5, $0x3;
	[dreg:$0x14] =	wrdreg s13  }
0x24: {  	s5 =	sshrl.u32 s7, $0x3;
	s3 =	sshrl.u32 s3, $0x3;
	[dreg:$0x16] =	wrdreg s15  }
0x25: {  	[dreg:$0x1d] =	wrdreg s25;
	s26 =	sadd.s32 $0x13000, s6;
	s13 =	simm.s32 $0x1  }
0x26: {  	s15 =	simm.s32 $0x2800;
	s25 =	simm.s32 $0x3;
	s7 =	simm.s32 $0x0  }
0x27: {  	s4 =	sadd.s32 s0, s4;
	s8 =	sadd.s32 s0, s5;
	[dreg:$0x1e] =	wrdreg s26  }
0x28: {  	s0 =	sadd.s32 s0, s3;
	s26 =	simm.s32 $0x4;
	[dreg:$0xf] =	wrdreg s4  }
0x29: {  	s3 =	simm.s32 $0x2780;
	s5 =	simm.s32 $0x27C0;
	[dreg:$0x10] =	wrdreg s8  }
0x2a: {  	v0 =	vimm.f32 $0.0e+00;
	[dreg:$0x11] =	wrdreg s0;
	s0 =	simm.s32 $0x2700;
	s4 =	simm.s32 $0x2740  }
.LBB2_1:
0x2b: {  	s8 =	simm.s32 $0x0;
	s17 =	rddreg [dreg:$0x4]  }
0x2c: {  	[tilespmem:s8], [sflag:$0x9] =	stream.linear.gather [hbm4b:s17+s8], $0x1400, $0x38;
	[tilespmem:$0x1F800] =	vst v63  }
0x2d: {  	_ =	swait.ge [sflag:s9], $0x1400  }
0x2e: {  	[sflag:s9] =	ssyncset.done $0x0  }
0x2f: {  	s19 =	rddreg [dreg:$0x5];
	[sflag:s9] =	ssyncadd.s32 $0xFFFFEC00  }
0x30: {  	[tilespmem:s10], [sflag:$0x9] =	stream.linear.gather [hbm4b:s19+s8], $0x1400, $0x38;
	[tilespmem:$0x1F800] =	vst v63  }
0x31: {  	_ =	swait.ge [sflag:s9], $0x1400  }
0x32: {  	[sflag:s9] =	ssyncset.done $0x0  }
0x33: {  	s17 =	simm.s32 $0x200;
	s8 =	simm.s32 $0x0;
	[sflag:s9] =	ssyncadd.s32 $0xFFFFEC00  }
.LBB2_2:
0x34: {  	p0 =	sne.s32 s17, $0x3E00;
	[tilespmem:s8+$0xA870] =	vst v0  }
0x35: {  	[tilespmem:s8+$0xA800] =	vst v0  }
0x36: {  	[tilespmem:s8+$0xA810] =	vst v0  }
.Ltmp0:
0x37: {  	[tilespmem:s8+$0xA820] =	vst v0;
	(pc) =	sbr.rel @p0 .LBB2_2-.Ltmp0, $4  }
0x38: {  	[tilespmem:s8+$0xA830] =	vst v0  }
0x39: {  	[tilespmem:s8+$0xA840] =	vst v0  }
0x3a: {  	[tilespmem:s8+$0xA850] =	vst v0  }
0x3b: {  	[tilespmem:s8+$0xA860] =	vst v0;
	s8 =	sshra.s32 s17, $0x2;
	s17 =	sadd.s32 $0x200, s17  }
0x3c: {  	[tilespmem:s8+$0xA870] =	vst v0  }
0x3d: {  	[tilespmem:s8+$0xA800] =	vst v0  }
0x3e: {  	[tilespmem:s8+$0xA810] =	vst v0  }
0x3f: {  	[tilespmem:s8+$0xA820] =	vst v0  }
0x40: {  	[tilespmem:s8+$0xA830] =	vst v0  }
0x41: {  	[tilespmem:s8+$0xA840] =	vst v0  }
0x42: {  	[tilespmem:s8+$0xA850] =	vst v0  }
0x43: {  	[tilespmem:s8+$0xA860] =	vst v0  }
0x44: {  	[spmem:s6] =	stream.linear.scatter [tilespmem:s12], [sflag:$0x1], $0x1000, $0x38;
	[tilespmem:$0x1F800] =	vst v63  }
0x45: {  	s17 =	rddreg [dreg:$0x6]  }
0x46: {  	[spmem:s17] =	stream.linear.scatter [tilespmem:s12], [sflag:$0x1], $0x1000, $0x38;
	[tilespmem:$0x1F800] =	vst v63  }
0x47: {  	s19 =	rddreg [dreg:$0x7]  }
0x48: {  	[spmem:s19] =	stream.linear.scatter [tilespmem:s12], [sflag:$0x1], $0x1000, $0x38;
	[tilespmem:$0x1F800] =	vst v63  }
0x49: {  	s17 =	rddreg [dreg:$0x8]  }
0x4a: {  	[spmem:s17] =	stream.linear.scatter [tilespmem:s12], [sflag:$0x1], $0x1000, $0x38;
	[tilespmem:$0x1F800] =	vst v63  }
0x4b: {  	_ = 	snop  }
0x4c: {  	[spmem:s11] =	stream.linear.scatter [tilespmem:s12], [sflag:$0x1], $0x1000, $0x38;
	[tilespmem:$0x1F800] =	vst v63  }
0x4d: {  	s19 =	rddreg [dreg:$0x12]  }
0x4e: {  	[spmem:s19] =	stream.linear.scatter [tilespmem:s12], [sflag:$0x1], $0x1000, $0x38;
	[tilespmem:$0x1F800] =	vst v63  }
0x4f: {  	s17 =	rddreg [dreg:$0x14]  }
0x50: {  	[spmem:s17] =	stream.linear.scatter [tilespmem:s12], [sflag:$0x1], $0x1000, $0x38;
	[tilespmem:$0x1F800] =	vst v63  }
0x51: {  	s19 =	rddreg [dreg:$0x15]  }
0x52: {  	[spmem:s19] =	stream.linear.scatter [tilespmem:s12], [sflag:$0x1], $0x1000, $0x38;
	[tilespmem:$0x1F800] =	vst v63  }
0x53: {  	_ = 	snop  }
0x54: {  	[spmem:s22] =	stream.linear.scatter [tilespmem:s12], [sflag:$0x1], $0x1000, $0x38;
	[tilespmem:$0x1F800] =	vst v63  }
0x55: {  	s17 =	rddreg [dreg:$0x16]  }
0x56: {  	[spmem:s17] =	stream.linear.scatter [tilespmem:s12], [sflag:$0x1], $0x1000, $0x38;
	[tilespmem:$0x1F800] =	vst v63  }
0x57: {  	s19 =	rddreg [dreg:$0x17]  }
0x58: {  	[spmem:s19] =	stream.linear.scatter [tilespmem:s12], [sflag:$0x1], $0x1000, $0x38;
	[tilespmem:$0x1F800] =	vst v63  }
0x59: {  	s17 =	rddreg [dreg:$0x18]  }
0x5a: {  	[spmem:s17] =	stream.linear.scatter [tilespmem:s12], [sflag:$0x1], $0x1000, $0x38;
	[tilespmem:$0x1F800] =	vst v63  }
0x5b: {  	_ = 	snop  }
0x5c: {  	[spmem:s23] =	stream.linear.scatter [tilespmem:s12], [sflag:$0x1], $0x1000, $0x38;
	[tilespmem:$0x1F800] =	vst v63  }
0x5d: {  	s19 =	rddreg [dreg:$0x19]  }
0x5e: {  	[spmem:s19] =	stream.linear.scatter [tilespmem:s12], [sflag:$0x1], $0x1000, $0x38;
	[tilespmem:$0x1F800] =	vst v63  }
0x5f: {  	s17 =	rddreg [dreg:$0x1a]  }
0x60: {  	[spmem:s17] =	stream.linear.scatter [tilespmem:s12], [sflag:$0x1], $0x1000, $0x38;
	[tilespmem:$0x1F800] =	vst v63  }
0x61: {  	s19 =	rddreg [dreg:$0x1b]  }
0x62: {  	[spmem:s19] =	stream.linear.scatter [tilespmem:s12], [sflag:$0x1], $0x1000, $0x38;
	[tilespmem:$0x1F800] =	vst v63  }
0x63: {  	_ = 	snop  }
0x64: {  	[spmem:s24] =	stream.linear.scatter [tilespmem:s12], [sflag:$0x1], $0x1000, $0x38;
	[tilespmem:$0x1F800] =	vst v63  }
0x65: {  	s17 =	rddreg [dreg:$0x1c]  }
0x66: {  	[spmem:s17] =	stream.linear.scatter [tilespmem:s12], [sflag:$0x1], $0x1000, $0x38;
	[tilespmem:$0x1F800] =	vst v63  }
0x67: {  	s19 =	rddreg [dreg:$0x1d]  }
0x68: {  	[spmem:s19] =	stream.linear.scatter [tilespmem:s12], [sflag:$0x1], $0x1000, $0x38;
	[tilespmem:$0x1F800] =	vst v63  }
0x69: {  	s17 =	rddreg [dreg:$0x1e]  }
0x6a: {  	[spmem:s17] =	stream.linear.scatter [tilespmem:s12], [sflag:$0x1], $0x1000, $0x38;
	[tilespmem:$0x1F800] =	vst v63  }
0x6b: {  	_ =	swait.ge [sflag:s13], $0x1000  }
0x6c: {  	[sflag:s13] =	ssyncset.done $0x0  }
0x6d: {  	[sflag:s13] =	ssyncadd.s32 $0xFFFFF000  }
0x6e: {  	_ =	swait.ge [sflag:s13], $0x1000  }
0x6f: {  	[sflag:s13] =	ssyncset.done $0x0  }
0x70: {  	[sflag:s13] =	ssyncadd.s32 $0xFFFFF000  }
0x71: {  	_ =	swait.ge [sflag:s13], $0x1000  }
0x72: {  	[sflag:s13] =	ssyncset.done $0x0  }
0x73: {  	[sflag:s13] =	ssyncadd.s32 $0xFFFFF000  }
0x74: {  	_ =	swait.ge [sflag:s13], $0x1000  }
0x75: {  	[sflag:s13] =	ssyncset.done $0x0  }
0x76: {  	[sflag:s13] =	ssyncadd.s32 $0xFFFFF000  }
0x77: {  	_ =	swait.ge [sflag:s13], $0x1000  }
0x78: {  	[sflag:s13] =	ssyncset.done $0x0  }
0x79: {  	[sflag:s13] =	ssyncadd.s32 $0xFFFFF000  }
0x7a: {  	_ =	swait.ge [sflag:s13], $0x1000  }
0x7b: {  	[sflag:s13] =	ssyncset.done $0x0  }
0x7c: {  	[sflag:s13] =	ssyncadd.s32 $0xFFFFF000  }
0x7d: {  	_ =	swait.ge [sflag:s13], $0x1000  }
0x7e: {  	[sflag:s13] =	ssyncset.done $0x0  }
0x7f: {  	[sflag:s13] =	ssyncadd.s32 $0xFFFFF000  }
0x80: {  	_ =	swait.ge [sflag:s13], $0x1000  }
0x81: {  	[sflag:s13] =	ssyncset.done $0x0  }
0x82: {  	[sflag:s13] =	ssyncadd.s32 $0xFFFFF000  }
0x83: {  	_ =	swait.ge [sflag:s13], $0x1000  }
0x84: {  	[sflag:s13] =	ssyncset.done $0x0  }
0x85: {  	[sflag:s13] =	ssyncadd.s32 $0xFFFFF000  }
0x86: {  	_ =	swait.ge [sflag:s13], $0x1000  }
0x87: {  	[sflag:s13] =	ssyncset.done $0x0  }
0x88: {  	[sflag:s13] =	ssyncadd.s32 $0xFFFFF000  }
0x89: {  	_ =	swait.ge [sflag:s13], $0x1000  }
0x8a: {  	[sflag:s13] =	ssyncset.done $0x0  }
0x8b: {  	[sflag:s13] =	ssyncadd.s32 $0xFFFFF000  }
0x8c: {  	_ =	swait.ge [sflag:s13], $0x1000  }
0x8d: {  	[sflag:s13] =	ssyncset.done $0x0  }
0x8e: {  	[sflag:s13] =	ssyncadd.s32 $0xFFFFF000  }
0x8f: {  	_ =	swait.ge [sflag:s13], $0x1000  }
0x90: {  	[sflag:s13] =	ssyncset.done $0x0  }
0x91: {  	[sflag:s13] =	ssyncadd.s32 $0xFFFFF000  }
0x92: {  	_ =	swait.ge [sflag:s13], $0x1000  }
0x93: {  	[sflag:s13] =	ssyncset.done $0x0  }
0x94: {  	[sflag:s13] =	ssyncadd.s32 $0xFFFFF000  }
0x95: {  	_ =	swait.ge [sflag:s13], $0x1000  }
0x96: {  	[sflag:s13] =	ssyncset.done $0x0  }
0x97: {  	[sflag:s13] =	ssyncadd.s32 $0xFFFFF000  }
0x98: {  	_ =	swait.ge [sflag:s13], $0x1000  }
0x99: {  	[sflag:s13] =	ssyncset.done $0x0  }
0x9a: {  	[sflag:s13] =	ssyncadd.s32 $0xFFFFF000  }
0x9b: {  	_ =	swait.ge [sflag:s13], $0x1000  }
0x9c: {  	[sflag:s13] =	ssyncset.done $0x0  }
0x9d: {  	[sflag:s13] =	ssyncadd.s32 $0xFFFFF000  }
0x9e: {  	_ =	swait.ge [sflag:s13], $0x1000  }
0x9f: {  	[sflag:s13] =	ssyncset.done $0x0  }
0xa0: {  	[sflag:s13] =	ssyncadd.s32 $0xFFFFF000  }
0xa1: {  	_ =	swait.ge [sflag:s13], $0x1000  }
0xa2: {  	[sflag:s13] =	ssyncset.done $0x0  }
0xa3: {  	[sflag:s13] =	ssyncadd.s32 $0xFFFFF000  }
0xa4: {  	_ =	swait.ge [sflag:s13], $0x1000  }
0xa5: {  	[sflag:s13] =	ssyncset.done $0x0  }
0xa6: {  	[sflag:s13] =	ssyncadd.s32 $0xFFFFF000  }
0xa7: {  	[bflag:$0x0] =	sbarrier.arrive $0xFFFF  }
0xa8: {  	s8 =	simm.s32 $0x0;
	s17 =	rddreg [dreg:$0x9]  }
0xa9: {  	[tilespmem:s8], [sflag:$0x9] =	stream.linear.gather [hbm4b:s17+s8], $0x1400, $0x38;
	[tilespmem:$0x1F800] =	vst v63  }
0xaa: {  	_ =	swait.ge [sflag:s9], $0x1400  }
0xab: {  	[sflag:s9] =	ssyncset.done $0x0  }
0xac: {  	s19 =	rddreg [dreg:$0xa];
	[sflag:s9] =	ssyncadd.s32 $0xFFFFEC00  }
0xad: {  	[tilespmem:s10], [sflag:$0x9] =	stream.linear.gather [hbm4b:s19+s8], $0x1400, $0x38;
	[tilespmem:$0x1F800] =	vst v63  }
0xae: {  	_ =	swait.ge [sflag:s9], $0x1400  }
0xaf: {  	[sflag:s9] =	ssyncset.done $0x0  }
0xb0: {  	[sflag:s9] =	ssyncadd.s32 $0xFFFFEC00  }
0xb1: {  	[tilespmem:s15], [sflag:$0x1] =	stream.indirect.gather [hbm4b:s1+s14], $0x80, s8, s14, $0xb8;
	[tilespmem:$0x1F800] =	vst v63  }
0xb2: {  	_ = 	snop  }
0xb3: {  	[tilespmem:s16], [sflag:$0x2] =	stream.indirect.gather [hbm4b:s1+s14], $0x80, s14, s14, $0xb8;
	[tilespmem:$0x1F800] =	vst v63  }
0xb4: {  	s19 =	simm.s32 $0x80  }
0xb5: {  	[tilespmem:s18], [sflag:$0x3] =	stream.indirect.gather [hbm4b:s1+s14], $0x80, s19, s14, $0xb8;
	[tilespmem:$0x1F800] =	vst v63  }
0xb6: {  	s17 =	simm.s32 $0xC0  }
0xb7: {  	[tilespmem:s20], [sflag:$0x4] =	stream.indirect.gather [hbm4b:s1+s14], $0x80, s17, s14, $0xb8;
	[tilespmem:$0x1F800] =	vst v63  }
0xb8: {  	_ =	swait.ge [sflag:s13], $0x2000  }
0xb9: {  	[sflag:s13] =	ssyncset.done $0x0  }
0xba: {  	s19 =	simm.s32 $0x1400;
	[sflag:s13] =	ssyncadd.s32 $0xFFFFE000  }
0xbb: {  	[spmem:s2] =	stream.indirect.scatter.add.f32 [tilespmem:s15], [sflag:$0x5], $0x80, s19, s14, $0xb8;
	[tilespmem:$0x1F800] =	vst v63  }
0xbc: {  	_ =	swait.ge [sflag:s21], $0x2000  }
0xbd: {  	[sflag:s21] =	ssyncset.done $0x0  }
0xbe: {  	s17 =	simm.s32 $0x1440;
	[sflag:s21] =	ssyncadd.s32 $0xFFFFE000  }
0xbf: {  	[spmem:s2] =	stream.indirect.scatter.add.f32 [tilespmem:s16], [sflag:$0x6], $0x80, s17, s14, $0xb8;
	[tilespmem:$0x1F800] =	vst v63  }
0xc0: {  	_ =	swait.ge [sflag:s25], $0x2000  }
0xc1: {  	[sflag:s25] =	ssyncset.done $0x0  }
0xc2: {  	s19 =	simm.s32 $0x1480;
	[sflag:s25] =	ssyncadd.s32 $0xFFFFE000  }
0xc3: {  	[spmem:s2] =	stream.indirect.scatter.add.f32 [tilespmem:s18], [sflag:$0x7], $0x80, s19, s14, $0xb8;
	[tilespmem:$0x1F800] =	vst v63  }
0xc4: {  	_ =	swait.ge [sflag:s26], $0x2000  }
0xc5: {  	[sflag:s26] =	ssyncset.done $0x0  }
0xc6: {  	s17 =	simm.s32 $0x14C0;
	[sflag:s26] =	ssyncadd.s32 $0xFFFFE000  }
0xc7: {  	[spmem:s2] =	stream.indirect.scatter.add.f32 [tilespmem:s20], [sflag:$0x8], $0x80, s17, s14, $0xb8;
	[tilespmem:$0x1F800] =	vst v63  }
0xc8: {  	_ =	swait.ge [sflag:s28], $0x2000  }
0xc9: {  	[sflag:s28] =	ssyncset.done $0x0  }
0xca: {  	s19 =	simm.s32 $0x100;
	[sflag:s28] =	ssyncadd.s32 $0xFFFFE000  }
0xcb: {  	[tilespmem:s15], [sflag:$0x1] =	stream.indirect.gather [hbm4b:s1+s14], $0x80, s19, s14, $0xb8;
	[tilespmem:$0x1F800] =	vst v63  }
0xcc: {  	_ =	swait.ge [sflag:s29], $0x2000  }
0xcd: {  	[sflag:s29] =	ssyncset.done $0x0  }
0xce: {  	s17 =	simm.s32 $0x140;
	[sflag:s29] =	ssyncadd.s32 $0xFFFFE000  }
0xcf: {  	[tilespmem:s16], [sflag:$0x2] =	stream.indirect.gather [hbm4b:s1+s14], $0x80, s17, s14, $0xb8;
	[tilespmem:$0x1F800] =	vst v63  }
0xd0: {  	_ =	swait.ge [sflag:s30], $0x2000  }
0xd1: {  	[sflag:s30] =	ssyncset.done $0x0  }
0xd2: {  	s19 =	simm.s32 $0x180;
	[sflag:s30] =	ssyncadd.s32 $0xFFFFE000  }
0xd3: {  	[tilespmem:s18], [sflag:$0x3] =	stream.indirect.gather [hbm4b:s1+s14], $0x80, s19, s14, $0xb8;
	[tilespmem:$0x1F800] =	vst v63  }
0xd4: {  	_ =	swait.ge [sflag:s31], $0x2000  }
0xd5: {  	[sflag:s31] =	ssyncset.done $0x0  }
0xd6: {  	s8 =	simm.s32 $0x1C0;
	s17 =	simm.s32 $0x400;
	[sflag:s31] =	ssyncadd.s32 $0xFFFFE000  }
.LBB2_4:
0xd7: {  	[tilespmem:s20], [sflag:$0x4] =	stream.indirect.gather [hbm4b:s1+s14], $0x80, s8, s14, $0xb8;
	[tilespmem:$0x1F800] =	vst v63  }
0xd8: {  	s8 =	smov.u32 s17  }
0xd9: {  	p0 =	sne.s32 s17, $0x4800;
	s17 =	sadd.s32 $0x400, s17;
	_ =	swait.ge [sflag:s13], $0x2000  }
0xda: {  	s8 =	sshra.s32 s8, $0x2;
	[sflag:s13] =	ssyncset.done $0x0  }
0xdb: {  	s19 =	sadd.s32 $0x1400, s8;
	[sflag:s13] =	ssyncadd.s32 $0xFFFFE000  }
0xdc: {  	[spmem:s2] =	stream.indirect.scatter.add.f32 [tilespmem:s15], [sflag:$0x5], $0x80, s19, s14, $0xb8;
	[tilespmem:$0x1F800] =	vst v63  }
0xdd: {  	_ =	swait.ge [sflag:s21], $0x2000  }
0xde: {  	[sflag:s21] =	ssyncset.done $0x0  }
0xdf: {  	s19 =	sadd.s32 $0x1440, s8;
	[sflag:s21] =	ssyncadd.s32 $0xFFFFE000  }
0xe0: {  	[spmem:s2] =	stream.indirect.scatter.add.f32 [tilespmem:s16], [sflag:$0x6], $0x80, s19, s14, $0xb8;
	[tilespmem:$0x1F800] =	vst v63  }
0xe1: {  	_ =	swait.ge [sflag:s25], $0x2000  }
0xe2: {  	[sflag:s25] =	ssyncset.done $0x0  }
0xe3: {  	s19 =	sadd.s32 $0x1480, s8;
	[sflag:s25] =	ssyncadd.s32 $0xFFFFE000  }
0xe4: {  	[spmem:s2] =	stream.indirect.scatter.add.f32 [tilespmem:s18], [sflag:$0x7], $0x80, s19, s14, $0xb8;
	[tilespmem:$0x1F800] =	vst v63  }
0xe5: {  	_ =	swait.ge [sflag:s26], $0x2000  }
0xe6: {  	[sflag:s26] =	ssyncset.done $0x0  }
0xe7: {  	s19 =	sadd.s32 $0x14C0, s8;
	[sflag:s26] =	ssyncadd.s32 $0xFFFFE000  }
0xe8: {  	[spmem:s2] =	stream.indirect.scatter.add.f32 [tilespmem:s20], [sflag:$0x8], $0x80, s19, s14, $0xb8;
	[tilespmem:$0x1F800] =	vst v63  }
0xe9: {  	_ =	swait.ge [sflag:s28], $0x2000  }
0xea: {  	[sflag:s28] =	ssyncset.done $0x0  }
0xeb: {  	s19 =	sadd.s32 $0x100, s8;
	[sflag:s28] =	ssyncadd.s32 $0xFFFFE000  }
0xec: {  	[tilespmem:s15], [sflag:$0x1] =	stream.indirect.gather [hbm4b:s1+s14], $0x80, s19, s14, $0xb8;
	[tilespmem:$0x1F800] =	vst v63  }
0xed: {  	_ =	swait.ge [sflag:s29], $0x2000  }
0xee: {  	[sflag:s29] =	ssyncset.done $0x0  }
0xef: {  	s19 =	sadd.s32 $0x140, s8;
	[sflag:s29] =	ssyncadd.s32 $0xFFFFE000  }
0xf0: {  	[tilespmem:s16], [sflag:$0x2] =	stream.indirect.gather [hbm4b:s1+s14], $0x80, s19, s14, $0xb8;
	[tilespmem:$0x1F800] =	vst v63  }
0xf1: {  	_ =	swait.ge [sflag:s30], $0x2000  }
0xf2: {  	[sflag:s30] =	ssyncset.done $0x0  }
.Ltmp1:
0xf3: {  	s19 =	sadd.s32 $0x180, s8;
	[sflag:s30] =	ssyncadd.s32 $0xFFFFE000;
	(pc) =	sbr.rel @p0 .LBB2_4-.Ltmp1, $4  }
0xf4: {  	[tilespmem:s18], [sflag:$0x3] =	stream.indirect.gather [hbm4b:s1+s14], $0x80, s19, s14, $0xb8;
	[tilespmem:$0x1F800] =	vst v63  }
0xf5: {  	_ =	swait.ge [sflag:s31], $0x2000  }
0xf6: {  	[sflag:s31] =	ssyncset.done $0x0  }
0xf7: {  	s8 =	sadd.s32 $0x1C0, s8;
	[sflag:s31] =	ssyncadd.s32 $0xFFFFE000  }
0xf8: {  	[tilespmem:s20], [sflag:$0x4] =	stream.indirect.gather [hbm4b:s1+s14], $0x80, s8, s14, $0xb8;
	[tilespmem:$0x1F800] =	vst v63  }
0xf9: {  	_ =	swait.ge [sflag:s13], $0x2000  }
0xfa: {  	[sflag:s13] =	ssyncset.done $0x0  }
0xfb: {  	[sflag:s13] =	ssyncadd.s32 $0xFFFFE000  }
0xfc: {  	[spmem:s2] =	stream.indirect.scatter.add.f32 [tilespmem:s15], [sflag:$0x5], $0x80, s0, s14, $0xb8;
	[tilespmem:$0x1F800] =	vst v63  }
0xfd: {  	_ =	swait.ge [sflag:s21], $0x2000  }
0xfe: {  	[sflag:s21] =	ssyncset.done $0x0  }
0xff: {  	[sflag:s21] =	ssyncadd.s32 $0xFFFFE000  }
0x100: {  	[spmem:s2] =	stream.indirect.scatter.add.f32 [tilespmem:s16], [sflag:$0x6], $0x80, s4, s14, $0xb8;
	[tilespmem:$0x1F800] =	vst v63  }
0x101: {  	_ =	swait.ge [sflag:s25], $0x2000  }
0x102: {  	[sflag:s25] =	ssyncset.done $0x0  }
0x103: {  	[sflag:s25] =	ssyncadd.s32 $0xFFFFE000  }
0x104: {  	[spmem:s2] =	stream.indirect.scatter.add.f32 [tilespmem:s18], [sflag:$0x7], $0x80, s3, s14, $0xb8;
	[tilespmem:$0x1F800] =	vst v63  }
0x105: {  	_ =	swait.ge [sflag:s26], $0x2000  }
0x106: {  	[sflag:s26] =	ssyncset.done $0x0  }
0x107: {  	[sflag:s26] =	ssyncadd.s32 $0xFFFFE000  }
0x108: {  	[spmem:s2] =	stream.indirect.scatter.add.f32 [tilespmem:s20], [sflag:$0x8], $0x80, s5, s14, $0xb8;
	[tilespmem:$0x1F800] =	vst v63  }
0x109: {  	_ =	swait.ge [sflag:s28], $0x2000  }
0x10a: {  	[sflag:s28] =	ssyncset.done $0x0  }
0x10b: {  	[sflag:s28] =	ssyncadd.s32 $0xFFFFE000  }
0x10c: {  	_ =	swait.ge [sflag:s29], $0x2000  }
0x10d: {  	[sflag:s29] =	ssyncset.done $0x0  }
0x10e: {  	[sflag:s29] =	ssyncadd.s32 $0xFFFFE000  }
0x10f: {  	_ =	swait.ge [sflag:s30], $0x2000  }
0x110: {  	[sflag:s30] =	ssyncset.done $0x0  }
0x111: {  	[sflag:s30] =	ssyncadd.s32 $0xFFFFE000  }
0x112: {  	_ =	swait.ge [sflag:s31], $0x2000  }
0x113: {  	[sflag:s31] =	ssyncset.done $0x0  }
0x114: {  	s8 =	simm.s32 $0x0;
	s17 =	rddreg [dreg:$0xb];
	[sflag:s31] =	ssyncadd.s32 $0xFFFFE000  }
0x115: {  	[tilespmem:s8], [sflag:$0x9] =	stream.linear.gather [hbm4b:s17+s8], $0x1400, $0x38;
	[tilespmem:$0x1F800] =	vst v63  }
0x116: {  	_ =	swait.ge [sflag:s9], $0x1400  }
0x117: {  	[sflag:s9] =	ssyncset.done $0x0  }
0x118: {  	s19 =	rddreg [dreg:$0xc];
	[sflag:s9] =	ssyncadd.s32 $0xFFFFEC00  }
0x119: {  	[tilespmem:s10], [sflag:$0x9] =	stream.linear.gather [hbm4b:s19+s8], $0x1400, $0x38;
	[tilespmem:$0x1F800] =	vst v63  }
0x11a: {  	_ =	swait.ge [sflag:s9], $0x1400  }
0x11b: {  	[sflag:s9] =	ssyncset.done $0x0  }
0x11c: {  	[sflag:s9] =	ssyncadd.s32 $0xFFFFEC00  }
0x11d: {  	[tilespmem:s15], [sflag:$0x1] =	stream.indirect.gather [hbm4b:s1+s14], $0x80, s8, s14, $0xb8;
	[tilespmem:$0x1F800] =	vst v63  }
0x11e: {  	_ = 	snop  }
0x11f: {  	[tilespmem:s16], [sflag:$0x2] =	stream.indirect.gather [hbm4b:s1+s14], $0x80, s14, s14, $0xb8;
	[tilespmem:$0x1F800] =	vst v63  }
0x120: {  	s19 =	simm.s32 $0x80  }
0x121: {  	[tilespmem:s18], [sflag:$0x3] =	stream.indirect.gather [hbm4b:s1+s14], $0x80, s19, s14, $0xb8;
	[tilespmem:$0x1F800] =	vst v63  }
0x122: {  	s17 =	simm.s32 $0xC0  }
0x123: {  	[tilespmem:s20], [sflag:$0x4] =	stream.indirect.gather [hbm4b:s1+s14], $0x80, s17, s14, $0xb8;
	[tilespmem:$0x1F800] =	vst v63  }
0x124: {  	_ =	swait.ge [sflag:s13], $0x2000  }
0x125: {  	[sflag:s13] =	ssyncset.done $0x0  }
0x126: {  	s19 =	simm.s32 $0x1400;
	[sflag:s13] =	ssyncadd.s32 $0xFFFFE000  }
0x127: {  	[spmem:s2] =	stream.indirect.scatter.add.f32 [tilespmem:s15], [sflag:$0x5], $0x80, s19, s14, $0xb8;
	[tilespmem:$0x1F800] =	vst v63  }
0x128: {  	_ =	swait.ge [sflag:s21], $0x2000  }
0x129: {  	[sflag:s21] =	ssyncset.done $0x0  }
0x12a: {  	s17 =	simm.s32 $0x1440;
	[sflag:s21] =	ssyncadd.s32 $0xFFFFE000  }
0x12b: {  	[spmem:s2] =	stream.indirect.scatter.add.f32 [tilespmem:s16], [sflag:$0x6], $0x80, s17, s14, $0xb8;
	[tilespmem:$0x1F800] =	vst v63  }
0x12c: {  	_ =	swait.ge [sflag:s25], $0x2000  }
0x12d: {  	[sflag:s25] =	ssyncset.done $0x0  }
0x12e: {  	s19 =	simm.s32 $0x1480;
	[sflag:s25] =	ssyncadd.s32 $0xFFFFE000  }
0x12f: {  	[spmem:s2] =	stream.indirect.scatter.add.f32 [tilespmem:s18], [sflag:$0x7], $0x80, s19, s14, $0xb8;
	[tilespmem:$0x1F800] =	vst v63  }
0x130: {  	_ =	swait.ge [sflag:s26], $0x2000  }
0x131: {  	[sflag:s26] =	ssyncset.done $0x0  }
0x132: {  	s17 =	simm.s32 $0x14C0;
	[sflag:s26] =	ssyncadd.s32 $0xFFFFE000  }
0x133: {  	[spmem:s2] =	stream.indirect.scatter.add.f32 [tilespmem:s20], [sflag:$0x8], $0x80, s17, s14, $0xb8;
	[tilespmem:$0x1F800] =	vst v63  }
0x134: {  	_ =	swait.ge [sflag:s28], $0x2000  }
0x135: {  	[sflag:s28] =	ssyncset.done $0x0  }
0x136: {  	s19 =	simm.s32 $0x100;
	[sflag:s28] =	ssyncadd.s32 $0xFFFFE000  }
0x137: {  	[tilespmem:s15], [sflag:$0x1] =	stream.indirect.gather [hbm4b:s1+s14], $0x80, s19, s14, $0xb8;
	[tilespmem:$0x1F800] =	vst v63  }
0x138: {  	_ =	swait.ge [sflag:s29], $0x2000  }
0x139: {  	[sflag:s29] =	ssyncset.done $0x0  }
0x13a: {  	s17 =	simm.s32 $0x140;
	[sflag:s29] =	ssyncadd.s32 $0xFFFFE000  }
0x13b: {  	[tilespmem:s16], [sflag:$0x2] =	stream.indirect.gather [hbm4b:s1+s14], $0x80, s17, s14, $0xb8;
	[tilespmem:$0x1F800] =	vst v63  }
0x13c: {  	_ =	swait.ge [sflag:s30], $0x2000  }
0x13d: {  	[sflag:s30] =	ssyncset.done $0x0  }
0x13e: {  	s19 =	simm.s32 $0x180;
	[sflag:s30] =	ssyncadd.s32 $0xFFFFE000  }
0x13f: {  	[tilespmem:s18], [sflag:$0x3] =	stream.indirect.gather [hbm4b:s1+s14], $0x80, s19, s14, $0xb8;
	[tilespmem:$0x1F800] =	vst v63  }
0x140: {  	_ =	swait.ge [sflag:s31], $0x2000  }
0x141: {  	[sflag:s31] =	ssyncset.done $0x0  }
0x142: {  	s8 =	simm.s32 $0x1C0;
	s17 =	simm.s32 $0x400;
	[sflag:s31] =	ssyncadd.s32 $0xFFFFE000  }
.LBB2_6:
0x143: {  	[tilespmem:s20], [sflag:$0x4] =	stream.indirect.gather [hbm4b:s1+s14], $0x80, s8, s14, $0xb8;
	[tilespmem:$0x1F800] =	vst v63  }
0x144: {  	s8 =	smov.u32 s17  }
0x145: {  	p0 =	sne.s32 s17, $0x4800;
	s17 =	sadd.s32 $0x400, s17;
	_ =	swait.ge [sflag:s13], $0x2000  }
0x146: {  	s8 =	sshra.s32 s8, $0x2;
	[sflag:s13] =	ssyncset.done $0x0  }
0x147: {  	s19 =	sadd.s32 $0x1400, s8;
	[sflag:s13] =	ssyncadd.s32 $0xFFFFE000  }
0x148: {  	[spmem:s2] =	stream.indirect.scatter.add.f32 [tilespmem:s15], [sflag:$0x5], $0x80, s19, s14, $0xb8;
	[tilespmem:$0x1F800] =	vst v63  }
0x149: {  	_ =	swait.ge [sflag:s21], $0x2000  }
0x14a: {  	[sflag:s21] =	ssyncset.done $0x0  }
0x14b: {  	s19 =	sadd.s32 $0x1440, s8;
	[sflag:s21] =	ssyncadd.s32 $0xFFFFE000  }
0x14c: {  	[spmem:s2] =	stream.indirect.scatter.add.f32 [tilespmem:s16], [sflag:$0x6], $0x80, s19, s14, $0xb8;
	[tilespmem:$0x1F800] =	vst v63  }
0x14d: {  	_ =	swait.ge [sflag:s25], $0x2000  }
0x14e: {  	[sflag:s25] =	ssyncset.done $0x0  }
0x14f: {  	s19 =	sadd.s32 $0x1480, s8;
	[sflag:s25] =	ssyncadd.s32 $0xFFFFE000  }
0x150: {  	[spmem:s2] =	stream.indirect.scatter.add.f32 [tilespmem:s18], [sflag:$0x7], $0x80, s19, s14, $0xb8;
	[tilespmem:$0x1F800] =	vst v63  }
0x151: {  	_ =	swait.ge [sflag:s26], $0x2000  }
0x152: {  	[sflag:s26] =	ssyncset.done $0x0  }
0x153: {  	s19 =	sadd.s32 $0x14C0, s8;
	[sflag:s26] =	ssyncadd.s32 $0xFFFFE000  }
0x154: {  	[spmem:s2] =	stream.indirect.scatter.add.f32 [tilespmem:s20], [sflag:$0x8], $0x80, s19, s14, $0xb8;
	[tilespmem:$0x1F800] =	vst v63  }
0x155: {  	_ =	swait.ge [sflag:s28], $0x2000  }
0x156: {  	[sflag:s28] =	ssyncset.done $0x0  }
0x157: {  	s19 =	sadd.s32 $0x100, s8;
	[sflag:s28] =	ssyncadd.s32 $0xFFFFE000  }
0x158: {  	[tilespmem:s15], [sflag:$0x1] =	stream.indirect.gather [hbm4b:s1+s14], $0x80, s19, s14, $0xb8;
	[tilespmem:$0x1F800] =	vst v63  }
0x159: {  	_ =	swait.ge [sflag:s29], $0x2000  }
0x15a: {  	[sflag:s29] =	ssyncset.done $0x0  }
0x15b: {  	s19 =	sadd.s32 $0x140, s8;
	[sflag:s29] =	ssyncadd.s32 $0xFFFFE000  }
0x15c: {  	[tilespmem:s16], [sflag:$0x2] =	stream.indirect.gather [hbm4b:s1+s14], $0x80, s19, s14, $0xb8;
	[tilespmem:$0x1F800] =	vst v63  }
0x15d: {  	_ =	swait.ge [sflag:s30], $0x2000  }
0x15e: {  	[sflag:s30] =	ssyncset.done $0x0  }
.Ltmp2:
0x15f: {  	s19 =	sadd.s32 $0x180, s8;
	[sflag:s30] =	ssyncadd.s32 $0xFFFFE000;
	(pc) =	sbr.rel @p0 .LBB2_6-.Ltmp2, $4  }
0x160: {  	[tilespmem:s18], [sflag:$0x3] =	stream.indirect.gather [hbm4b:s1+s14], $0x80, s19, s14, $0xb8;
	[tilespmem:$0x1F800] =	vst v63  }
0x161: {  	_ =	swait.ge [sflag:s31], $0x2000  }
0x162: {  	[sflag:s31] =	ssyncset.done $0x0  }
0x163: {  	s8 =	sadd.s32 $0x1C0, s8;
	[sflag:s31] =	ssyncadd.s32 $0xFFFFE000  }
0x164: {  	[tilespmem:s20], [sflag:$0x4] =	stream.indirect.gather [hbm4b:s1+s14], $0x80, s8, s14, $0xb8;
	[tilespmem:$0x1F800] =	vst v63  }
0x165: {  	_ =	swait.ge [sflag:s13], $0x2000  }
0x166: {  	[sflag:s13] =	ssyncset.done $0x0  }
0x167: {  	[sflag:s13] =	ssyncadd.s32 $0xFFFFE000  }
0x168: {  	[spmem:s2] =	stream.indirect.scatter.add.f32 [tilespmem:s15], [sflag:$0x5], $0x80, s0, s14, $0xb8;
	[tilespmem:$0x1F800] =	vst v63  }
0x169: {  	_ =	swait.ge [sflag:s21], $0x2000  }
0x16a: {  	[sflag:s21] =	ssyncset.done $0x0  }
0x16b: {  	[sflag:s21] =	ssyncadd.s32 $0xFFFFE000  }
0x16c: {  	[spmem:s2] =	stream.indirect.scatter.add.f32 [tilespmem:s16], [sflag:$0x6], $0x80, s4, s14, $0xb8;
	[tilespmem:$0x1F800] =	vst v63  }
0x16d: {  	_ =	swait.ge [sflag:s25], $0x2000  }
0x16e: {  	[sflag:s25] =	ssyncset.done $0x0  }
0x16f: {  	[sflag:s25] =	ssyncadd.s32 $0xFFFFE000  }
0x170: {  	[spmem:s2] =	stream.indirect.scatter.add.f32 [tilespmem:s18], [sflag:$0x7], $0x80, s3, s14, $0xb8;
	[tilespmem:$0x1F800] =	vst v63  }
0x171: {  	_ =	swait.ge [sflag:s26], $0x2000  }
0x172: {  	[sflag:s26] =	ssyncset.done $0x0  }
0x173: {  	[sflag:s26] =	ssyncadd.s32 $0xFFFFE000  }
0x174: {  	[spmem:s2] =	stream.indirect.scatter.add.f32 [tilespmem:s20], [sflag:$0x8], $0x80, s5, s14, $0xb8;
	[tilespmem:$0x1F800] =	vst v63  }
0x175: {  	_ =	swait.ge [sflag:s28], $0x2000  }
0x176: {  	[sflag:s28] =	ssyncset.done $0x0  }
0x177: {  	[sflag:s28] =	ssyncadd.s32 $0xFFFFE000  }
0x178: {  	_ =	swait.ge [sflag:s29], $0x2000  }
0x179: {  	[sflag:s29] =	ssyncset.done $0x0  }
0x17a: {  	[sflag:s29] =	ssyncadd.s32 $0xFFFFE000  }
0x17b: {  	_ =	swait.ge [sflag:s30], $0x2000  }
0x17c: {  	[sflag:s30] =	ssyncset.done $0x0  }
0x17d: {  	[sflag:s30] =	ssyncadd.s32 $0xFFFFE000  }
0x17e: {  	_ =	swait.ge [sflag:s31], $0x2000  }
0x17f: {  	[sflag:s31] =	ssyncset.done $0x0  }
0x180: {  	s17 =	stileid.u32;
	[sflag:s31] =	ssyncadd.s32 $0xFFFFE000  }
0x181: {  	s8 =	sshll.u32 s17, $0x6;
	[bflag:$0x0] =	sbarrier.arrive $0xFFFF  }
0x182: {  	s17 =	sshrl.u32 s6, $0x3;
	s8 =	sor.u32 $0x1C01, s8;
	s19 =	rddreg [dreg:$0xd]  }
0x183: {  	[hbm:s19], [sflag:s8] =	dma.local [spmem:s17], $0x800  }
0x184: {  	s17 =	sshrl.u32 s11, $0x3;
	s19 =	rddreg [dreg:$0xe]  }
0x185: {  	[hbm:s19], [sflag:s8] =	dma.local [spmem:s17], $0x800  }
0x186: {  	s17 =	sshrl.u32 s22, $0x3;
	s19 =	rddreg [dreg:$0xf]  }
0x187: {  	[hbm:s19], [sflag:s8] =	dma.local [spmem:s17], $0x800  }
0x188: {  	s17 =	sshrl.u32 s23, $0x3;
	s19 =	rddreg [dreg:$0x10]  }
0x189: {  	[hbm:s19], [sflag:s8] =	dma.local [spmem:s17], $0x800  }
0x18a: {  	s17 =	sshrl.u32 s24, $0x3;
	s19 =	rddreg [dreg:$0x11]  }
0x18b: {  	[hbm:s19], [sflag:s8] =	dma.local [spmem:s17], $0x800  }
0x18c: {  	_ =	swait.ge [sflag:s13], $0x800  }
0x18d: {  	[sflag:s13] =	ssyncset.done $0x0  }
0x18e: {  	[sflag:s13] =	ssyncadd.s32 $0xFFFFF800  }
0x18f: {  	_ =	swait.ge [sflag:s13], $0x800  }
0x190: {  	[sflag:s13] =	ssyncset.done $0x0  }
0x191: {  	[sflag:s13] =	ssyncadd.s32 $0xFFFFF800  }
0x192: {  	_ =	swait.ge [sflag:s13], $0x800  }
0x193: {  	[sflag:s13] =	ssyncset.done $0x0  }
0x194: {  	[sflag:s13] =	ssyncadd.s32 $0xFFFFF800  }
0x195: {  	_ =	swait.ge [sflag:s13], $0x800  }
0x196: {  	[sflag:s13] =	ssyncset.done $0x0  }
0x197: {  	[sflag:s13] =	ssyncadd.s32 $0xFFFFF800  }
0x198: {  	_ =	swait.ge [sflag:s13], $0x800  }
0x199: {  	s7 =	sadd.s32 $0x1, s7;
	s19 =	rddreg [dreg:$0x13]  }
0x19a: {  	p0 =	sne.s32 s7, s19  }
.Ltmp3:
0x19b: {  	_ = 	snop;
	(pc) =	sbr.rel @p0 .LBB2_1-.Ltmp3, $3  }
0x19c: {  	_ =	sdelay $0x1  }
0x19d: {  	[sflag:s13] =	ssyncset.done $0x0  }
0x19e: {  	[sflag:s13] =	ssyncadd.s32 $0xFFFFF800  }
0x19f: {  	_ =	sfence.sel $0x180000  }
0x1a0: {  	[bflag:$0x0] =	sbarrier.arrive $0xFFFF  }
0x1a1: {  	_ =	strace $0x9000004D  }
0x1a2: {  	s0 =	stileid.u32;
	[bflag:$0x2] =	sbarrier.arrive $0xFFFF  }
0x1a3: {  	p0 =	sne.s32 s0, $0x0;
	s0 =	rddreg [dreg:$0x3]  }
0x1a4: {  	s0 =	sadd.s32 @!p0 $0x100000, s0  }
0x1a5: {  	[sflag:s0] =	ssyncadd.tile.s32 @!p0 $0x1;
	_ =	shalt  }
.Lfunc_end2:
_tile_overlayer_lowered:
.L_overlay_start_2:
0x1a6: {  	(tag) =	ssettag $0x2  }
0x1a7: {  	s0 =	rddreg [dreg:$0x0];
	s2 =	stileid.u32  }
0x1a8: {  	s1 =	rddreg [dreg:$0x1];
	p0 =	sne.s32 s2, $0x0  }
0x1a9: {  	s3 =	rddreg [dreg:$0x2];
	[bflag:$0x3] =	sbarrier.arrive $0xFFFF;
	s2 =	simm.s32 @!p0 $0x1C09  }
0x1aa: {  	[timem:s3], [sflag:s2] =	dma.local @!p0 [hbm:s0], s1  }
0x1ab: {  	s0 =	simm.s32 @!p0 $0x9  }
0x1ac: {  	_ =	swait.ge @!p0 [sflag:s0], s1  }
0x1ad: {  	s1 =	ssub.s32 @!p0 $0x0, s1;
	[sflag:s0] =	ssyncset.done @!p0 $0x0  }
0x1ae: {  	[sflag:s0] =	ssyncadd.s32 @!p0 s1  }
0x1af: {  	[bflag:$0x3] =	sbarrier.arrive $0xFFFF  }
0x1b0: {  	_ =	shalt  }

// kernel: kernel.9.cloned.1.call-start
scs
__scs_entry_jumppad:
0x0: {  	(pc) =	sbr.rel $0x88, $3  }
0x1: {  	(tag) =	ssettag $0x0;
	lr =	simm.s32 $0x1  }
0x2: {  	[smem:$0x3F9B] =	sst lr;
	_ =	strace $0xD0000000  }
0x3: {  	_ = 	snop  }
0x4: {  	_ = 	snop  }
0x5: {  	_ = 	snop  }
0x6: {  	_ = 	snop  }
0x7: {  	_ = 	snop  }
__scs_overlays_trampoline_lowered:
0x8: {  	[smem:$0x3FAA] =	sst s0  }
0x9: {  	[smem:$0x3FAB] =	sst s1  }
0xa: {  	[smem:$0x3FAC] =	sst s2  }
0xb: {  	[smem:$0x3FAD] =	sst s3  }
0xc: {  	[smem:$0x3FAE] =	sst s4  }
0xd: {  	[smem:$0x3FAF] =	sst s5  }
0xe: {  	[smem:$0x3FB0] =	sst s6  }
0xf: {  	[smem:$0x3FB1] =	sst s7  }
0x10: {  	[smem:$0x3FB2] =	sst s8  }
0x11: {  	[smem:$0x3FB3] =	sst s9;
	s0 =	simm.s32 @!p0 $0x0  }
0x12: {  	s1 =	sld [smem:$0x3F99];
	s0 =	simm.s32 @p0 $0x1  }
0x13: {  	[smem:$0x3FB4] =	sst s0;
	s0 =	simm.s32 @!p1 $0x0  }
0x14: {  	s2 =	sld [smem:$0x3F98];
	s0 =	simm.s32 @p1 $0x1  }
0x15: {  	[smem:$0x3FB5] =	sst s0;
	s0 =	simm.s32 @!p2 $0x0  }
0x16: {  	s3 =	sld [smem:$0x3FDB];
	s0 =	simm.s32 @p2 $0x1  }
0x17: {  	s4 =	simm.s32 $0x1BF5;
	[smem:$0x3FB7] =	sst s0  }
0x18: {  	s0 =	sld [smem:$0x3F9A];
	_ =	swait.ge [sflag:s4], $0x0  }
0x19: {  	s7 =	sld [smem:$0x3F9B]  }
0x1a: {  	s8 =	sadd.s32 $0xFFFFE003, lr  }
0x1b: {  	s9 =	sadd.s32 $0xFFFFFEF7, lr;
	s5 =	simm.s32 $0xFFFFFFFF;
	p2 =	slt.u32 s8, $0xFFFFF086  }
0x1c: {  	p1 =	slt.u32 s9, $0xF7A;
	s5 =	simm.s32 @!p2 $0x0  }
0x1d: {  	s5 =	simm.s32 @p1 $0x1;
	p0 =	seq.s32 s7, s2  }
0x1e: {  	s7 =	smul.u32 @!p0 $0xF7A, s2;
	p2 =	seq.s32 @!p0 s5, $0x0  }
0x1f: {  	s9 =	smul.u32 $0xF7A, s1;
	s8 =	simm.s32 @!p0 $0x1BF5;
	p2 =	por !p2, p0  }
0x20: {  	[sflag:s8] =	ssyncset.s32 @!p0 $0xFFFFF086;
	s6 =	sadd.s32 @!p0 s3, s7;
	s7 =	simm.s32 @!p0 $0x108  }
0x21: {  	s3 =	sadd.s32 s3, s9;
	s6 =	sadd.s32 @!p0 $0x88, s6;
	s7 =	simm.s32 @p2 $0x1082  }
0x22: {  	[simem:s7], [sflag:s8] =	dma.local @!p0 [hbm:s6], $0xF7A  }
0x23: {  	s9 =	sor.u32 $0xD0000000, s2;
	s6 =	simm.s32 $0x108;
	_ =	swait.ge @!p0 [sflag:s8], $0x0  }
0x24: {  	s3 =	sadd.s32 $0x88, s3;
	s6 =	simm.s32 @!p1 $0x1082;
	[sflag:s4] =	ssyncset.s32 $0xFFFFF086  }
0x25: {  	[simem:s6], [sflag:s4] =	dma.local [hbm:s3], $0xF7A  }
0x26: {  	[smem:$0x3F9B] =	sst s1;
	(tag) =	ssettag s2;
	_ =	strace s9  }
0x27: {  	s1 =	sld [smem:$0x3FAB]  }
0x28: {  	s2 =	sld [smem:$0x3FAC]  }
0x29: {  	s4 =	sld [smem:$0x3FAE]  }
0x2a: {  	p0 =	seq.s32 s5, $0x0;
	s5 =	sld [smem:$0x3FAF]  }
0x2b: {  	s6 =	sld [smem:$0x3FB0]  }
0x2c: {  	s7 =	sld [smem:$0x3FB1]  }
0x2d: {  	s3 =	simm.s32 $0x108;
	s8 =	sld [smem:$0x3FB2]  }
0x2e: {  	s3 =	simm.s32 @!p0 $0x1082;
	s9 =	sld [smem:$0x3FB3]  }
0x2f: {  	lr =	sadd.s32 s0, s3;
	s0 =	sld [smem:$0x3FAA]  }
0x30: {  	s3 =	sld [smem:$0x3FAD]  }
0x31: {  	[smem:$0x3FB6] =	sst s10  }
0x32: {  	s10 =	sld [smem:$0x3FB4];
	_ =	sdelay $0x3  }
0x33: {  	p0 =	seq.s32 s10, $0x1;
	s10 =	sld [smem:$0x3FB6];
	_ =	sdelay $0x3  }
0x34: {  	[smem:$0x3FB6] =	sst s10  }
0x35: {  	s10 =	sld [smem:$0x3FB5];
	_ =	sdelay $0x3  }
0x36: {  	p1 =	seq.s32 s10, $0x1;
	s10 =	sld [smem:$0x3FB6];
	_ =	sdelay $0x3  }
0x37: {  	[smem:$0x3FB6] =	sst s10  }
0x38: {  	s10 =	sld [smem:$0x3FB7]  }
0x39: {  	_ = 	snop;
	(pc) =	sbr.ind lr, $3  }
0x3a: {  	_ = 	snop  }
0x3b: {  	_ = 	snop  }
0x3c: {  	p2 =	seq.s32 s10, $0x1;
	s10 =	sld [smem:$0x3FB6]  }
0x3d: {  	_ =	shalt  }
0x3e: {  	_ =	shalt  }
0x3f: {  	_ =	shalt  }
0x40: {  	_ =	shalt  }
0x41: {  	_ =	shalt  }
0x42: {  	_ =	shalt  }
0x43: {  	_ =	shalt  }
0x44: {  	_ =	shalt  }
0x45: {  	_ =	shalt  }
0x46: {  	_ =	shalt  }
0x47: {  	_ =	shalt  }
0x48: {  	_ =	shalt  }
0x49: {  	_ =	shalt  }
0x4a: {  	_ =	shalt  }
0x4b: {  	_ =	shalt  }
0x4c: {  	_ =	shalt  }
0x4d: {  	_ =	shalt  }
0x4e: {  	_ =	shalt  }
0x4f: {  	_ =	shalt  }
0x50: {  	_ =	shalt  }
0x51: {  	_ =	shalt  }
0x52: {  	_ =	shalt  }
0x53: {  	_ =	shalt  }
0x54: {  	_ =	shalt  }
0x55: {  	_ =	shalt  }
0x56: {  	_ =	shalt  }
0x57: {  	_ =	shalt  }
0x58: {  	_ =	shalt  }
0x59: {  	_ =	shalt  }
0x5a: {  	_ =	shalt  }
0x5b: {  	_ =	shalt  }
0x5c: {  	_ =	shalt  }
0x5d: {  	_ =	shalt  }
0x5e: {  	_ =	shalt  }
0x5f: {  	_ =	shalt  }
0x60: {  	_ =	shalt  }
0x61: {  	_ =	shalt  }
0x62: {  	_ =	shalt  }
0x63: {  	_ =	shalt  }
0x64: {  	_ =	shalt  }
0x65: {  	_ =	shalt  }
0x66: {  	_ =	shalt  }
0x67: {  	_ =	shalt  }
0x68: {  	_ =	shalt  }
0x69: {  	_ =	shalt  }
0x6a: {  	_ =	shalt  }
0x6b: {  	_ =	shalt  }
0x6c: {  	_ =	shalt  }
0x6d: {  	_ =	shalt  }
0x6e: {  	_ =	shalt  }
0x6f: {  	_ =	shalt  }
0x70: {  	_ =	shalt  }
0x71: {  	_ =	shalt  }
0x72: {  	_ =	shalt  }
0x73: {  	_ =	shalt  }
0x74: {  	_ =	shalt  }
0x75: {  	_ =	shalt  }
0x76: {  	_ =	shalt  }
0x77: {  	_ =	shalt  }
0x78: {  	_ =	shalt  }
0x79: {  	_ =	shalt  }
0x7a: {  	_ =	shalt  }
0x7b: {  	_ =	shalt  }
0x7c: {  	_ =	shalt  }
0x7d: {  	_ =	shalt  }
0x7e: {  	_ =	shalt  }
0x7f: {  	_ =	shalt  }
0x80: {  	_ =	shalt  }
0x81: {  	_ =	shalt  }
0x82: {  	_ =	shalt  }
0x83: {  	_ =	shalt  }
0x84: {  	_ =	shalt  }
0x85: {  	_ =	shalt  }
0x86: {  	_ =	shalt  }
0x87: {  	_ =	shalt  }
.Lfunc_end0:
.L_simem_size_0:
called_computation_lowered:
.L_overlay_start_0:
0x88: {  	s2 =	sld [smem:$0x3FD9]  }
0x89: {  	s3 =	sld [smem:$0x3FFE];
	_ =	sdelay $0x1  }
0x8a: {  	s1 =	srdreg.scid  }
0x8b: {  	s0 =	sand.u32 $0x1, s1  }
0x8c: {  	s17 =	sshll.u32 s0, $0xA;
	s2 =	sadd.s32 s3, s2  }
0x8d: {  	s2 =	sadd.s32 s2, s17  }
0x8e: {  	[smem:$0x3FC2] =	sst s2  }
0x8f: {  	_ = 	snop  }
0x90: {  	s2 =	sld [smem:$0x3FD0];
	(tm) =	ssettm $0x1  }
0x91: {  	s18 =	sld [smem:$0x3FFB];
	_ =	sdelay $0x3  }
0x92: {  	_ =	strace s18  }
0x93: {  	s3 =	sld [smem:$0x3FFC];
	_ =	sdelay $0x3  }
0x94: {  	_ =	strace s3  }
0x95: {  	s3 =	sld [smem:$0x3FFD];
	_ =	sdelay $0x3  }
0x96: {  	_ =	strace s3  }
0x97: {  	_ =	strace $0x8FFFFFFF  }
0x98: {  	s19 =	sld [smem:$0x3FDB];
	_ =	sdelay $0x1  }
0x99: {  	s4 =	simm.s32 $_scs_section_size  }
0x9a: {  	s5 =	simm.s32 $_size__tile_overlayer_lowered;
	s6 =	simm.s32 $_tile_overlayer_lowered  }
0x9b: {  	s22 =	simm.s32 $0x1BFF;
	s21 =	sshll.u32 s6, $0x1;
	s3 =	sadd.s32 s4, s19  }
0x9c: {  	s7 =	simm.s32 $0x0;
	s20 =	sshll.u32 s5, $0x1;
	s5 =	sadd.s32 s21, s3  }
0x9d: {  	[timem:s7], [sflag:s22] =	dma.local [hbm:s5], s20  }
0x9e: {  	_ =	swait.ge [sflag:s22], s20  }
0x9f: {  	s4 =	ssub.s32 $0x0, s20;
	[sflag:s22] =	ssyncset.done $0x0  }
0xa0: {  	[sflag:s22] =	ssyncadd.s32 s4;
	_ =	sdelay $0x1  }
0xa1: {  	s23 =	simm.s32 $0x1B8B  }
0xa2: {  	_ =	swait.ge [sflag:s23], $0x1  }
0xa3: {  	[sflag:s23] =	ssyncset.done $0x0  }
0xa4: {  	s25 =	simm.s32 $0x1B8E;
	s24 =	sld [smem:$0x3FFE];
	[sflag:s23] =	ssyncadd.s32 $0xFFFFFFFF  }
0xa5: {  	s26 =	simm.s32 $execute0_lowered;
	[smem:$0x3FD2] =	sst s25  }
0xa6: {  	s5 =	sshll.u32 s26, $0x1;
	_ =	strace $0x80000046;
	[dreg:$0x1] =	wrdreg $0xFFFFFFFF  }
0xa7: {  	s28 =	simm.s32 $_size_execute0_lowered;
	s3 =	sadd.s32 s3, s5;
	[dreg:$0x0] =	wrdreg $0x0  }
0xa8: {  	s5 =	sshll.u32 s28, $0x1;
	[dreg:$0x2] =	wrdreg s3  }
0xa9: {  	[dreg:$0x3] =	wrdreg s5  }
0xaa: {  	[dreg:$0x4] =	wrdreg $0xC0  }
0xab: {  	_ =	task [dreg:s7], $0x5FFFF  }
0xac: {  	[dreg:$0x1] =	wrdreg $0xFFFFFFFF  }
0xad: {  	[dreg:$0x0] =	wrdreg $0x60  }
0xae: {  	[dreg:$0x2] =	wrdreg s24  }
0xaf: {  	[dreg:$0x3] =	wrdreg s2  }
0xb0: {  	[dreg:$0x4] =	wrdreg $0x40000  }
0xb1: {  	[dreg:$0x5] =	wrdreg $0x9  }
0xb2: {  	_ =	task.clear_ibuf [dreg:s7], $0x6FFFF;
	_ =	strace $0x90000046  }
0xb3: {  	s29 =	simm.s32 $0x9;
	_ =	strace $0x80000048  }
0xb4: {  	_ =	swait.ge [sflag:s29], $0x1  }
0xb5: {  	[sflag:s29] =	ssyncadd.s32 $0xFFFFFFFF  }
0xb6: {  	_ =	strace $0x90000048  }
0xb7: {  	_ =	sfence  }
0xb8: {  	s30 =	sld [smem:$0x0];
	_ =	sdelay $0x2  }
0xb9: {  	s31 =	sshll.u32 s1, $0xD;
	s1 =	sshrl.u32 s1, $0x2  }
0xba: {  	s3 =	sand.u32 $0x4000, s31;
	s1 =	sadd.s32 s1, s30  }
0xbb: {  	s0 =	sor.u32 s3, s0;
	s1 =	sshll.u32 s1, $0x11  }
0xbc: {  	s0 =	sor.u32 s1, s0  }
0xbd: {  	s0 =	sadd.s32 $0x8F2B, s0  }
0xbe: {  	[sflag:s0] =	ssyncadd.remote.s32 $0x1  }
0xbf: {  	_ =	sfence.sel $0xFFFF  }
0xc0: {  	[dreg:$0x0] =	wrdreg $0xFFFFFFFF;
	(pc) =	sbr.abs _section_cstart, $3  }
0xc1: {  	[dreg:$0x1] =	wrdreg $0xFFFFFFFF  }
0xc2: {  	_ =	task.clear_ibuf [dreg:s7], $0x2FFFF;
	_ =	strace $0x9FFFFFFF  }
0xc3: {  	(tm) =	ssettm $0x7FFFFFFF  }
tec
execute0_lowered:
.L_overlay_start_1:
0x0: {  	(tag) =	ssettag $0x1  }
0x1: {  	s5 =	rddreg [dreg:$0x0]  }
0x2: {  	s6 =	rddreg [dreg:$0x1]  }
0x3: {  	s0 =	srdreg.scid;
	s2 =	rddreg [dreg:$0x2]  }
0x4: {  	s3 =	simm.s32 $0x0;
	s10 =	simm.s32 $0x80;
	s11 =	simm.s32 $0x2800  }
0x5: {  	s12 =	simm.s32 $0x100;
	s13 =	simm.s32 $0x180;
	s14 =	simm.s32 $0x200  }
0x6: {  	s15 =	simm.s32 $0x280;
	s16 =	simm.s32 $0x300;
	s17 =	simm.s32 $0x380  }
0x7: {  	s18 =	simm.s32 $0x1;
	s4 =	sand.u32 $0x1, s0;
	s0 =	stileid.u32  }
0x8: {  	s21 =	simm.s32 $0x0;
	[smem:$0x7FF] =	sst s3;
	s8 =	smul.u32 $0x1400, s0  }
0x9: {  	s1 =	sshll.u32 s4, $0x4;
	s9 =	smul.u32 $0x14000, s4;
	s4 =	ssub.s32 $0x2, s4  }
0xa: {  	s19 =	sshll.u32 s0, $0x6;
	s1 =	sor.u32 s0, s1;
	s31 =	sshrl.u32 s4, $0x1  }
0xb: {  	s19 =	sor.u32 $0x1C02, s19;
	s7 =	smul.u32 $0x500, s1;
	s9 =	sadd.s32 s8, s9  }
0xc: {  	s1 =	rddreg [dreg:$0x3];
	_ =	strace $0x80000047;
	s9 =	sshrl.u32 s9, $0x3  }
0xd: {  	s5 =	sadd.s32 s7, s5;
	s7 =	ssub.s32 s4, s31;
	s6 =	sadd.s32 s6, s9  }
0xe: {  	s9 =	simm.s32 $0x2C00;
	s4 =	sadd.s32 $0x2C00, s5;
	s5 =	sadd.s32 s8, s2  }
0xf: {  	v0 =	vimm.f32 $1.000000000e+00;
	v1 =	vimm.f32 $0.0e+00;
	s7 =	smax.u32 s7, $0x1;
	s8 =	simm.s32 $0x2;
	s20 =	sshrl.u32 s5, $0x3  }
.LBB2_1:
0x10: {  	[tilespmem:s3], [sflag:$0x2] =	stream.linear.gather [hbm4b:s4+s3], $0x2800, $0x38;
	[tilespmem:$0x5400] =	vst v63  }
0x11: {  	_ =	swait.ge [sflag:s8], $0x2800  }
0x12: {  	[sflag:s8] =	ssyncset.done $0x0  }
0x13: {  	s22 =	simm.s32 $0x0;
	[sflag:s8] =	ssyncadd.s32 $0xFFFFD800  }
.LBB2_2:
0x14: {  	p0 =	sne.s32 s22, $0xFE0  }
.Ltmp0:
0x15: {  	_ = 	snop;
	(pc) =	sbr.rel @p0 .LBB2_2-.Ltmp0, $3  }
0x16: {  	_ =	sdelay $0x1  }
0x17: {  	s23 =	sshra.s32 s22, $0x2  }
0x18: {  	s22 =	sadd.s32 $0x20, s22;
	[tilespmem:s23+$0x2800] =	vst.msk $0xff, v0  }
0x19: {  	s22 =	simm.s32 $0x20;
	s23 =	simm.s32 $0x0  }
.LBB2_4:
0x1a: {  	p0 =	sne.s32 s22, $0x4FE0;
	[tilespmem:s23+$0x2C00] =	vst.msk $0xff, v1;
	s23 =	smov.u32 s22;
	s22 =	sadd.s32 $0x20, s22  }
.Ltmp1:
0x1b: {  	(pc) =	sbr.rel @p0 .LBB2_4-.Ltmp1, $2  }
0x1c: {  	_ =	sdelay $0x2  }
0x1d: {  	s23 =	sshra.s32 s23, $0x2  }
0x1e: {  	[tilespmem:s23+$0x2C00] =	vst.msk $0xff, v1  }
0x1f: {  	[spmem:s5] =	stream.linear.scatter [tilespmem:s9], [sflag:$0x2], $0x1400, $0x38;
	[tilespmem:$0x5400] =	vst v63  }
0x20: {  	_ =	swait.ge [sflag:s8], $0x1400  }
0x21: {  	[sflag:s8] =	ssyncset.done $0x0  }
0x22: {  	[sflag:s8] =	ssyncadd.s32 $0xFFFFEC00  }
0x23: {  	[bflag:$0x0] =	sbarrier.arrive $0xFFFF  }
0x24: {  	[spmem:s2] =	stream.indirect.scatter.add.f32 [tilespmem:s11], [sflag:$0x1], $0x8, s3, s10, $0xb8;
	[tilespmem:$0x5400] =	vst v63  }
0x25: {  	_ = 	snop  }
0x26: {  	[spmem:s2] =	stream.indirect.scatter.add.f32 [tilespmem:s11], [sflag:$0x1], $0x8, s10, s10, $0xb8;
	[tilespmem:$0x5400] =	vst v63  }
0x27: {  	_ = 	snop  }
0x28: {  	[spmem:s2] =	stream.indirect.scatter.add.f32 [tilespmem:s11], [sflag:$0x1], $0x8, s12, s10, $0xb8;
	[tilespmem:$0x5400] =	vst v63  }
0x29: {  	_ = 	snop  }
0x2a: {  	[spmem:s2] =	stream.indirect.scatter.add.f32 [tilespmem:s11], [sflag:$0x1], $0x8, s13, s10, $0xb8;
	[tilespmem:$0x5400] =	vst v63  }
0x2b: {  	_ = 	snop  }
0x2c: {  	[spmem:s2] =	stream.indirect.scatter.add.f32 [tilespmem:s11], [sflag:$0x1], $0x8, s14, s10, $0xb8;
	[tilespmem:$0x5400] =	vst v63  }
0x2d: {  	_ = 	snop  }
0x2e: {  	[spmem:s2] =	stream.indirect.scatter.add.f32 [tilespmem:s11], [sflag:$0x1], $0x8, s15, s10, $0xb8;
	[tilespmem:$0x5400] =	vst v63  }
0x2f: {  	_ = 	snop  }
0x30: {  	[spmem:s2] =	stream.indirect.scatter.add.f32 [tilespmem:s11], [sflag:$0x1], $0x8, s16, s10, $0xb8;
	[tilespmem:$0x5400] =	vst v63  }
0x31: {  	_ = 	snop  }
0x32: {  	[spmem:s2] =	stream.indirect.scatter.add.f32 [tilespmem:s11], [sflag:$0x1], $0x8, s17, s10, $0xb8;
	[tilespmem:$0x5400] =	vst v63  }
0x33: {  	s22 =	simm.s32 $0x400  }
0x34: {  	[spmem:s2] =	stream.indirect.scatter.add.f32 [tilespmem:s11], [sflag:$0x1], $0x8, s22, s10, $0xb8;
	[tilespmem:$0x5400] =	vst v63  }
0x35: {  	_ =	swait.ge [sflag:s18], $0x400  }
0x36: {  	s22 =	simm.s32 $0x1200;
	[sflag:s18] =	ssyncset.done $0x0  }
.LBB2_6:
0x37: {  	s23 =	sshra.s32 s22, $0x2;
	[sflag:s18] =	ssyncadd.s32 $0xFFFFFC00;
	p0 =	sne.s32 s22, $0x9E00  }
0x38: {  	[spmem:s2] =	stream.indirect.scatter.add.f32 [tilespmem:s11], [sflag:$0x1], $0x8, s23, s10, $0xb8;
	[tilespmem:$0x5400] =	vst v63  }
.Ltmp2:
0x39: {  	_ = 	snop;
	(pc) =	sbr.rel @p0 .LBB2_6-.Ltmp2, $4  }
0x3a: {  	_ = 	snop  }
0x3b: {  	s22 =	sadd.s32 $0x200, s22  }
0x3c: {  	_ =	swait.ge [sflag:s18], $0x400  }
0x3d: {  	[sflag:s18] =	ssyncset.done $0x0  }
0x3e: {  	[sflag:s18] =	ssyncadd.s32 $0xFFFFFC00  }
0x3f: {  	_ =	swait.ge [sflag:s18], $0x400  }
0x40: {  	[sflag:s18] =	ssyncset.done $0x0  }
0x41: {  	[sflag:s18] =	ssyncadd.s32 $0xFFFFFC00  }
0x42: {  	_ =	swait.ge [sflag:s18], $0x400  }
0x43: {  	[sflag:s18] =	ssyncset.done $0x0  }
0x44: {  	[sflag:s18] =	ssyncadd.s32 $0xFFFFFC00  }
0x45: {  	_ =	swait.ge [sflag:s18], $0x400  }
0x46: {  	[sflag:s18] =	ssyncset.done $0x0  }
0x47: {  	[sflag:s18] =	ssyncadd.s32 $0xFFFFFC00  }
0x48: {  	_ =	swait.ge [sflag:s18], $0x400  }
0x49: {  	[sflag:s18] =	ssyncset.done $0x0  }
0x4a: {  	[sflag:s18] =	ssyncadd.s32 $0xFFFFFC00  }
0x4b: {  	_ =	swait.ge [sflag:s18], $0x400  }
0x4c: {  	[sflag:s18] =	ssyncset.done $0x0  }
0x4d: {  	[sflag:s18] =	ssyncadd.s32 $0xFFFFFC00  }
0x4e: {  	_ =	swait.ge [sflag:s18], $0x400  }
0x4f: {  	[sflag:s18] =	ssyncset.done $0x0  }
0x50: {  	[sflag:s18] =	ssyncadd.s32 $0xFFFFFC00  }
0x51: {  	_ =	swait.ge [sflag:s18], $0x400  }
0x52: {  	[sflag:s18] =	ssyncset.done $0x0  }
0x53: {  	[sflag:s18] =	ssyncadd.s32 $0xFFFFFC00  }
0x54: {  	_ =	swait.ge [sflag:s18], $0x400  }
0x55: {  	s21 =	sadd.s32 $0x1, s21;
	[sflag:s18] =	ssyncset.done $0x0  }
0x56: {  	p0 =	sne.s32 s21, s7;
	[sflag:s18] =	ssyncadd.s32 $0xFFFFFC00  }
.Ltmp3:
0x57: {  	[bflag:$0x0] =	sbarrier.arrive $0xFFFF;
	(pc) =	sbr.rel @p0 .LBB2_1-.Ltmp3, $4  }
0x58: {  	[hbm:s6], [sflag:s19] =	dma.local [spmem:s20], $0x280  }
0x59: {  	_ =	swait.ge [sflag:s8], $0x280  }
0x5a: {  	[sflag:s8] =	ssyncset.done $0x0  }
0x5b: {  	[sflag:s8] =	ssyncadd.s32 $0xFFFFFD80  }
0x5c: {  	_ =	sfence.sel $0x180000  }
0x5d: {  	[bflag:$0x0] =	sbarrier.arrive $0xFFFF  }
0x5e: {  	p0 =	sne.s32 s0, $0x0;
	_ =	strace $0x90000047  }
0x5f: {  	s0 =	sadd.s32 @!p0 $0x100000, s1;
	[bflag:$0x2] =	sbarrier.arrive $0xFFFF  }
0x60: {  	[sflag:s0] =	ssyncadd.tile.s32 @!p0 $0x1;
	_ =	shalt  }
.Lfunc_end2:
_tile_overlayer_lowered:
.L_overlay_start_2:
0x61: {  	(tag) =	ssettag $0x2  }
0x62: {  	s0 =	rddreg [dreg:$0x0];
	s2 =	stileid.u32  }
0x63: {  	s1 =	rddreg [dreg:$0x1];
	p0 =	sne.s32 s2, $0x0  }
0x64: {  	s3 =	rddreg [dreg:$0x2];
	[bflag:$0x3] =	sbarrier.arrive $0xFFFF;
	s2 =	simm.s32 @!p0 $0x1C02  }
0x65: {  	[timem:s3], [sflag:s2] =	dma.local @!p0 [hbm:s0], s1  }
0x66: {  	s0 =	simm.s32 @!p0 $0x2  }
0x67: {  	_ =	swait.ge @!p0 [sflag:s0], s1  }
0x68: {  	s1 =	ssub.s32 @!p0 $0x0, s1;
	[sflag:s0] =	ssyncset.done @!p0 $0x0  }
0x69: {  	[sflag:s0] =	ssyncadd.s32 @!p0 s1  }
0x6a: {  	[bflag:$0x3] =	sbarrier.arrive $0xFFFF  }
0x6b: {  	_ =	shalt  }

</sc_bundles>
